<compile_context>
chip_gen: v7x
topology: tpu7x:2x2x1
jax: 0.10.2.dev20260603
libtpu: 0.0.44.dev20260713+nightly
codegen_flags: <defaults>
</compile_context>

<pallas_src>
import jax
import jax.numpy as jnp
from jax import lax
from jax.experimental import pallas as pl
from jax.experimental.pallas import tpu as pltpu
from jax.experimental.pallas import tpu_sc as plsc

B = 1024
L = 20
ND = 26
NF = ND + 1
NC_FEAT = 22
NC_PAD = 32
V = 100000
D = 64
BL = B * L

NWORKERS = 32
PAIRS_PER_W = BL // NWORKERS
K = 16
NCHUNK = PAIRS_PER_W // K
CH_ROWS = K * NF
D_SL = D // 16
NB = 2
NG = NCHUNK // NB


def _sc_body(table_hbm, idx_hbm, x_hbm, w_hbm, b_hbm, out_hbm,
             idx_v, buf0, buf1, x_v, w_v, b_v,
             gsem0, gsem1, wsem0, wsem1):
    wid = lax.axis_index("s") * 2 + lax.axis_index("c")
    bufs = (buf0, buf1)
    gsems = (gsem0, gsem1)
    wsems = (wsem0, wsem1)
    pltpu.sync_copy(idx_hbm.at[pl.ds(wid * NCHUNK, NCHUNK)], idx_v)
    pltpu.sync_copy(x_hbm.at[pl.ds(wid * PAIRS_PER_W * NC_PAD,
                                   PAIRS_PER_W * NC_PAD)], x_v)
    pltpu.sync_copy(w_hbm, w_v)
    pltpu.sync_copy(b_hbm, b_v)

    def start_gather(ci, b):
        pltpu.async_copy(table_hbm.at[idx_v.at[ci]], bufs[b], gsems[b])

    def wait_gather(b):
        pltpu.make_async_copy(out_hbm.at[pl.ds(0, CH_ROWS)], bufs[b],
                              gsems[b]).wait()

    def start_write(ci, b):
        out_row0 = wid * (PAIRS_PER_W * NF) + ci * CH_ROWS
        pltpu.async_copy(bufs[b], out_hbm.at[pl.ds(out_row0, CH_ROWS)],
                         wsems[b])

    def wait_write(b):
        pltpu.make_async_copy(out_hbm.at[pl.ds(0, CH_ROWS)], bufs[b],
                              wsems[b]).wait()

    def compute_linear(ci, b):
        buf = bufs[b]

        def pair_body(k, c2):
            row = k * NF + (NF - 1)
            xbase = pl.multiple_of((ci * K + k) * NC_PAD, NC_PAD)
            v0 = x_v[pl.ds(xbase, 16)]
            v1 = x_v[pl.ds(xbase + 16, 16)]
            accs = [b_v[pl.ds(s * 16, 16)] for s in range(D_SL)]
            for c in range(NC_FEAT):
                xs = v0[c] if c < 16 else v1[c - 16]
                xb = jnp.full((16,), xs, dtype=jnp.float32)
                for s in range(D_SL):
                    accs[s] = accs[s] + xb * w_v[c, pl.ds(s * 16, 16)]
            for s in range(D_SL):
                buf[row, pl.ds(s * 16, 16)] = jnp.maximum(accs[s], 0.0)
            return c2

        lax.fori_loop(0, K, pair_body, 0)

    for b in range(NB):
        start_gather(b, b)

    def ring_body(g, carry):
        ci0 = g * NB
        for b in range(NB):
            ci = ci0 + b
            wait_gather(b)
            compute_linear(ci, b)
            start_write(ci, b)
            wait_write(b)
            start_gather(ci + NB, b)
        return carry

    lax.fori_loop(0, NG - 1, ring_body, 0)

    for b in range(NB):
        ci = (NG - 1) * NB + b
        wait_gather(b)
        compute_linear(ci, b)
        start_write(ci, b)
        wait_write(b)


@jax.jit
def _sc_call(table_flat, idx, x_flat, W, b):
    mesh = plsc.VectorSubcoreMesh(core_axis_name="c", subcore_axis_name="s")
    return pl.kernel(
        _sc_body,
        mesh=mesh,
        compiler_params=pltpu.CompilerParams(use_tc_tiling_on_sc=False),
        out_type=jax.ShapeDtypeStruct((BL * NF, D), jnp.float32),
        scratch_types=[
            pltpu.VMEM((NWORKERS * NCHUNK // NWORKERS, CH_ROWS), jnp.int32),
            pltpu.VMEM((CH_ROWS, D), jnp.float32),
            pltpu.VMEM((CH_ROWS, D), jnp.float32),
            pltpu.VMEM((PAIRS_PER_W * NC_PAD,), jnp.float32),
            pltpu.VMEM((NC_FEAT, D), jnp.float32),
            pltpu.VMEM((D,), jnp.float32),
            pltpu.SemaphoreType.DMA,
            pltpu.SemaphoreType.DMA,
            pltpu.SemaphoreType.DMA,
            pltpu.SemaphoreType.DMA,
        ],
    )(table_flat, idx, x_flat, W, b)


def kernel(user_info_discrete, user_info_continue, tables, W, b):
    gidx = user_info_discrete.astype(jnp.int32) + (
        jnp.arange(ND, dtype=jnp.int32) * V)
    gidx = jnp.concatenate(
        [gidx.reshape(BL, ND), jnp.zeros((BL, 1), jnp.int32)], axis=1)
    idx = gidx.reshape(NWORKERS * NCHUNK, CH_ROWS)
    table_flat = tables.reshape(ND * V, D)
    x_pad = jnp.pad(user_info_continue.reshape(BL, NC_FEAT),
                    ((0, 0), (0, NC_PAD - NC_FEAT)))
    x_flat = x_pad.reshape(BL * NC_PAD)
    out = _sc_call(table_flat, idx, x_flat, W, b)
    return out.reshape(B, L, NF, D)

# --- scband reference (transcript-rebuilt; emitter-appended) ---
"""Pipeline reference for scband-user-info-embedding-10196252360972 (READ-ONLY COPY).

The authoritative reference and input builder live on the scoring server;
editing this copy changes nothing except your own understanding.
"""

import jax, jax.numpy as jnp
import numpy as np

B = 1024
L = 20
N_DISC = 26
N_CONT = 22
VOCAB = 100000
EMB_DIM = 64  # discrete_embedding_dim == continue_embedding_dim so the final concat on dim=2 is valid


def setup_inputs(seed: int = 0) -> dict:
    key = jax.random.key(seed)
    k_idx, k_cont, k_tab, k_w, k_b = jax.random.split(key, 5)
    user_info_discrete = jax.random.randint(k_idx, (B, L, N_DISC), 0, VOCAB, dtype=jnp.int64 if jax.config.read('jax_enable_x64') else jnp.int32)
    user_info_continue = jax.random.normal(k_cont, (B, L, N_CONT), dtype=jnp.float32)
    # 26 per-field embedding tables, all with the same vocab -> stack into one array [N_DISC, VOCAB, EMB_DIM]
    tables = jax.random.normal(k_tab, (N_DISC, VOCAB, EMB_DIM), dtype=jnp.float32) * 0.02
    # dense_layer: Linear(N_CONT -> EMB_DIM) + ReLU
    W = jax.random.normal(k_w, (N_CONT, EMB_DIM), dtype=jnp.float32) * (1.0 / np.sqrt(N_CONT))
    b = jax.random.normal(k_b, (EMB_DIM,), dtype=jnp.float32) * 0.01
    return {
        'user_info_discrete': user_info_discrete,
        'user_info_continue': user_info_continue,
        'tables': tables,
        'W': W,
        'b': b,
    }


def reference(user_info_discrete, user_info_continue, tables, W, b):
    # Per-field embedding lookup, then stack along new field axis (dim=-2):
    # [B, L, N_DISC, EMB_DIM]
    disc_emb = jnp.stack(
        [jnp.take(tables[i], user_info_discrete[:, :, i], axis=0) for i in range(N_DISC)],
        axis=-2,
    )
    # Continue features through Linear + ReLU: [B, L, EMB_DIM]
    cont = jax.nn.relu(jnp.einsum('blc,cd->bld', user_info_continue, W) + b)
    # Give the continuous embedding a singleton field axis at dim=-2: [B, L, 1, EMB_DIM]
    cont_emb = cont[:, :, None, :]
    # Concatenate along the field axis (dim=2): [B, L, N_DISC + 1, EMB_DIM]
    user_info_vec = jnp.concatenate([disc_emb, cont_emb], axis=2)
    return user_info_vec

if __name__ == "__main__":
    import jax
    _d = setup_inputs()
    print(jax.jit(kernel)(*tuple(_d.values())))

</pallas_src>

<mosaic_0001>
#map = affine_map<(d0, d1) -> (0, 0)>
#map1 = affine_map<(d0, d1) -> (0)>
module attributes {stable_mosaic.version = 14 : i64} {
  func.func @_sc_body(%arg0: i32, %arg1: i32, %arg2: memref<2600000x64xf32, #tpu.memory_space<hbm>>, %arg3: memref<1280x432xi32, #tpu.memory_space<hbm>>, %arg4: memref<655360xf32, #tpu.memory_space<hbm>>, %arg5: memref<22x64xf32, #tpu.memory_space<hbm>>, %arg6: memref<64xf32, #tpu.memory_space<hbm>>, %arg7: memref<552960x64xf32, #tpu.memory_space<hbm>>, %arg8: memref<40x432xi32, #tpu.memory_space<vmem>>, %arg9: memref<432x64xf32, #tpu.memory_space<vmem>>, %arg10: memref<432x64xf32, #tpu.memory_space<vmem>>, %arg11: memref<20480xf32, #tpu.memory_space<vmem>>, %arg12: memref<22x64xf32, #tpu.memory_space<vmem>>, %arg13: memref<64xf32, #tpu.memory_space<vmem>>, %arg14: memref<!tpu.dma_semaphore, #tpu.memory_space<semaphore_mem>>, %arg15: memref<!tpu.dma_semaphore, #tpu.memory_space<semaphore_mem>>, %arg16: memref<!tpu.dma_semaphore, #tpu.memory_space<semaphore_mem>>, %arg17: memref<!tpu.dma_semaphore, #tpu.memory_space<semaphore_mem>>) attributes {dimension_semantics = [#tpu.dimension_semantics<core_parallel>, #tpu.dimension_semantics<subcore_parallel>], iteration_bounds = array<i64: 2, 16>, scalar_prefetch = 0 : i64, scratch_operands = 10 : i64, tpu.core_type = #tpu.core_type<sc_vector_subcore>, window_params = [{transform_indices = #map}, {transform_indices = #map}, {transform_indices = #map1}, {transform_indices = #map}, {transform_indices = #map1}, {transform_indices = #map}]} {
    %mul3A = arith.constant 2 : i32
    %mul3A_0 = arith.muli %arg1, %mul3A : i32
    %add3A = arith.addi %mul3A_0, %arg0 : i32
    %mul3A_1 = arith.constant 40 : i32
    %mul3A_2 = arith.muli %add3A, %mul3A_1 : i32
    "tpu.region"() ({
      %run_scoped3A = tpu.sem_alloc : memref<!tpu.dma_semaphore, #tpu.memory_space<semaphore_mem>>
      %dma_start3A_76 = arith.constant 0 : i32
      %dma_start3A_77 = tpu.memref_slice %arg3[%mul3A_2, %dma_start3A_76] : memref<1280x432xi32, #tpu.memory_space<hbm>> -> memref<40x432xi32, #tpu.memory_space<hbm>>
      %dma_start3A_78 = arith.constant 0 : i32
      %dma_start3A_79 = tpu.memref_slice %arg3[%mul3A_2, %dma_start3A_78] : memref<1280x432xi32, #tpu.memory_space<hbm>> -> memref<40x432xi32, #tpu.memory_space<hbm>>
      tpu.enqueue_dma source(%dma_start3A_79 : memref<40x432xi32, #tpu.memory_space<hbm>>) target(%arg8 : memref<40x432xi32, #tpu.memory_space<vmem>>) target_semaphore(%run_scoped3A : memref<!tpu.dma_semaphore, #tpu.memory_space<semaphore_mem>>)
      %dma_wait3A_80 = arith.constant 0 : i32
      %dma_wait3A_81 = tpu.memref_slice %arg3[%mul3A_2, %dma_wait3A_80] : memref<1280x432xi32, #tpu.memory_space<hbm>> -> memref<40x432xi32, #tpu.memory_space<hbm>>
      %dma_wait3A_82 = arith.constant 0 : i32
      %dma_wait3A_83 = tpu.memref_slice %arg3[%mul3A_2, %dma_wait3A_82] : memref<1280x432xi32, #tpu.memory_space<hbm>> -> memref<40x432xi32, #tpu.memory_space<hbm>>
      tpu.wait_dma2 semaphore(%run_scoped3A : memref<!tpu.dma_semaphore, #tpu.memory_space<semaphore_mem>>) src(%dma_wait3A_83 : memref<40x432xi32, #tpu.memory_space<hbm>>) dst(%arg8 : memref<40x432xi32, #tpu.memory_space<vmem>>)
      tpu.yield
    }) : () -> ()
    %mul3A_3 = arith.constant 640 : i32
    %mul3A_4 = arith.muli %add3A, %mul3A_3 : i32
    %mul3A_5 = arith.constant 32 : i32
    %mul3A_6 = arith.muli %mul3A_4, %mul3A_5 : i32
    "tpu.region"() ({
      %run_scoped3A = tpu.sem_alloc : memref<!tpu.dma_semaphore, #tpu.memory_space<semaphore_mem>>
      %dma_start3A_76 = tpu.memref_slice %arg4[%mul3A_6] : memref<655360xf32, #tpu.memory_space<hbm>> -> memref<20480xf32, #tpu.memory_space<hbm>>
      %dma_start3A_77 = tpu.memref_slice %arg4[%mul3A_6] : memref<655360xf32, #tpu.memory_space<hbm>> -> memref<20480xf32, #tpu.memory_space<hbm>>
      tpu.enqueue_dma source(%dma_start3A_77 : memref<20480xf32, #tpu.memory_space<hbm>>) target(%arg11 : memref<20480xf32, #tpu.memory_space<vmem>>) target_semaphore(%run_scoped3A : memref<!tpu.dma_semaphore, #tpu.memory_space<semaphore_mem>>)
      %dma_wait3A_78 = tpu.memref_slice %arg4[%mul3A_6] : memref<655360xf32, #tpu.memory_space<hbm>> -> memref<20480xf32, #tpu.memory_space<hbm>>
      %dma_wait3A_79 = tpu.memref_slice %arg4[%mul3A_6] : memref<655360xf32, #tpu.memory_space<hbm>> -> memref<20480xf32, #tpu.memory_space<hbm>>
      tpu.wait_dma2 semaphore(%run_scoped3A : memref<!tpu.dma_semaphore, #tpu.memory_space<semaphore_mem>>) src(%dma_wait3A_79 : memref<20480xf32, #tpu.memory_space<hbm>>) dst(%arg11 : memref<20480xf32, #tpu.memory_space<vmem>>)
      tpu.yield
    }) : () -> ()
    "tpu.region"() ({
      %run_scoped3A = tpu.sem_alloc : memref<!tpu.dma_semaphore, #tpu.memory_space<semaphore_mem>>
      tpu.enqueue_dma source(%arg5 : memref<22x64xf32, #tpu.memory_space<hbm>>) target(%arg12 : memref<22x64xf32, #tpu.memory_space<vmem>>) target_semaphore(%run_scoped3A : memref<!tpu.dma_semaphore, #tpu.memory_space<semaphore_mem>>)
      tpu.wait_dma2 semaphore(%run_scoped3A : memref<!tpu.dma_semaphore, #tpu.memory_space<semaphore_mem>>) src(%arg5 : memref<22x64xf32, #tpu.memory_space<hbm>>) dst(%arg12 : memref<22x64xf32, #tpu.memory_space<vmem>>)
      tpu.yield
    }) : () -> ()
    "tpu.region"() ({
      %run_scoped3A = tpu.sem_alloc : memref<!tpu.dma_semaphore, #tpu.memory_space<semaphore_mem>>
      tpu.enqueue_dma source(%arg6 : memref<64xf32, #tpu.memory_space<hbm>>) target(%arg13 : memref<64xf32, #tpu.memory_space<vmem>>) target_semaphore(%run_scoped3A : memref<!tpu.dma_semaphore, #tpu.memory_space<semaphore_mem>>)
      tpu.wait_dma2 semaphore(%run_scoped3A : memref<!tpu.dma_semaphore, #tpu.memory_space<semaphore_mem>>) src(%arg6 : memref<64xf32, #tpu.memory_space<hbm>>) dst(%arg13 : memref<64xf32, #tpu.memory_space<vmem>>)
      tpu.yield
    }) : () -> ()
    %dma_start3A = arith.constant 0 : i32
    %dma_start3A_7 = arith.constant 0 : i32
    %dma_start3A_8 = tpu.memref_slice %arg8[%dma_start3A, %dma_start3A_7] : memref<40x432xi32, #tpu.memory_space<vmem>> -> memref<1x432xi32, #tpu.memory_space<vmem>>
    %dma_start3A_9 = tpu.memref_squeeze %dma_start3A_8 : memref<1x432xi32, #tpu.memory_space<vmem>> -> memref<432xi32, #tpu.memory_space<vmem>>
    %dma_start3A_10 = arith.constant 0 : i32
    %dma_start3A_11 = arith.constant 0 : i32
    %dma_start3A_12 = tpu.memref_slice %arg2[%dma_start3A_10, %dma_start3A_11] : memref<2600000x64xf32, #tpu.memory_space<hbm>> -> memref<2600000x64xf32, #tpu.memory_space<hbm>>
    tpu.enqueue_indirect_dma source(%dma_start3A_12 : memref<2600000x64xf32, #tpu.memory_space<hbm>>) target(%arg9 : memref<432x64xf32, #tpu.memory_space<vmem>>) offsets(%dma_start3A_9 : memref<432xi32, #tpu.memory_space<vmem>>) semaphore(%arg14 : memref<!tpu.dma_semaphore, #tpu.memory_space<semaphore_mem>>)
    %dma_start3A_13 = arith.constant 1 : i32
    %dma_start3A_14 = arith.constant 0 : i32
    %dma_start3A_15 = tpu.memref_slice %arg8[%dma_start3A_13, %dma_start3A_14] : memref<40x432xi32, #tpu.memory_space<vmem>> -> memref<1x432xi32, #tpu.memory_space<vmem>>
    %dma_start3A_16 = tpu.memref_squeeze %dma_start3A_15 : memref<1x432xi32, #tpu.memory_space<vmem>> -> memref<432xi32, #tpu.memory_space<vmem>>
    %dma_start3A_17 = arith.constant 0 : i32
    %dma_start3A_18 = arith.constant 0 : i32
    %dma_start3A_19 = tpu.memref_slice %arg2[%dma_start3A_17, %dma_start3A_18] : memref<2600000x64xf32, #tpu.memory_space<hbm>> -> memref<2600000x64xf32, #tpu.memory_space<hbm>>
    tpu.enqueue_indirect_dma source(%dma_start3A_19 : memref<2600000x64xf32, #tpu.memory_space<hbm>>) target(%arg10 : memref<432x64xf32, #tpu.memory_space<vmem>>) offsets(%dma_start3A_16 : memref<432xi32, #tpu.memory_space<vmem>>) semaphore(%arg15 : memref<!tpu.dma_semaphore, #tpu.memory_space<semaphore_mem>>)
    %scan3A = arith.constant 0 : i32
    %scan3A_20 = arith.constant 0 : i32
    %scan3A_21 = arith.constant 19 : i32
    %scan3A_22 = arith.addi %scan3A_20, %scan3A_21 : i32
    %scan3A_23 = arith.constant 1 : i32
    scf.for %scan3A_76 = %scan3A_20 to %scan3A_22 step %scan3A_23  : i32 {
      %mul3A_77 = arith.constant 2 : i32
      %mul3A_78 = arith.muli %scan3A_76, %mul3A_77 : i32
      %add3A_79 = arith.constant 0 : i32
      %add3A_80 = arith.addi %mul3A_78, %add3A_79 : i32
      %dma_wait3A_81 = arith.constant 0 : i32
      %dma_wait3A_82 = arith.constant 0 : i32
      %dma_wait3A_83 = tpu.memref_slice %arg7[%dma_wait3A_81, %dma_wait3A_82] : memref<552960x64xf32, #tpu.memory_space<hbm>> -> memref<432x64xf32, #tpu.memory_space<hbm>>
      %dma_wait3A_84 = arith.constant 0 : i32
      %dma_wait3A_85 = arith.constant 0 : i32
      %dma_wait3A_86 = tpu.memref_slice %arg7[%dma_wait3A_84, %dma_wait3A_85] : memref<552960x64xf32, #tpu.memory_space<hbm>> -> memref<432x64xf32, #tpu.memory_space<hbm>>
      tpu.wait_dma2 semaphore(%arg14 : memref<!tpu.dma_semaphore, #tpu.memory_space<semaphore_mem>>) src(%dma_wait3A_86 : memref<432x64xf32, #tpu.memory_space<hbm>>) dst(%arg9 : memref<432x64xf32, #tpu.memory_space<vmem>>)
      %scan3A_87 = arith.constant 0 : i32
      %scan3A_88 = arith.constant 0 : i32
      %scan3A_89 = arith.constant 16 : i32
      %scan3A_90 = arith.addi %scan3A_88, %scan3A_89 : i32
      %scan3A_91 = arith.constant 1 : i32
      scf.for %scan3A_153 = %scan3A_88 to %scan3A_90 step %scan3A_91  : i32 {
        %mul3A_154 = arith.constant 27 : i32
        %mul3A_155 = arith.muli %scan3A_153, %mul3A_154 : i32
        %add3A_156 = arith.constant 26 : i32
        %add3A_157 = arith.addi %mul3A_155, %add3A_156 : i32
        %mul3A_158 = arith.constant 16 : i32
        %mul3A_159 = arith.muli %add3A_80, %mul3A_158 : i32
        %add3A_160 = arith.addi %mul3A_159, %scan3A_153 : i32
        %mul3A_161 = arith.constant 32 : i32
        %mul3A_162 = arith.muli %add3A_160, %mul3A_161 : i32
        %multiple_of3A = tpu.assume_multiple %mul3A_162, 32 : i32
        %get3A = arith.index_cast %multiple_of3A : i32 to index
        %get3A_163 = tpu.vector_load %arg11[%get3A] {strides = array<i32>} : memref<20480xf32, #tpu.memory_space<vmem>>, vector<16xf32>,
        %get3A_164 = vector.shape_cast %get3A_163 : vector<16xf32> to vector<16xf32>
        %add3A_165 = arith.constant 16 : i32
        %add3A_166 = arith.addi %multiple_of3A, %add3A_165 : i32
        %get3A_167 = arith.index_cast %add3A_166 : i32 to index
        %get3A_168 = tpu.vector_load %arg11[%get3A_167] {strides = array<i32>} : memref<20480xf32, #tpu.memory_space<vmem>>, vector<16xf32>,
        %get3A_169 = vector.shape_cast %get3A_168 : vector<16xf32> to vector<16xf32>
        %get3A_170 = arith.constant 0 : index
        %get3A_171 = tpu.vector_load %arg13[%get3A_170] {strides = array<i32>} : memref<64xf32, #tpu.memory_space<vmem>>, vector<16xf32>,
        %get3A_172 = vector.shape_cast %get3A_171 : vector<16xf32> to vector<16xf32>
        %get3A_173 = arith.constant 16 : index
        %get3A_174 = tpu.vector_load %arg13[%get3A_173] {strides = array<i32>} : memref<64xf32, #tpu.memory_space<vmem>>, vector<16xf32>,
        %get3A_175 = vector.shape_cast %get3A_174 : vector<16xf32> to vector<16xf32>
        %get3A_176 = arith.constant 32 : index
        %get3A_177 = tpu.vector_load %arg13[%get3A_176] {strides = array<i32>} : memref<64xf32, #tpu.memory_space<vmem>>, vector<16xf32>,
        %get3A_178 = vector.shape_cast %get3A_177 : vector<16xf32> to vector<16xf32>
        %get3A_179 = arith.constant 48 : index
        %get3A_180 = tpu.vector_load %arg13[%get3A_179] {strides = array<i32>} : memref<64xf32, #tpu.memory_space<vmem>>, vector<16xf32>,
        %get3A_181 = vector.shape_cast %get3A_180 : vector<16xf32> to vector<16xf32>
        %slice3A = vector.extract_strided_slice %get3A_164 {offsets = [0], sizes = [1], strides = [1]} : vector<16xf32> to vector<1xf32>
        %squeeze3A = vector.extract %slice3A[0] : f32 from vector<1xf32>
        %broadcast_in_dim3A = vector.broadcast %squeeze3A : f32 to vector<16xf32>
        %get3A_182 = arith.constant 0 : i32
        %get3A_183 = arith.index_cast %get3A_182 : i32 to index
        %get3A_184 = arith.constant 0 : index
        %get3A_185 = tpu.vector_load %arg12[%get3A_183, %get3A_184] {strides = array<i32>} : memref<22x64xf32, #tpu.memory_space<vmem>>, vector<1x16xf32>,
        %get3A_186 = vector.shape_cast %get3A_185 : vector<1x16xf32> to vector<16xf32>
        %mul3A_187 = arith.mulf %broadcast_in_dim3A, %get3A_186 : vector<16xf32>
        %add3A_188 = arith.addf %get3A_172, %mul3A_187 : vector<16xf32>
        %get3A_189 = arith.constant 0 : i32
        %get3A_190 = arith.index_cast %get3A_189 : i32 to index
        %get3A_191 = arith.constant 16 : index
        %get3A_192 = tpu.vector_load %arg12[%get3A_190, %get3A_191] {strides = array<i32>} : memref<22x64xf32, #tpu.memory_space<vmem>>, vector<1x16xf32>,
        %get3A_193 = vector.shape_cast %get3A_192 : vector<1x16xf32> to vector<16xf32>
        %mul3A_194 = arith.mulf %broadcast_in_dim3A, %get3A_193 : vector<16xf32>
        %add3A_195 = arith.addf %get3A_175, %mul3A_194 : vector<16xf32>
        %get3A_196 = arith.constant 0 : i32
        %get3A_197 = arith.index_cast %get3A_196 : i32 to index
        %get3A_198 = arith.constant 32 : index
        %get3A_199 = tpu.vector_load %arg12[%get3A_197, %get3A_198] {strides = array<i32>} : memref<22x64xf32, #tpu.memory_space<vmem>>, vector<1x16xf32>,
        %get3A_200 = vector.shape_cast %get3A_199 : vector<1x16xf32> to vector<16xf32>
        %mul3A_201 = arith.mulf %broadcast_in_dim3A, %get3A_200 : vector<16xf32>
        %add3A_202 = arith.addf %get3A_178, %mul3A_201 : vector<16xf32>
        %get3A_203 = arith.constant 0 : i32
        %get3A_204 = arith.index_cast %get3A_203 : i32 to index
        %get3A_205 = arith.constant 48 : index
        %get3A_206 = tpu.vector_load %arg12[%get3A_204, %get3A_205] {strides = array<i32>} : memref<22x64xf32, #tpu.memory_space<vmem>>, vector<1x16xf32>,
        %get3A_207 = vector.shape_cast %get3A_206 : vector<1x16xf32> to vector<16xf32>
        %mul3A_208 = arith.mulf %broadcast_in_dim3A, %get3A_207 : vector<16xf32>
        %add3A_209 = arith.addf %get3A_181, %mul3A_208 : vector<16xf32>
        %slice3A_210 = vector.extract_strided_slice %get3A_164 {offsets = [1], sizes = [1], strides = [1]} : vector<16xf32> to vector<1xf32>
        %squeeze3A_211 = vector.extract %slice3A_210[0] : f32 from vector<1xf32>
        %broadcast_in_dim3A_212 = vector.broadcast %squeeze3A_211 : f32 to vector<16xf32>
        %get3A_213 = arith.constant 1 : i32
        %get3A_214 = arith.index_cast %get3A_213 : i32 to index
        %get3A_215 = arith.constant 0 : index
        %get3A_216 = tpu.vector_load %arg12[%get3A_214, %get3A_215] {strides = array<i32>} : memref<22x64xf32, #tpu.memory_space<vmem>>, vector<1x16xf32>,
        %get3A_217 = vector.shape_cast %get3A_216 : vector<1x16xf32> to vector<16xf32>
        %mul3A_218 = arith.mulf %broadcast_in_dim3A_212, %get3A_217 : vector<16xf32>
        %add3A_219 = arith.addf %add3A_188, %mul3A_218 : vector<16xf32>
        %get3A_220 = arith.constant 1 : i32
        %get3A_221 = arith.index_cast %get3A_220 : i32 to index
        %get3A_222 = arith.constant 16 : index
        %get3A_223 = tpu.vector_load %arg12[%get3A_221, %get3A_222] {strides = array<i32>} : memref<22x64xf32, #tpu.memory_space<vmem>>, vector<1x16xf32>,
        %get3A_224 = vector.shape_cast %get3A_223 : vector<1x16xf32> to vector<16xf32>
        %mul3A_225 = arith.mulf %broadcast_in_dim3A_212, %get3A_224 : vector<16xf32>
        %add3A_226 = arith.addf %add3A_195, %mul3A_225 : vector<16xf32>
        %get3A_227 = arith.constant 1 : i32
        %get3A_228 = arith.index_cast %get3A_227 : i32 to index
        %get3A_229 = arith.constant 32 : index
        %get3A_230 = tpu.vector_load %arg12[%get3A_228, %get3A_229] {strides = array<i32>} : memref<22x64xf32, #tpu.memory_space<vmem>>, vector<1x16xf32>,
        %get3A_231 = vector.shape_cast %get3A_230 : vector<1x16xf32> to vector<16xf32>
        %mul3A_232 = arith.mulf %broadcast_in_dim3A_212, %get3A_231 : vector<16xf32>
        %add3A_233 = arith.addf %add3A_202, %mul3A_232 : vector<16xf32>
        %get3A_234 = arith.constant 1 : i32
        %get3A_235 = arith.index_cast %get3A_234 : i32 to index
        %get3A_236 = arith.constant 48 : index
        %get3A_237 = tpu.vector_load %arg12[%get3A_235, %get3A_236] {strides = array<i32>} : memref<22x64xf32, #tpu.memory_space<vmem>>, vector<1x16xf32>,
        %get3A_238 = vector.shape_cast %get3A_237 : vector<1x16xf32> to vector<16xf32>
        %mul3A_239 = arith.mulf %broadcast_in_dim3A_212, %get3A_238 : vector<16xf32>
        %add3A_240 = arith.addf %add3A_209, %mul3A_239 : vector<16xf32>
        %slice3A_241 = vector.extract_strided_slice %get3A_164 {offsets = [2], sizes = [1], strides = [1]} : vector<16xf32> to vector<1xf32>
        %squeeze3A_242 = vector.extract %slice3A_241[0] : f32 from vector<1xf32>
        %broadcast_in_dim3A_243 = vector.broadcast %squeeze3A_242 : f32 to vector<16xf32>
        %get3A_244 = arith.constant 2 : i32
        %get3A_245 = arith.index_cast %get3A_244 : i32 to index
        %get3A_246 = arith.constant 0 : index
        %get3A_247 = tpu.vector_load %arg12[%get3A_245, %get3A_246] {strides = array<i32>} : memref<22x64xf32, #tpu.memory_space<vmem>>, vector<1x16xf32>,
        %get3A_248 = vector.shape_cast %get3A_247 : vector<1x16xf32> to vector<16xf32>
        %mul3A_249 = arith.mulf %broadcast_in_dim3A_243, %get3A_248 : vector<16xf32>
        %add3A_250 = arith.addf %add3A_219, %mul3A_249 : vector<16xf32>
        %get3A_251 = arith.constant 2 : i32
        %get3A_252 = arith.index_cast %get3A_251 : i32 to index
        %get3A_253 = arith.constant 16 : index
        %get3A_254 = tpu.vector_load %arg12[%get3A_252, %get3A_253] {strides = array<i32>} : memref<22x64xf32, #tpu.memory_space<vmem>>, vector<1x16xf32>,
        %get3A_255 = vector.shape_cast %get3A_254 : vector<1x16xf32> to vector<16xf32>
        %mul3A_256 = arith.mulf %broadcast_in_dim3A_243, %get3A_255 : vector<16xf32>
        %add3A_257 = arith.addf %add3A_226, %mul3A_256 : vector<16xf32>
        %get3A_258 = arith.constant 2 : i32
        %get3A_259 = arith.index_cast %get3A_258 : i32 to index
        %get3A_260 = arith.constant 32 : index
        %get3A_261 = tpu.vector_load %arg12[%get3A_259, %get3A_260] {strides = array<i32>} : memref<22x64xf32, #tpu.memory_space<vmem>>, vector<1x16xf32>,
        %get3A_262 = vector.shape_cast %get3A_261 : vector<1x16xf32> to vector<16xf32>
        %mul3A_263 = arith.mulf %broadcast_in_dim3A_243, %get3A_262 : vector<16xf32>
        %add3A_264 = arith.addf %add3A_233, %mul3A_263 : vector<16xf32>
        %get3A_265 = arith.constant 2 : i32
        %get3A_266 = arith.index_cast %get3A_265 : i32 to index
        %get3A_267 = arith.constant 48 : index
        %get3A_268 = tpu.vector_load %arg12[%get3A_266, %get3A_267] {strides = array<i32>} : memref<22x64xf32, #tpu.memory_space<vmem>>, vector<1x16xf32>,
        %get3A_269 = vector.shape_cast %get3A_268 : vector<1x16xf32> to vector<16xf32>
        %mul3A_270 = arith.mulf %broadcast_in_dim3A_243, %get3A_269 : vector<16xf32>
        %add3A_271 = arith.addf %add3A_240, %mul3A_270 : vector<16xf32>
        %slice3A_272 = vector.extract_strided_slice %get3A_164 {offsets = [3], sizes = [1], strides = [1]} : vector<16xf32> to vector<1xf32>
        %squeeze3A_273 = vector.extract %slice3A_272[0] : f32 from vector<1xf32>
        %broadcast_in_dim3A_274 = vector.broadcast %squeeze3A_273 : f32 to vector<16xf32>
        %get3A_275 = arith.constant 3 : i32
        %get3A_276 = arith.index_cast %get3A_275 : i32 to index
        %get3A_277 = arith.constant 0 : index
        %get3A_278 = tpu.vector_load %arg12[%get3A_276, %get3A_277] {strides = array<i32>} : memref<22x64xf32, #tpu.memory_space<vmem>>, vector<1x16xf32>,
        %get3A_279 = vector.shape_cast %get3A_278 : vector<1x16xf32> to vector<16xf32>
        %mul3A_280 = arith.mulf %broadcast_in_dim3A_274, %get3A_279 : vector<16xf32>
        %add3A_281 = arith.addf %add3A_250, %mul3A_280 : vector<16xf32>
        %get3A_282 = arith.constant 3 : i32
        %get3A_283 = arith.index_cast %get3A_282 : i32 to index
        %get3A_284 = arith.constant 16 : index
        %get3A_285 = tpu.vector_load %arg12[%get3A_283, %get3A_284] {strides = array<i32>} : memref<22x64xf32, #tpu.memory_space<vmem>>, vector<1x16xf32>,
        %get3A_286 = vector.shape_cast %get3A_285 : vector<1x16xf32> to vector<16xf32>
        %mul3A_287 = arith.mulf %broadcast_in_dim3A_274, %get3A_286 : vector<16xf32>
        %add3A_288 = arith.addf %add3A_257, %mul3A_287 : vector<16xf32>
        %get3A_289 = arith.constant 3 : i32
        %get3A_290 = arith.index_cast %get3A_289 : i32 to index
        %get3A_291 = arith.constant 32 : index
        %get3A_292 = tpu.vector_load %arg12[%get3A_290, %get3A_291] {strides = array<i32>} : memref<22x64xf32, #tpu.memory_space<vmem>>, vector<1x16xf32>,
        %get3A_293 = vector.shape_cast %get3A_292 : vector<1x16xf32> to vector<16xf32>
        %mul3A_294 = arith.mulf %broadcast_in_dim3A_274, %get3A_293 : vector<16xf32>
        %add3A_295 = arith.addf %add3A_264, %mul3A_294 : vector<16xf32>
        %get3A_296 = arith.constant 3 : i32
        %get3A_297 = arith.index_cast %get3A_296 : i32 to index
        %get3A_298 = arith.constant 48 : index
        %get3A_299 = tpu.vector_load %arg12[%get3A_297, %get3A_298] {strides = array<i32>} : memref<22x64xf32, #tpu.memory_space<vmem>>, vector<1x16xf32>,
        %get3A_300 = vector.shape_cast %get3A_299 : vector<1x16xf32> to vector<16xf32>
        %mul3A_301 = arith.mulf %broadcast_in_dim3A_274, %get3A_300 : vector<16xf32>
        %add3A_302 = arith.addf %add3A_271, %mul3A_301 : vector<16xf32>
        %slice3A_303 = vector.extract_strided_slice %get3A_164 {offsets = [4], sizes = [1], strides = [1]} : vector<16xf32> to vector<1xf32>
        %squeeze3A_304 = vector.extract %slice3A_303[0] : f32 from vector<1xf32>
        %broadcast_in_dim3A_305 = vector.broadcast %squeeze3A_304 : f32 to vector<16xf32>
        %get3A_306 = arith.constant 4 : i32
        %get3A_307 = arith.index_cast %get3A_306 : i32 to index
        %get3A_308 = arith.constant 0 : index
        %get3A_309 = tpu.vector_load %arg12[%get3A_307, %get3A_308] {strides = array<i32>} : memref<22x64xf32, #tpu.memory_space<vmem>>, vector<1x16xf32>,
        %get3A_310 = vector.shape_cast %get3A_309 : vector<1x16xf32> to vector<16xf32>
        %mul3A_311 = arith.mulf %broadcast_in_dim3A_305, %get3A_310 : vector<16xf32>
        %add3A_312 = arith.addf %add3A_281, %mul3A_311 : vector<16xf32>
        %get3A_313 = arith.constant 4 : i32
        %get3A_314 = arith.index_cast %get3A_313 : i32 to index
        %get3A_315 = arith.constant 16 : index
        %get3A_316 = tpu.vector_load %arg12[%get3A_314, %get3A_315] {strides = array<i32>} : memref<22x64xf32, #tpu.memory_space<vmem>>, vector<1x16xf32>,
        %get3A_317 = vector.shape_cast %get3A_316 : vector<1x16xf32> to vector<16xf32>
        %mul3A_318 = arith.mulf %broadcast_in_dim3A_305, %get3A_317 : vector<16xf32>
        %add3A_319 = arith.addf %add3A_288, %mul3A_318 : vector<16xf32>
        %get3A_320 = arith.constant 4 : i32
        %get3A_321 = arith.index_cast %get3A_320 : i32 to index
        %get3A_322 = arith.constant 32 : index
        %get3A_323 = tpu.vector_load %arg12[%get3A_321, %get3A_322] {strides = array<i32>} : memref<22x64xf32, #tpu.memory_space<vmem>>, vector<1x16xf32>,
        %get3A_324 = vector.shape_cast %get3A_323 : vector<1x16xf32> to vector<16xf32>
        %mul3A_325 = arith.mulf %broadcast_in_dim3A_305, %get3A_324 : vector<16xf32>
        %add3A_326 = arith.addf %add3A_295, %mul3A_325 : vector<16xf32>
        %get3A_327 = arith.constant 4 : i32
        %get3A_328 = arith.index_cast %get3A_327 : i32 to index
        %get3A_329 = arith.constant 48 : index
        %get3A_330 = tpu.vector_load %arg12[%get3A_328, %get3A_329] {strides = array<i32>} : memref<22x64xf32, #tpu.memory_space<vmem>>, vector<1x16xf32>,
        %get3A_331 = vector.shape_cast %get3A_330 : vector<1x16xf32> to vector<16xf32>
        %mul3A_332 = arith.mulf %broadcast_in_dim3A_305, %get3A_331 : vector<16xf32>
        %add3A_333 = arith.addf %add3A_302, %mul3A_332 : vector<16xf32>
        %slice3A_334 = vector.extract_strided_slice %get3A_164 {offsets = [5], sizes = [1], strides = [1]} : vector<16xf32> to vector<1xf32>
        %squeeze3A_335 = vector.extract %slice3A_334[0] : f32 from vector<1xf32>
        %broadcast_in_dim3A_336 = vector.broadcast %squeeze3A_335 : f32 to vector<16xf32>
        %get3A_337 = arith.constant 5 : i32
        %get3A_338 = arith.index_cast %get3A_337 : i32 to index
        %get3A_339 = arith.constant 0 : index
        %get3A_340 = tpu.vector_load %arg12[%get3A_338, %get3A_339] {strides = array<i32>} : memref<22x64xf32, #tpu.memory_space<vmem>>, vector<1x16xf32>,
        %get3A_341 = vector.shape_cast %get3A_340 : vector<1x16xf32> to vector<16xf32>
        %mul3A_342 = arith.mulf %broadcast_in_dim3A_336, %get3A_341 : vector<16xf32>
        %add3A_343 = arith.addf %add3A_312, %mul3A_342 : vector<16xf32>
        %get3A_344 = arith.constant 5 : i32
        %get3A_345 = arith.index_cast %get3A_344 : i32 to index
        %get3A_346 = arith.constant 16 : index
        %get3A_347 = tpu.vector_load %arg12[%get3A_345, %get3A_346] {strides = array<i32>} : memref<22x64xf32, #tpu.memory_space<vmem>>, vector<1x16xf32>,
        %get3A_348 = vector.shape_cast %get3A_347 : vector<1x16xf32> to vector<16xf32>
        %mul3A_349 = arith.mulf %broadcast_in_dim3A_336, %get3A_348 : vector<16xf32>
        %add3A_350 = arith.addf %add3A_319, %mul3A_349 : vector<16xf32>
        %get3A_351 = arith.constant 5 : i32
        %get3A_352 = arith.index_cast %get3A_351 : i32 to index
        %get3A_353 = arith.constant 32 : index
        %get3A_354 = tpu.vector_load %arg12[%get3A_352, %get3A_353] {strides = array<i32>} : memref<22x64xf32, #tpu.memory_space<vmem>>, vector<1x16xf32>,
        %get3A_355 = vector.shape_cast %get3A_354 : vector<1x16xf32> to vector<16xf32>
        %mul3A_356 = arith.mulf %broadcast_in_dim3A_336, %get3A_355 : vector<16xf32>
        %add3A_357 = arith.addf %add3A_326, %mul3A_356 : vector<16xf32>
        %get3A_358 = arith.constant 5 : i32
        %get3A_359 = arith.index_cast %get3A_358 : i32 to index
        %get3A_360 = arith.constant 48 : index
        %get3A_361 = tpu.vector_load %arg12[%get3A_359, %get3A_360] {strides = array<i32>} : memref<22x64xf32, #tpu.memory_space<vmem>>, vector<1x16xf32>,
        %get3A_362 = vector.shape_cast %get3A_361 : vector<1x16xf32> to vector<16xf32>
        %mul3A_363 = arith.mulf %broadcast_in_dim3A_336, %get3A_362 : vector<16xf32>
        %add3A_364 = arith.addf %add3A_333, %mul3A_363 : vector<16xf32>
        %slice3A_365 = vector.extract_strided_slice %get3A_164 {offsets = [6], sizes = [1], strides = [1]} : vector<16xf32> to vector<1xf32>
        %squeeze3A_366 = vector.extract %slice3A_365[0] : f32 from vector<1xf32>
        %broadcast_in_dim3A_367 = vector.broadcast %squeeze3A_366 : f32 to vector<16xf32>
        %get3A_368 = arith.constant 6 : i32
        %get3A_369 = arith.index_cast %get3A_368 : i32 to index
        %get3A_370 = arith.constant 0 : index
        %get3A_371 = tpu.vector_load %arg12[%get3A_369, %get3A_370] {strides = array<i32>} : memref<22x64xf32, #tpu.memory_space<vmem>>, vector<1x16xf32>,
        %get3A_372 = vector.shape_cast %get3A_371 : vector<1x16xf32> to vector<16xf32>
        %mul3A_373 = arith.mulf %broadcast_in_dim3A_367, %get3A_372 : vector<16xf32>
        %add3A_374 = arith.addf %add3A_343, %mul3A_373 : vector<16xf32>
        %get3A_375 = arith.constant 6 : i32
        %get3A_376 = arith.index_cast %get3A_375 : i32 to index
        %get3A_377 = arith.constant 16 : index
        %get3A_378 = tpu.vector_load %arg12[%get3A_376, %get3A_377] {strides = array<i32>} : memref<22x64xf32, #tpu.memory_space<vmem>>, vector<1x16xf32>,
        %get3A_379 = vector.shape_cast %get3A_378 : vector<1x16xf32> to vector<16xf32>
        %mul3A_380 = arith.mulf %broadcast_in_dim3A_367, %get3A_379 : vector<16xf32>
        %add3A_381 = arith.addf %add3A_350, %mul3A_380 : vector<16xf32>
        %get3A_382 = arith.constant 6 : i32
        %get3A_383 = arith.index_cast %get3A_382 : i32 to index
        %get3A_384 = arith.constant 32 : index
        %get3A_385 = tpu.vector_load %arg12[%get3A_383, %get3A_384] {strides = array<i32>} : memref<22x64xf32, #tpu.memory_space<vmem>>, vector<1x16xf32>,
        %get3A_386 = vector.shape_cast %get3A_385 : vector<1x16xf32> to vector<16xf32>
        %mul3A_387 = arith.mulf %broadcast_in_dim3A_367, %get3A_386 : vector<16xf32>
        %add3A_388 = arith.addf %add3A_357, %mul3A_387 : vector<16xf32>
        %get3A_389 = arith.constant 6 : i32
        %get3A_390 = arith.index_cast %get3A_389 : i32 to index
        %get3A_391 = arith.constant 48 : index
        %get3A_392 = tpu.vector_load %arg12[%get3A_390, %get3A_391] {strides = array<i32>} : memref<22x64xf32, #tpu.memory_space<vmem>>, vector<1x16xf32>,
        %get3A_393 = vector.shape_cast %get3A_392 : vector<1x16xf32> to vector<16xf32>
        %mul3A_394 = arith.mulf %broadcast_in_dim3A_367, %get3A_393 : vector<16xf32>
        %add3A_395 = arith.addf %add3A_364, %mul3A_394 : vector<16xf32>
        %slice3A_396 = vector.extract_strided_slice %get3A_164 {offsets = [7], sizes = [1], strides = [1]} : vector<16xf32> to vector<1xf32>
        %squeeze3A_397 = vector.extract %slice3A_396[0] : f32 from vector<1xf32>
        %broadcast_in_dim3A_398 = vector.broadcast %squeeze3A_397 : f32 to vector<16xf32>
        %get3A_399 = arith.constant 7 : i32
        %get3A_400 = arith.index_cast %get3A_399 : i32 to index
        %get3A_401 = arith.constant 0 : index
        %get3A_402 = tpu.vector_load %arg12[%get3A_400, %get3A_401] {strides = array<i32>} : memref<22x64xf32, #tpu.memory_space<vmem>>, vector<1x16xf32>,
        %get3A_403 = vector.shape_cast %get3A_402 : vector<1x16xf32> to vector<16xf32>
        %mul3A_404 = arith.mulf %broadcast_in_dim3A_398, %get3A_403 : vector<16xf32>
        %add3A_405 = arith.addf %add3A_374, %mul3A_404 : vector<16xf32>
        %get3A_406 = arith.constant 7 : i32
        %get3A_407 = arith.index_cast %get3A_406 : i32 to index
        %get3A_408 = arith.constant 16 : index
        %get3A_409 = tpu.vector_load %arg12[%get3A_407, %get3A_408] {strides = array<i32>} : memref<22x64xf32, #tpu.memory_space<vmem>>, vector<1x16xf32>,
        %get3A_410 = vector.shape_cast %get3A_409 : vector<1x16xf32> to vector<16xf32>
        %mul3A_411 = arith.mulf %broadcast_in_dim3A_398, %get3A_410 : vector<16xf32>
        %add3A_412 = arith.addf %add3A_381, %mul3A_411 : vector<16xf32>
        %get3A_413 = arith.constant 7 : i32
        %get3A_414 = arith.index_cast %get3A_413 : i32 to index
        %get3A_415 = arith.constant 32 : index
        %get3A_416 = tpu.vector_load %arg12[%get3A_414, %get3A_415] {strides = array<i32>} : memref<22x64xf32, #tpu.memory_space<vmem>>, vector<1x16xf32>,
        %get3A_417 = vector.shape_cast %get3A_416 : vector<1x16xf32> to vector<16xf32>
        %mul3A_418 = arith.mulf %broadcast_in_dim3A_398, %get3A_417 : vector<16xf32>
        %add3A_419 = arith.addf %add3A_388, %mul3A_418 : vector<16xf32>
        %get3A_420 = arith.constant 7 : i32
        %get3A_421 = arith.index_cast %get3A_420 : i32 to index
        %get3A_422 = arith.constant 48 : index
        %get3A_423 = tpu.vector_load %arg12[%get3A_421, %get3A_422] {strides = array<i32>} : memref<22x64xf32, #tpu.memory_space<vmem>>, vector<1x16xf32>,
        %get3A_424 = vector.shape_cast %get3A_423 : vector<1x16xf32> to vector<16xf32>
        %mul3A_425 = arith.mulf %broadcast_in_dim3A_398, %get3A_424 : vector<16xf32>
        %add3A_426 = arith.addf %add3A_395, %mul3A_425 : vector<16xf32>
        %slice3A_427 = vector.extract_strided_slice %get3A_164 {offsets = [8], sizes = [1], strides = [1]} : vector<16xf32> to vector<1xf32>
        %squeeze3A_428 = vector.extract %slice3A_427[0] : f32 from vector<1xf32>
        %broadcast_in_dim3A_429 = vector.broadcast %squeeze3A_428 : f32 to vector<16xf32>
        %get3A_430 = arith.constant 8 : i32
        %get3A_431 = arith.index_cast %get3A_430 : i32 to index
        %get3A_432 = arith.constant 0 : index
        %get3A_433 = tpu.vector_load %arg12[%get3A_431, %get3A_432] {strides = array<i32>} : memref<22x64xf32, #tpu.memory_space<vmem>>, vector<1x16xf32>,
        %get3A_434 = vector.shape_cast %get3A_433 : vector<1x16xf32> to vector<16xf32>
        %mul3A_435 = arith.mulf %broadcast_in_dim3A_429, %get3A_434 : vector<16xf32>
        %add3A_436 = arith.addf %add3A_405, %mul3A_435 : vector<16xf32>
        %get3A_437 = arith.constant 8 : i32
        %get3A_438 = arith.index_cast %get3A_437 : i32 to index
        %get3A_439 = arith.constant 16 : index
        %get3A_440 = tpu.vector_load %arg12[%get3A_438, %get3A_439] {strides = array<i32>} : memref<22x64xf32, #tpu.memory_space<vmem>>, vector<1x16xf32>,
        %get3A_441 = vector.shape_cast %get3A_440 : vector<1x16xf32> to vector<16xf32>
        %mul3A_442 = arith.mulf %broadcast_in_dim3A_429, %get3A_441 : vector<16xf32>
        %add3A_443 = arith.addf %add3A_412, %mul3A_442 : vector<16xf32>
        %get3A_444 = arith.constant 8 : i32
        %get3A_445 = arith.index_cast %get3A_444 : i32 to index
        %get3A_446 = arith.constant 32 : index
        %get3A_447 = tpu.vector_load %arg12[%get3A_445, %get3A_446] {strides = array<i32>} : memref<22x64xf32, #tpu.memory_space<vmem>>, vector<1x16xf32>,
        %get3A_448 = vector.shape_cast %get3A_447 : vector<1x16xf32> to vector<16xf32>
        %mul3A_449 = arith.mulf %broadcast_in_dim3A_429, %get3A_448 : vector<16xf32>
        %add3A_450 = arith.addf %add3A_419, %mul3A_449 : vector<16xf32>
        %get3A_451 = arith.constant 8 : i32
        %get3A_452 = arith.index_cast %get3A_451 : i32 to index
        %get3A_453 = arith.constant 48 : index
        %get3A_454 = tpu.vector_load %arg12[%get3A_452, %get3A_453] {strides = array<i32>} : memref<22x64xf32, #tpu.memory_space<vmem>>, vector<1x16xf32>,
        %get3A_455 = vector.shape_cast %get3A_454 : vector<1x16xf32> to vector<16xf32>
        %mul3A_456 = arith.mulf %broadcast_in_dim3A_429, %get3A_455 : vector<16xf32>
        %add3A_457 = arith.addf %add3A_426, %mul3A_456 : vector<16xf32>
        %slice3A_458 = vector.extract_strided_slice %get3A_164 {offsets = [9], sizes = [1], strides = [1]} : vector<16xf32> to vector<1xf32>
        %squeeze3A_459 = vector.extract %slice3A_458[0] : f32 from vector<1xf32>
        %broadcast_in_dim3A_460 = vector.broadcast %squeeze3A_459 : f32 to vector<16xf32>
        %get3A_461 = arith.constant 9 : i32
        %get3A_462 = arith.index_cast %get3A_461 : i32 to index
        %get3A_463 = arith.constant 0 : index
        %get3A_464 = tpu.vector_load %arg12[%get3A_462, %get3A_463] {strides = array<i32>} : memref<22x64xf32, #tpu.memory_space<vmem>>, vector<1x16xf32>,
        %get3A_465 = vector.shape_cast %get3A_464 : vector<1x16xf32> to vector<16xf32>
        %mul3A_466 = arith.mulf %broadcast_in_dim3A_460, %get3A_465 : vector<16xf32>
        %add3A_467 = arith.addf %add3A_436, %mul3A_466 : vector<16xf32>
        %get3A_468 = arith.constant 9 : i32
        %get3A_469 = arith.index_cast %get3A_468 : i32 to index
        %get3A_470 = arith.constant 16 : index
        %get3A_471 = tpu.vector_load %arg12[%get3A_469, %get3A_470] {strides = array<i32>} : memref<22x64xf32, #tpu.memory_space<vmem>>, vector<1x16xf32>,
        %get3A_472 = vector.shape_cast %get3A_471 : vector<1x16xf32> to vector<16xf32>
        %mul3A_473 = arith.mulf %broadcast_in_dim3A_460, %get3A_472 : vector<16xf32>
        %add3A_474 = arith.addf %add3A_443, %mul3A_473 : vector<16xf32>
        %get3A_475 = arith.constant 9 : i32
        %get3A_476 = arith.index_cast %get3A_475 : i32 to index
        %get3A_477 = arith.constant 32 : index
        %get3A_478 = tpu.vector_load %arg12[%get3A_476, %get3A_477] {strides = array<i32>} : memref<22x64xf32, #tpu.memory_space<vmem>>, vector<1x16xf32>,
        %get3A_479 = vector.shape_cast %get3A_478 : vector<1x16xf32> to vector<16xf32>
        %mul3A_480 = arith.mulf %broadcast_in_dim3A_460, %get3A_479 : vector<16xf32>
        %add3A_481 = arith.addf %add3A_450, %mul3A_480 : vector<16xf32>
        %get3A_482 = arith.constant 9 : i32
        %get3A_483 = arith.index_cast %get3A_482 : i32 to index
        %get3A_484 = arith.constant 48 : index
        %get3A_485 = tpu.vector_load %arg12[%get3A_483, %get3A_484] {strides = array<i32>} : memref<22x64xf32, #tpu.memory_space<vmem>>, vector<1x16xf32>,
        %get3A_486 = vector.shape_cast %get3A_485 : vector<1x16xf32> to vector<16xf32>
        %mul3A_487 = arith.mulf %broadcast_in_dim3A_460, %get3A_486 : vector<16xf32>
        %add3A_488 = arith.addf %add3A_457, %mul3A_487 : vector<16xf32>
        %slice3A_489 = vector.extract_strided_slice %get3A_164 {offsets = [10], sizes = [1], strides = [1]} : vector<16xf32> to vector<1xf32>
        %squeeze3A_490 = vector.extract %slice3A_489[0] : f32 from vector<1xf32>
        %broadcast_in_dim3A_491 = vector.broadcast %squeeze3A_490 : f32 to vector<16xf32>
        %get3A_492 = arith.constant 10 : i32
        %get3A_493 = arith.index_cast %get3A_492 : i32 to index
        %get3A_494 = arith.constant 0 : index
        %get3A_495 = tpu.vector_load %arg12[%get3A_493, %get3A_494] {strides = array<i32>} : memref<22x64xf32, #tpu.memory_space<vmem>>, vector<1x16xf32>,
        %get3A_496 = vector.shape_cast %get3A_495 : vector<1x16xf32> to vector<16xf32>
        %mul3A_497 = arith.mulf %broadcast_in_dim3A_491, %get3A_496 : vector<16xf32>
        %add3A_498 = arith.addf %add3A_467, %mul3A_497 : vector<16xf32>
        %get3A_499 = arith.constant 10 : i32
        %get3A_500 = arith.index_cast %get3A_499 : i32 to index
        %get3A_501 = arith.constant 16 : index
        %get3A_502 = tpu.vector_load %arg12[%get3A_500, %get3A_501] {strides = array<i32>} : memref<22x64xf32, #tpu.memory_space<vmem>>, vector<1x16xf32>,
        %get3A_503 = vector.shape_cast %get3A_502 : vector<1x16xf32> to vector<16xf32>
        %mul3A_504 = arith.mulf %broadcast_in_dim3A_491, %get3A_503 : vector<16xf32>
        %add3A_505 = arith.addf %add3A_474, %mul3A_504 : vector<16xf32>
        %get3A_506 = arith.constant 10 : i32
        %get3A_507 = arith.index_cast %get3A_506 : i32 to index
        %get3A_508 = arith.constant 32 : index
        %get3A_509 = tpu.vector_load %arg12[%get3A_507, %get3A_508] {strides = array<i32>} : memref<22x64xf32, #tpu.memory_space<vmem>>, vector<1x16xf32>,
        %get3A_510 = vector.shape_cast %get3A_509 : vector<1x16xf32> to vector<16xf32>
        %mul3A_511 = arith.mulf %broadcast_in_dim3A_491, %get3A_510 : vector<16xf32>
        %add3A_512 = arith.addf %add3A_481, %mul3A_511 : vector<16xf32>
        %get3A_513 = arith.constant 10 : i32
        %get3A_514 = arith.index_cast %get3A_513 : i32 to index
        %get3A_515 = arith.constant 48 : index
        %get3A_516 = tpu.vector_load %arg12[%get3A_514, %get3A_515] {strides = array<i32>} : memref<22x64xf32, #tpu.memory_space<vmem>>, vector<1x16xf32>,
        %get3A_517 = vector.shape_cast %get3A_516 : vector<1x16xf32> to vector<16xf32>
        %mul3A_518 = arith.mulf %broadcast_in_dim3A_491, %get3A_517 : vector<16xf32>
        %add3A_519 = arith.addf %add3A_488, %mul3A_518 : vector<16xf32>
        %slice3A_520 = vector.extract_strided_slice %get3A_164 {offsets = [11], sizes = [1], strides = [1]} : vector<16xf32> to vector<1xf32>
        %squeeze3A_521 = vector.extract %slice3A_520[0] : f32 from vector<1xf32>
        %broadcast_in_dim3A_522 = vector.broadcast %squeeze3A_521 : f32 to vector<16xf32>
        %get3A_523 = arith.constant 11 : i32
        %get3A_524 = arith.index_cast %get3A_523 : i32 to index
        %get3A_525 = arith.constant 0 : index
        %get3A_526 = tpu.vector_load %arg12[%get3A_524, %get3A_525] {strides = array<i32>} : memref<22x64xf32, #tpu.memory_space<vmem>>, vector<1x16xf32>,
        %get3A_527 = vector.shape_cast %get3A_526 : vector<1x16xf32> to vector<16xf32>
        %mul3A_528 = arith.mulf %broadcast_in_dim3A_522, %get3A_527 : vector<16xf32>
        %add3A_529 = arith.addf %add3A_498, %mul3A_528 : vector<16xf32>
        %get3A_530 = arith.constant 11 : i32
        %get3A_531 = arith.index_cast %get3A_530 : i32 to index
        %get3A_532 = arith.constant 16 : index
        %get3A_533 = tpu.vector_load %arg12[%get3A_531, %get3A_532] {strides = array<i32>} : memref<22x64xf32, #tpu.memory_space<vmem>>, vector<1x16xf32>,
        %get3A_534 = vector.shape_cast %get3A_533 : vector<1x16xf32> to vector<16xf32>
        %mul3A_535 = arith.mulf %broadcast_in_dim3A_522, %get3A_534 : vector<16xf32>
        %add3A_536 = arith.addf %add3A_505, %mul3A_535 : vector<16xf32>
        %get3A_537 = arith.constant 11 : i32
        %get3A_538 = arith.index_cast %get3A_537 : i32 to index
        %get3A_539 = arith.constant 32 : index
        %get3A_540 = tpu.vector_load %arg12[%get3A_538, %get3A_539] {strides = array<i32>} : memref<22x64xf32, #tpu.memory_space<vmem>>, vector<1x16xf32>,
        %get3A_541 = vector.shape_cast %get3A_540 : vector<1x16xf32> to vector<16xf32>
        %mul3A_542 = arith.mulf %broadcast_in_dim3A_522, %get3A_541 : vector<16xf32>
        %add3A_543 = arith.addf %add3A_512, %mul3A_542 : vector<16xf32>
        %get3A_544 = arith.constant 11 : i32
        %get3A_545 = arith.index_cast %get3A_544 : i32 to index
        %get3A_546 = arith.constant 48 : index
        %get3A_547 = tpu.vector_load %arg12[%get3A_545, %get3A_546] {strides = array<i32>} : memref<22x64xf32, #tpu.memory_space<vmem>>, vector<1x16xf32>,
        %get3A_548 = vector.shape_cast %get3A_547 : vector<1x16xf32> to vector<16xf32>
        %mul3A_549 = arith.mulf %broadcast_in_dim3A_522, %get3A_548 : vector<16xf32>
        %add3A_550 = arith.addf %add3A_519, %mul3A_549 : vector<16xf32>
        %slice3A_551 = vector.extract_strided_slice %get3A_164 {offsets = [12], sizes = [1], strides = [1]} : vector<16xf32> to vector<1xf32>
        %squeeze3A_552 = vector.extract %slice3A_551[0] : f32 from vector<1xf32>
        %broadcast_in_dim3A_553 = vector.broadcast %squeeze3A_552 : f32 to vector<16xf32>
        %get3A_554 = arith.constant 12 : i32
        %get3A_555 = arith.index_cast %get3A_554 : i32 to index
        %get3A_556 = arith.constant 0 : index
        %get3A_557 = tpu.vector_load %arg12[%get3A_555, %get3A_556] {strides = array<i32>} : memref<22x64xf32, #tpu.memory_space<vmem>>, vector<1x16xf32>,
        %get3A_558 = vector.shape_cast %get3A_557 : vector<1x16xf32> to vector<16xf32>
        %mul3A_559 = arith.mulf %broadcast_in_dim3A_553, %get3A_558 : vector<16xf32>
        %add3A_560 = arith.addf %add3A_529, %mul3A_559 : vector<16xf32>
        %get3A_561 = arith.constant 12 : i32
        %get3A_562 = arith.index_cast %get3A_561 : i32 to index
        %get3A_563 = arith.constant 16 : index
        %get3A_564 = tpu.vector_load %arg12[%get3A_562, %get3A_563] {strides = array<i32>} : memref<22x64xf32, #tpu.memory_space<vmem>>, vector<1x16xf32>,
        %get3A_565 = vector.shape_cast %get3A_564 : vector<1x16xf32> to vector<16xf32>
        %mul3A_566 = arith.mulf %broadcast_in_dim3A_553, %get3A_565 : vector<16xf32>
        %add3A_567 = arith.addf %add3A_536, %mul3A_566 : vector<16xf32>
        %get3A_568 = arith.constant 12 : i32
        %get3A_569 = arith.index_cast %get3A_568 : i32 to index
        %get3A_570 = arith.constant 32 : index
        %get3A_571 = tpu.vector_load %arg12[%get3A_569, %get3A_570] {strides = array<i32>} : memref<22x64xf32, #tpu.memory_space<vmem>>, vector<1x16xf32>,
        %get3A_572 = vector.shape_cast %get3A_571 : vector<1x16xf32> to vector<16xf32>
        %mul3A_573 = arith.mulf %broadcast_in_dim3A_553, %get3A_572 : vector<16xf32>
        %add3A_574 = arith.addf %add3A_543, %mul3A_573 : vector<16xf32>
        %get3A_575 = arith.constant 12 : i32
        %get3A_576 = arith.index_cast %get3A_575 : i32 to index
        %get3A_577 = arith.constant 48 : index
        %get3A_578 = tpu.vector_load %arg12[%get3A_576, %get3A_577] {strides = array<i32>} : memref<22x64xf32, #tpu.memory_space<vmem>>, vector<1x16xf32>,
        %get3A_579 = vector.shape_cast %get3A_578 : vector<1x16xf32> to vector<16xf32>
        %mul3A_580 = arith.mulf %broadcast_in_dim3A_553, %get3A_579 : vector<16xf32>
        %add3A_581 = arith.addf %add3A_550, %mul3A_580 : vector<16xf32>
        %slice3A_582 = vector.extract_strided_slice %get3A_164 {offsets = [13], sizes = [1], strides = [1]} : vector<16xf32> to vector<1xf32>
        %squeeze3A_583 = vector.extract %slice3A_582[0] : f32 from vector<1xf32>
        %broadcast_in_dim3A_584 = vector.broadcast %squeeze3A_583 : f32 to vector<16xf32>
        %get3A_585 = arith.constant 13 : i32
        %get3A_586 = arith.index_cast %get3A_585 : i32 to index
        %get3A_587 = arith.constant 0 : index
        %get3A_588 = tpu.vector_load %arg12[%get3A_586, %get3A_587] {strides = array<i32>} : memref<22x64xf32, #tpu.memory_space<vmem>>, vector<1x16xf32>,
        %get3A_589 = vector.shape_cast %get3A_588 : vector<1x16xf32> to vector<16xf32>
        %mul3A_590 = arith.mulf %broadcast_in_dim3A_584, %get3A_589 : vector<16xf32>
        %add3A_591 = arith.addf %add3A_560, %mul3A_590 : vector<16xf32>
        %get3A_592 = arith.constant 13 : i32
        %get3A_593 = arith.index_cast %get3A_592 : i32 to index
        %get3A_594 = arith.constant 16 : index
        %get3A_595 = tpu.vector_load %arg12[%get3A_593, %get3A_594] {strides = array<i32>} : memref<22x64xf32, #tpu.memory_space<vmem>>, vector<1x16xf32>,
        %get3A_596 = vector.shape_cast %get3A_595 : vector<1x16xf32> to vector<16xf32>
        %mul3A_597 = arith.mulf %broadcast_in_dim3A_584, %get3A_596 : vector<16xf32>
        %add3A_598 = arith.addf %add3A_567, %mul3A_597 : vector<16xf32>
        %get3A_599 = arith.constant 13 : i32
        %get3A_600 = arith.index_cast %get3A_599 : i32 to index
        %get3A_601 = arith.constant 32 : index
        %get3A_602 = tpu.vector_load %arg12[%get3A_600, %get3A_601] {strides = array<i32>} : memref<22x64xf32, #tpu.memory_space<vmem>>, vector<1x16xf32>,
        %get3A_603 = vector.shape_cast %get3A_602 : vector<1x16xf32> to vector<16xf32>
        %mul3A_604 = arith.mulf %broadcast_in_dim3A_584, %get3A_603 : vector<16xf32>
        %add3A_605 = arith.addf %add3A_574, %mul3A_604 : vector<16xf32>
        %get3A_606 = arith.constant 13 : i32
        %get3A_607 = arith.index_cast %get3A_606 : i32 to index
        %get3A_608 = arith.constant 48 : index
        %get3A_609 = tpu.vector_load %arg12[%get3A_607, %get3A_608] {strides = array<i32>} : memref<22x64xf32, #tpu.memory_space<vmem>>, vector<1x16xf32>,
        %get3A_610 = vector.shape_cast %get3A_609 : vector<1x16xf32> to vector<16xf32>
        %mul3A_611 = arith.mulf %broadcast_in_dim3A_584, %get3A_610 : vector<16xf32>
        %add3A_612 = arith.addf %add3A_581, %mul3A_611 : vector<16xf32>
        %slice3A_613 = vector.extract_strided_slice %get3A_164 {offsets = [14], sizes = [1], strides = [1]} : vector<16xf32> to vector<1xf32>
        %squeeze3A_614 = vector.extract %slice3A_613[0] : f32 from vector<1xf32>
        %broadcast_in_dim3A_615 = vector.broadcast %squeeze3A_614 : f32 to vector<16xf32>
        %get3A_616 = arith.constant 14 : i32
        %get3A_617 = arith.index_cast %get3A_616 : i32 to index
        %get3A_618 = arith.constant 0 : index
        %get3A_619 = tpu.vector_load %arg12[%get3A_617, %get3A_618] {strides = array<i32>} : memref<22x64xf32, #tpu.memory_space<vmem>>, vector<1x16xf32>,
        %get3A_620 = vector.shape_cast %get3A_619 : vector<1x16xf32> to vector<16xf32>
        %mul3A_621 = arith.mulf %broadcast_in_dim3A_615, %get3A_620 : vector<16xf32>
        %add3A_622 = arith.addf %add3A_591, %mul3A_621 : vector<16xf32>
        %get3A_623 = arith.constant 14 : i32
        %get3A_624 = arith.index_cast %get3A_623 : i32 to index
        %get3A_625 = arith.constant 16 : index
        %get3A_626 = tpu.vector_load %arg12[%get3A_624, %get3A_625] {strides = array<i32>} : memref<22x64xf32, #tpu.memory_space<vmem>>, vector<1x16xf32>,
        %get3A_627 = vector.shape_cast %get3A_626 : vector<1x16xf32> to vector<16xf32>
        %mul3A_628 = arith.mulf %broadcast_in_dim3A_615, %get3A_627 : vector<16xf32>
        %add3A_629 = arith.addf %add3A_598, %mul3A_628 : vector<16xf32>
        %get3A_630 = arith.constant 14 : i32
        %get3A_631 = arith.index_cast %get3A_630 : i32 to index
        %get3A_632 = arith.constant 32 : index
        %get3A_633 = tpu.vector_load %arg12[%get3A_631, %get3A_632] {strides = array<i32>} : memref<22x64xf32, #tpu.memory_space<vmem>>, vector<1x16xf32>,
        %get3A_634 = vector.shape_cast %get3A_633 : vector<1x16xf32> to vector<16xf32>
        %mul3A_635 = arith.mulf %broadcast_in_dim3A_615, %get3A_634 : vector<16xf32>
        %add3A_636 = arith.addf %add3A_605, %mul3A_635 : vector<16xf32>
        %get3A_637 = arith.constant 14 : i32
        %get3A_638 = arith.index_cast %get3A_637 : i32 to index
        %get3A_639 = arith.constant 48 : index
        %get3A_640 = tpu.vector_load %arg12[%get3A_638, %get3A_639] {strides = array<i32>} : memref<22x64xf32, #tpu.memory_space<vmem>>, vector<1x16xf32>,
        %get3A_641 = vector.shape_cast %get3A_640 : vector<1x16xf32> to vector<16xf32>
        %mul3A_642 = arith.mulf %broadcast_in_dim3A_615, %get3A_641 : vector<16xf32>
        %add3A_643 = arith.addf %add3A_612, %mul3A_642 : vector<16xf32>
        %slice3A_644 = vector.extract_strided_slice %get3A_164 {offsets = [15], sizes = [1], strides = [1]} : vector<16xf32> to vector<1xf32>
        %squeeze3A_645 = vector.extract %slice3A_644[0] : f32 from vector<1xf32>
        %broadcast_in_dim3A_646 = vector.broadcast %squeeze3A_645 : f32 to vector<16xf32>
        %get3A_647 = arith.constant 15 : i32
        %get3A_648 = arith.index_cast %get3A_647 : i32 to index
        %get3A_649 = arith.constant 0 : index
        %get3A_650 = tpu.vector_load %arg12[%get3A_648, %get3A_649] {strides = array<i32>} : memref<22x64xf32, #tpu.memory_space<vmem>>, vector<1x16xf32>,
        %get3A_651 = vector.shape_cast %get3A_650 : vector<1x16xf32> to vector<16xf32>
        %mul3A_652 = arith.mulf %broadcast_in_dim3A_646, %get3A_651 : vector<16xf32>
        %add3A_653 = arith.addf %add3A_622, %mul3A_652 : vector<16xf32>
        %get3A_654 = arith.constant 15 : i32
        %get3A_655 = arith.index_cast %get3A_654 : i32 to index
        %get3A_656 = arith.constant 16 : index
        %get3A_657 = tpu.vector_load %arg12[%get3A_655, %get3A_656] {strides = array<i32>} : memref<22x64xf32, #tpu.memory_space<vmem>>, vector<1x16xf32>,
        %get3A_658 = vector.shape_cast %get3A_657 : vector<1x16xf32> to vector<16xf32>
        %mul3A_659 = arith.mulf %broadcast_in_dim3A_646, %get3A_658 : vector<16xf32>
        %add3A_660 = arith.addf %add3A_629, %mul3A_659 : vector<16xf32>
        %get3A_661 = arith.constant 15 : i32
        %get3A_662 = arith.index_cast %get3A_661 : i32 to index
        %get3A_663 = arith.constant 32 : index
        %get3A_664 = tpu.vector_load %arg12[%get3A_662, %get3A_663] {strides = array<i32>} : memref<22x64xf32, #tpu.memory_space<vmem>>, vector<1x16xf32>,
        %get3A_665 = vector.shape_cast %get3A_664 : vector<1x16xf32> to vector<16xf32>
        %mul3A_666 = arith.mulf %broadcast_in_dim3A_646, %get3A_665 : vector<16xf32>
        %add3A_667 = arith.addf %add3A_636, %mul3A_666 : vector<16xf32>
        %get3A_668 = arith.constant 15 : i32
        %get3A_669 = arith.index_cast %get3A_668 : i32 to index
        %get3A_670 = arith.constant 48 : index
        %get3A_671 = tpu.vector_load %arg12[%get3A_669, %get3A_670] {strides = array<i32>} : memref<22x64xf32, #tpu.memory_space<vmem>>, vector<1x16xf32>,
        %get3A_672 = vector.shape_cast %get3A_671 : vector<1x16xf32> to vector<16xf32>
        %mul3A_673 = arith.mulf %broadcast_in_dim3A_646, %get3A_672 : vector<16xf32>
        %add3A_674 = arith.addf %add3A_643, %mul3A_673 : vector<16xf32>
        %slice3A_675 = vector.extract_strided_slice %get3A_169 {offsets = [0], sizes = [1], strides = [1]} : vector<16xf32> to vector<1xf32>
        %squeeze3A_676 = vector.extract %slice3A_675[0] : f32 from vector<1xf32>
        %broadcast_in_dim3A_677 = vector.broadcast %squeeze3A_676 : f32 to vector<16xf32>
        %get3A_678 = arith.constant 16 : i32
        %get3A_679 = arith.index_cast %get3A_678 : i32 to index
        %get3A_680 = arith.constant 0 : index
        %get3A_681 = tpu.vector_load %arg12[%get3A_679, %get3A_680] {strides = array<i32>} : memref<22x64xf32, #tpu.memory_space<vmem>>, vector<1x16xf32>,
        %get3A_682 = vector.shape_cast %get3A_681 : vector<1x16xf32> to vector<16xf32>
        %mul3A_683 = arith.mulf %broadcast_in_dim3A_677, %get3A_682 : vector<16xf32>
        %add3A_684 = arith.addf %add3A_653, %mul3A_683 : vector<16xf32>
        %get3A_685 = arith.constant 16 : i32
        %get3A_686 = arith.index_cast %get3A_685 : i32 to index
        %get3A_687 = arith.constant 16 : index
        %get3A_688 = tpu.vector_load %arg12[%get3A_686, %get3A_687] {strides = array<i32>} : memref<22x64xf32, #tpu.memory_space<vmem>>, vector<1x16xf32>,
        %get3A_689 = vector.shape_cast %get3A_688 : vector<1x16xf32> to vector<16xf32>
        %mul3A_690 = arith.mulf %broadcast_in_dim3A_677, %get3A_689 : vector<16xf32>
        %add3A_691 = arith.addf %add3A_660, %mul3A_690 : vector<16xf32>
        %get3A_692 = arith.constant 16 : i32
        %get3A_693 = arith.index_cast %get3A_692 : i32 to index
        %get3A_694 = arith.constant 32 : index
        %get3A_695 = tpu.vector_load %arg12[%get3A_693, %get3A_694] {strides = array<i32>} : memref<22x64xf32, #tpu.memory_space<vmem>>, vector<1x16xf32>,
        %get3A_696 = vector.shape_cast %get3A_695 : vector<1x16xf32> to vector<16xf32>
        %mul3A_697 = arith.mulf %broadcast_in_dim3A_677, %get3A_696 : vector<16xf32>
        %add3A_698 = arith.addf %add3A_667, %mul3A_697 : vector<16xf32>
        %get3A_699 = arith.constant 16 : i32
        %get3A_700 = arith.index_cast %get3A_699 : i32 to index
        %get3A_701 = arith.constant 48 : index
        %get3A_702 = tpu.vector_load %arg12[%get3A_700, %get3A_701] {strides = array<i32>} : memref<22x64xf32, #tpu.memory_space<vmem>>, vector<1x16xf32>,
        %get3A_703 = vector.shape_cast %get3A_702 : vector<1x16xf32> to vector<16xf32>
        %mul3A_704 = arith.mulf %broadcast_in_dim3A_677, %get3A_703 : vector<16xf32>
        %add3A_705 = arith.addf %add3A_674, %mul3A_704 : vector<16xf32>
        %slice3A_706 = vector.extract_strided_slice %get3A_169 {offsets = [1], sizes = [1], strides = [1]} : vector<16xf32> to vector<1xf32>
        %squeeze3A_707 = vector.extract %slice3A_706[0] : f32 from vector<1xf32>
        %broadcast_in_dim3A_708 = vector.broadcast %squeeze3A_707 : f32 to vector<16xf32>
        %get3A_709 = arith.constant 17 : i32
        %get3A_710 = arith.index_cast %get3A_709 : i32 to index
        %get3A_711 = arith.constant 0 : index
        %get3A_712 = tpu.vector_load %arg12[%get3A_710, %get3A_711] {strides = array<i32>} : memref<22x64xf32, #tpu.memory_space<vmem>>, vector<1x16xf32>,
        %get3A_713 = vector.shape_cast %get3A_712 : vector<1x16xf32> to vector<16xf32>
        %mul3A_714 = arith.mulf %broadcast_in_dim3A_708, %get3A_713 : vector<16xf32>
        %add3A_715 = arith.addf %add3A_684, %mul3A_714 : vector<16xf32>
        %get3A_716 = arith.constant 17 : i32
        %get3A_717 = arith.index_cast %get3A_716 : i32 to index
        %get3A_718 = arith.constant 16 : index
        %get3A_719 = tpu.vector_load %arg12[%get3A_717, %get3A_718] {strides = array<i32>} : memref<22x64xf32, #tpu.memory_space<vmem>>, vector<1x16xf32>,
        %get3A_720 = vector.shape_cast %get3A_719 : vector<1x16xf32> to vector<16xf32>
        %mul3A_721 = arith.mulf %broadcast_in_dim3A_708, %get3A_720 : vector<16xf32>
        %add3A_722 = arith.addf %add3A_691, %mul3A_721 : vector<16xf32>
        %get3A_723 = arith.constant 17 : i32
        %get3A_724 = arith.index_cast %get3A_723 : i32 to index
        %get3A_725 = arith.constant 32 : index
        %get3A_726 = tpu.vector_load %arg12[%get3A_724, %get3A_725] {strides = array<i32>} : memref<22x64xf32, #tpu.memory_space<vmem>>, vector<1x16xf32>,
        %get3A_727 = vector.shape_cast %get3A_726 : vector<1x16xf32> to vector<16xf32>
        %mul3A_728 = arith.mulf %broadcast_in_dim3A_708, %get3A_727 : vector<16xf32>
        %add3A_729 = arith.addf %add3A_698, %mul3A_728 : vector<16xf32>
        %get3A_730 = arith.constant 17 : i32
        %get3A_731 = arith.index_cast %get3A_730 : i32 to index
        %get3A_732 = arith.constant 48 : index
        %get3A_733 = tpu.vector_load %arg12[%get3A_731, %get3A_732] {strides = array<i32>} : memref<22x64xf32, #tpu.memory_space<vmem>>, vector<1x16xf32>,
        %get3A_734 = vector.shape_cast %get3A_733 : vector<1x16xf32> to vector<16xf32>
        %mul3A_735 = arith.mulf %broadcast_in_dim3A_708, %get3A_734 : vector<16xf32>
        %add3A_736 = arith.addf %add3A_705, %mul3A_735 : vector<16xf32>
        %slice3A_737 = vector.extract_strided_slice %get3A_169 {offsets = [2], sizes = [1], strides = [1]} : vector<16xf32> to vector<1xf32>
        %squeeze3A_738 = vector.extract %slice3A_737[0] : f32 from vector<1xf32>
        %broadcast_in_dim3A_739 = vector.broadcast %squeeze3A_738 : f32 to vector<16xf32>
        %get3A_740 = arith.constant 18 : i32
        %get3A_741 = arith.index_cast %get3A_740 : i32 to index
        %get3A_742 = arith.constant 0 : index
        %get3A_743 = tpu.vector_load %arg12[%get3A_741, %get3A_742] {strides = array<i32>} : memref<22x64xf32, #tpu.memory_space<vmem>>, vector<1x16xf32>,
        %get3A_744 = vector.shape_cast %get3A_743 : vector<1x16xf32> to vector<16xf32>
        %mul3A_745 = arith.mulf %broadcast_in_dim3A_739, %get3A_744 : vector<16xf32>
        %add3A_746 = arith.addf %add3A_715, %mul3A_745 : vector<16xf32>
        %get3A_747 = arith.constant 18 : i32
        %get3A_748 = arith.index_cast %get3A_747 : i32 to index
        %get3A_749 = arith.constant 16 : index
        %get3A_750 = tpu.vector_load %arg12[%get3A_748, %get3A_749] {strides = array<i32>} : memref<22x64xf32, #tpu.memory_space<vmem>>, vector<1x16xf32>,
        %get3A_751 = vector.shape_cast %get3A_750 : vector<1x16xf32> to vector<16xf32>
        %mul3A_752 = arith.mulf %broadcast_in_dim3A_739, %get3A_751 : vector<16xf32>
        %add3A_753 = arith.addf %add3A_722, %mul3A_752 : vector<16xf32>
        %get3A_754 = arith.constant 18 : i32
        %get3A_755 = arith.index_cast %get3A_754 : i32 to index
        %get3A_756 = arith.constant 32 : index
        %get3A_757 = tpu.vector_load %arg12[%get3A_755, %get3A_756] {strides = array<i32>} : memref<22x64xf32, #tpu.memory_space<vmem>>, vector<1x16xf32>,
        %get3A_758 = vector.shape_cast %get3A_757 : vector<1x16xf32> to vector<16xf32>
        %mul3A_759 = arith.mulf %broadcast_in_dim3A_739, %get3A_758 : vector<16xf32>
        %add3A_760 = arith.addf %add3A_729, %mul3A_759 : vector<16xf32>
        %get3A_761 = arith.constant 18 : i32
        %get3A_762 = arith.index_cast %get3A_761 : i32 to index
        %get3A_763 = arith.constant 48 : index
        %get3A_764 = tpu.vector_load %arg12[%get3A_762, %get3A_763] {strides = array<i32>} : memref<22x64xf32, #tpu.memory_space<vmem>>, vector<1x16xf32>,
        %get3A_765 = vector.shape_cast %get3A_764 : vector<1x16xf32> to vector<16xf32>
        %mul3A_766 = arith.mulf %broadcast_in_dim3A_739, %get3A_765 : vector<16xf32>
        %add3A_767 = arith.addf %add3A_736, %mul3A_766 : vector<16xf32>
        %slice3A_768 = vector.extract_strided_slice %get3A_169 {offsets = [3], sizes = [1], strides = [1]} : vector<16xf32> to vector<1xf32>
        %squeeze3A_769 = vector.extract %slice3A_768[0] : f32 from vector<1xf32>
        %broadcast_in_dim3A_770 = vector.broadcast %squeeze3A_769 : f32 to vector<16xf32>
        %get3A_771 = arith.constant 19 : i32
        %get3A_772 = arith.index_cast %get3A_771 : i32 to index
        %get3A_773 = arith.constant 0 : index
        %get3A_774 = tpu.vector_load %arg12[%get3A_772, %get3A_773] {strides = array<i32>} : memref<22x64xf32, #tpu.memory_space<vmem>>, vector<1x16xf32>,
        %get3A_775 = vector.shape_cast %get3A_774 : vector<1x16xf32> to vector<16xf32>
        %mul3A_776 = arith.mulf %broadcast_in_dim3A_770, %get3A_775 : vector<16xf32>
        %add3A_777 = arith.addf %add3A_746, %mul3A_776 : vector<16xf32>
        %get3A_778 = arith.constant 19 : i32
        %get3A_779 = arith.index_cast %get3A_778 : i32 to index
        %get3A_780 = arith.constant 16 : index
        %get3A_781 = tpu.vector_load %arg12[%get3A_779, %get3A_780] {strides = array<i32>} : memref<22x64xf32, #tpu.memory_space<vmem>>, vector<1x16xf32>,
        %get3A_782 = vector.shape_cast %get3A_781 : vector<1x16xf32> to vector<16xf32>
        %mul3A_783 = arith.mulf %broadcast_in_dim3A_770, %get3A_782 : vector<16xf32>
        %add3A_784 = arith.addf %add3A_753, %mul3A_783 : vector<16xf32>
        %get3A_785 = arith.constant 19 : i32
        %get3A_786 = arith.index_cast %get3A_785 : i32 to index
        %get3A_787 = arith.constant 32 : index
        %get3A_788 = tpu.vector_load %arg12[%get3A_786, %get3A_787] {strides = array<i32>} : memref<22x64xf32, #tpu.memory_space<vmem>>, vector<1x16xf32>,
        %get3A_789 = vector.shape_cast %get3A_788 : vector<1x16xf32> to vector<16xf32>
        %mul3A_790 = arith.mulf %broadcast_in_dim3A_770, %get3A_789 : vector<16xf32>
        %add3A_791 = arith.addf %add3A_760, %mul3A_790 : vector<16xf32>
        %get3A_792 = arith.constant 19 : i32
        %get3A_793 = arith.index_cast %get3A_792 : i32 to index
        %get3A_794 = arith.constant 48 : index
        %get3A_795 = tpu.vector_load %arg12[%get3A_793, %get3A_794] {strides = array<i32>} : memref<22x64xf32, #tpu.memory_space<vmem>>, vector<1x16xf32>,
        %get3A_796 = vector.shape_cast %get3A_795 : vector<1x16xf32> to vector<16xf32>
        %mul3A_797 = arith.mulf %broadcast_in_dim3A_770, %get3A_796 : vector<16xf32>
        %add3A_798 = arith.addf %add3A_767, %mul3A_797 : vector<16xf32>
        %slice3A_799 = vector.extract_strided_slice %get3A_169 {offsets = [4], sizes = [1], strides = [1]} : vector<16xf32> to vector<1xf32>
        %squeeze3A_800 = vector.extract %slice3A_799[0] : f32 from vector<1xf32>
        %broadcast_in_dim3A_801 = vector.broadcast %squeeze3A_800 : f32 to vector<16xf32>
        %get3A_802 = arith.constant 20 : i32
        %get3A_803 = arith.index_cast %get3A_802 : i32 to index
        %get3A_804 = arith.constant 0 : index
        %get3A_805 = tpu.vector_load %arg12[%get3A_803, %get3A_804] {strides = array<i32>} : memref<22x64xf32, #tpu.memory_space<vmem>>, vector<1x16xf32>,
        %get3A_806 = vector.shape_cast %get3A_805 : vector<1x16xf32> to vector<16xf32>
        %mul3A_807 = arith.mulf %broadcast_in_dim3A_801, %get3A_806 : vector<16xf32>
        %add3A_808 = arith.addf %add3A_777, %mul3A_807 : vector<16xf32>
        %get3A_809 = arith.constant 20 : i32
        %get3A_810 = arith.index_cast %get3A_809 : i32 to index
        %get3A_811 = arith.constant 16 : index
        %get3A_812 = tpu.vector_load %arg12[%get3A_810, %get3A_811] {strides = array<i32>} : memref<22x64xf32, #tpu.memory_space<vmem>>, vector<1x16xf32>,
        %get3A_813 = vector.shape_cast %get3A_812 : vector<1x16xf32> to vector<16xf32>
        %mul3A_814 = arith.mulf %broadcast_in_dim3A_801, %get3A_813 : vector<16xf32>
        %add3A_815 = arith.addf %add3A_784, %mul3A_814 : vector<16xf32>
        %get3A_816 = arith.constant 20 : i32
        %get3A_817 = arith.index_cast %get3A_816 : i32 to index
        %get3A_818 = arith.constant 32 : index
        %get3A_819 = tpu.vector_load %arg12[%get3A_817, %get3A_818] {strides = array<i32>} : memref<22x64xf32, #tpu.memory_space<vmem>>, vector<1x16xf32>,
        %get3A_820 = vector.shape_cast %get3A_819 : vector<1x16xf32> to vector<16xf32>
        %mul3A_821 = arith.mulf %broadcast_in_dim3A_801, %get3A_820 : vector<16xf32>
        %add3A_822 = arith.addf %add3A_791, %mul3A_821 : vector<16xf32>
        %get3A_823 = arith.constant 20 : i32
        %get3A_824 = arith.index_cast %get3A_823 : i32 to index
        %get3A_825 = arith.constant 48 : index
        %get3A_826 = tpu.vector_load %arg12[%get3A_824, %get3A_825] {strides = array<i32>} : memref<22x64xf32, #tpu.memory_space<vmem>>, vector<1x16xf32>,
        %get3A_827 = vector.shape_cast %get3A_826 : vector<1x16xf32> to vector<16xf32>
        %mul3A_828 = arith.mulf %broadcast_in_dim3A_801, %get3A_827 : vector<16xf32>
        %add3A_829 = arith.addf %add3A_798, %mul3A_828 : vector<16xf32>
        %slice3A_830 = vector.extract_strided_slice %get3A_169 {offsets = [5], sizes = [1], strides = [1]} : vector<16xf32> to vector<1xf32>
        %squeeze3A_831 = vector.extract %slice3A_830[0] : f32 from vector<1xf32>
        %broadcast_in_dim3A_832 = vector.broadcast %squeeze3A_831 : f32 to vector<16xf32>
        %get3A_833 = arith.constant 21 : i32
        %get3A_834 = arith.index_cast %get3A_833 : i32 to index
        %get3A_835 = arith.constant 0 : index
        %get3A_836 = tpu.vector_load %arg12[%get3A_834, %get3A_835] {strides = array<i32>} : memref<22x64xf32, #tpu.memory_space<vmem>>, vector<1x16xf32>,
        %get3A_837 = vector.shape_cast %get3A_836 : vector<1x16xf32> to vector<16xf32>
        %mul3A_838 = arith.mulf %broadcast_in_dim3A_832, %get3A_837 : vector<16xf32>
        %add3A_839 = arith.addf %add3A_808, %mul3A_838 : vector<16xf32>
        %get3A_840 = arith.constant 21 : i32
        %get3A_841 = arith.index_cast %get3A_840 : i32 to index
        %get3A_842 = arith.constant 16 : index
        %get3A_843 = tpu.vector_load %arg12[%get3A_841, %get3A_842] {strides = array<i32>} : memref<22x64xf32, #tpu.memory_space<vmem>>, vector<1x16xf32>,
        %get3A_844 = vector.shape_cast %get3A_843 : vector<1x16xf32> to vector<16xf32>
        %mul3A_845 = arith.mulf %broadcast_in_dim3A_832, %get3A_844 : vector<16xf32>
        %add3A_846 = arith.addf %add3A_815, %mul3A_845 : vector<16xf32>
        %get3A_847 = arith.constant 21 : i32
        %get3A_848 = arith.index_cast %get3A_847 : i32 to index
        %get3A_849 = arith.constant 32 : index
        %get3A_850 = tpu.vector_load %arg12[%get3A_848, %get3A_849] {strides = array<i32>} : memref<22x64xf32, #tpu.memory_space<vmem>>, vector<1x16xf32>,
        %get3A_851 = vector.shape_cast %get3A_850 : vector<1x16xf32> to vector<16xf32>
        %mul3A_852 = arith.mulf %broadcast_in_dim3A_832, %get3A_851 : vector<16xf32>
        %add3A_853 = arith.addf %add3A_822, %mul3A_852 : vector<16xf32>
        %get3A_854 = arith.constant 21 : i32
        %get3A_855 = arith.index_cast %get3A_854 : i32 to index
        %get3A_856 = arith.constant 48 : index
        %get3A_857 = tpu.vector_load %arg12[%get3A_855, %get3A_856] {strides = array<i32>} : memref<22x64xf32, #tpu.memory_space<vmem>>, vector<1x16xf32>,
        %get3A_858 = vector.shape_cast %get3A_857 : vector<1x16xf32> to vector<16xf32>
        %mul3A_859 = arith.mulf %broadcast_in_dim3A_832, %get3A_858 : vector<16xf32>
        %add3A_860 = arith.addf %add3A_829, %mul3A_859 : vector<16xf32>
        %max3A = arith.constant 0.000000e+00 : f32
        %max3A_861 = vector.broadcast %max3A : f32 to vector<16xf32>
        %max3A_862 = arith.maximumf %add3A_839, %max3A_861 : vector<16xf32>
        %swap3A = arith.index_cast %add3A_157 : i32 to index
        %swap3A_863 = arith.constant 0 : index
        %swap3A_864 = tpu.vector_load %arg9[%swap3A, %swap3A_863] {strides = array<i32>} : memref<432x64xf32, #tpu.memory_space<vmem>>, vector<1x16xf32>,
        %swap3A_865 = vector.shape_cast %swap3A_864 : vector<1x16xf32> to vector<16xf32>
        %swap3A_866 = vector.shape_cast %max3A_862 : vector<16xf32> to vector<1x16xf32>
        tpu.vector_store %arg9[%swap3A, %swap3A_863], %swap3A_866 {strides = array<i32>} : memref<432x64xf32, #tpu.memory_space<vmem>>, vector<1x16xf32>,
        %max3A_867 = arith.constant 0.000000e+00 : f32
        %max3A_868 = vector.broadcast %max3A_867 : f32 to vector<16xf32>
        %max3A_869 = arith.maximumf %add3A_846, %max3A_868 : vector<16xf32>
        %swap3A_870 = arith.index_cast %add3A_157 : i32 to index
        %swap3A_871 = arith.constant 16 : index
        %swap3A_872 = tpu.vector_load %arg9[%swap3A_870, %swap3A_871] {strides = array<i32>} : memref<432x64xf32, #tpu.memory_space<vmem>>, vector<1x16xf32>,
        %swap3A_873 = vector.shape_cast %swap3A_872 : vector<1x16xf32> to vector<16xf32>
        %swap3A_874 = vector.shape_cast %max3A_869 : vector<16xf32> to vector<1x16xf32>
        tpu.vector_store %arg9[%swap3A_870, %swap3A_871], %swap3A_874 {strides = array<i32>} : memref<432x64xf32, #tpu.memory_space<vmem>>, vector<1x16xf32>,
        %max3A_875 = arith.constant 0.000000e+00 : f32
        %max3A_876 = vector.broadcast %max3A_875 : f32 to vector<16xf32>
        %max3A_877 = arith.maximumf %add3A_853, %max3A_876 : vector<16xf32>
        %swap3A_878 = arith.index_cast %add3A_157 : i32 to index
        %swap3A_879 = arith.constant 32 : index
        %swap3A_880 = tpu.vector_load %arg9[%swap3A_878, %swap3A_879] {strides = array<i32>} : memref<432x64xf32, #tpu.memory_space<vmem>>, vector<1x16xf32>,
        %swap3A_881 = vector.shape_cast %swap3A_880 : vector<1x16xf32> to vector<16xf32>
        %swap3A_882 = vector.shape_cast %max3A_877 : vector<16xf32> to vector<1x16xf32>
        tpu.vector_store %arg9[%swap3A_878, %swap3A_879], %swap3A_882 {strides = array<i32>} : memref<432x64xf32, #tpu.memory_space<vmem>>, vector<1x16xf32>,
        %max3A_883 = arith.constant 0.000000e+00 : f32
        %max3A_884 = vector.broadcast %max3A_883 : f32 to vector<16xf32>
        %max3A_885 = arith.maximumf %add3A_860, %max3A_884 : vector<16xf32>
        %swap3A_886 = arith.index_cast %add3A_157 : i32 to index
        %swap3A_887 = arith.constant 48 : index
        %swap3A_888 = tpu.vector_load %arg9[%swap3A_886, %swap3A_887] {strides = array<i32>} : memref<432x64xf32, #tpu.memory_space<vmem>>, vector<1x16xf32>,
        %swap3A_889 = vector.shape_cast %swap3A_888 : vector<1x16xf32> to vector<16xf32>
        %swap3A_890 = vector.shape_cast %max3A_885 : vector<16xf32> to vector<1x16xf32>
        tpu.vector_store %arg9[%swap3A_886, %swap3A_887], %swap3A_890 {strides = array<i32>} : memref<432x64xf32, #tpu.memory_space<vmem>>, vector<1x16xf32>,
      }
      %scan3A_92 = arith.constant 16 : i32
      %mul3A_93 = arith.constant 17280 : i32
      %mul3A_94 = arith.muli %add3A, %mul3A_93 : i32
      %mul3A_95 = arith.constant 432 : i32
      %mul3A_96 = arith.muli %add3A_80, %mul3A_95 : i32
      %add3A_97 = arith.addi %mul3A_94, %mul3A_96 : i32
      %dma_start3A_98 = arith.constant 0 : i32
      %dma_start3A_99 = tpu.memref_slice %arg7[%add3A_97, %dma_start3A_98] : memref<552960x64xf32, #tpu.memory_space<hbm>> -> memref<432x64xf32, #tpu.memory_space<hbm>>
      %dma_start3A_100 = arith.constant 0 : i32
      %dma_start3A_101 = tpu.memref_slice %arg7[%add3A_97, %dma_start3A_100] : memref<552960x64xf32, #tpu.memory_space<hbm>> -> memref<432x64xf32, #tpu.memory_space<hbm>>
      tpu.enqueue_dma source(%arg9 : memref<432x64xf32, #tpu.memory_space<vmem>>) target(%dma_start3A_101 : memref<432x64xf32, #tpu.memory_space<hbm>>) target_semaphore(%arg16 : memref<!tpu.dma_semaphore, #tpu.memory_space<semaphore_mem>>)
      %dma_wait3A_102 = arith.constant 0 : i32
      %dma_wait3A_103 = arith.constant 0 : i32
      %dma_wait3A_104 = tpu.memref_slice %arg7[%dma_wait3A_102, %dma_wait3A_103] : memref<552960x64xf32, #tpu.memory_space<hbm>> -> memref<432x64xf32, #tpu.memory_space<hbm>>
      %dma_wait3A_105 = arith.constant 0 : i32
      %dma_wait3A_106 = arith.constant 0 : i32
      %dma_wait3A_107 = tpu.memref_slice %arg7[%dma_wait3A_105, %dma_wait3A_106] : memref<552960x64xf32, #tpu.memory_space<hbm>> -> memref<432x64xf32, #tpu.memory_space<hbm>>
      tpu.wait_dma2 semaphore(%arg16 : memref<!tpu.dma_semaphore, #tpu.memory_space<semaphore_mem>>) src(%dma_wait3A_107 : memref<432x64xf32, #tpu.memory_space<hbm>>) dst(%arg9 : memref<432x64xf32, #tpu.memory_space<vmem>>)
      %add3A_108 = arith.constant 2 : i32
      %add3A_109 = arith.addi %add3A_80, %add3A_108 : i32
      %dma_start3A_110 = arith.constant 0 : i32
      %dma_start3A_111 = tpu.memref_slice %arg8[%add3A_109, %dma_start3A_110] : memref<40x432xi32, #tpu.memory_space<vmem>> -> memref<1x432xi32, #tpu.memory_space<vmem>>
      %dma_start3A_112 = tpu.memref_squeeze %dma_start3A_111 : memref<1x432xi32, #tpu.memory_space<vmem>> -> memref<432xi32, #tpu.memory_space<vmem>>
      %dma_start3A_113 = arith.constant 0 : i32
      %dma_start3A_114 = arith.constant 0 : i32
      %dma_start3A_115 = tpu.memref_slice %arg2[%dma_start3A_113, %dma_start3A_114] : memref<2600000x64xf32, #tpu.memory_space<hbm>> -> memref<2600000x64xf32, #tpu.memory_space<hbm>>
      tpu.enqueue_indirect_dma source(%dma_start3A_115 : memref<2600000x64xf32, #tpu.memory_space<hbm>>) target(%arg9 : memref<432x64xf32, #tpu.memory_space<vmem>>) offsets(%dma_start3A_112 : memref<432xi32, #tpu.memory_space<vmem>>) semaphore(%arg14 : memref<!tpu.dma_semaphore, #tpu.memory_space<semaphore_mem>>)
      %add3A_116 = arith.constant 1 : i32
      %add3A_117 = arith.addi %mul3A_78, %add3A_116 : i32
      %dma_wait3A_118 = arith.constant 0 : i32
      %dma_wait3A_119 = arith.constant 0 : i32
      %dma_wait3A_120 = tpu.memref_slice %arg7[%dma_wait3A_118, %dma_wait3A_119] : memref<552960x64xf32, #tpu.memory_space<hbm>> -> memref<432x64xf32, #tpu.memory_space<hbm>>
      %dma_wait3A_121 = arith.constant 0 : i32
      %dma_wait3A_122 = arith.constant 0 : i32
      %dma_wait3A_123 = tpu.memref_slice %arg7[%dma_wait3A_121, %dma_wait3A_122] : memref<552960x64xf32, #tpu.memory_space<hbm>> -> memref<432x64xf32, #tpu.memory_space<hbm>>
      tpu.wait_dma2 semaphore(%arg15 : memref<!tpu.dma_semaphore, #tpu.memory_space<semaphore_mem>>) src(%dma_wait3A_123 : memref<432x64xf32, #tpu.memory_space<hbm>>) dst(%arg10 : memref<432x64xf32, #tpu.memory_space<vmem>>)
      %scan3A_124 = arith.constant 0 : i32
      %scan3A_125 = arith.constant 0 : i32
      %scan3A_126 = arith.constant 16 : i32
      %scan3A_127 = arith.addi %scan3A_125, %scan3A_126 : i32
      %scan3A_128 = arith.constant 1 : i32
      scf.for %scan3A_153 = %scan3A_125 to %scan3A_127 step %scan3A_128  : i32 {
        %mul3A_154 = arith.constant 27 : i32
        %mul3A_155 = arith.muli %scan3A_153, %mul3A_154 : i32
        %add3A_156 = arith.constant 26 : i32
        %add3A_157 = arith.addi %mul3A_155, %add3A_156 : i32
        %mul3A_158 = arith.constant 16 : i32
        %mul3A_159 = arith.muli %add3A_117, %mul3A_158 : i32
        %add3A_160 = arith.addi %mul3A_159, %scan3A_153 : i32
        %mul3A_161 = arith.constant 32 : i32
        %mul3A_162 = arith.muli %add3A_160, %mul3A_161 : i32
        %multiple_of3A = tpu.assume_multiple %mul3A_162, 32 : i32
        %get3A = arith.index_cast %multiple_of3A : i32 to index
        %get3A_163 = tpu.vector_load %arg11[%get3A] {strides = array<i32>} : memref<20480xf32, #tpu.memory_space<vmem>>, vector<16xf32>,
        %get3A_164 = vector.shape_cast %get3A_163 : vector<16xf32> to vector<16xf32>
        %add3A_165 = arith.constant 16 : i32
        %add3A_166 = arith.addi %multiple_of3A, %add3A_165 : i32
        %get3A_167 = arith.index_cast %add3A_166 : i32 to index
        %get3A_168 = tpu.vector_load %arg11[%get3A_167] {strides = array<i32>} : memref<20480xf32, #tpu.memory_space<vmem>>, vector<16xf32>,
        %get3A_169 = vector.shape_cast %get3A_168 : vector<16xf32> to vector<16xf32>
        %get3A_170 = arith.constant 0 : index
        %get3A_171 = tpu.vector_load %arg13[%get3A_170] {strides = array<i32>} : memref<64xf32, #tpu.memory_space<vmem>>, vector<16xf32>,
        %get3A_172 = vector.shape_cast %get3A_171 : vector<16xf32> to vector<16xf32>
        %get3A_173 = arith.constant 16 : index
        %get3A_174 = tpu.vector_load %arg13[%get3A_173] {strides = array<i32>} : memref<64xf32, #tpu.memory_space<vmem>>, vector<16xf32>,
        %get3A_175 = vector.shape_cast %get3A_174 : vector<16xf32> to vector<16xf32>
        %get3A_176 = arith.constant 32 : index
        %get3A_177 = tpu.vector_load %arg13[%get3A_176] {strides = array<i32>} : memref<64xf32, #tpu.memory_space<vmem>>, vector<16xf32>,
        %get3A_178 = vector.shape_cast %get3A_177 : vector<16xf32> to vector<16xf32>
        %get3A_179 = arith.constant 48 : index
        %get3A_180 = tpu.vector_load %arg13[%get3A_179] {strides = array<i32>} : memref<64xf32, #tpu.memory_space<vmem>>, vector<16xf32>,
        %get3A_181 = vector.shape_cast %get3A_180 : vector<16xf32> to vector<16xf32>
        %slice3A = vector.extract_strided_slice %get3A_164 {offsets = [0], sizes = [1], strides = [1]} : vector<16xf32> to vector<1xf32>
        %squeeze3A = vector.extract %slice3A[0] : f32 from vector<1xf32>
        %broadcast_in_dim3A = vector.broadcast %squeeze3A : f32 to vector<16xf32>
        %get3A_182 = arith.constant 0 : i32
        %get3A_183 = arith.index_cast %get3A_182 : i32 to index
        %get3A_184 = arith.constant 0 : index
        %get3A_185 = tpu.vector_load %arg12[%get3A_183, %get3A_184] {strides = array<i32>} : memref<22x64xf32, #tpu.memory_space<vmem>>, vector<1x16xf32>,
        %get3A_186 = vector.shape_cast %get3A_185 : vector<1x16xf32> to vector<16xf32>
        %mul3A_187 = arith.mulf %broadcast_in_dim3A, %get3A_186 : vector<16xf32>
        %add3A_188 = arith.addf %get3A_172, %mul3A_187 : vector<16xf32>
        %get3A_189 = arith.constant 0 : i32
        %get3A_190 = arith.index_cast %get3A_189 : i32 to index
        %get3A_191 = arith.constant 16 : index
        %get3A_192 = tpu.vector_load %arg12[%get3A_190, %get3A_191] {strides = array<i32>} : memref<22x64xf32, #tpu.memory_space<vmem>>, vector<1x16xf32>,
        %get3A_193 = vector.shape_cast %get3A_192 : vector<1x16xf32> to vector<16xf32>
        %mul3A_194 = arith.mulf %broadcast_in_dim3A, %get3A_193 : vector<16xf32>
        %add3A_195 = arith.addf %get3A_175, %mul3A_194 : vector<16xf32>
        %get3A_196 = arith.constant 0 : i32
        %get3A_197 = arith.index_cast %get3A_196 : i32 to index
        %get3A_198 = arith.constant 32 : index
        %get3A_199 = tpu.vector_load %arg12[%get3A_197, %get3A_198] {strides = array<i32>} : memref<22x64xf32, #tpu.memory_space<vmem>>, vector<1x16xf32>,
        %get3A_200 = vector.shape_cast %get3A_199 : vector<1x16xf32> to vector<16xf32>
        %mul3A_201 = arith.mulf %broadcast_in_dim3A, %get3A_200 : vector<16xf32>
        %add3A_202 = arith.addf %get3A_178, %mul3A_201 : vector<16xf32>
        %get3A_203 = arith.constant 0 : i32
        %get3A_204 = arith.index_cast %get3A_203 : i32 to index
        %get3A_205 = arith.constant 48 : index
        %get3A_206 = tpu.vector_load %arg12[%get3A_204, %get3A_205] {strides = array<i32>} : memref<22x64xf32, #tpu.memory_space<vmem>>, vector<1x16xf32>,
        %get3A_207 = vector.shape_cast %get3A_206 : vector<1x16xf32> to vector<16xf32>
        %mul3A_208 = arith.mulf %broadcast_in_dim3A, %get3A_207 : vector<16xf32>
        %add3A_209 = arith.addf %get3A_181, %mul3A_208 : vector<16xf32>
        %slice3A_210 = vector.extract_strided_slice %get3A_164 {offsets = [1], sizes = [1], strides = [1]} : vector<16xf32> to vector<1xf32>
        %squeeze3A_211 = vector.extract %slice3A_210[0] : f32 from vector<1xf32>
        %broadcast_in_dim3A_212 = vector.broadcast %squeeze3A_211 : f32 to vector<16xf32>
        %get3A_213 = arith.constant 1 : i32
        %get3A_214 = arith.index_cast %get3A_213 : i32 to index
        %get3A_215 = arith.constant 0 : index
        %get3A_216 = tpu.vector_load %arg12[%get3A_214, %get3A_215] {strides = array<i32>} : memref<22x64xf32, #tpu.memory_space<vmem>>, vector<1x16xf32>,
        %get3A_217 = vector.shape_cast %get3A_216 : vector<1x16xf32> to vector<16xf32>
        %mul3A_218 = arith.mulf %broadcast_in_dim3A_212, %get3A_217 : vector<16xf32>
        %add3A_219 = arith.addf %add3A_188, %mul3A_218 : vector<16xf32>
        %get3A_220 = arith.constant 1 : i32
        %get3A_221 = arith.index_cast %get3A_220 : i32 to index
        %get3A_222 = arith.constant 16 : index
        %get3A_223 = tpu.vector_load %arg12[%get3A_221, %get3A_222] {strides = array<i32>} : memref<22x64xf32, #tpu.memory_space<vmem>>, vector<1x16xf32>,
        %get3A_224 = vector.shape_cast %get3A_223 : vector<1x16xf32> to vector<16xf32>
        %mul3A_225 = arith.mulf %broadcast_in_dim3A_212, %get3A_224 : vector<16xf32>
        %add3A_226 = arith.addf %add3A_195, %mul3A_225 : vector<16xf32>
        %get3A_227 = arith.constant 1 : i32
        %get3A_228 = arith.index_cast %get3A_227 : i32 to index
        %get3A_229 = arith.constant 32 : index
        %get3A_230 = tpu.vector_load %arg12[%get3A_228, %get3A_229] {strides = array<i32>} : memref<22x64xf32, #tpu.memory_space<vmem>>, vector<1x16xf32>,
        %get3A_231 = vector.shape_cast %get3A_230 : vector<1x16xf32> to vector<16xf32>
        %mul3A_232 = arith.mulf %broadcast_in_dim3A_212, %get3A_231 : vector<16xf32>
        %add3A_233 = arith.addf %add3A_202, %mul3A_232 : vector<16xf32>
        %get3A_234 = arith.constant 1 : i32
        %get3A_235 = arith.index_cast %get3A_234 : i32 to index
        %get3A_236 = arith.constant 48 : index
        %get3A_237 = tpu.vector_load %arg12[%get3A_235, %get3A_236] {strides = array<i32>} : memref<22x64xf32, #tpu.memory_space<vmem>>, vector<1x16xf32>,
        %get3A_238 = vector.shape_cast %get3A_237 : vector<1x16xf32> to vector<16xf32>
        %mul3A_239 = arith.mulf %broadcast_in_dim3A_212, %get3A_238 : vector<16xf32>
        %add3A_240 = arith.addf %add3A_209, %mul3A_239 : vector<16xf32>
        %slice3A_241 = vector.extract_strided_slice %get3A_164 {offsets = [2], sizes = [1], strides = [1]} : vector<16xf32> to vector<1xf32>
        %squeeze3A_242 = vector.extract %slice3A_241[0] : f32 from vector<1xf32>
        %broadcast_in_dim3A_243 = vector.broadcast %squeeze3A_242 : f32 to vector<16xf32>
        %get3A_244 = arith.constant 2 : i32
        %get3A_245 = arith.index_cast %get3A_244 : i32 to index
        %get3A_246 = arith.constant 0 : index
        %get3A_247 = tpu.vector_load %arg12[%get3A_245, %get3A_246] {strides = array<i32>} : memref<22x64xf32, #tpu.memory_space<vmem>>, vector<1x16xf32>,
        %get3A_248 = vector.shape_cast %get3A_247 : vector<1x16xf32> to vector<16xf32>
        %mul3A_249 = arith.mulf %broadcast_in_dim3A_243, %get3A_248 : vector<16xf32>
        %add3A_250 = arith.addf %add3A_219, %mul3A_249 : vector<16xf32>
        %get3A_251 = arith.constant 2 : i32
        %get3A_252 = arith.index_cast %get3A_251 : i32 to index
        %get3A_253 = arith.constant 16 : index
        %get3A_254 = tpu.vector_load %arg12[%get3A_252, %get3A_253] {strides = array<i32>} : memref<22x64xf32, #tpu.memory_space<vmem>>, vector<1x16xf32>,
        %get3A_255 = vector.shape_cast %get3A_254 : vector<1x16xf32> to vector<16xf32>
        %mul3A_256 = arith.mulf %broadcast_in_dim3A_243, %get3A_255 : vector<16xf32>
        %add3A_257 = arith.addf %add3A_226, %mul3A_256 : vector<16xf32>
        %get3A_258 = arith.constant 2 : i32
        %get3A_259 = arith.index_cast %get3A_258 : i32 to index
        %get3A_260 = arith.constant 32 : index
        %get3A_261 = tpu.vector_load %arg12[%get3A_259, %get3A_260] {strides = array<i32>} : memref<22x64xf32, #tpu.memory_space<vmem>>, vector<1x16xf32>,
        %get3A_262 = vector.shape_cast %get3A_261 : vector<1x16xf32> to vector<16xf32>
        %mul3A_263 = arith.mulf %broadcast_in_dim3A_243, %get3A_262 : vector<16xf32>
        %add3A_264 = arith.addf %add3A_233, %mul3A_263 : vector<16xf32>
        %get3A_265 = arith.constant 2 : i32
        %get3A_266 = arith.index_cast %get3A_265 : i32 to index
        %get3A_267 = arith.constant 48 : index
        %get3A_268 = tpu.vector_load %arg12[%get3A_266, %get3A_267] {strides = array<i32>} : memref<22x64xf32, #tpu.memory_space<vmem>>, vector<1x16xf32>,
        %get3A_269 = vector.shape_cast %get3A_268 : vector<1x16xf32> to vector<16xf32>
        %mul3A_270 = arith.mulf %broadcast_in_dim3A_243, %get3A_269 : vector<16xf32>
        %add3A_271 = arith.addf %add3A_240, %mul3A_270 : vector<16xf32>
        %slice3A_272 = vector.extract_strided_slice %get3A_164 {offsets = [3], sizes = [1], strides = [1]} : vector<16xf32> to vector<1xf32>
        %squeeze3A_273 = vector.extract %slice3A_272[0] : f32 from vector<1xf32>
        %broadcast_in_dim3A_274 = vector.broadcast %squeeze3A_273 : f32 to vector<16xf32>
        %get3A_275 = arith.constant 3 : i32
        %get3A_276 = arith.index_cast %get3A_275 : i32 to index
        %get3A_277 = arith.constant 0 : index
        %get3A_278 = tpu.vector_load %arg12[%get3A_276, %get3A_277] {strides = array<i32>} : memref<22x64xf32, #tpu.memory_space<vmem>>, vector<1x16xf32>,
        %get3A_279 = vector.shape_cast %get3A_278 : vector<1x16xf32> to vector<16xf32>
        %mul3A_280 = arith.mulf %broadcast_in_dim3A_274, %get3A_279 : vector<16xf32>
        %add3A_281 = arith.addf %add3A_250, %mul3A_280 : vector<16xf32>
        %get3A_282 = arith.constant 3 : i32
        %get3A_283 = arith.index_cast %get3A_282 : i32 to index
        %get3A_284 = arith.constant 16 : index
        %get3A_285 = tpu.vector_load %arg12[%get3A_283, %get3A_284] {strides = array<i32>} : memref<22x64xf32, #tpu.memory_space<vmem>>, vector<1x16xf32>,
        %get3A_286 = vector.shape_cast %get3A_285 : vector<1x16xf32> to vector<16xf32>
        %mul3A_287 = arith.mulf %broadcast_in_dim3A_274, %get3A_286 : vector<16xf32>
        %add3A_288 = arith.addf %add3A_257, %mul3A_287 : vector<16xf32>
        %get3A_289 = arith.constant 3 : i32
        %get3A_290 = arith.index_cast %get3A_289 : i32 to index
        %get3A_291 = arith.constant 32 : index
        %get3A_292 = tpu.vector_load %arg12[%get3A_290, %get3A_291] {strides = array<i32>} : memref<22x64xf32, #tpu.memory_space<vmem>>, vector<1x16xf32>,
        %get3A_293 = vector.shape_cast %get3A_292 : vector<1x16xf32> to vector<16xf32>
        %mul3A_294 = arith.mulf %broadcast_in_dim3A_274, %get3A_293 : vector<16xf32>
        %add3A_295 = arith.addf %add3A_264, %mul3A_294 : vector<16xf32>
        %get3A_296 = arith.constant 3 : i32
        %get3A_297 = arith.index_cast %get3A_296 : i32 to index
        %get3A_298 = arith.constant 48 : index
        %get3A_299 = tpu.vector_load %arg12[%get3A_297, %get3A_298] {strides = array<i32>} : memref<22x64xf32, #tpu.memory_space<vmem>>, vector<1x16xf32>,
        %get3A_300 = vector.shape_cast %get3A_299 : vector<1x16xf32> to vector<16xf32>
        %mul3A_301 = arith.mulf %broadcast_in_dim3A_274, %get3A_300 : vector<16xf32>
        %add3A_302 = arith.addf %add3A_271, %mul3A_301 : vector<16xf32>
        %slice3A_303 = vector.extract_strided_slice %get3A_164 {offsets = [4], sizes = [1], strides = [1]} : vector<16xf32> to vector<1xf32>
        %squeeze3A_304 = vector.extract %slice3A_303[0] : f32 from vector<1xf32>
        %broadcast_in_dim3A_305 = vector.broadcast %squeeze3A_304 : f32 to vector<16xf32>
        %get3A_306 = arith.constant 4 : i32
        %get3A_307 = arith.index_cast %get3A_306 : i32 to index
        %get3A_308 = arith.constant 0 : index
        %get3A_309 = tpu.vector_load %arg12[%get3A_307, %get3A_308] {strides = array<i32>} : memref<22x64xf32, #tpu.memory_space<vmem>>, vector<1x16xf32>,
        %get3A_310 = vector.shape_cast %get3A_309 : vector<1x16xf32> to vector<16xf32>
        %mul3A_311 = arith.mulf %broadcast_in_dim3A_305, %get3A_310 : vector<16xf32>
        %add3A_312 = arith.addf %add3A_281, %mul3A_311 : vector<16xf32>
        %get3A_313 = arith.constant 4 : i32
        %get3A_314 = arith.index_cast %get3A_313 : i32 to index
        %get3A_315 = arith.constant 16 : index
        %get3A_316 = tpu.vector_load %arg12[%get3A_314, %get3A_315] {strides = array<i32>} : memref<22x64xf32, #tpu.memory_space<vmem>>, vector<1x16xf32>,
        %get3A_317 = vector.shape_cast %get3A_316 : vector<1x16xf32> to vector<16xf32>
        %mul3A_318 = arith.mulf %broadcast_in_dim3A_305, %get3A_317 : vector<16xf32>
        %add3A_319 = arith.addf %add3A_288, %mul3A_318 : vector<16xf32>
        %get3A_320 = arith.constant 4 : i32
        %get3A_321 = arith.index_cast %get3A_320 : i32 to index
        %get3A_322 = arith.constant 32 : index
        %get3A_323 = tpu.vector_load %arg12[%get3A_321, %get3A_322] {strides = array<i32>} : memref<22x64xf32, #tpu.memory_space<vmem>>, vector<1x16xf32>,
        %get3A_324 = vector.shape_cast %get3A_323 : vector<1x16xf32> to vector<16xf32>
        %mul3A_325 = arith.mulf %broadcast_in_dim3A_305, %get3A_324 : vector<16xf32>
        %add3A_326 = arith.addf %add3A_295, %mul3A_325 : vector<16xf32>
        %get3A_327 = arith.constant 4 : i32
        %get3A_328 = arith.index_cast %get3A_327 : i32 to index
        %get3A_329 = arith.constant 48 : index
        %get3A_330 = tpu.vector_load %arg12[%get3A_328, %get3A_329] {strides = array<i32>} : memref<22x64xf32, #tpu.memory_space<vmem>>, vector<1x16xf32>,
        %get3A_331 = vector.shape_cast %get3A_330 : vector<1x16xf32> to vector<16xf32>
        %mul3A_332 = arith.mulf %broadcast_in_dim3A_305, %get3A_331 : vector<16xf32>
        %add3A_333 = arith.addf %add3A_302, %mul3A_332 : vector<16xf32>
        %slice3A_334 = vector.extract_strided_slice %get3A_164 {offsets = [5], sizes = [1], strides = [1]} : vector<16xf32> to vector<1xf32>
        %squeeze3A_335 = vector.extract %slice3A_334[0] : f32 from vector<1xf32>
        %broadcast_in_dim3A_336 = vector.broadcast %squeeze3A_335 : f32 to vector<16xf32>
        %get3A_337 = arith.constant 5 : i32
        %get3A_338 = arith.index_cast %get3A_337 : i32 to index
        %get3A_339 = arith.constant 0 : index
        %get3A_340 = tpu.vector_load %arg12[%get3A_338, %get3A_339] {strides = array<i32>} : memref<22x64xf32, #tpu.memory_space<vmem>>, vector<1x16xf32>,
        %get3A_341 = vector.shape_cast %get3A_340 : vector<1x16xf32> to vector<16xf32>
        %mul3A_342 = arith.mulf %broadcast_in_dim3A_336, %get3A_341 : vector<16xf32>
        %add3A_343 = arith.addf %add3A_312, %mul3A_342 : vector<16xf32>
        %get3A_344 = arith.constant 5 : i32
        %get3A_345 = arith.index_cast %get3A_344 : i32 to index
        %get3A_346 = arith.constant 16 : index
        %get3A_347 = tpu.vector_load %arg12[%get3A_345, %get3A_346] {strides = array<i32>} : memref<22x64xf32, #tpu.memory_space<vmem>>, vector<1x16xf32>,
        %get3A_348 = vector.shape_cast %get3A_347 : vector<1x16xf32> to vector<16xf32>
        %mul3A_349 = arith.mulf %broadcast_in_dim3A_336, %get3A_348 : vector<16xf32>
        %add3A_350 = arith.addf %add3A_319, %mul3A_349 : vector<16xf32>
        %get3A_351 = arith.constant 5 : i32
        %get3A_352 = arith.index_cast %get3A_351 : i32 to index
        %get3A_353 = arith.constant 32 : index
        %get3A_354 = tpu.vector_load %arg12[%get3A_352, %get3A_353] {strides = array<i32>} : memref<22x64xf32, #tpu.memory_space<vmem>>, vector<1x16xf32>,
        %get3A_355 = vector.shape_cast %get3A_354 : vector<1x16xf32> to vector<16xf32>
        %mul3A_356 = arith.mulf %broadcast_in_dim3A_336, %get3A_355 : vector<16xf32>
        %add3A_357 = arith.addf %add3A_326, %mul3A_356 : vector<16xf32>
        %get3A_358 = arith.constant 5 : i32
        %get3A_359 = arith.index_cast %get3A_358 : i32 to index
        %get3A_360 = arith.constant 48 : index
        %get3A_361 = tpu.vector_load %arg12[%get3A_359, %get3A_360] {strides = array<i32>} : memref<22x64xf32, #tpu.memory_space<vmem>>, vector<1x16xf32>,
        %get3A_362 = vector.shape_cast %get3A_361 : vector<1x16xf32> to vector<16xf32>
        %mul3A_363 = arith.mulf %broadcast_in_dim3A_336, %get3A_362 : vector<16xf32>
        %add3A_364 = arith.addf %add3A_333, %mul3A_363 : vector<16xf32>
        %slice3A_365 = vector.extract_strided_slice %get3A_164 {offsets = [6], sizes = [1], strides = [1]} : vector<16xf32> to vector<1xf32>
        %squeeze3A_366 = vector.extract %slice3A_365[0] : f32 from vector<1xf32>
        %broadcast_in_dim3A_367 = vector.broadcast %squeeze3A_366 : f32 to vector<16xf32>
        %get3A_368 = arith.constant 6 : i32
        %get3A_369 = arith.index_cast %get3A_368 : i32 to index
        %get3A_370 = arith.constant 0 : index
        %get3A_371 = tpu.vector_load %arg12[%get3A_369, %get3A_370] {strides = array<i32>} : memref<22x64xf32, #tpu.memory_space<vmem>>, vector<1x16xf32>,
        %get3A_372 = vector.shape_cast %get3A_371 : vector<1x16xf32> to vector<16xf32>
        %mul3A_373 = arith.mulf %broadcast_in_dim3A_367, %get3A_372 : vector<16xf32>
        %add3A_374 = arith.addf %add3A_343, %mul3A_373 : vector<16xf32>
        %get3A_375 = arith.constant 6 : i32
        %get3A_376 = arith.index_cast %get3A_375 : i32 to index
        %get3A_377 = arith.constant 16 : index
        %get3A_378 = tpu.vector_load %arg12[%get3A_376, %get3A_377] {strides = array<i32>} : memref<22x64xf32, #tpu.memory_space<vmem>>, vector<1x16xf32>,
        %get3A_379 = vector.shape_cast %get3A_378 : vector<1x16xf32> to vector<16xf32>
        %mul3A_380 = arith.mulf %broadcast_in_dim3A_367, %get3A_379 : vector<16xf32>
        %add3A_381 = arith.addf %add3A_350, %mul3A_380 : vector<16xf32>
        %get3A_382 = arith.constant 6 : i32
        %get3A_383 = arith.index_cast %get3A_382 : i32 to index
        %get3A_384 = arith.constant 32 : index
        %get3A_385 = tpu.vector_load %arg12[%get3A_383, %get3A_384] {strides = array<i32>} : memref<22x64xf32, #tpu.memory_space<vmem>>, vector<1x16xf32>,
        %get3A_386 = vector.shape_cast %get3A_385 : vector<1x16xf32> to vector<16xf32>
        %mul3A_387 = arith.mulf %broadcast_in_dim3A_367, %get3A_386 : vector<16xf32>
        %add3A_388 = arith.addf %add3A_357, %mul3A_387 : vector<16xf32>
        %get3A_389 = arith.constant 6 : i32
        %get3A_390 = arith.index_cast %get3A_389 : i32 to index
        %get3A_391 = arith.constant 48 : index
        %get3A_392 = tpu.vector_load %arg12[%get3A_390, %get3A_391] {strides = array<i32>} : memref<22x64xf32, #tpu.memory_space<vmem>>, vector<1x16xf32>,
        %get3A_393 = vector.shape_cast %get3A_392 : vector<1x16xf32> to vector<16xf32>
        %mul3A_394 = arith.mulf %broadcast_in_dim3A_367, %get3A_393 : vector<16xf32>
        %add3A_395 = arith.addf %add3A_364, %mul3A_394 : vector<16xf32>
        %slice3A_396 = vector.extract_strided_slice %get3A_164 {offsets = [7], sizes = [1], strides = [1]} : vector<16xf32> to vector<1xf32>
        %squeeze3A_397 = vector.extract %slice3A_396[0] : f32 from vector<1xf32>
        %broadcast_in_dim3A_398 = vector.broadcast %squeeze3A_397 : f32 to vector<16xf32>
        %get3A_399 = arith.constant 7 : i32
        %get3A_400 = arith.index_cast %get3A_399 : i32 to index
        %get3A_401 = arith.constant 0 : index
        %get3A_402 = tpu.vector_load %arg12[%get3A_400, %get3A_401] {strides = array<i32>} : memref<22x64xf32, #tpu.memory_space<vmem>>, vector<1x16xf32>,
        %get3A_403 = vector.shape_cast %get3A_402 : vector<1x16xf32> to vector<16xf32>
        %mul3A_404 = arith.mulf %broadcast_in_dim3A_398, %get3A_403 : vector<16xf32>
        %add3A_405 = arith.addf %add3A_374, %mul3A_404 : vector<16xf32>
        %get3A_406 = arith.constant 7 : i32
        %get3A_407 = arith.index_cast %get3A_406 : i32 to index
        %get3A_408 = arith.constant 16 : index
        %get3A_409 = tpu.vector_load %arg12[%get3A_407, %get3A_408] {strides = array<i32>} : memref<22x64xf32, #tpu.memory_space<vmem>>, vector<1x16xf32>,
        %get3A_410 = vector.shape_cast %get3A_409 : vector<1x16xf32> to vector<16xf32>
        %mul3A_411 = arith.mulf %broadcast_in_dim3A_398, %get3A_410 : vector<16xf32>
        %add3A_412 = arith.addf %add3A_381, %mul3A_411 : vector<16xf32>
        %get3A_413 = arith.constant 7 : i32
        %get3A_414 = arith.index_cast %get3A_413 : i32 to index
        %get3A_415 = arith.constant 32 : index
        %get3A_416 = tpu.vector_load %arg12[%get3A_414, %get3A_415] {strides = array<i32>} : memref<22x64xf32, #tpu.memory_space<vmem>>, vector<1x16xf32>,
        %get3A_417 = vector.shape_cast %get3A_416 : vector<1x16xf32> to vector<16xf32>
        %mul3A_418 = arith.mulf %broadcast_in_dim3A_398, %get3A_417 : vector<16xf32>
        %add3A_419 = arith.addf %add3A_388, %mul3A_418 : vector<16xf32>
        %get3A_420 = arith.constant 7 : i32
        %get3A_421 = arith.index_cast %get3A_420 : i32 to index
        %get3A_422 = arith.constant 48 : index
        %get3A_423 = tpu.vector_load %arg12[%get3A_421, %get3A_422] {strides = array<i32>} : memref<22x64xf32, #tpu.memory_space<vmem>>, vector<1x16xf32>,
        %get3A_424 = vector.shape_cast %get3A_423 : vector<1x16xf32> to vector<16xf32>
        %mul3A_425 = arith.mulf %broadcast_in_dim3A_398, %get3A_424 : vector<16xf32>
        %add3A_426 = arith.addf %add3A_395, %mul3A_425 : vector<16xf32>
        %slice3A_427 = vector.extract_strided_slice %get3A_164 {offsets = [8], sizes = [1], strides = [1]} : vector<16xf32> to vector<1xf32>
        %squeeze3A_428 = vector.extract %slice3A_427[0] : f32 from vector<1xf32>
        %broadcast_in_dim3A_429 = vector.broadcast %squeeze3A_428 : f32 to vector<16xf32>
        %get3A_430 = arith.constant 8 : i32
        %get3A_431 = arith.index_cast %get3A_430 : i32 to index
        %get3A_432 = arith.constant 0 : index
        %get3A_433 = tpu.vector_load %arg12[%get3A_431, %get3A_432] {strides = array<i32>} : memref<22x64xf32, #tpu.memory_space<vmem>>, vector<1x16xf32>,
        %get3A_434 = vector.shape_cast %get3A_433 : vector<1x16xf32> to vector<16xf32>
        %mul3A_435 = arith.mulf %broadcast_in_dim3A_429, %get3A_434 : vector<16xf32>
        %add3A_436 = arith.addf %add3A_405, %mul3A_435 : vector<16xf32>
        %get3A_437 = arith.constant 8 : i32
        %get3A_438 = arith.index_cast %get3A_437 : i32 to index
        %get3A_439 = arith.constant 16 : index
        %get3A_440 = tpu.vector_load %arg12[%get3A_438, %get3A_439] {strides = array<i32>} : memref<22x64xf32, #tpu.memory_space<vmem>>, vector<1x16xf32>,
        %get3A_441 = vector.shape_cast %get3A_440 : vector<1x16xf32> to vector<16xf32>
        %mul3A_442 = arith.mulf %broadcast_in_dim3A_429, %get3A_441 : vector<16xf32>
        %add3A_443 = arith.addf %add3A_412, %mul3A_442 : vector<16xf32>
        %get3A_444 = arith.constant 8 : i32
        %get3A_445 = arith.index_cast %get3A_444 : i32 to index
        %get3A_446 = arith.constant 32 : index
        %get3A_447 = tpu.vector_load %arg12[%get3A_445, %get3A_446] {strides = array<i32>} : memref<22x64xf32, #tpu.memory_space<vmem>>, vector<1x16xf32>,
        %get3A_448 = vector.shape_cast %get3A_447 : vector<1x16xf32> to vector<16xf32>
        %mul3A_449 = arith.mulf %broadcast_in_dim3A_429, %get3A_448 : vector<16xf32>
        %add3A_450 = arith.addf %add3A_419, %mul3A_449 : vector<16xf32>
        %get3A_451 = arith.constant 8 : i32
        %get3A_452 = arith.index_cast %get3A_451 : i32 to index
        %get3A_453 = arith.constant 48 : index
        %get3A_454 = tpu.vector_load %arg12[%get3A_452, %get3A_453] {strides = array<i32>} : memref<22x64xf32, #tpu.memory_space<vmem>>, vector<1x16xf32>,
        %get3A_455 = vector.shape_cast %get3A_454 : vector<1x16xf32> to vector<16xf32>
        %mul3A_456 = arith.mulf %broadcast_in_dim3A_429, %get3A_455 : vector<16xf32>
        %add3A_457 = arith.addf %add3A_426, %mul3A_456 : vector<16xf32>
        %slice3A_458 = vector.extract_strided_slice %get3A_164 {offsets = [9], sizes = [1], strides = [1]} : vector<16xf32> to vector<1xf32>
        %squeeze3A_459 = vector.extract %slice3A_458[0] : f32 from vector<1xf32>
        %broadcast_in_dim3A_460 = vector.broadcast %squeeze3A_459 : f32 to vector<16xf32>
        %get3A_461 = arith.constant 9 : i32
        %get3A_462 = arith.index_cast %get3A_461 : i32 to index
        %get3A_463 = arith.constant 0 : index
        %get3A_464 = tpu.vector_load %arg12[%get3A_462, %get3A_463] {strides = array<i32>} : memref<22x64xf32, #tpu.memory_space<vmem>>, vector<1x16xf32>,
        %get3A_465 = vector.shape_cast %get3A_464 : vector<1x16xf32> to vector<16xf32>
        %mul3A_466 = arith.mulf %broadcast_in_dim3A_460, %get3A_465 : vector<16xf32>
        %add3A_467 = arith.addf %add3A_436, %mul3A_466 : vector<16xf32>
        %get3A_468 = arith.constant 9 : i32
        %get3A_469 = arith.index_cast %get3A_468 : i32 to index
        %get3A_470 = arith.constant 16 : index
        %get3A_471 = tpu.vector_load %arg12[%get3A_469, %get3A_470] {strides = array<i32>} : memref<22x64xf32, #tpu.memory_space<vmem>>, vector<1x16xf32>,
        %get3A_472 = vector.shape_cast %get3A_471 : vector<1x16xf32> to vector<16xf32>
        %mul3A_473 = arith.mulf %broadcast_in_dim3A_460, %get3A_472 : vector<16xf32>
        %add3A_474 = arith.addf %add3A_443, %mul3A_473 : vector<16xf32>
        %get3A_475 = arith.constant 9 : i32
        %get3A_476 = arith.index_cast %get3A_475 : i32 to index
        %get3A_477 = arith.constant 32 : index
        %get3A_478 = tpu.vector_load %arg12[%get3A_476, %get3A_477] {strides = array<i32>} : memref<22x64xf32, #tpu.memory_space<vmem>>, vector<1x16xf32>,
        %get3A_479 = vector.shape_cast %get3A_478 : vector<1x16xf32> to vector<16xf32>
        %mul3A_480 = arith.mulf %broadcast_in_dim3A_460, %get3A_479 : vector<16xf32>
        %add3A_481 = arith.addf %add3A_450, %mul3A_480 : vector<16xf32>
        %get3A_482 = arith.constant 9 : i32
        %get3A_483 = arith.index_cast %get3A_482 : i32 to index
        %get3A_484 = arith.constant 48 : index
        %get3A_485 = tpu.vector_load %arg12[%get3A_483, %get3A_484] {strides = array<i32>} : memref<22x64xf32, #tpu.memory_space<vmem>>, vector<1x16xf32>,
        %get3A_486 = vector.shape_cast %get3A_485 : vector<1x16xf32> to vector<16xf32>
        %mul3A_487 = arith.mulf %broadcast_in_dim3A_460, %get3A_486 : vector<16xf32>
        %add3A_488 = arith.addf %add3A_457, %mul3A_487 : vector<16xf32>
        %slice3A_489 = vector.extract_strided_slice %get3A_164 {offsets = [10], sizes = [1], strides = [1]} : vector<16xf32> to vector<1xf32>
        %squeeze3A_490 = vector.extract %slice3A_489[0] : f32 from vector<1xf32>
        %broadcast_in_dim3A_491 = vector.broadcast %squeeze3A_490 : f32 to vector<16xf32>
        %get3A_492 = arith.constant 10 : i32
        %get3A_493 = arith.index_cast %get3A_492 : i32 to index
        %get3A_494 = arith.constant 0 : index
        %get3A_495 = tpu.vector_load %arg12[%get3A_493, %get3A_494] {strides = array<i32>} : memref<22x64xf32, #tpu.memory_space<vmem>>, vector<1x16xf32>,
        %get3A_496 = vector.shape_cast %get3A_495 : vector<1x16xf32> to vector<16xf32>
        %mul3A_497 = arith.mulf %broadcast_in_dim3A_491, %get3A_496 : vector<16xf32>
        %add3A_498 = arith.addf %add3A_467, %mul3A_497 : vector<16xf32>
        %get3A_499 = arith.constant 10 : i32
        %get3A_500 = arith.index_cast %get3A_499 : i32 to index
        %get3A_501 = arith.constant 16 : index
        %get3A_502 = tpu.vector_load %arg12[%get3A_500, %get3A_501] {strides = array<i32>} : memref<22x64xf32, #tpu.memory_space<vmem>>, vector<1x16xf32>,
        %get3A_503 = vector.shape_cast %get3A_502 : vector<1x16xf32> to vector<16xf32>
        %mul3A_504 = arith.mulf %broadcast_in_dim3A_491, %get3A_503 : vector<16xf32>
        %add3A_505 = arith.addf %add3A_474, %mul3A_504 : vector<16xf32>
        %get3A_506 = arith.constant 10 : i32
        %get3A_507 = arith.index_cast %get3A_506 : i32 to index
        %get3A_508 = arith.constant 32 : index
        %get3A_509 = tpu.vector_load %arg12[%get3A_507, %get3A_508] {strides = array<i32>} : memref<22x64xf32, #tpu.memory_space<vmem>>, vector<1x16xf32>,
        %get3A_510 = vector.shape_cast %get3A_509 : vector<1x16xf32> to vector<16xf32>
        %mul3A_511 = arith.mulf %broadcast_in_dim3A_491, %get3A_510 : vector<16xf32>
        %add3A_512 = arith.addf %add3A_481, %mul3A_511 : vector<16xf32>
        %get3A_513 = arith.constant 10 : i32
        %get3A_514 = arith.index_cast %get3A_513 : i32 to index
        %get3A_515 = arith.constant 48 : index
        %get3A_516 = tpu.vector_load %arg12[%get3A_514, %get3A_515] {strides = array<i32>} : memref<22x64xf32, #tpu.memory_space<vmem>>, vector<1x16xf32>,
        %get3A_517 = vector.shape_cast %get3A_516 : vector<1x16xf32> to vector<16xf32>
        %mul3A_518 = arith.mulf %broadcast_in_dim3A_491, %get3A_517 : vector<16xf32>
        %add3A_519 = arith.addf %add3A_488, %mul3A_518 : vector<16xf32>
        %slice3A_520 = vector.extract_strided_slice %get3A_164 {offsets = [11], sizes = [1], strides = [1]} : vector<16xf32> to vector<1xf32>
        %squeeze3A_521 = vector.extract %slice3A_520[0] : f32 from vector<1xf32>
        %broadcast_in_dim3A_522 = vector.broadcast %squeeze3A_521 : f32 to vector<16xf32>
        %get3A_523 = arith.constant 11 : i32
        %get3A_524 = arith.index_cast %get3A_523 : i32 to index
        %get3A_525 = arith.constant 0 : index
        %get3A_526 = tpu.vector_load %arg12[%get3A_524, %get3A_525] {strides = array<i32>} : memref<22x64xf32, #tpu.memory_space<vmem>>, vector<1x16xf32>,
        %get3A_527 = vector.shape_cast %get3A_526 : vector<1x16xf32> to vector<16xf32>
        %mul3A_528 = arith.mulf %broadcast_in_dim3A_522, %get3A_527 : vector<16xf32>
        %add3A_529 = arith.addf %add3A_498, %mul3A_528 : vector<16xf32>
        %get3A_530 = arith.constant 11 : i32
        %get3A_531 = arith.index_cast %get3A_530 : i32 to index
        %get3A_532 = arith.constant 16 : index
        %get3A_533 = tpu.vector_load %arg12[%get3A_531, %get3A_532] {strides = array<i32>} : memref<22x64xf32, #tpu.memory_space<vmem>>, vector<1x16xf32>,
        %get3A_534 = vector.shape_cast %get3A_533 : vector<1x16xf32> to vector<16xf32>
        %mul3A_535 = arith.mulf %broadcast_in_dim3A_522, %get3A_534 : vector<16xf32>
        %add3A_536 = arith.addf %add3A_505, %mul3A_535 : vector<16xf32>
        %get3A_537 = arith.constant 11 : i32
        %get3A_538 = arith.index_cast %get3A_537 : i32 to index
        %get3A_539 = arith.constant 32 : index
        %get3A_540 = tpu.vector_load %arg12[%get3A_538, %get3A_539] {strides = array<i32>} : memref<22x64xf32, #tpu.memory_space<vmem>>, vector<1x16xf32>,
        %get3A_541 = vector.shape_cast %get3A_540 : vector<1x16xf32> to vector<16xf32>
        %mul3A_542 = arith.mulf %broadcast_in_dim3A_522, %get3A_541 : vector<16xf32>
        %add3A_543 = arith.addf %add3A_512, %mul3A_542 : vector<16xf32>
        %get3A_544 = arith.constant 11 : i32
        %get3A_545 = arith.index_cast %get3A_544 : i32 to index
        %get3A_546 = arith.constant 48 : index
        %get3A_547 = tpu.vector_load %arg12[%get3A_545, %get3A_546] {strides = array<i32>} : memref<22x64xf32, #tpu.memory_space<vmem>>, vector<1x16xf32>,
        %get3A_548 = vector.shape_cast %get3A_547 : vector<1x16xf32> to vector<16xf32>
        %mul3A_549 = arith.mulf %broadcast_in_dim3A_522, %get3A_548 : vector<16xf32>
        %add3A_550 = arith.addf %add3A_519, %mul3A_549 : vector<16xf32>
        %slice3A_551 = vector.extract_strided_slice %get3A_164 {offsets = [12], sizes = [1], strides = [1]} : vector<16xf32> to vector<1xf32>
        %squeeze3A_552 = vector.extract %slice3A_551[0] : f32 from vector<1xf32>
        %broadcast_in_dim3A_553 = vector.broadcast %squeeze3A_552 : f32 to vector<16xf32>
        %get3A_554 = arith.constant 12 : i32
        %get3A_555 = arith.index_cast %get3A_554 : i32 to index
        %get3A_556 = arith.constant 0 : index
        %get3A_557 = tpu.vector_load %arg12[%get3A_555, %get3A_556] {strides = array<i32>} : memref<22x64xf32, #tpu.memory_space<vmem>>, vector<1x16xf32>,
        %get3A_558 = vector.shape_cast %get3A_557 : vector<1x16xf32> to vector<16xf32>
        %mul3A_559 = arith.mulf %broadcast_in_dim3A_553, %get3A_558 : vector<16xf32>
        %add3A_560 = arith.addf %add3A_529, %mul3A_559 : vector<16xf32>
        %get3A_561 = arith.constant 12 : i32
        %get3A_562 = arith.index_cast %get3A_561 : i32 to index
        %get3A_563 = arith.constant 16 : index
        %get3A_564 = tpu.vector_load %arg12[%get3A_562, %get3A_563] {strides = array<i32>} : memref<22x64xf32, #tpu.memory_space<vmem>>, vector<1x16xf32>,
        %get3A_565 = vector.shape_cast %get3A_564 : vector<1x16xf32> to vector<16xf32>
        %mul3A_566 = arith.mulf %broadcast_in_dim3A_553, %get3A_565 : vector<16xf32>
        %add3A_567 = arith.addf %add3A_536, %mul3A_566 : vector<16xf32>
        %get3A_568 = arith.constant 12 : i32
        %get3A_569 = arith.index_cast %get3A_568 : i32 to index
        %get3A_570 = arith.constant 32 : index
        %get3A_571 = tpu.vector_load %arg12[%get3A_569, %get3A_570] {strides = array<i32>} : memref<22x64xf32, #tpu.memory_space<vmem>>, vector<1x16xf32>,
        %get3A_572 = vector.shape_cast %get3A_571 : vector<1x16xf32> to vector<16xf32>
        %mul3A_573 = arith.mulf %broadcast_in_dim3A_553, %get3A_572 : vector<16xf32>
        %add3A_574 = arith.addf %add3A_543, %mul3A_573 : vector<16xf32>
        %get3A_575 = arith.constant 12 : i32
        %get3A_576 = arith.index_cast %get3A_575 : i32 to index
        %get3A_577 = arith.constant 48 : index
        %get3A_578 = tpu.vector_load %arg12[%get3A_576, %get3A_577] {strides = array<i32>} : memref<22x64xf32, #tpu.memory_space<vmem>>, vector<1x16xf32>,
        %get3A_579 = vector.shape_cast %get3A_578 : vector<1x16xf32> to vector<16xf32>
        %mul3A_580 = arith.mulf %broadcast_in_dim3A_553, %get3A_579 : vector<16xf32>
        %add3A_581 = arith.addf %add3A_550, %mul3A_580 : vector<16xf32>
        %slice3A_582 = vector.extract_strided_slice %get3A_164 {offsets = [13], sizes = [1], strides = [1]} : vector<16xf32> to vector<1xf32>
        %squeeze3A_583 = vector.extract %slice3A_582[0] : f32 from vector<1xf32>
        %broadcast_in_dim3A_584 = vector.broadcast %squeeze3A_583 : f32 to vector<16xf32>
        %get3A_585 = arith.constant 13 : i32
        %get3A_586 = arith.index_cast %get3A_585 : i32 to index
        %get3A_587 = arith.constant 0 : index
        %get3A_588 = tpu.vector_load %arg12[%get3A_586, %get3A_587] {strides = array<i32>} : memref<22x64xf32, #tpu.memory_space<vmem>>, vector<1x16xf32>,
        %get3A_589 = vector.shape_cast %get3A_588 : vector<1x16xf32> to vector<16xf32>
        %mul3A_590 = arith.mulf %broadcast_in_dim3A_584, %get3A_589 : vector<16xf32>
        %add3A_591 = arith.addf %add3A_560, %mul3A_590 : vector<16xf32>
        %get3A_592 = arith.constant 13 : i32
        %get3A_593 = arith.index_cast %get3A_592 : i32 to index
        %get3A_594 = arith.constant 16 : index
        %get3A_595 = tpu.vector_load %arg12[%get3A_593, %get3A_594] {strides = array<i32>} : memref<22x64xf32, #tpu.memory_space<vmem>>, vector<1x16xf32>,
        %get3A_596 = vector.shape_cast %get3A_595 : vector<1x16xf32> to vector<16xf32>
        %mul3A_597 = arith.mulf %broadcast_in_dim3A_584, %get3A_596 : vector<16xf32>
        %add3A_598 = arith.addf %add3A_567, %mul3A_597 : vector<16xf32>
        %get3A_599 = arith.constant 13 : i32
        %get3A_600 = arith.index_cast %get3A_599 : i32 to index
        %get3A_601 = arith.constant 32 : index
        %get3A_602 = tpu.vector_load %arg12[%get3A_600, %get3A_601] {strides = array<i32>} : memref<22x64xf32, #tpu.memory_space<vmem>>, vector<1x16xf32>,
        %get3A_603 = vector.shape_cast %get3A_602 : vector<1x16xf32> to vector<16xf32>
        %mul3A_604 = arith.mulf %broadcast_in_dim3A_584, %get3A_603 : vector<16xf32>
        %add3A_605 = arith.addf %add3A_574, %mul3A_604 : vector<16xf32>
        %get3A_606 = arith.constant 13 : i32
        %get3A_607 = arith.index_cast %get3A_606 : i32 to index
        %get3A_608 = arith.constant 48 : index
        %get3A_609 = tpu.vector_load %arg12[%get3A_607, %get3A_608] {strides = array<i32>} : memref<22x64xf32, #tpu.memory_space<vmem>>, vector<1x16xf32>,
        %get3A_610 = vector.shape_cast %get3A_609 : vector<1x16xf32> to vector<16xf32>
        %mul3A_611 = arith.mulf %broadcast_in_dim3A_584, %get3A_610 : vector<16xf32>
        %add3A_612 = arith.addf %add3A_581, %mul3A_611 : vector<16xf32>
        %slice3A_613 = vector.extract_strided_slice %get3A_164 {offsets = [14], sizes = [1], strides = [1]} : vector<16xf32> to vector<1xf32>
        %squeeze3A_614 = vector.extract %slice3A_613[0] : f32 from vector<1xf32>
        %broadcast_in_dim3A_615 = vector.broadcast %squeeze3A_614 : f32 to vector<16xf32>
        %get3A_616 = arith.constant 14 : i32
        %get3A_617 = arith.index_cast %get3A_616 : i32 to index
        %get3A_618 = arith.constant 0 : index
        %get3A_619 = tpu.vector_load %arg12[%get3A_617, %get3A_618] {strides = array<i32>} : memref<22x64xf32, #tpu.memory_space<vmem>>, vector<1x16xf32>,
        %get3A_620 = vector.shape_cast %get3A_619 : vector<1x16xf32> to vector<16xf32>
        %mul3A_621 = arith.mulf %broadcast_in_dim3A_615, %get3A_620 : vector<16xf32>
        %add3A_622 = arith.addf %add3A_591, %mul3A_621 : vector<16xf32>
        %get3A_623 = arith.constant 14 : i32
        %get3A_624 = arith.index_cast %get3A_623 : i32 to index
        %get3A_625 = arith.constant 16 : index
        %get3A_626 = tpu.vector_load %arg12[%get3A_624, %get3A_625] {strides = array<i32>} : memref<22x64xf32, #tpu.memory_space<vmem>>, vector<1x16xf32>,
        %get3A_627 = vector.shape_cast %get3A_626 : vector<1x16xf32> to vector<16xf32>
        %mul3A_628 = arith.mulf %broadcast_in_dim3A_615, %get3A_627 : vector<16xf32>
        %add3A_629 = arith.addf %add3A_598, %mul3A_628 : vector<16xf32>
        %get3A_630 = arith.constant 14 : i32
        %get3A_631 = arith.index_cast %get3A_630 : i32 to index
        %get3A_632 = arith.constant 32 : index
        %get3A_633 = tpu.vector_load %arg12[%get3A_631, %get3A_632] {strides = array<i32>} : memref<22x64xf32, #tpu.memory_space<vmem>>, vector<1x16xf32>,
        %get3A_634 = vector.shape_cast %get3A_633 : vector<1x16xf32> to vector<16xf32>
        %mul3A_635 = arith.mulf %broadcast_in_dim3A_615, %get3A_634 : vector<16xf32>
        %add3A_636 = arith.addf %add3A_605, %mul3A_635 : vector<16xf32>
        %get3A_637 = arith.constant 14 : i32
        %get3A_638 = arith.index_cast %get3A_637 : i32 to index
        %get3A_639 = arith.constant 48 : index
        %get3A_640 = tpu.vector_load %arg12[%get3A_638, %get3A_639] {strides = array<i32>} : memref<22x64xf32, #tpu.memory_space<vmem>>, vector<1x16xf32>,
        %get3A_641 = vector.shape_cast %get3A_640 : vector<1x16xf32> to vector<16xf32>
        %mul3A_642 = arith.mulf %broadcast_in_dim3A_615, %get3A_641 : vector<16xf32>
        %add3A_643 = arith.addf %add3A_612, %mul3A_642 : vector<16xf32>
        %slice3A_644 = vector.extract_strided_slice %get3A_164 {offsets = [15], sizes = [1], strides = [1]} : vector<16xf32> to vector<1xf32>
        %squeeze3A_645 = vector.extract %slice3A_644[0] : f32 from vector<1xf32>
        %broadcast_in_dim3A_646 = vector.broadcast %squeeze3A_645 : f32 to vector<16xf32>
        %get3A_647 = arith.constant 15 : i32
        %get3A_648 = arith.index_cast %get3A_647 : i32 to index
        %get3A_649 = arith.constant 0 : index
        %get3A_650 = tpu.vector_load %arg12[%get3A_648, %get3A_649] {strides = array<i32>} : memref<22x64xf32, #tpu.memory_space<vmem>>, vector<1x16xf32>,
        %get3A_651 = vector.shape_cast %get3A_650 : vector<1x16xf32> to vector<16xf32>
        %mul3A_652 = arith.mulf %broadcast_in_dim3A_646, %get3A_651 : vector<16xf32>
        %add3A_653 = arith.addf %add3A_622, %mul3A_652 : vector<16xf32>
        %get3A_654 = arith.constant 15 : i32
        %get3A_655 = arith.index_cast %get3A_654 : i32 to index
        %get3A_656 = arith.constant 16 : index
        %get3A_657 = tpu.vector_load %arg12[%get3A_655, %get3A_656] {strides = array<i32>} : memref<22x64xf32, #tpu.memory_space<vmem>>, vector<1x16xf32>,
        %get3A_658 = vector.shape_cast %get3A_657 : vector<1x16xf32> to vector<16xf32>
        %mul3A_659 = arith.mulf %broadcast_in_dim3A_646, %get3A_658 : vector<16xf32>
        %add3A_660 = arith.addf %add3A_629, %mul3A_659 : vector<16xf32>
        %get3A_661 = arith.constant 15 : i32
        %get3A_662 = arith.index_cast %get3A_661 : i32 to index
        %get3A_663 = arith.constant 32 : index
        %get3A_664 = tpu.vector_load %arg12[%get3A_662, %get3A_663] {strides = array<i32>} : memref<22x64xf32, #tpu.memory_space<vmem>>, vector<1x16xf32>,
        %get3A_665 = vector.shape_cast %get3A_664 : vector<1x16xf32> to vector<16xf32>
        %mul3A_666 = arith.mulf %broadcast_in_dim3A_646, %get3A_665 : vector<16xf32>
        %add3A_667 = arith.addf %add3A_636, %mul3A_666 : vector<16xf32>
        %get3A_668 = arith.constant 15 : i32
        %get3A_669 = arith.index_cast %get3A_668 : i32 to index
        %get3A_670 = arith.constant 48 : index
        %get3A_671 = tpu.vector_load %arg12[%get3A_669, %get3A_670] {strides = array<i32>} : memref<22x64xf32, #tpu.memory_space<vmem>>, vector<1x16xf32>,
        %get3A_672 = vector.shape_cast %get3A_671 : vector<1x16xf32> to vector<16xf32>
        %mul3A_673 = arith.mulf %broadcast_in_dim3A_646, %get3A_672 : vector<16xf32>
        %add3A_674 = arith.addf %add3A_643, %mul3A_673 : vector<16xf32>
        %slice3A_675 = vector.extract_strided_slice %get3A_169 {offsets = [0], sizes = [1], strides = [1]} : vector<16xf32> to vector<1xf32>
        %squeeze3A_676 = vector.extract %slice3A_675[0] : f32 from vector<1xf32>
        %broadcast_in_dim3A_677 = vector.broadcast %squeeze3A_676 : f32 to vector<16xf32>
        %get3A_678 = arith.constant 16 : i32
        %get3A_679 = arith.index_cast %get3A_678 : i32 to index
        %get3A_680 = arith.constant 0 : index
        %get3A_681 = tpu.vector_load %arg12[%get3A_679, %get3A_680] {strides = array<i32>} : memref<22x64xf32, #tpu.memory_space<vmem>>, vector<1x16xf32>,
        %get3A_682 = vector.shape_cast %get3A_681 : vector<1x16xf32> to vector<16xf32>
        %mul3A_683 = arith.mulf %broadcast_in_dim3A_677, %get3A_682 : vector<16xf32>
        %add3A_684 = arith.addf %add3A_653, %mul3A_683 : vector<16xf32>
        %get3A_685 = arith.constant 16 : i32
        %get3A_686 = arith.index_cast %get3A_685 : i32 to index
        %get3A_687 = arith.constant 16 : index
        %get3A_688 = tpu.vector_load %arg12[%get3A_686, %get3A_687] {strides = array<i32>} : memref<22x64xf32, #tpu.memory_space<vmem>>, vector<1x16xf32>,
        %get3A_689 = vector.shape_cast %get3A_688 : vector<1x16xf32> to vector<16xf32>
        %mul3A_690 = arith.mulf %broadcast_in_dim3A_677, %get3A_689 : vector<16xf32>
        %add3A_691 = arith.addf %add3A_660, %mul3A_690 : vector<16xf32>
        %get3A_692 = arith.constant 16 : i32
        %get3A_693 = arith.index_cast %get3A_692 : i32 to index
        %get3A_694 = arith.constant 32 : index
        %get3A_695 = tpu.vector_load %arg12[%get3A_693, %get3A_694] {strides = array<i32>} : memref<22x64xf32, #tpu.memory_space<vmem>>, vector<1x16xf32>,
        %get3A_696 = vector.shape_cast %get3A_695 : vector<1x16xf32> to vector<16xf32>
        %mul3A_697 = arith.mulf %broadcast_in_dim3A_677, %get3A_696 : vector<16xf32>
        %add3A_698 = arith.addf %add3A_667, %mul3A_697 : vector<16xf32>
        %get3A_699 = arith.constant 16 : i32
        %get3A_700 = arith.index_cast %get3A_699 : i32 to index
        %get3A_701 = arith.constant 48 : index
        %get3A_702 = tpu.vector_load %arg12[%get3A_700, %get3A_701] {strides = array<i32>} : memref<22x64xf32, #tpu.memory_space<vmem>>, vector<1x16xf32>,
        %get3A_703 = vector.shape_cast %get3A_702 : vector<1x16xf32> to vector<16xf32>
        %mul3A_704 = arith.mulf %broadcast_in_dim3A_677, %get3A_703 : vector<16xf32>
        %add3A_705 = arith.addf %add3A_674, %mul3A_704 : vector<16xf32>
        %slice3A_706 = vector.extract_strided_slice %get3A_169 {offsets = [1], sizes = [1], strides = [1]} : vector<16xf32> to vector<1xf32>
        %squeeze3A_707 = vector.extract %slice3A_706[0] : f32 from vector<1xf32>
        %broadcast_in_dim3A_708 = vector.broadcast %squeeze3A_707 : f32 to vector<16xf32>
        %get3A_709 = arith.constant 17 : i32
        %get3A_710 = arith.index_cast %get3A_709 : i32 to index
        %get3A_711 = arith.constant 0 : index
        %get3A_712 = tpu.vector_load %arg12[%get3A_710, %get3A_711] {strides = array<i32>} : memref<22x64xf32, #tpu.memory_space<vmem>>, vector<1x16xf32>,
        %get3A_713 = vector.shape_cast %get3A_712 : vector<1x16xf32> to vector<16xf32>
        %mul3A_714 = arith.mulf %broadcast_in_dim3A_708, %get3A_713 : vector<16xf32>
        %add3A_715 = arith.addf %add3A_684, %mul3A_714 : vector<16xf32>
        %get3A_716 = arith.constant 17 : i32
        %get3A_717 = arith.index_cast %get3A_716 : i32 to index
        %get3A_718 = arith.constant 16 : index
        %get3A_719 = tpu.vector_load %arg12[%get3A_717, %get3A_718] {strides = array<i32>} : memref<22x64xf32, #tpu.memory_space<vmem>>, vector<1x16xf32>,
        %get3A_720 = vector.shape_cast %get3A_719 : vector<1x16xf32> to vector<16xf32>
        %mul3A_721 = arith.mulf %broadcast_in_dim3A_708, %get3A_720 : vector<16xf32>
        %add3A_722 = arith.addf %add3A_691, %mul3A_721 : vector<16xf32>
        %get3A_723 = arith.constant 17 : i32
        %get3A_724 = arith.index_cast %get3A_723 : i32 to index
        %get3A_725 = arith.constant 32 : index
        %get3A_726 = tpu.vector_load %arg12[%get3A_724, %get3A_725] {strides = array<i32>} : memref<22x64xf32, #tpu.memory_space<vmem>>, vector<1x16xf32>,
        %get3A_727 = vector.shape_cast %get3A_726 : vector<1x16xf32> to vector<16xf32>
        %mul3A_728 = arith.mulf %broadcast_in_dim3A_708, %get3A_727 : vector<16xf32>
        %add3A_729 = arith.addf %add3A_698, %mul3A_728 : vector<16xf32>
        %get3A_730 = arith.constant 17 : i32
        %get3A_731 = arith.index_cast %get3A_730 : i32 to index
        %get3A_732 = arith.constant 48 : index
        %get3A_733 = tpu.vector_load %arg12[%get3A_731, %get3A_732] {strides = array<i32>} : memref<22x64xf32, #tpu.memory_space<vmem>>, vector<1x16xf32>,
        %get3A_734 = vector.shape_cast %get3A_733 : vector<1x16xf32> to vector<16xf32>
        %mul3A_735 = arith.mulf %broadcast_in_dim3A_708, %get3A_734 : vector<16xf32>
        %add3A_736 = arith.addf %add3A_705, %mul3A_735 : vector<16xf32>
        %slice3A_737 = vector.extract_strided_slice %get3A_169 {offsets = [2], sizes = [1], strides = [1]} : vector<16xf32> to vector<1xf32>
        %squeeze3A_738 = vector.extract %slice3A_737[0] : f32 from vector<1xf32>
        %broadcast_in_dim3A_739 = vector.broadcast %squeeze3A_738 : f32 to vector<16xf32>
        %get3A_740 = arith.constant 18 : i32
        %get3A_741 = arith.index_cast %get3A_740 : i32 to index
        %get3A_742 = arith.constant 0 : index
        %get3A_743 = tpu.vector_load %arg12[%get3A_741, %get3A_742] {strides = array<i32>} : memref<22x64xf32, #tpu.memory_space<vmem>>, vector<1x16xf32>,
        %get3A_744 = vector.shape_cast %get3A_743 : vector<1x16xf32> to vector<16xf32>
        %mul3A_745 = arith.mulf %broadcast_in_dim3A_739, %get3A_744 : vector<16xf32>
        %add3A_746 = arith.addf %add3A_715, %mul3A_745 : vector<16xf32>
        %get3A_747 = arith.constant 18 : i32
        %get3A_748 = arith.index_cast %get3A_747 : i32 to index
        %get3A_749 = arith.constant 16 : index
        %get3A_750 = tpu.vector_load %arg12[%get3A_748, %get3A_749] {strides = array<i32>} : memref<22x64xf32, #tpu.memory_space<vmem>>, vector<1x16xf32>,
        %get3A_751 = vector.shape_cast %get3A_750 : vector<1x16xf32> to vector<16xf32>
        %mul3A_752 = arith.mulf %broadcast_in_dim3A_739, %get3A_751 : vector<16xf32>
        %add3A_753 = arith.addf %add3A_722, %mul3A_752 : vector<16xf32>
        %get3A_754 = arith.constant 18 : i32
        %get3A_755 = arith.index_cast %get3A_754 : i32 to index
        %get3A_756 = arith.constant 32 : index
        %get3A_757 = tpu.vector_load %arg12[%get3A_755, %get3A_756] {strides = array<i32>} : memref<22x64xf32, #tpu.memory_space<vmem>>, vector<1x16xf32>,
        %get3A_758 = vector.shape_cast %get3A_757 : vector<1x16xf32> to vector<16xf32>
        %mul3A_759 = arith.mulf %broadcast_in_dim3A_739, %get3A_758 : vector<16xf32>
        %add3A_760 = arith.addf %add3A_729, %mul3A_759 : vector<16xf32>
        %get3A_761 = arith.constant 18 : i32
        %get3A_762 = arith.index_cast %get3A_761 : i32 to index
        %get3A_763 = arith.constant 48 : index
        %get3A_764 = tpu.vector_load %arg12[%get3A_762, %get3A_763] {strides = array<i32>} : memref<22x64xf32, #tpu.memory_space<vmem>>, vector<1x16xf32>,
        %get3A_765 = vector.shape_cast %get3A_764 : vector<1x16xf32> to vector<16xf32>
        %mul3A_766 = arith.mulf %broadcast_in_dim3A_739, %get3A_765 : vector<16xf32>
        %add3A_767 = arith.addf %add3A_736, %mul3A_766 : vector<16xf32>
        %slice3A_768 = vector.extract_strided_slice %get3A_169 {offsets = [3], sizes = [1], strides = [1]} : vector<16xf32> to vector<1xf32>
        %squeeze3A_769 = vector.extract %slice3A_768[0] : f32 from vector<1xf32>
        %broadcast_in_dim3A_770 = vector.broadcast %squeeze3A_769 : f32 to vector<16xf32>
        %get3A_771 = arith.constant 19 : i32
        %get3A_772 = arith.index_cast %get3A_771 : i32 to index
        %get3A_773 = arith.constant 0 : index
        %get3A_774 = tpu.vector_load %arg12[%get3A_772, %get3A_773] {strides = array<i32>} : memref<22x64xf32, #tpu.memory_space<vmem>>, vector<1x16xf32>,
        %get3A_775 = vector.shape_cast %get3A_774 : vector<1x16xf32> to vector<16xf32>
        %mul3A_776 = arith.mulf %broadcast_in_dim3A_770, %get3A_775 : vector<16xf32>
        %add3A_777 = arith.addf %add3A_746, %mul3A_776 : vector<16xf32>
        %get3A_778 = arith.constant 19 : i32
        %get3A_779 = arith.index_cast %get3A_778 : i32 to index
        %get3A_780 = arith.constant 16 : index
        %get3A_781 = tpu.vector_load %arg12[%get3A_779, %get3A_780] {strides = array<i32>} : memref<22x64xf32, #tpu.memory_space<vmem>>, vector<1x16xf32>,
        %get3A_782 = vector.shape_cast %get3A_781 : vector<1x16xf32> to vector<16xf32>
        %mul3A_783 = arith.mulf %broadcast_in_dim3A_770, %get3A_782 : vector<16xf32>
        %add3A_784 = arith.addf %add3A_753, %mul3A_783 : vector<16xf32>
        %get3A_785 = arith.constant 19 : i32
        %get3A_786 = arith.index_cast %get3A_785 : i32 to index
        %get3A_787 = arith.constant 32 : index
        %get3A_788 = tpu.vector_load %arg12[%get3A_786, %get3A_787] {strides = array<i32>} : memref<22x64xf32, #tpu.memory_space<vmem>>, vector<1x16xf32>,
        %get3A_789 = vector.shape_cast %get3A_788 : vector<1x16xf32> to vector<16xf32>
        %mul3A_790 = arith.mulf %broadcast_in_dim3A_770, %get3A_789 : vector<16xf32>
        %add3A_791 = arith.addf %add3A_760, %mul3A_790 : vector<16xf32>
        %get3A_792 = arith.constant 19 : i32
        %get3A_793 = arith.index_cast %get3A_792 : i32 to index
        %get3A_794 = arith.constant 48 : index
        %get3A_795 = tpu.vector_load %arg12[%get3A_793, %get3A_794] {strides = array<i32>} : memref<22x64xf32, #tpu.memory_space<vmem>>, vector<1x16xf32>,
        %get3A_796 = vector.shape_cast %get3A_795 : vector<1x16xf32> to vector<16xf32>
        %mul3A_797 = arith.mulf %broadcast_in_dim3A_770, %get3A_796 : vector<16xf32>
        %add3A_798 = arith.addf %add3A_767, %mul3A_797 : vector<16xf32>
        %slice3A_799 = vector.extract_strided_slice %get3A_169 {offsets = [4], sizes = [1], strides = [1]} : vector<16xf32> to vector<1xf32>
        %squeeze3A_800 = vector.extract %slice3A_799[0] : f32 from vector<1xf32>
        %broadcast_in_dim3A_801 = vector.broadcast %squeeze3A_800 : f32 to vector<16xf32>
        %get3A_802 = arith.constant 20 : i32
        %get3A_803 = arith.index_cast %get3A_802 : i32 to index
        %get3A_804 = arith.constant 0 : index
        %get3A_805 = tpu.vector_load %arg12[%get3A_803, %get3A_804] {strides = array<i32>} : memref<22x64xf32, #tpu.memory_space<vmem>>, vector<1x16xf32>,
        %get3A_806 = vector.shape_cast %get3A_805 : vector<1x16xf32> to vector<16xf32>
        %mul3A_807 = arith.mulf %broadcast_in_dim3A_801, %get3A_806 : vector<16xf32>
        %add3A_808 = arith.addf %add3A_777, %mul3A_807 : vector<16xf32>
        %get3A_809 = arith.constant 20 : i32
        %get3A_810 = arith.index_cast %get3A_809 : i32 to index
        %get3A_811 = arith.constant 16 : index
        %get3A_812 = tpu.vector_load %arg12[%get3A_810, %get3A_811] {strides = array<i32>} : memref<22x64xf32, #tpu.memory_space<vmem>>, vector<1x16xf32>,
        %get3A_813 = vector.shape_cast %get3A_812 : vector<1x16xf32> to vector<16xf32>
        %mul3A_814 = arith.mulf %broadcast_in_dim3A_801, %get3A_813 : vector<16xf32>
        %add3A_815 = arith.addf %add3A_784, %mul3A_814 : vector<16xf32>
        %get3A_816 = arith.constant 20 : i32
        %get3A_817 = arith.index_cast %get3A_816 : i32 to index
        %get3A_818 = arith.constant 32 : index
        %get3A_819 = tpu.vector_load %arg12[%get3A_817, %get3A_818] {strides = array<i32>} : memref<22x64xf32, #tpu.memory_space<vmem>>, vector<1x16xf32>,
        %get3A_820 = vector.shape_cast %get3A_819 : vector<1x16xf32> to vector<16xf32>
        %mul3A_821 = arith.mulf %broadcast_in_dim3A_801, %get3A_820 : vector<16xf32>
        %add3A_822 = arith.addf %add3A_791, %mul3A_821 : vector<16xf32>
        %get3A_823 = arith.constant 20 : i32
        %get3A_824 = arith.index_cast %get3A_823 : i32 to index
        %get3A_825 = arith.constant 48 : index
        %get3A_826 = tpu.vector_load %arg12[%get3A_824, %get3A_825] {strides = array<i32>} : memref<22x64xf32, #tpu.memory_space<vmem>>, vector<1x16xf32>,
        %get3A_827 = vector.shape_cast %get3A_826 : vector<1x16xf32> to vector<16xf32>
        %mul3A_828 = arith.mulf %broadcast_in_dim3A_801, %get3A_827 : vector<16xf32>
        %add3A_829 = arith.addf %add3A_798, %mul3A_828 : vector<16xf32>
        %slice3A_830 = vector.extract_strided_slice %get3A_169 {offsets = [5], sizes = [1], strides = [1]} : vector<16xf32> to vector<1xf32>
        %squeeze3A_831 = vector.extract %slice3A_830[0] : f32 from vector<1xf32>
        %broadcast_in_dim3A_832 = vector.broadcast %squeeze3A_831 : f32 to vector<16xf32>
        %get3A_833 = arith.constant 21 : i32
        %get3A_834 = arith.index_cast %get3A_833 : i32 to index
        %get3A_835 = arith.constant 0 : index
        %get3A_836 = tpu.vector_load %arg12[%get3A_834, %get3A_835] {strides = array<i32>} : memref<22x64xf32, #tpu.memory_space<vmem>>, vector<1x16xf32>,
        %get3A_837 = vector.shape_cast %get3A_836 : vector<1x16xf32> to vector<16xf32>
        %mul3A_838 = arith.mulf %broadcast_in_dim3A_832, %get3A_837 : vector<16xf32>
        %add3A_839 = arith.addf %add3A_808, %mul3A_838 : vector<16xf32>
        %get3A_840 = arith.constant 21 : i32
        %get3A_841 = arith.index_cast %get3A_840 : i32 to index
        %get3A_842 = arith.constant 16 : index
        %get3A_843 = tpu.vector_load %arg12[%get3A_841, %get3A_842] {strides = array<i32>} : memref<22x64xf32, #tpu.memory_space<vmem>>, vector<1x16xf32>,
        %get3A_844 = vector.shape_cast %get3A_843 : vector<1x16xf32> to vector<16xf32>
        %mul3A_845 = arith.mulf %broadcast_in_dim3A_832, %get3A_844 : vector<16xf32>
        %add3A_846 = arith.addf %add3A_815, %mul3A_845 : vector<16xf32>
        %get3A_847 = arith.constant 21 : i32
        %get3A_848 = arith.index_cast %get3A_847 : i32 to index
        %get3A_849 = arith.constant 32 : index
        %get3A_850 = tpu.vector_load %arg12[%get3A_848, %get3A_849] {strides = array<i32>} : memref<22x64xf32, #tpu.memory_space<vmem>>, vector<1x16xf32>,
        %get3A_851 = vector.shape_cast %get3A_850 : vector<1x16xf32> to vector<16xf32>
        %mul3A_852 = arith.mulf %broadcast_in_dim3A_832, %get3A_851 : vector<16xf32>
        %add3A_853 = arith.addf %add3A_822, %mul3A_852 : vector<16xf32>
        %get3A_854 = arith.constant 21 : i32
        %get3A_855 = arith.index_cast %get3A_854 : i32 to index
        %get3A_856 = arith.constant 48 : index
        %get3A_857 = tpu.vector_load %arg12[%get3A_855, %get3A_856] {strides = array<i32>} : memref<22x64xf32, #tpu.memory_space<vmem>>, vector<1x16xf32>,
        %get3A_858 = vector.shape_cast %get3A_857 : vector<1x16xf32> to vector<16xf32>
        %mul3A_859 = arith.mulf %broadcast_in_dim3A_832, %get3A_858 : vector<16xf32>
        %add3A_860 = arith.addf %add3A_829, %mul3A_859 : vector<16xf32>
        %max3A = arith.constant 0.000000e+00 : f32
        %max3A_861 = vector.broadcast %max3A : f32 to vector<16xf32>
        %max3A_862 = arith.maximumf %add3A_839, %max3A_861 : vector<16xf32>
        %swap3A = arith.index_cast %add3A_157 : i32 to index
        %swap3A_863 = arith.constant 0 : index
        %swap3A_864 = tpu.vector_load %arg10[%swap3A, %swap3A_863] {strides = array<i32>} : memref<432x64xf32, #tpu.memory_space<vmem>>, vector<1x16xf32>,
        %swap3A_865 = vector.shape_cast %swap3A_864 : vector<1x16xf32> to vector<16xf32>
        %swap3A_866 = vector.shape_cast %max3A_862 : vector<16xf32> to vector<1x16xf32>
        tpu.vector_store %arg10[%swap3A, %swap3A_863], %swap3A_866 {strides = array<i32>} : memref<432x64xf32, #tpu.memory_space<vmem>>, vector<1x16xf32>,
        %max3A_867 = arith.constant 0.000000e+00 : f32
        %max3A_868 = vector.broadcast %max3A_867 : f32 to vector<16xf32>
        %max3A_869 = arith.maximumf %add3A_846, %max3A_868 : vector<16xf32>
        %swap3A_870 = arith.index_cast %add3A_157 : i32 to index
        %swap3A_871 = arith.constant 16 : index
        %swap3A_872 = tpu.vector_load %arg10[%swap3A_870, %swap3A_871] {strides = array<i32>} : memref<432x64xf32, #tpu.memory_space<vmem>>, vector<1x16xf32>,
        %swap3A_873 = vector.shape_cast %swap3A_872 : vector<1x16xf32> to vector<16xf32>
        %swap3A_874 = vector.shape_cast %max3A_869 : vector<16xf32> to vector<1x16xf32>
        tpu.vector_store %arg10[%swap3A_870, %swap3A_871], %swap3A_874 {strides = array<i32>} : memref<432x64xf32, #tpu.memory_space<vmem>>, vector<1x16xf32>,
        %max3A_875 = arith.constant 0.000000e+00 : f32
        %max3A_876 = vector.broadcast %max3A_875 : f32 to vector<16xf32>
        %max3A_877 = arith.maximumf %add3A_853, %max3A_876 : vector<16xf32>
        %swap3A_878 = arith.index_cast %add3A_157 : i32 to index
        %swap3A_879 = arith.constant 32 : index
        %swap3A_880 = tpu.vector_load %arg10[%swap3A_878, %swap3A_879] {strides = array<i32>} : memref<432x64xf32, #tpu.memory_space<vmem>>, vector<1x16xf32>,
        %swap3A_881 = vector.shape_cast %swap3A_880 : vector<1x16xf32> to vector<16xf32>
        %swap3A_882 = vector.shape_cast %max3A_877 : vector<16xf32> to vector<1x16xf32>
        tpu.vector_store %arg10[%swap3A_878, %swap3A_879], %swap3A_882 {strides = array<i32>} : memref<432x64xf32, #tpu.memory_space<vmem>>, vector<1x16xf32>,
        %max3A_883 = arith.constant 0.000000e+00 : f32
        %max3A_884 = vector.broadcast %max3A_883 : f32 to vector<16xf32>
        %max3A_885 = arith.maximumf %add3A_860, %max3A_884 : vector<16xf32>
        %swap3A_886 = arith.index_cast %add3A_157 : i32 to index
        %swap3A_887 = arith.constant 48 : index
        %swap3A_888 = tpu.vector_load %arg10[%swap3A_886, %swap3A_887] {strides = array<i32>} : memref<432x64xf32, #tpu.memory_space<vmem>>, vector<1x16xf32>,
        %swap3A_889 = vector.shape_cast %swap3A_888 : vector<1x16xf32> to vector<16xf32>
        %swap3A_890 = vector.shape_cast %max3A_885 : vector<16xf32> to vector<1x16xf32>
        tpu.vector_store %arg10[%swap3A_886, %swap3A_887], %swap3A_890 {strides = array<i32>} : memref<432x64xf32, #tpu.memory_space<vmem>>, vector<1x16xf32>,
      }
      %scan3A_129 = arith.constant 16 : i32
      %mul3A_130 = arith.constant 17280 : i32
      %mul3A_131 = arith.muli %add3A, %mul3A_130 : i32
      %mul3A_132 = arith.constant 432 : i32
      %mul3A_133 = arith.muli %add3A_117, %mul3A_132 : i32
      %add3A_134 = arith.addi %mul3A_131, %mul3A_133 : i32
      %dma_start3A_135 = arith.constant 0 : i32
      %dma_start3A_136 = tpu.memref_slice %arg7[%add3A_134, %dma_start3A_135] : memref<552960x64xf32, #tpu.memory_space<hbm>> -> memref<432x64xf32, #tpu.memory_space<hbm>>
      %dma_start3A_137 = arith.constant 0 : i32
      %dma_start3A_138 = tpu.memref_slice %arg7[%add3A_134, %dma_start3A_137] : memref<552960x64xf32, #tpu.memory_space<hbm>> -> memref<432x64xf32, #tpu.memory_space<hbm>>
      tpu.enqueue_dma source(%arg10 : memref<432x64xf32, #tpu.memory_space<vmem>>) target(%dma_start3A_138 : memref<432x64xf32, #tpu.memory_space<hbm>>) target_semaphore(%arg17 : memref<!tpu.dma_semaphore, #tpu.memory_space<semaphore_mem>>)
      %dma_wait3A_139 = arith.constant 0 : i32
      %dma_wait3A_140 = arith.constant 0 : i32
      %dma_wait3A_141 = tpu.memref_slice %arg7[%dma_wait3A_139, %dma_wait3A_140] : memref<552960x64xf32, #tpu.memory_space<hbm>> -> memref<432x64xf32, #tpu.memory_space<hbm>>
      %dma_wait3A_142 = arith.constant 0 : i32
      %dma_wait3A_143 = arith.constant 0 : i32
      %dma_wait3A_144 = tpu.memref_slice %arg7[%dma_wait3A_142, %dma_wait3A_143] : memref<552960x64xf32, #tpu.memory_space<hbm>> -> memref<432x64xf32, #tpu.memory_space<hbm>>
      tpu.wait_dma2 semaphore(%arg17 : memref<!tpu.dma_semaphore, #tpu.memory_space<semaphore_mem>>) src(%dma_wait3A_144 : memref<432x64xf32, #tpu.memory_space<hbm>>) dst(%arg10 : memref<432x64xf32, #tpu.memory_space<vmem>>)
      %add3A_145 = arith.constant 2 : i32
      %add3A_146 = arith.addi %add3A_117, %add3A_145 : i32
      %dma_start3A_147 = arith.constant 0 : i32
      %dma_start3A_148 = tpu.memref_slice %arg8[%add3A_146, %dma_start3A_147] : memref<40x432xi32, #tpu.memory_space<vmem>> -> memref<1x432xi32, #tpu.memory_space<vmem>>
      %dma_start3A_149 = tpu.memref_squeeze %dma_start3A_148 : memref<1x432xi32, #tpu.memory_space<vmem>> -> memref<432xi32, #tpu.memory_space<vmem>>
      %dma_start3A_150 = arith.constant 0 : i32
      %dma_start3A_151 = arith.constant 0 : i32
      %dma_start3A_152 = tpu.memref_slice %arg2[%dma_start3A_150, %dma_start3A_151] : memref<2600000x64xf32, #tpu.memory_space<hbm>> -> memref<2600000x64xf32, #tpu.memory_space<hbm>>
      tpu.enqueue_indirect_dma source(%dma_start3A_152 : memref<2600000x64xf32, #tpu.memory_space<hbm>>) target(%arg10 : memref<432x64xf32, #tpu.memory_space<vmem>>) offsets(%dma_start3A_149 : memref<432xi32, #tpu.memory_space<vmem>>) semaphore(%arg15 : memref<!tpu.dma_semaphore, #tpu.memory_space<semaphore_mem>>)
    }
    %scan3A_24 = arith.constant 19 : i32
    %dma_wait3A = arith.constant 0 : i32
    %dma_wait3A_25 = arith.constant 0 : i32
    %dma_wait3A_26 = tpu.memref_slice %arg7[%dma_wait3A, %dma_wait3A_25] : memref<552960x64xf32, #tpu.memory_space<hbm>> -> memref<432x64xf32, #tpu.memory_space<hbm>>
    %dma_wait3A_27 = arith.constant 0 : i32
    %dma_wait3A_28 = arith.constant 0 : i32
    %dma_wait3A_29 = tpu.memref_slice %arg7[%dma_wait3A_27, %dma_wait3A_28] : memref<552960x64xf32, #tpu.memory_space<hbm>> -> memref<432x64xf32, #tpu.memory_space<hbm>>
    tpu.wait_dma2 semaphore(%arg14 : memref<!tpu.dma_semaphore, #tpu.memory_space<semaphore_mem>>) src(%dma_wait3A_29 : memref<432x64xf32, #tpu.memory_space<hbm>>) dst(%arg9 : memref<432x64xf32, #tpu.memory_space<vmem>>)
    %scan3A_30 = arith.constant 0 : i32
    %scan3A_31 = arith.constant 0 : i32
    %scan3A_32 = arith.constant 16 : i32
    %scan3A_33 = arith.addi %scan3A_31, %scan3A_32 : i32
    %scan3A_34 = arith.constant 1 : i32
    scf.for %scan3A_76 = %scan3A_31 to %scan3A_33 step %scan3A_34  : i32 {
      %mul3A_77 = arith.constant 27 : i32
      %mul3A_78 = arith.muli %scan3A_76, %mul3A_77 : i32
      %add3A_79 = arith.constant 26 : i32
      %add3A_80 = arith.addi %mul3A_78, %add3A_79 : i32
      %add3A_81 = arith.constant 608 : i32
      %add3A_82 = arith.addi %add3A_81, %scan3A_76 : i32
      %mul3A_83 = arith.constant 32 : i32
      %mul3A_84 = arith.muli %add3A_82, %mul3A_83 : i32
      %multiple_of3A = tpu.assume_multiple %mul3A_84, 32 : i32
      %get3A = arith.index_cast %multiple_of3A : i32 to index
      %get3A_85 = tpu.vector_load %arg11[%get3A] {strides = array<i32>} : memref<20480xf32, #tpu.memory_space<vmem>>, vector<16xf32>,
      %get3A_86 = vector.shape_cast %get3A_85 : vector<16xf32> to vector<16xf32>
      %add3A_87 = arith.constant 16 : i32
      %add3A_88 = arith.addi %multiple_of3A, %add3A_87 : i32
      %get3A_89 = arith.index_cast %add3A_88 : i32 to index
      %get3A_90 = tpu.vector_load %arg11[%get3A_89] {strides = array<i32>} : memref<20480xf32, #tpu.memory_space<vmem>>, vector<16xf32>,
      %get3A_91 = vector.shape_cast %get3A_90 : vector<16xf32> to vector<16xf32>
      %get3A_92 = arith.constant 0 : index
      %get3A_93 = tpu.vector_load %arg13[%get3A_92] {strides = array<i32>} : memref<64xf32, #tpu.memory_space<vmem>>, vector<16xf32>,
      %get3A_94 = vector.shape_cast %get3A_93 : vector<16xf32> to vector<16xf32>
      %get3A_95 = arith.constant 16 : index
      %get3A_96 = tpu.vector_load %arg13[%get3A_95] {strides = array<i32>} : memref<64xf32, #tpu.memory_space<vmem>>, vector<16xf32>,
      %get3A_97 = vector.shape_cast %get3A_96 : vector<16xf32> to vector<16xf32>
      %get3A_98 = arith.constant 32 : index
      %get3A_99 = tpu.vector_load %arg13[%get3A_98] {strides = array<i32>} : memref<64xf32, #tpu.memory_space<vmem>>, vector<16xf32>,
      %get3A_100 = vector.shape_cast %get3A_99 : vector<16xf32> to vector<16xf32>
      %get3A_101 = arith.constant 48 : index
      %get3A_102 = tpu.vector_load %arg13[%get3A_101] {strides = array<i32>} : memref<64xf32, #tpu.memory_space<vmem>>, vector<16xf32>,
      %get3A_103 = vector.shape_cast %get3A_102 : vector<16xf32> to vector<16xf32>
      %slice3A = vector.extract_strided_slice %get3A_86 {offsets = [0], sizes = [1], strides = [1]} : vector<16xf32> to vector<1xf32>
      %squeeze3A = vector.extract %slice3A[0] : f32 from vector<1xf32>
      %broadcast_in_dim3A = vector.broadcast %squeeze3A : f32 to vector<16xf32>
      %get3A_104 = arith.constant 0 : i32
      %get3A_105 = arith.index_cast %get3A_104 : i32 to index
      %get3A_106 = arith.constant 0 : index
      %get3A_107 = tpu.vector_load %arg12[%get3A_105, %get3A_106] {strides = array<i32>} : memref<22x64xf32, #tpu.memory_space<vmem>>, vector<1x16xf32>,
      %get3A_108 = vector.shape_cast %get3A_107 : vector<1x16xf32> to vector<16xf32>
      %mul3A_109 = arith.mulf %broadcast_in_dim3A, %get3A_108 : vector<16xf32>
      %add3A_110 = arith.addf %get3A_94, %mul3A_109 : vector<16xf32>
      %get3A_111 = arith.constant 0 : i32
      %get3A_112 = arith.index_cast %get3A_111 : i32 to index
      %get3A_113 = arith.constant 16 : index
      %get3A_114 = tpu.vector_load %arg12[%get3A_112, %get3A_113] {strides = array<i32>} : memref<22x64xf32, #tpu.memory_space<vmem>>, vector<1x16xf32>,
      %get3A_115 = vector.shape_cast %get3A_114 : vector<1x16xf32> to vector<16xf32>
      %mul3A_116 = arith.mulf %broadcast_in_dim3A, %get3A_115 : vector<16xf32>
      %add3A_117 = arith.addf %get3A_97, %mul3A_116 : vector<16xf32>
      %get3A_118 = arith.constant 0 : i32
      %get3A_119 = arith.index_cast %get3A_118 : i32 to index
      %get3A_120 = arith.constant 32 : index
      %get3A_121 = tpu.vector_load %arg12[%get3A_119, %get3A_120] {strides = array<i32>} : memref<22x64xf32, #tpu.memory_space<vmem>>, vector<1x16xf32>,
      %get3A_122 = vector.shape_cast %get3A_121 : vector<1x16xf32> to vector<16xf32>
      %mul3A_123 = arith.mulf %broadcast_in_dim3A, %get3A_122 : vector<16xf32>
      %add3A_124 = arith.addf %get3A_100, %mul3A_123 : vector<16xf32>
      %get3A_125 = arith.constant 0 : i32
      %get3A_126 = arith.index_cast %get3A_125 : i32 to index
      %get3A_127 = arith.constant 48 : index
      %get3A_128 = tpu.vector_load %arg12[%get3A_126, %get3A_127] {strides = array<i32>} : memref<22x64xf32, #tpu.memory_space<vmem>>, vector<1x16xf32>,
      %get3A_129 = vector.shape_cast %get3A_128 : vector<1x16xf32> to vector<16xf32>
      %mul3A_130 = arith.mulf %broadcast_in_dim3A, %get3A_129 : vector<16xf32>
      %add3A_131 = arith.addf %get3A_103, %mul3A_130 : vector<16xf32>
      %slice3A_132 = vector.extract_strided_slice %get3A_86 {offsets = [1], sizes = [1], strides = [1]} : vector<16xf32> to vector<1xf32>
      %squeeze3A_133 = vector.extract %slice3A_132[0] : f32 from vector<1xf32>
      %broadcast_in_dim3A_134 = vector.broadcast %squeeze3A_133 : f32 to vector<16xf32>
      %get3A_135 = arith.constant 1 : i32
      %get3A_136 = arith.index_cast %get3A_135 : i32 to index
      %get3A_137 = arith.constant 0 : index
      %get3A_138 = tpu.vector_load %arg12[%get3A_136, %get3A_137] {strides = array<i32>} : memref<22x64xf32, #tpu.memory_space<vmem>>, vector<1x16xf32>,
      %get3A_139 = vector.shape_cast %get3A_138 : vector<1x16xf32> to vector<16xf32>
      %mul3A_140 = arith.mulf %broadcast_in_dim3A_134, %get3A_139 : vector<16xf32>
      %add3A_141 = arith.addf %add3A_110, %mul3A_140 : vector<16xf32>
      %get3A_142 = arith.constant 1 : i32
      %get3A_143 = arith.index_cast %get3A_142 : i32 to index
      %get3A_144 = arith.constant 16 : index
      %get3A_145 = tpu.vector_load %arg12[%get3A_143, %get3A_144] {strides = array<i32>} : memref<22x64xf32, #tpu.memory_space<vmem>>, vector<1x16xf32>,
      %get3A_146 = vector.shape_cast %get3A_145 : vector<1x16xf32> to vector<16xf32>
      %mul3A_147 = arith.mulf %broadcast_in_dim3A_134, %get3A_146 : vector<16xf32>
      %add3A_148 = arith.addf %add3A_117, %mul3A_147 : vector<16xf32>
      %get3A_149 = arith.constant 1 : i32
      %get3A_150 = arith.index_cast %get3A_149 : i32 to index
      %get3A_151 = arith.constant 32 : index
      %get3A_152 = tpu.vector_load %arg12[%get3A_150, %get3A_151] {strides = array<i32>} : memref<22x64xf32, #tpu.memory_space<vmem>>, vector<1x16xf32>,
      %get3A_153 = vector.shape_cast %get3A_152 : vector<1x16xf32> to vector<16xf32>
      %mul3A_154 = arith.mulf %broadcast_in_dim3A_134, %get3A_153 : vector<16xf32>
      %add3A_155 = arith.addf %add3A_124, %mul3A_154 : vector<16xf32>
      %get3A_156 = arith.constant 1 : i32
      %get3A_157 = arith.index_cast %get3A_156 : i32 to index
      %get3A_158 = arith.constant 48 : index
      %get3A_159 = tpu.vector_load %arg12[%get3A_157, %get3A_158] {strides = array<i32>} : memref<22x64xf32, #tpu.memory_space<vmem>>, vector<1x16xf32>,
      %get3A_160 = vector.shape_cast %get3A_159 : vector<1x16xf32> to vector<16xf32>
      %mul3A_161 = arith.mulf %broadcast_in_dim3A_134, %get3A_160 : vector<16xf32>
      %add3A_162 = arith.addf %add3A_131, %mul3A_161 : vector<16xf32>
      %slice3A_163 = vector.extract_strided_slice %get3A_86 {offsets = [2], sizes = [1], strides = [1]} : vector<16xf32> to vector<1xf32>
      %squeeze3A_164 = vector.extract %slice3A_163[0] : f32 from vector<1xf32>
      %broadcast_in_dim3A_165 = vector.broadcast %squeeze3A_164 : f32 to vector<16xf32>
      %get3A_166 = arith.constant 2 : i32
      %get3A_167 = arith.index_cast %get3A_166 : i32 to index
      %get3A_168 = arith.constant 0 : index
      %get3A_169 = tpu.vector_load %arg12[%get3A_167, %get3A_168] {strides = array<i32>} : memref<22x64xf32, #tpu.memory_space<vmem>>, vector<1x16xf32>,
      %get3A_170 = vector.shape_cast %get3A_169 : vector<1x16xf32> to vector<16xf32>
      %mul3A_171 = arith.mulf %broadcast_in_dim3A_165, %get3A_170 : vector<16xf32>
      %add3A_172 = arith.addf %add3A_141, %mul3A_171 : vector<16xf32>
      %get3A_173 = arith.constant 2 : i32
      %get3A_174 = arith.index_cast %get3A_173 : i32 to index
      %get3A_175 = arith.constant 16 : index
      %get3A_176 = tpu.vector_load %arg12[%get3A_174, %get3A_175] {strides = array<i32>} : memref<22x64xf32, #tpu.memory_space<vmem>>, vector<1x16xf32>,
      %get3A_177 = vector.shape_cast %get3A_176 : vector<1x16xf32> to vector<16xf32>
      %mul3A_178 = arith.mulf %broadcast_in_dim3A_165, %get3A_177 : vector<16xf32>
      %add3A_179 = arith.addf %add3A_148, %mul3A_178 : vector<16xf32>
      %get3A_180 = arith.constant 2 : i32
      %get3A_181 = arith.index_cast %get3A_180 : i32 to index
      %get3A_182 = arith.constant 32 : index
      %get3A_183 = tpu.vector_load %arg12[%get3A_181, %get3A_182] {strides = array<i32>} : memref<22x64xf32, #tpu.memory_space<vmem>>, vector<1x16xf32>,
      %get3A_184 = vector.shape_cast %get3A_183 : vector<1x16xf32> to vector<16xf32>
      %mul3A_185 = arith.mulf %broadcast_in_dim3A_165, %get3A_184 : vector<16xf32>
      %add3A_186 = arith.addf %add3A_155, %mul3A_185 : vector<16xf32>
      %get3A_187 = arith.constant 2 : i32
      %get3A_188 = arith.index_cast %get3A_187 : i32 to index
      %get3A_189 = arith.constant 48 : index
      %get3A_190 = tpu.vector_load %arg12[%get3A_188, %get3A_189] {strides = array<i32>} : memref<22x64xf32, #tpu.memory_space<vmem>>, vector<1x16xf32>,
      %get3A_191 = vector.shape_cast %get3A_190 : vector<1x16xf32> to vector<16xf32>
      %mul3A_192 = arith.mulf %broadcast_in_dim3A_165, %get3A_191 : vector<16xf32>
      %add3A_193 = arith.addf %add3A_162, %mul3A_192 : vector<16xf32>
      %slice3A_194 = vector.extract_strided_slice %get3A_86 {offsets = [3], sizes = [1], strides = [1]} : vector<16xf32> to vector<1xf32>
      %squeeze3A_195 = vector.extract %slice3A_194[0] : f32 from vector<1xf32>
      %broadcast_in_dim3A_196 = vector.broadcast %squeeze3A_195 : f32 to vector<16xf32>
      %get3A_197 = arith.constant 3 : i32
      %get3A_198 = arith.index_cast %get3A_197 : i32 to index
      %get3A_199 = arith.constant 0 : index
      %get3A_200 = tpu.vector_load %arg12[%get3A_198, %get3A_199] {strides = array<i32>} : memref<22x64xf32, #tpu.memory_space<vmem>>, vector<1x16xf32>,
      %get3A_201 = vector.shape_cast %get3A_200 : vector<1x16xf32> to vector<16xf32>
      %mul3A_202 = arith.mulf %broadcast_in_dim3A_196, %get3A_201 : vector<16xf32>
      %add3A_203 = arith.addf %add3A_172, %mul3A_202 : vector<16xf32>
      %get3A_204 = arith.constant 3 : i32
      %get3A_205 = arith.index_cast %get3A_204 : i32 to index
      %get3A_206 = arith.constant 16 : index
      %get3A_207 = tpu.vector_load %arg12[%get3A_205, %get3A_206] {strides = array<i32>} : memref<22x64xf32, #tpu.memory_space<vmem>>, vector<1x16xf32>,
      %get3A_208 = vector.shape_cast %get3A_207 : vector<1x16xf32> to vector<16xf32>
      %mul3A_209 = arith.mulf %broadcast_in_dim3A_196, %get3A_208 : vector<16xf32>
      %add3A_210 = arith.addf %add3A_179, %mul3A_209 : vector<16xf32>
      %get3A_211 = arith.constant 3 : i32
      %get3A_212 = arith.index_cast %get3A_211 : i32 to index
      %get3A_213 = arith.constant 32 : index
      %get3A_214 = tpu.vector_load %arg12[%get3A_212, %get3A_213] {strides = array<i32>} : memref<22x64xf32, #tpu.memory_space<vmem>>, vector<1x16xf32>,
      %get3A_215 = vector.shape_cast %get3A_214 : vector<1x16xf32> to vector<16xf32>
      %mul3A_216 = arith.mulf %broadcast_in_dim3A_196, %get3A_215 : vector<16xf32>
      %add3A_217 = arith.addf %add3A_186, %mul3A_216 : vector<16xf32>
      %get3A_218 = arith.constant 3 : i32
      %get3A_219 = arith.index_cast %get3A_218 : i32 to index
      %get3A_220 = arith.constant 48 : index
      %get3A_221 = tpu.vector_load %arg12[%get3A_219, %get3A_220] {strides = array<i32>} : memref<22x64xf32, #tpu.memory_space<vmem>>, vector<1x16xf32>,
      %get3A_222 = vector.shape_cast %get3A_221 : vector<1x16xf32> to vector<16xf32>
      %mul3A_223 = arith.mulf %broadcast_in_dim3A_196, %get3A_222 : vector<16xf32>
      %add3A_224 = arith.addf %add3A_193, %mul3A_223 : vector<16xf32>
      %slice3A_225 = vector.extract_strided_slice %get3A_86 {offsets = [4], sizes = [1], strides = [1]} : vector<16xf32> to vector<1xf32>
      %squeeze3A_226 = vector.extract %slice3A_225[0] : f32 from vector<1xf32>
      %broadcast_in_dim3A_227 = vector.broadcast %squeeze3A_226 : f32 to vector<16xf32>
      %get3A_228 = arith.constant 4 : i32
      %get3A_229 = arith.index_cast %get3A_228 : i32 to index
      %get3A_230 = arith.constant 0 : index
      %get3A_231 = tpu.vector_load %arg12[%get3A_229, %get3A_230] {strides = array<i32>} : memref<22x64xf32, #tpu.memory_space<vmem>>, vector<1x16xf32>,
      %get3A_232 = vector.shape_cast %get3A_231 : vector<1x16xf32> to vector<16xf32>
      %mul3A_233 = arith.mulf %broadcast_in_dim3A_227, %get3A_232 : vector<16xf32>
      %add3A_234 = arith.addf %add3A_203, %mul3A_233 : vector<16xf32>
      %get3A_235 = arith.constant 4 : i32
      %get3A_236 = arith.index_cast %get3A_235 : i32 to index
      %get3A_237 = arith.constant 16 : index
      %get3A_238 = tpu.vector_load %arg12[%get3A_236, %get3A_237] {strides = array<i32>} : memref<22x64xf32, #tpu.memory_space<vmem>>, vector<1x16xf32>,
      %get3A_239 = vector.shape_cast %get3A_238 : vector<1x16xf32> to vector<16xf32>
      %mul3A_240 = arith.mulf %broadcast_in_dim3A_227, %get3A_239 : vector<16xf32>
      %add3A_241 = arith.addf %add3A_210, %mul3A_240 : vector<16xf32>
      %get3A_242 = arith.constant 4 : i32
      %get3A_243 = arith.index_cast %get3A_242 : i32 to index
      %get3A_244 = arith.constant 32 : index
      %get3A_245 = tpu.vector_load %arg12[%get3A_243, %get3A_244] {strides = array<i32>} : memref<22x64xf32, #tpu.memory_space<vmem>>, vector<1x16xf32>,
      %get3A_246 = vector.shape_cast %get3A_245 : vector<1x16xf32> to vector<16xf32>
      %mul3A_247 = arith.mulf %broadcast_in_dim3A_227, %get3A_246 : vector<16xf32>
      %add3A_248 = arith.addf %add3A_217, %mul3A_247 : vector<16xf32>
      %get3A_249 = arith.constant 4 : i32
      %get3A_250 = arith.index_cast %get3A_249 : i32 to index
      %get3A_251 = arith.constant 48 : index
      %get3A_252 = tpu.vector_load %arg12[%get3A_250, %get3A_251] {strides = array<i32>} : memref<22x64xf32, #tpu.memory_space<vmem>>, vector<1x16xf32>,
      %get3A_253 = vector.shape_cast %get3A_252 : vector<1x16xf32> to vector<16xf32>
      %mul3A_254 = arith.mulf %broadcast_in_dim3A_227, %get3A_253 : vector<16xf32>
      %add3A_255 = arith.addf %add3A_224, %mul3A_254 : vector<16xf32>
      %slice3A_256 = vector.extract_strided_slice %get3A_86 {offsets = [5], sizes = [1], strides = [1]} : vector<16xf32> to vector<1xf32>
      %squeeze3A_257 = vector.extract %slice3A_256[0] : f32 from vector<1xf32>
      %broadcast_in_dim3A_258 = vector.broadcast %squeeze3A_257 : f32 to vector<16xf32>
      %get3A_259 = arith.constant 5 : i32
      %get3A_260 = arith.index_cast %get3A_259 : i32 to index
      %get3A_261 = arith.constant 0 : index
      %get3A_262 = tpu.vector_load %arg12[%get3A_260, %get3A_261] {strides = array<i32>} : memref<22x64xf32, #tpu.memory_space<vmem>>, vector<1x16xf32>,
      %get3A_263 = vector.shape_cast %get3A_262 : vector<1x16xf32> to vector<16xf32>
      %mul3A_264 = arith.mulf %broadcast_in_dim3A_258, %get3A_263 : vector<16xf32>
      %add3A_265 = arith.addf %add3A_234, %mul3A_264 : vector<16xf32>
      %get3A_266 = arith.constant 5 : i32
      %get3A_267 = arith.index_cast %get3A_266 : i32 to index
      %get3A_268 = arith.constant 16 : index
      %get3A_269 = tpu.vector_load %arg12[%get3A_267, %get3A_268] {strides = array<i32>} : memref<22x64xf32, #tpu.memory_space<vmem>>, vector<1x16xf32>,
      %get3A_270 = vector.shape_cast %get3A_269 : vector<1x16xf32> to vector<16xf32>
      %mul3A_271 = arith.mulf %broadcast_in_dim3A_258, %get3A_270 : vector<16xf32>
      %add3A_272 = arith.addf %add3A_241, %mul3A_271 : vector<16xf32>
      %get3A_273 = arith.constant 5 : i32
      %get3A_274 = arith.index_cast %get3A_273 : i32 to index
      %get3A_275 = arith.constant 32 : index
      %get3A_276 = tpu.vector_load %arg12[%get3A_274, %get3A_275] {strides = array<i32>} : memref<22x64xf32, #tpu.memory_space<vmem>>, vector<1x16xf32>,
      %get3A_277 = vector.shape_cast %get3A_276 : vector<1x16xf32> to vector<16xf32>
      %mul3A_278 = arith.mulf %broadcast_in_dim3A_258, %get3A_277 : vector<16xf32>
      %add3A_279 = arith.addf %add3A_248, %mul3A_278 : vector<16xf32>
      %get3A_280 = arith.constant 5 : i32
      %get3A_281 = arith.index_cast %get3A_280 : i32 to index
      %get3A_282 = arith.constant 48 : index
      %get3A_283 = tpu.vector_load %arg12[%get3A_281, %get3A_282] {strides = array<i32>} : memref<22x64xf32, #tpu.memory_space<vmem>>, vector<1x16xf32>,
      %get3A_284 = vector.shape_cast %get3A_283 : vector<1x16xf32> to vector<16xf32>
      %mul3A_285 = arith.mulf %broadcast_in_dim3A_258, %get3A_284 : vector<16xf32>
      %add3A_286 = arith.addf %add3A_255, %mul3A_285 : vector<16xf32>
      %slice3A_287 = vector.extract_strided_slice %get3A_86 {offsets = [6], sizes = [1], strides = [1]} : vector<16xf32> to vector<1xf32>
      %squeeze3A_288 = vector.extract %slice3A_287[0] : f32 from vector<1xf32>
      %broadcast_in_dim3A_289 = vector.broadcast %squeeze3A_288 : f32 to vector<16xf32>
      %get3A_290 = arith.constant 6 : i32
      %get3A_291 = arith.index_cast %get3A_290 : i32 to index
      %get3A_292 = arith.constant 0 : index
      %get3A_293 = tpu.vector_load %arg12[%get3A_291, %get3A_292] {strides = array<i32>} : memref<22x64xf32, #tpu.memory_space<vmem>>, vector<1x16xf32>,
      %get3A_294 = vector.shape_cast %get3A_293 : vector<1x16xf32> to vector<16xf32>
      %mul3A_295 = arith.mulf %broadcast_in_dim3A_289, %get3A_294 : vector<16xf32>
      %add3A_296 = arith.addf %add3A_265, %mul3A_295 : vector<16xf32>
      %get3A_297 = arith.constant 6 : i32
      %get3A_298 = arith.index_cast %get3A_297 : i32 to index
      %get3A_299 = arith.constant 16 : index
      %get3A_300 = tpu.vector_load %arg12[%get3A_298, %get3A_299] {strides = array<i32>} : memref<22x64xf32, #tpu.memory_space<vmem>>, vector<1x16xf32>,
      %get3A_301 = vector.shape_cast %get3A_300 : vector<1x16xf32> to vector<16xf32>
      %mul3A_302 = arith.mulf %broadcast_in_dim3A_289, %get3A_301 : vector<16xf32>
      %add3A_303 = arith.addf %add3A_272, %mul3A_302 : vector<16xf32>
      %get3A_304 = arith.constant 6 : i32
      %get3A_305 = arith.index_cast %get3A_304 : i32 to index
      %get3A_306 = arith.constant 32 : index
      %get3A_307 = tpu.vector_load %arg12[%get3A_305, %get3A_306] {strides = array<i32>} : memref<22x64xf32, #tpu.memory_space<vmem>>, vector<1x16xf32>,
      %get3A_308 = vector.shape_cast %get3A_307 : vector<1x16xf32> to vector<16xf32>
      %mul3A_309 = arith.mulf %broadcast_in_dim3A_289, %get3A_308 : vector<16xf32>
      %add3A_310 = arith.addf %add3A_279, %mul3A_309 : vector<16xf32>
      %get3A_311 = arith.constant 6 : i32
      %get3A_312 = arith.index_cast %get3A_311 : i32 to index
      %get3A_313 = arith.constant 48 : index
      %get3A_314 = tpu.vector_load %arg12[%get3A_312, %get3A_313] {strides = array<i32>} : memref<22x64xf32, #tpu.memory_space<vmem>>, vector<1x16xf32>,
      %get3A_315 = vector.shape_cast %get3A_314 : vector<1x16xf32> to vector<16xf32>
      %mul3A_316 = arith.mulf %broadcast_in_dim3A_289, %get3A_315 : vector<16xf32>
      %add3A_317 = arith.addf %add3A_286, %mul3A_316 : vector<16xf32>
      %slice3A_318 = vector.extract_strided_slice %get3A_86 {offsets = [7], sizes = [1], strides = [1]} : vector<16xf32> to vector<1xf32>
      %squeeze3A_319 = vector.extract %slice3A_318[0] : f32 from vector<1xf32>
      %broadcast_in_dim3A_320 = vector.broadcast %squeeze3A_319 : f32 to vector<16xf32>
      %get3A_321 = arith.constant 7 : i32
      %get3A_322 = arith.index_cast %get3A_321 : i32 to index
      %get3A_323 = arith.constant 0 : index
      %get3A_324 = tpu.vector_load %arg12[%get3A_322, %get3A_323] {strides = array<i32>} : memref<22x64xf32, #tpu.memory_space<vmem>>, vector<1x16xf32>,
      %get3A_325 = vector.shape_cast %get3A_324 : vector<1x16xf32> to vector<16xf32>
      %mul3A_326 = arith.mulf %broadcast_in_dim3A_320, %get3A_325 : vector<16xf32>
      %add3A_327 = arith.addf %add3A_296, %mul3A_326 : vector<16xf32>
      %get3A_328 = arith.constant 7 : i32
      %get3A_329 = arith.index_cast %get3A_328 : i32 to index
      %get3A_330 = arith.constant 16 : index
      %get3A_331 = tpu.vector_load %arg12[%get3A_329, %get3A_330] {strides = array<i32>} : memref<22x64xf32, #tpu.memory_space<vmem>>, vector<1x16xf32>,
      %get3A_332 = vector.shape_cast %get3A_331 : vector<1x16xf32> to vector<16xf32>
      %mul3A_333 = arith.mulf %broadcast_in_dim3A_320, %get3A_332 : vector<16xf32>
      %add3A_334 = arith.addf %add3A_303, %mul3A_333 : vector<16xf32>
      %get3A_335 = arith.constant 7 : i32
      %get3A_336 = arith.index_cast %get3A_335 : i32 to index
      %get3A_337 = arith.constant 32 : index
      %get3A_338 = tpu.vector_load %arg12[%get3A_336, %get3A_337] {strides = array<i32>} : memref<22x64xf32, #tpu.memory_space<vmem>>, vector<1x16xf32>,
      %get3A_339 = vector.shape_cast %get3A_338 : vector<1x16xf32> to vector<16xf32>
      %mul3A_340 = arith.mulf %broadcast_in_dim3A_320, %get3A_339 : vector<16xf32>
      %add3A_341 = arith.addf %add3A_310, %mul3A_340 : vector<16xf32>
      %get3A_342 = arith.constant 7 : i32
      %get3A_343 = arith.index_cast %get3A_342 : i32 to index
      %get3A_344 = arith.constant 48 : index
      %get3A_345 = tpu.vector_load %arg12[%get3A_343, %get3A_344] {strides = array<i32>} : memref<22x64xf32, #tpu.memory_space<vmem>>, vector<1x16xf32>,
      %get3A_346 = vector.shape_cast %get3A_345 : vector<1x16xf32> to vector<16xf32>
      %mul3A_347 = arith.mulf %broadcast_in_dim3A_320, %get3A_346 : vector<16xf32>
      %add3A_348 = arith.addf %add3A_317, %mul3A_347 : vector<16xf32>
      %slice3A_349 = vector.extract_strided_slice %get3A_86 {offsets = [8], sizes = [1], strides = [1]} : vector<16xf32> to vector<1xf32>
      %squeeze3A_350 = vector.extract %slice3A_349[0] : f32 from vector<1xf32>
      %broadcast_in_dim3A_351 = vector.broadcast %squeeze3A_350 : f32 to vector<16xf32>
      %get3A_352 = arith.constant 8 : i32
      %get3A_353 = arith.index_cast %get3A_352 : i32 to index
      %get3A_354 = arith.constant 0 : index
      %get3A_355 = tpu.vector_load %arg12[%get3A_353, %get3A_354] {strides = array<i32>} : memref<22x64xf32, #tpu.memory_space<vmem>>, vector<1x16xf32>,
      %get3A_356 = vector.shape_cast %get3A_355 : vector<1x16xf32> to vector<16xf32>
      %mul3A_357 = arith.mulf %broadcast_in_dim3A_351, %get3A_356 : vector<16xf32>
      %add3A_358 = arith.addf %add3A_327, %mul3A_357 : vector<16xf32>
      %get3A_359 = arith.constant 8 : i32
      %get3A_360 = arith.index_cast %get3A_359 : i32 to index
      %get3A_361 = arith.constant 16 : index
      %get3A_362 = tpu.vector_load %arg12[%get3A_360, %get3A_361] {strides = array<i32>} : memref<22x64xf32, #tpu.memory_space<vmem>>, vector<1x16xf32>,
      %get3A_363 = vector.shape_cast %get3A_362 : vector<1x16xf32> to vector<16xf32>
      %mul3A_364 = arith.mulf %broadcast_in_dim3A_351, %get3A_363 : vector<16xf32>
      %add3A_365 = arith.addf %add3A_334, %mul3A_364 : vector<16xf32>
      %get3A_366 = arith.constant 8 : i32
      %get3A_367 = arith.index_cast %get3A_366 : i32 to index
      %get3A_368 = arith.constant 32 : index
      %get3A_369 = tpu.vector_load %arg12[%get3A_367, %get3A_368] {strides = array<i32>} : memref<22x64xf32, #tpu.memory_space<vmem>>, vector<1x16xf32>,
      %get3A_370 = vector.shape_cast %get3A_369 : vector<1x16xf32> to vector<16xf32>
      %mul3A_371 = arith.mulf %broadcast_in_dim3A_351, %get3A_370 : vector<16xf32>
      %add3A_372 = arith.addf %add3A_341, %mul3A_371 : vector<16xf32>
      %get3A_373 = arith.constant 8 : i32
      %get3A_374 = arith.index_cast %get3A_373 : i32 to index
      %get3A_375 = arith.constant 48 : index
      %get3A_376 = tpu.vector_load %arg12[%get3A_374, %get3A_375] {strides = array<i32>} : memref<22x64xf32, #tpu.memory_space<vmem>>, vector<1x16xf32>,
      %get3A_377 = vector.shape_cast %get3A_376 : vector<1x16xf32> to vector<16xf32>
      %mul3A_378 = arith.mulf %broadcast_in_dim3A_351, %get3A_377 : vector<16xf32>
      %add3A_379 = arith.addf %add3A_348, %mul3A_378 : vector<16xf32>
      %slice3A_380 = vector.extract_strided_slice %get3A_86 {offsets = [9], sizes = [1], strides = [1]} : vector<16xf32> to vector<1xf32>
      %squeeze3A_381 = vector.extract %slice3A_380[0] : f32 from vector<1xf32>
      %broadcast_in_dim3A_382 = vector.broadcast %squeeze3A_381 : f32 to vector<16xf32>
      %get3A_383 = arith.constant 9 : i32
      %get3A_384 = arith.index_cast %get3A_383 : i32 to index
      %get3A_385 = arith.constant 0 : index
      %get3A_386 = tpu.vector_load %arg12[%get3A_384, %get3A_385] {strides = array<i32>} : memref<22x64xf32, #tpu.memory_space<vmem>>, vector<1x16xf32>,
      %get3A_387 = vector.shape_cast %get3A_386 : vector<1x16xf32> to vector<16xf32>
      %mul3A_388 = arith.mulf %broadcast_in_dim3A_382, %get3A_387 : vector<16xf32>
      %add3A_389 = arith.addf %add3A_358, %mul3A_388 : vector<16xf32>
      %get3A_390 = arith.constant 9 : i32
      %get3A_391 = arith.index_cast %get3A_390 : i32 to index
      %get3A_392 = arith.constant 16 : index
      %get3A_393 = tpu.vector_load %arg12[%get3A_391, %get3A_392] {strides = array<i32>} : memref<22x64xf32, #tpu.memory_space<vmem>>, vector<1x16xf32>,
      %get3A_394 = vector.shape_cast %get3A_393 : vector<1x16xf32> to vector<16xf32>
      %mul3A_395 = arith.mulf %broadcast_in_dim3A_382, %get3A_394 : vector<16xf32>
      %add3A_396 = arith.addf %add3A_365, %mul3A_395 : vector<16xf32>
      %get3A_397 = arith.constant 9 : i32
      %get3A_398 = arith.index_cast %get3A_397 : i32 to index
      %get3A_399 = arith.constant 32 : index
      %get3A_400 = tpu.vector_load %arg12[%get3A_398, %get3A_399] {strides = array<i32>} : memref<22x64xf32, #tpu.memory_space<vmem>>, vector<1x16xf32>,
      %get3A_401 = vector.shape_cast %get3A_400 : vector<1x16xf32> to vector<16xf32>
      %mul3A_402 = arith.mulf %broadcast_in_dim3A_382, %get3A_401 : vector<16xf32>
      %add3A_403 = arith.addf %add3A_372, %mul3A_402 : vector<16xf32>
      %get3A_404 = arith.constant 9 : i32
      %get3A_405 = arith.index_cast %get3A_404 : i32 to index
      %get3A_406 = arith.constant 48 : index
      %get3A_407 = tpu.vector_load %arg12[%get3A_405, %get3A_406] {strides = array<i32>} : memref<22x64xf32, #tpu.memory_space<vmem>>, vector<1x16xf32>,
      %get3A_408 = vector.shape_cast %get3A_407 : vector<1x16xf32> to vector<16xf32>
      %mul3A_409 = arith.mulf %broadcast_in_dim3A_382, %get3A_408 : vector<16xf32>
      %add3A_410 = arith.addf %add3A_379, %mul3A_409 : vector<16xf32>
      %slice3A_411 = vector.extract_strided_slice %get3A_86 {offsets = [10], sizes = [1], strides = [1]} : vector<16xf32> to vector<1xf32>
      %squeeze3A_412 = vector.extract %slice3A_411[0] : f32 from vector<1xf32>
      %broadcast_in_dim3A_413 = vector.broadcast %squeeze3A_412 : f32 to vector<16xf32>
      %get3A_414 = arith.constant 10 : i32
      %get3A_415 = arith.index_cast %get3A_414 : i32 to index
      %get3A_416 = arith.constant 0 : index
      %get3A_417 = tpu.vector_load %arg12[%get3A_415, %get3A_416] {strides = array<i32>} : memref<22x64xf32, #tpu.memory_space<vmem>>, vector<1x16xf32>,
      %get3A_418 = vector.shape_cast %get3A_417 : vector<1x16xf32> to vector<16xf32>
      %mul3A_419 = arith.mulf %broadcast_in_dim3A_413, %get3A_418 : vector<16xf32>
      %add3A_420 = arith.addf %add3A_389, %mul3A_419 : vector<16xf32>
      %get3A_421 = arith.constant 10 : i32
      %get3A_422 = arith.index_cast %get3A_421 : i32 to index
      %get3A_423 = arith.constant 16 : index
      %get3A_424 = tpu.vector_load %arg12[%get3A_422, %get3A_423] {strides = array<i32>} : memref<22x64xf32, #tpu.memory_space<vmem>>, vector<1x16xf32>,
      %get3A_425 = vector.shape_cast %get3A_424 : vector<1x16xf32> to vector<16xf32>
      %mul3A_426 = arith.mulf %broadcast_in_dim3A_413, %get3A_425 : vector<16xf32>
      %add3A_427 = arith.addf %add3A_396, %mul3A_426 : vector<16xf32>
      %get3A_428 = arith.constant 10 : i32
      %get3A_429 = arith.index_cast %get3A_428 : i32 to index
      %get3A_430 = arith.constant 32 : index
      %get3A_431 = tpu.vector_load %arg12[%get3A_429, %get3A_430] {strides = array<i32>} : memref<22x64xf32, #tpu.memory_space<vmem>>, vector<1x16xf32>,
      %get3A_432 = vector.shape_cast %get3A_431 : vector<1x16xf32> to vector<16xf32>
      %mul3A_433 = arith.mulf %broadcast_in_dim3A_413, %get3A_432 : vector<16xf32>
      %add3A_434 = arith.addf %add3A_403, %mul3A_433 : vector<16xf32>
      %get3A_435 = arith.constant 10 : i32
      %get3A_436 = arith.index_cast %get3A_435 : i32 to index
      %get3A_437 = arith.constant 48 : index
      %get3A_438 = tpu.vector_load %arg12[%get3A_436, %get3A_437] {strides = array<i32>} : memref<22x64xf32, #tpu.memory_space<vmem>>, vector<1x16xf32>,
      %get3A_439 = vector.shape_cast %get3A_438 : vector<1x16xf32> to vector<16xf32>
      %mul3A_440 = arith.mulf %broadcast_in_dim3A_413, %get3A_439 : vector<16xf32>
      %add3A_441 = arith.addf %add3A_410, %mul3A_440 : vector<16xf32>
      %slice3A_442 = vector.extract_strided_slice %get3A_86 {offsets = [11], sizes = [1], strides = [1]} : vector<16xf32> to vector<1xf32>
      %squeeze3A_443 = vector.extract %slice3A_442[0] : f32 from vector<1xf32>
      %broadcast_in_dim3A_444 = vector.broadcast %squeeze3A_443 : f32 to vector<16xf32>
      %get3A_445 = arith.constant 11 : i32
      %get3A_446 = arith.index_cast %get3A_445 : i32 to index
      %get3A_447 = arith.constant 0 : index
      %get3A_448 = tpu.vector_load %arg12[%get3A_446, %get3A_447] {strides = array<i32>} : memref<22x64xf32, #tpu.memory_space<vmem>>, vector<1x16xf32>,
      %get3A_449 = vector.shape_cast %get3A_448 : vector<1x16xf32> to vector<16xf32>
      %mul3A_450 = arith.mulf %broadcast_in_dim3A_444, %get3A_449 : vector<16xf32>
      %add3A_451 = arith.addf %add3A_420, %mul3A_450 : vector<16xf32>
      %get3A_452 = arith.constant 11 : i32
      %get3A_453 = arith.index_cast %get3A_452 : i32 to index
      %get3A_454 = arith.constant 16 : index
      %get3A_455 = tpu.vector_load %arg12[%get3A_453, %get3A_454] {strides = array<i32>} : memref<22x64xf32, #tpu.memory_space<vmem>>, vector<1x16xf32>,
      %get3A_456 = vector.shape_cast %get3A_455 : vector<1x16xf32> to vector<16xf32>
      %mul3A_457 = arith.mulf %broadcast_in_dim3A_444, %get3A_456 : vector<16xf32>
      %add3A_458 = arith.addf %add3A_427, %mul3A_457 : vector<16xf32>
      %get3A_459 = arith.constant 11 : i32
      %get3A_460 = arith.index_cast %get3A_459 : i32 to index
      %get3A_461 = arith.constant 32 : index
      %get3A_462 = tpu.vector_load %arg12[%get3A_460, %get3A_461] {strides = array<i32>} : memref<22x64xf32, #tpu.memory_space<vmem>>, vector<1x16xf32>,
      %get3A_463 = vector.shape_cast %get3A_462 : vector<1x16xf32> to vector<16xf32>
      %mul3A_464 = arith.mulf %broadcast_in_dim3A_444, %get3A_463 : vector<16xf32>
      %add3A_465 = arith.addf %add3A_434, %mul3A_464 : vector<16xf32>
      %get3A_466 = arith.constant 11 : i32
      %get3A_467 = arith.index_cast %get3A_466 : i32 to index
      %get3A_468 = arith.constant 48 : index
      %get3A_469 = tpu.vector_load %arg12[%get3A_467, %get3A_468] {strides = array<i32>} : memref<22x64xf32, #tpu.memory_space<vmem>>, vector<1x16xf32>,
      %get3A_470 = vector.shape_cast %get3A_469 : vector<1x16xf32> to vector<16xf32>
      %mul3A_471 = arith.mulf %broadcast_in_dim3A_444, %get3A_470 : vector<16xf32>
      %add3A_472 = arith.addf %add3A_441, %mul3A_471 : vector<16xf32>
      %slice3A_473 = vector.extract_strided_slice %get3A_86 {offsets = [12], sizes = [1], strides = [1]} : vector<16xf32> to vector<1xf32>
      %squeeze3A_474 = vector.extract %slice3A_473[0] : f32 from vector<1xf32>
      %broadcast_in_dim3A_475 = vector.broadcast %squeeze3A_474 : f32 to vector<16xf32>
      %get3A_476 = arith.constant 12 : i32
      %get3A_477 = arith.index_cast %get3A_476 : i32 to index
      %get3A_478 = arith.constant 0 : index
      %get3A_479 = tpu.vector_load %arg12[%get3A_477, %get3A_478] {strides = array<i32>} : memref<22x64xf32, #tpu.memory_space<vmem>>, vector<1x16xf32>,
      %get3A_480 = vector.shape_cast %get3A_479 : vector<1x16xf32> to vector<16xf32>
      %mul3A_481 = arith.mulf %broadcast_in_dim3A_475, %get3A_480 : vector<16xf32>
      %add3A_482 = arith.addf %add3A_451, %mul3A_481 : vector<16xf32>
      %get3A_483 = arith.constant 12 : i32
      %get3A_484 = arith.index_cast %get3A_483 : i32 to index
      %get3A_485 = arith.constant 16 : index
      %get3A_486 = tpu.vector_load %arg12[%get3A_484, %get3A_485] {strides = array<i32>} : memref<22x64xf32, #tpu.memory_space<vmem>>, vector<1x16xf32>,
      %get3A_487 = vector.shape_cast %get3A_486 : vector<1x16xf32> to vector<16xf32>
      %mul3A_488 = arith.mulf %broadcast_in_dim3A_475, %get3A_487 : vector<16xf32>
      %add3A_489 = arith.addf %add3A_458, %mul3A_488 : vector<16xf32>
      %get3A_490 = arith.constant 12 : i32
      %get3A_491 = arith.index_cast %get3A_490 : i32 to index
      %get3A_492 = arith.constant 32 : index
      %get3A_493 = tpu.vector_load %arg12[%get3A_491, %get3A_492] {strides = array<i32>} : memref<22x64xf32, #tpu.memory_space<vmem>>, vector<1x16xf32>,
      %get3A_494 = vector.shape_cast %get3A_493 : vector<1x16xf32> to vector<16xf32>
      %mul3A_495 = arith.mulf %broadcast_in_dim3A_475, %get3A_494 : vector<16xf32>
      %add3A_496 = arith.addf %add3A_465, %mul3A_495 : vector<16xf32>
      %get3A_497 = arith.constant 12 : i32
      %get3A_498 = arith.index_cast %get3A_497 : i32 to index
      %get3A_499 = arith.constant 48 : index
      %get3A_500 = tpu.vector_load %arg12[%get3A_498, %get3A_499] {strides = array<i32>} : memref<22x64xf32, #tpu.memory_space<vmem>>, vector<1x16xf32>,
      %get3A_501 = vector.shape_cast %get3A_500 : vector<1x16xf32> to vector<16xf32>
      %mul3A_502 = arith.mulf %broadcast_in_dim3A_475, %get3A_501 : vector<16xf32>
      %add3A_503 = arith.addf %add3A_472, %mul3A_502 : vector<16xf32>
      %slice3A_504 = vector.extract_strided_slice %get3A_86 {offsets = [13], sizes = [1], strides = [1]} : vector<16xf32> to vector<1xf32>
      %squeeze3A_505 = vector.extract %slice3A_504[0] : f32 from vector<1xf32>
      %broadcast_in_dim3A_506 = vector.broadcast %squeeze3A_505 : f32 to vector<16xf32>
      %get3A_507 = arith.constant 13 : i32
      %get3A_508 = arith.index_cast %get3A_507 : i32 to index
      %get3A_509 = arith.constant 0 : index
      %get3A_510 = tpu.vector_load %arg12[%get3A_508, %get3A_509] {strides = array<i32>} : memref<22x64xf32, #tpu.memory_space<vmem>>, vector<1x16xf32>,
      %get3A_511 = vector.shape_cast %get3A_510 : vector<1x16xf32> to vector<16xf32>
      %mul3A_512 = arith.mulf %broadcast_in_dim3A_506, %get3A_511 : vector<16xf32>
      %add3A_513 = arith.addf %add3A_482, %mul3A_512 : vector<16xf32>
      %get3A_514 = arith.constant 13 : i32
      %get3A_515 = arith.index_cast %get3A_514 : i32 to index
      %get3A_516 = arith.constant 16 : index
      %get3A_517 = tpu.vector_load %arg12[%get3A_515, %get3A_516] {strides = array<i32>} : memref<22x64xf32, #tpu.memory_space<vmem>>, vector<1x16xf32>,
      %get3A_518 = vector.shape_cast %get3A_517 : vector<1x16xf32> to vector<16xf32>
      %mul3A_519 = arith.mulf %broadcast_in_dim3A_506, %get3A_518 : vector<16xf32>
      %add3A_520 = arith.addf %add3A_489, %mul3A_519 : vector<16xf32>
      %get3A_521 = arith.constant 13 : i32
      %get3A_522 = arith.index_cast %get3A_521 : i32 to index
      %get3A_523 = arith.constant 32 : index
      %get3A_524 = tpu.vector_load %arg12[%get3A_522, %get3A_523] {strides = array<i32>} : memref<22x64xf32, #tpu.memory_space<vmem>>, vector<1x16xf32>,
      %get3A_525 = vector.shape_cast %get3A_524 : vector<1x16xf32> to vector<16xf32>
      %mul3A_526 = arith.mulf %broadcast_in_dim3A_506, %get3A_525 : vector<16xf32>
      %add3A_527 = arith.addf %add3A_496, %mul3A_526 : vector<16xf32>
      %get3A_528 = arith.constant 13 : i32
      %get3A_529 = arith.index_cast %get3A_528 : i32 to index
      %get3A_530 = arith.constant 48 : index
      %get3A_531 = tpu.vector_load %arg12[%get3A_529, %get3A_530] {strides = array<i32>} : memref<22x64xf32, #tpu.memory_space<vmem>>, vector<1x16xf32>,
      %get3A_532 = vector.shape_cast %get3A_531 : vector<1x16xf32> to vector<16xf32>
      %mul3A_533 = arith.mulf %broadcast_in_dim3A_506, %get3A_532 : vector<16xf32>
      %add3A_534 = arith.addf %add3A_503, %mul3A_533 : vector<16xf32>
      %slice3A_535 = vector.extract_strided_slice %get3A_86 {offsets = [14], sizes = [1], strides = [1]} : vector<16xf32> to vector<1xf32>
      %squeeze3A_536 = vector.extract %slice3A_535[0] : f32 from vector<1xf32>
      %broadcast_in_dim3A_537 = vector.broadcast %squeeze3A_536 : f32 to vector<16xf32>
      %get3A_538 = arith.constant 14 : i32
      %get3A_539 = arith.index_cast %get3A_538 : i32 to index
      %get3A_540 = arith.constant 0 : index
      %get3A_541 = tpu.vector_load %arg12[%get3A_539, %get3A_540] {strides = array<i32>} : memref<22x64xf32, #tpu.memory_space<vmem>>, vector<1x16xf32>,
      %get3A_542 = vector.shape_cast %get3A_541 : vector<1x16xf32> to vector<16xf32>
      %mul3A_543 = arith.mulf %broadcast_in_dim3A_537, %get3A_542 : vector<16xf32>
      %add3A_544 = arith.addf %add3A_513, %mul3A_543 : vector<16xf32>
      %get3A_545 = arith.constant 14 : i32
      %get3A_546 = arith.index_cast %get3A_545 : i32 to index
      %get3A_547 = arith.constant 16 : index
      %get3A_548 = tpu.vector_load %arg12[%get3A_546, %get3A_547] {strides = array<i32>} : memref<22x64xf32, #tpu.memory_space<vmem>>, vector<1x16xf32>,
      %get3A_549 = vector.shape_cast %get3A_548 : vector<1x16xf32> to vector<16xf32>
      %mul3A_550 = arith.mulf %broadcast_in_dim3A_537, %get3A_549 : vector<16xf32>
      %add3A_551 = arith.addf %add3A_520, %mul3A_550 : vector<16xf32>
      %get3A_552 = arith.constant 14 : i32
      %get3A_553 = arith.index_cast %get3A_552 : i32 to index
      %get3A_554 = arith.constant 32 : index
      %get3A_555 = tpu.vector_load %arg12[%get3A_553, %get3A_554] {strides = array<i32>} : memref<22x64xf32, #tpu.memory_space<vmem>>, vector<1x16xf32>,
      %get3A_556 = vector.shape_cast %get3A_555 : vector<1x16xf32> to vector<16xf32>
      %mul3A_557 = arith.mulf %broadcast_in_dim3A_537, %get3A_556 : vector<16xf32>
      %add3A_558 = arith.addf %add3A_527, %mul3A_557 : vector<16xf32>
      %get3A_559 = arith.constant 14 : i32
      %get3A_560 = arith.index_cast %get3A_559 : i32 to index
      %get3A_561 = arith.constant 48 : index
      %get3A_562 = tpu.vector_load %arg12[%get3A_560, %get3A_561] {strides = array<i32>} : memref<22x64xf32, #tpu.memory_space<vmem>>, vector<1x16xf32>,
      %get3A_563 = vector.shape_cast %get3A_562 : vector<1x16xf32> to vector<16xf32>
      %mul3A_564 = arith.mulf %broadcast_in_dim3A_537, %get3A_563 : vector<16xf32>
      %add3A_565 = arith.addf %add3A_534, %mul3A_564 : vector<16xf32>
      %slice3A_566 = vector.extract_strided_slice %get3A_86 {offsets = [15], sizes = [1], strides = [1]} : vector<16xf32> to vector<1xf32>
      %squeeze3A_567 = vector.extract %slice3A_566[0] : f32 from vector<1xf32>
      %broadcast_in_dim3A_568 = vector.broadcast %squeeze3A_567 : f32 to vector<16xf32>
      %get3A_569 = arith.constant 15 : i32
      %get3A_570 = arith.index_cast %get3A_569 : i32 to index
      %get3A_571 = arith.constant 0 : index
      %get3A_572 = tpu.vector_load %arg12[%get3A_570, %get3A_571] {strides = array<i32>} : memref<22x64xf32, #tpu.memory_space<vmem>>, vector<1x16xf32>,
      %get3A_573 = vector.shape_cast %get3A_572 : vector<1x16xf32> to vector<16xf32>
      %mul3A_574 = arith.mulf %broadcast_in_dim3A_568, %get3A_573 : vector<16xf32>
      %add3A_575 = arith.addf %add3A_544, %mul3A_574 : vector<16xf32>
      %get3A_576 = arith.constant 15 : i32
      %get3A_577 = arith.index_cast %get3A_576 : i32 to index
      %get3A_578 = arith.constant 16 : index
      %get3A_579 = tpu.vector_load %arg12[%get3A_577, %get3A_578] {strides = array<i32>} : memref<22x64xf32, #tpu.memory_space<vmem>>, vector<1x16xf32>,
      %get3A_580 = vector.shape_cast %get3A_579 : vector<1x16xf32> to vector<16xf32>
      %mul3A_581 = arith.mulf %broadcast_in_dim3A_568, %get3A_580 : vector<16xf32>
      %add3A_582 = arith.addf %add3A_551, %mul3A_581 : vector<16xf32>
      %get3A_583 = arith.constant 15 : i32
      %get3A_584 = arith.index_cast %get3A_583 : i32 to index
      %get3A_585 = arith.constant 32 : index
      %get3A_586 = tpu.vector_load %arg12[%get3A_584, %get3A_585] {strides = array<i32>} : memref<22x64xf32, #tpu.memory_space<vmem>>, vector<1x16xf32>,
      %get3A_587 = vector.shape_cast %get3A_586 : vector<1x16xf32> to vector<16xf32>
      %mul3A_588 = arith.mulf %broadcast_in_dim3A_568, %get3A_587 : vector<16xf32>
      %add3A_589 = arith.addf %add3A_558, %mul3A_588 : vector<16xf32>
      %get3A_590 = arith.constant 15 : i32
      %get3A_591 = arith.index_cast %get3A_590 : i32 to index
      %get3A_592 = arith.constant 48 : index
      %get3A_593 = tpu.vector_load %arg12[%get3A_591, %get3A_592] {strides = array<i32>} : memref<22x64xf32, #tpu.memory_space<vmem>>, vector<1x16xf32>,
      %get3A_594 = vector.shape_cast %get3A_593 : vector<1x16xf32> to vector<16xf32>
      %mul3A_595 = arith.mulf %broadcast_in_dim3A_568, %get3A_594 : vector<16xf32>
      %add3A_596 = arith.addf %add3A_565, %mul3A_595 : vector<16xf32>
      %slice3A_597 = vector.extract_strided_slice %get3A_91 {offsets = [0], sizes = [1], strides = [1]} : vector<16xf32> to vector<1xf32>
      %squeeze3A_598 = vector.extract %slice3A_597[0] : f32 from vector<1xf32>
      %broadcast_in_dim3A_599 = vector.broadcast %squeeze3A_598 : f32 to vector<16xf32>
      %get3A_600 = arith.constant 16 : i32
      %get3A_601 = arith.index_cast %get3A_600 : i32 to index
      %get3A_602 = arith.constant 0 : index
      %get3A_603 = tpu.vector_load %arg12[%get3A_601, %get3A_602] {strides = array<i32>} : memref<22x64xf32, #tpu.memory_space<vmem>>, vector<1x16xf32>,
      %get3A_604 = vector.shape_cast %get3A_603 : vector<1x16xf32> to vector<16xf32>
      %mul3A_605 = arith.mulf %broadcast_in_dim3A_599, %get3A_604 : vector<16xf32>
      %add3A_606 = arith.addf %add3A_575, %mul3A_605 : vector<16xf32>
      %get3A_607 = arith.constant 16 : i32
      %get3A_608 = arith.index_cast %get3A_607 : i32 to index
      %get3A_609 = arith.constant 16 : index
      %get3A_610 = tpu.vector_load %arg12[%get3A_608, %get3A_609] {strides = array<i32>} : memref<22x64xf32, #tpu.memory_space<vmem>>, vector<1x16xf32>,
      %get3A_611 = vector.shape_cast %get3A_610 : vector<1x16xf32> to vector<16xf32>
      %mul3A_612 = arith.mulf %broadcast_in_dim3A_599, %get3A_611 : vector<16xf32>
      %add3A_613 = arith.addf %add3A_582, %mul3A_612 : vector<16xf32>
      %get3A_614 = arith.constant 16 : i32
      %get3A_615 = arith.index_cast %get3A_614 : i32 to index
      %get3A_616 = arith.constant 32 : index
      %get3A_617 = tpu.vector_load %arg12[%get3A_615, %get3A_616] {strides = array<i32>} : memref<22x64xf32, #tpu.memory_space<vmem>>, vector<1x16xf32>,
      %get3A_618 = vector.shape_cast %get3A_617 : vector<1x16xf32> to vector<16xf32>
      %mul3A_619 = arith.mulf %broadcast_in_dim3A_599, %get3A_618 : vector<16xf32>
      %add3A_620 = arith.addf %add3A_589, %mul3A_619 : vector<16xf32>
      %get3A_621 = arith.constant 16 : i32
      %get3A_622 = arith.index_cast %get3A_621 : i32 to index
      %get3A_623 = arith.constant 48 : index
      %get3A_624 = tpu.vector_load %arg12[%get3A_622, %get3A_623] {strides = array<i32>} : memref<22x64xf32, #tpu.memory_space<vmem>>, vector<1x16xf32>,
      %get3A_625 = vector.shape_cast %get3A_624 : vector<1x16xf32> to vector<16xf32>
      %mul3A_626 = arith.mulf %broadcast_in_dim3A_599, %get3A_625 : vector<16xf32>
      %add3A_627 = arith.addf %add3A_596, %mul3A_626 : vector<16xf32>
      %slice3A_628 = vector.extract_strided_slice %get3A_91 {offsets = [1], sizes = [1], strides = [1]} : vector<16xf32> to vector<1xf32>
      %squeeze3A_629 = vector.extract %slice3A_628[0] : f32 from vector<1xf32>
      %broadcast_in_dim3A_630 = vector.broadcast %squeeze3A_629 : f32 to vector<16xf32>
      %get3A_631 = arith.constant 17 : i32
      %get3A_632 = arith.index_cast %get3A_631 : i32 to index
      %get3A_633 = arith.constant 0 : index
      %get3A_634 = tpu.vector_load %arg12[%get3A_632, %get3A_633] {strides = array<i32>} : memref<22x64xf32, #tpu.memory_space<vmem>>, vector<1x16xf32>,
      %get3A_635 = vector.shape_cast %get3A_634 : vector<1x16xf32> to vector<16xf32>
      %mul3A_636 = arith.mulf %broadcast_in_dim3A_630, %get3A_635 : vector<16xf32>
      %add3A_637 = arith.addf %add3A_606, %mul3A_636 : vector<16xf32>
      %get3A_638 = arith.constant 17 : i32
      %get3A_639 = arith.index_cast %get3A_638 : i32 to index
      %get3A_640 = arith.constant 16 : index
      %get3A_641 = tpu.vector_load %arg12[%get3A_639, %get3A_640] {strides = array<i32>} : memref<22x64xf32, #tpu.memory_space<vmem>>, vector<1x16xf32>,
      %get3A_642 = vector.shape_cast %get3A_641 : vector<1x16xf32> to vector<16xf32>
      %mul3A_643 = arith.mulf %broadcast_in_dim3A_630, %get3A_642 : vector<16xf32>
      %add3A_644 = arith.addf %add3A_613, %mul3A_643 : vector<16xf32>
      %get3A_645 = arith.constant 17 : i32
      %get3A_646 = arith.index_cast %get3A_645 : i32 to index
      %get3A_647 = arith.constant 32 : index
      %get3A_648 = tpu.vector_load %arg12[%get3A_646, %get3A_647] {strides = array<i32>} : memref<22x64xf32, #tpu.memory_space<vmem>>, vector<1x16xf32>,
      %get3A_649 = vector.shape_cast %get3A_648 : vector<1x16xf32> to vector<16xf32>
      %mul3A_650 = arith.mulf %broadcast_in_dim3A_630, %get3A_649 : vector<16xf32>
      %add3A_651 = arith.addf %add3A_620, %mul3A_650 : vector<16xf32>
      %get3A_652 = arith.constant 17 : i32
      %get3A_653 = arith.index_cast %get3A_652 : i32 to index
      %get3A_654 = arith.constant 48 : index
      %get3A_655 = tpu.vector_load %arg12[%get3A_653, %get3A_654] {strides = array<i32>} : memref<22x64xf32, #tpu.memory_space<vmem>>, vector<1x16xf32>,
      %get3A_656 = vector.shape_cast %get3A_655 : vector<1x16xf32> to vector<16xf32>
      %mul3A_657 = arith.mulf %broadcast_in_dim3A_630, %get3A_656 : vector<16xf32>
      %add3A_658 = arith.addf %add3A_627, %mul3A_657 : vector<16xf32>
      %slice3A_659 = vector.extract_strided_slice %get3A_91 {offsets = [2], sizes = [1], strides = [1]} : vector<16xf32> to vector<1xf32>
      %squeeze3A_660 = vector.extract %slice3A_659[0] : f32 from vector<1xf32>
      %broadcast_in_dim3A_661 = vector.broadcast %squeeze3A_660 : f32 to vector<16xf32>
      %get3A_662 = arith.constant 18 : i32
      %get3A_663 = arith.index_cast %get3A_662 : i32 to index
      %get3A_664 = arith.constant 0 : index
      %get3A_665 = tpu.vector_load %arg12[%get3A_663, %get3A_664] {strides = array<i32>} : memref<22x64xf32, #tpu.memory_space<vmem>>, vector<1x16xf32>,
      %get3A_666 = vector.shape_cast %get3A_665 : vector<1x16xf32> to vector<16xf32>
      %mul3A_667 = arith.mulf %broadcast_in_dim3A_661, %get3A_666 : vector<16xf32>
      %add3A_668 = arith.addf %add3A_637, %mul3A_667 : vector<16xf32>
      %get3A_669 = arith.constant 18 : i32
      %get3A_670 = arith.index_cast %get3A_669 : i32 to index
      %get3A_671 = arith.constant 16 : index
      %get3A_672 = tpu.vector_load %arg12[%get3A_670, %get3A_671] {strides = array<i32>} : memref<22x64xf32, #tpu.memory_space<vmem>>, vector<1x16xf32>,
      %get3A_673 = vector.shape_cast %get3A_672 : vector<1x16xf32> to vector<16xf32>
      %mul3A_674 = arith.mulf %broadcast_in_dim3A_661, %get3A_673 : vector<16xf32>
      %add3A_675 = arith.addf %add3A_644, %mul3A_674 : vector<16xf32>
      %get3A_676 = arith.constant 18 : i32
      %get3A_677 = arith.index_cast %get3A_676 : i32 to index
      %get3A_678 = arith.constant 32 : index
      %get3A_679 = tpu.vector_load %arg12[%get3A_677, %get3A_678] {strides = array<i32>} : memref<22x64xf32, #tpu.memory_space<vmem>>, vector<1x16xf32>,
      %get3A_680 = vector.shape_cast %get3A_679 : vector<1x16xf32> to vector<16xf32>
      %mul3A_681 = arith.mulf %broadcast_in_dim3A_661, %get3A_680 : vector<16xf32>
      %add3A_682 = arith.addf %add3A_651, %mul3A_681 : vector<16xf32>
      %get3A_683 = arith.constant 18 : i32
      %get3A_684 = arith.index_cast %get3A_683 : i32 to index
      %get3A_685 = arith.constant 48 : index
      %get3A_686 = tpu.vector_load %arg12[%get3A_684, %get3A_685] {strides = array<i32>} : memref<22x64xf32, #tpu.memory_space<vmem>>, vector<1x16xf32>,
      %get3A_687 = vector.shape_cast %get3A_686 : vector<1x16xf32> to vector<16xf32>
      %mul3A_688 = arith.mulf %broadcast_in_dim3A_661, %get3A_687 : vector<16xf32>
      %add3A_689 = arith.addf %add3A_658, %mul3A_688 : vector<16xf32>
      %slice3A_690 = vector.extract_strided_slice %get3A_91 {offsets = [3], sizes = [1], strides = [1]} : vector<16xf32> to vector<1xf32>
      %squeeze3A_691 = vector.extract %slice3A_690[0] : f32 from vector<1xf32>
      %broadcast_in_dim3A_692 = vector.broadcast %squeeze3A_691 : f32 to vector<16xf32>
      %get3A_693 = arith.constant 19 : i32
      %get3A_694 = arith.index_cast %get3A_693 : i32 to index
      %get3A_695 = arith.constant 0 : index
      %get3A_696 = tpu.vector_load %arg12[%get3A_694, %get3A_695] {strides = array<i32>} : memref<22x64xf32, #tpu.memory_space<vmem>>, vector<1x16xf32>,
      %get3A_697 = vector.shape_cast %get3A_696 : vector<1x16xf32> to vector<16xf32>
      %mul3A_698 = arith.mulf %broadcast_in_dim3A_692, %get3A_697 : vector<16xf32>
      %add3A_699 = arith.addf %add3A_668, %mul3A_698 : vector<16xf32>
      %get3A_700 = arith.constant 19 : i32
      %get3A_701 = arith.index_cast %get3A_700 : i32 to index
      %get3A_702 = arith.constant 16 : index
      %get3A_703 = tpu.vector_load %arg12[%get3A_701, %get3A_702] {strides = array<i32>} : memref<22x64xf32, #tpu.memory_space<vmem>>, vector<1x16xf32>,
      %get3A_704 = vector.shape_cast %get3A_703 : vector<1x16xf32> to vector<16xf32>
      %mul3A_705 = arith.mulf %broadcast_in_dim3A_692, %get3A_704 : vector<16xf32>
      %add3A_706 = arith.addf %add3A_675, %mul3A_705 : vector<16xf32>
      %get3A_707 = arith.constant 19 : i32
      %get3A_708 = arith.index_cast %get3A_707 : i32 to index
      %get3A_709 = arith.constant 32 : index
      %get3A_710 = tpu.vector_load %arg12[%get3A_708, %get3A_709] {strides = array<i32>} : memref<22x64xf32, #tpu.memory_space<vmem>>, vector<1x16xf32>,
      %get3A_711 = vector.shape_cast %get3A_710 : vector<1x16xf32> to vector<16xf32>
      %mul3A_712 = arith.mulf %broadcast_in_dim3A_692, %get3A_711 : vector<16xf32>
      %add3A_713 = arith.addf %add3A_682, %mul3A_712 : vector<16xf32>
      %get3A_714 = arith.constant 19 : i32
      %get3A_715 = arith.index_cast %get3A_714 : i32 to index
      %get3A_716 = arith.constant 48 : index
      %get3A_717 = tpu.vector_load %arg12[%get3A_715, %get3A_716] {strides = array<i32>} : memref<22x64xf32, #tpu.memory_space<vmem>>, vector<1x16xf32>,
      %get3A_718 = vector.shape_cast %get3A_717 : vector<1x16xf32> to vector<16xf32>
      %mul3A_719 = arith.mulf %broadcast_in_dim3A_692, %get3A_718 : vector<16xf32>
      %add3A_720 = arith.addf %add3A_689, %mul3A_719 : vector<16xf32>
      %slice3A_721 = vector.extract_strided_slice %get3A_91 {offsets = [4], sizes = [1], strides = [1]} : vector<16xf32> to vector<1xf32>
      %squeeze3A_722 = vector.extract %slice3A_721[0] : f32 from vector<1xf32>
      %broadcast_in_dim3A_723 = vector.broadcast %squeeze3A_722 : f32 to vector<16xf32>
      %get3A_724 = arith.constant 20 : i32
      %get3A_725 = arith.index_cast %get3A_724 : i32 to index
      %get3A_726 = arith.constant 0 : index
      %get3A_727 = tpu.vector_load %arg12[%get3A_725, %get3A_726] {strides = array<i32>} : memref<22x64xf32, #tpu.memory_space<vmem>>, vector<1x16xf32>,
      %get3A_728 = vector.shape_cast %get3A_727 : vector<1x16xf32> to vector<16xf32>
      %mul3A_729 = arith.mulf %broadcast_in_dim3A_723, %get3A_728 : vector<16xf32>
      %add3A_730 = arith.addf %add3A_699, %mul3A_729 : vector<16xf32>
      %get3A_731 = arith.constant 20 : i32
      %get3A_732 = arith.index_cast %get3A_731 : i32 to index
      %get3A_733 = arith.constant 16 : index
      %get3A_734 = tpu.vector_load %arg12[%get3A_732, %get3A_733] {strides = array<i32>} : memref<22x64xf32, #tpu.memory_space<vmem>>, vector<1x16xf32>,
      %get3A_735 = vector.shape_cast %get3A_734 : vector<1x16xf32> to vector<16xf32>
      %mul3A_736 = arith.mulf %broadcast_in_dim3A_723, %get3A_735 : vector<16xf32>
      %add3A_737 = arith.addf %add3A_706, %mul3A_736 : vector<16xf32>
      %get3A_738 = arith.constant 20 : i32
      %get3A_739 = arith.index_cast %get3A_738 : i32 to index
      %get3A_740 = arith.constant 32 : index
      %get3A_741 = tpu.vector_load %arg12[%get3A_739, %get3A_740] {strides = array<i32>} : memref<22x64xf32, #tpu.memory_space<vmem>>, vector<1x16xf32>,
      %get3A_742 = vector.shape_cast %get3A_741 : vector<1x16xf32> to vector<16xf32>
      %mul3A_743 = arith.mulf %broadcast_in_dim3A_723, %get3A_742 : vector<16xf32>
      %add3A_744 = arith.addf %add3A_713, %mul3A_743 : vector<16xf32>
      %get3A_745 = arith.constant 20 : i32
      %get3A_746 = arith.index_cast %get3A_745 : i32 to index
      %get3A_747 = arith.constant 48 : index
      %get3A_748 = tpu.vector_load %arg12[%get3A_746, %get3A_747] {strides = array<i32>} : memref<22x64xf32, #tpu.memory_space<vmem>>, vector<1x16xf32>,
      %get3A_749 = vector.shape_cast %get3A_748 : vector<1x16xf32> to vector<16xf32>
      %mul3A_750 = arith.mulf %broadcast_in_dim3A_723, %get3A_749 : vector<16xf32>
      %add3A_751 = arith.addf %add3A_720, %mul3A_750 : vector<16xf32>
      %slice3A_752 = vector.extract_strided_slice %get3A_91 {offsets = [5], sizes = [1], strides = [1]} : vector<16xf32> to vector<1xf32>
      %squeeze3A_753 = vector.extract %slice3A_752[0] : f32 from vector<1xf32>
      %broadcast_in_dim3A_754 = vector.broadcast %squeeze3A_753 : f32 to vector<16xf32>
      %get3A_755 = arith.constant 21 : i32
      %get3A_756 = arith.index_cast %get3A_755 : i32 to index
      %get3A_757 = arith.constant 0 : index
      %get3A_758 = tpu.vector_load %arg12[%get3A_756, %get3A_757] {strides = array<i32>} : memref<22x64xf32, #tpu.memory_space<vmem>>, vector<1x16xf32>,
      %get3A_759 = vector.shape_cast %get3A_758 : vector<1x16xf32> to vector<16xf32>
      %mul3A_760 = arith.mulf %broadcast_in_dim3A_754, %get3A_759 : vector<16xf32>
      %add3A_761 = arith.addf %add3A_730, %mul3A_760 : vector<16xf32>
      %get3A_762 = arith.constant 21 : i32
      %get3A_763 = arith.index_cast %get3A_762 : i32 to index
      %get3A_764 = arith.constant 16 : index
      %get3A_765 = tpu.vector_load %arg12[%get3A_763, %get3A_764] {strides = array<i32>} : memref<22x64xf32, #tpu.memory_space<vmem>>, vector<1x16xf32>,
      %get3A_766 = vector.shape_cast %get3A_765 : vector<1x16xf32> to vector<16xf32>
      %mul3A_767 = arith.mulf %broadcast_in_dim3A_754, %get3A_766 : vector<16xf32>
      %add3A_768 = arith.addf %add3A_737, %mul3A_767 : vector<16xf32>
      %get3A_769 = arith.constant 21 : i32
      %get3A_770 = arith.index_cast %get3A_769 : i32 to index
      %get3A_771 = arith.constant 32 : index
      %get3A_772 = tpu.vector_load %arg12[%get3A_770, %get3A_771] {strides = array<i32>} : memref<22x64xf32, #tpu.memory_space<vmem>>, vector<1x16xf32>,
      %get3A_773 = vector.shape_cast %get3A_772 : vector<1x16xf32> to vector<16xf32>
      %mul3A_774 = arith.mulf %broadcast_in_dim3A_754, %get3A_773 : vector<16xf32>
      %add3A_775 = arith.addf %add3A_744, %mul3A_774 : vector<16xf32>
      %get3A_776 = arith.constant 21 : i32
      %get3A_777 = arith.index_cast %get3A_776 : i32 to index
      %get3A_778 = arith.constant 48 : index
      %get3A_779 = tpu.vector_load %arg12[%get3A_777, %get3A_778] {strides = array<i32>} : memref<22x64xf32, #tpu.memory_space<vmem>>, vector<1x16xf32>,
      %get3A_780 = vector.shape_cast %get3A_779 : vector<1x16xf32> to vector<16xf32>
      %mul3A_781 = arith.mulf %broadcast_in_dim3A_754, %get3A_780 : vector<16xf32>
      %add3A_782 = arith.addf %add3A_751, %mul3A_781 : vector<16xf32>
      %max3A = arith.constant 0.000000e+00 : f32
      %max3A_783 = vector.broadcast %max3A : f32 to vector<16xf32>
      %max3A_784 = arith.maximumf %add3A_761, %max3A_783 : vector<16xf32>
      %swap3A = arith.index_cast %add3A_80 : i32 to index
      %swap3A_785 = arith.constant 0 : index
      %swap3A_786 = tpu.vector_load %arg9[%swap3A, %swap3A_785] {strides = array<i32>} : memref<432x64xf32, #tpu.memory_space<vmem>>, vector<1x16xf32>,
      %swap3A_787 = vector.shape_cast %swap3A_786 : vector<1x16xf32> to vector<16xf32>
      %swap3A_788 = vector.shape_cast %max3A_784 : vector<16xf32> to vector<1x16xf32>
      tpu.vector_store %arg9[%swap3A, %swap3A_785], %swap3A_788 {strides = array<i32>} : memref<432x64xf32, #tpu.memory_space<vmem>>, vector<1x16xf32>,
      %max3A_789 = arith.constant 0.000000e+00 : f32
      %max3A_790 = vector.broadcast %max3A_789 : f32 to vector<16xf32>
      %max3A_791 = arith.maximumf %add3A_768, %max3A_790 : vector<16xf32>
      %swap3A_792 = arith.index_cast %add3A_80 : i32 to index
      %swap3A_793 = arith.constant 16 : index
      %swap3A_794 = tpu.vector_load %arg9[%swap3A_792, %swap3A_793] {strides = array<i32>} : memref<432x64xf32, #tpu.memory_space<vmem>>, vector<1x16xf32>,
      %swap3A_795 = vector.shape_cast %swap3A_794 : vector<1x16xf32> to vector<16xf32>
      %swap3A_796 = vector.shape_cast %max3A_791 : vector<16xf32> to vector<1x16xf32>
      tpu.vector_store %arg9[%swap3A_792, %swap3A_793], %swap3A_796 {strides = array<i32>} : memref<432x64xf32, #tpu.memory_space<vmem>>, vector<1x16xf32>,
      %max3A_797 = arith.constant 0.000000e+00 : f32
      %max3A_798 = vector.broadcast %max3A_797 : f32 to vector<16xf32>
      %max3A_799 = arith.maximumf %add3A_775, %max3A_798 : vector<16xf32>
      %swap3A_800 = arith.index_cast %add3A_80 : i32 to index
      %swap3A_801 = arith.constant 32 : index
      %swap3A_802 = tpu.vector_load %arg9[%swap3A_800, %swap3A_801] {strides = array<i32>} : memref<432x64xf32, #tpu.memory_space<vmem>>, vector<1x16xf32>,
      %swap3A_803 = vector.shape_cast %swap3A_802 : vector<1x16xf32> to vector<16xf32>
      %swap3A_804 = vector.shape_cast %max3A_799 : vector<16xf32> to vector<1x16xf32>
      tpu.vector_store %arg9[%swap3A_800, %swap3A_801], %swap3A_804 {strides = array<i32>} : memref<432x64xf32, #tpu.memory_space<vmem>>, vector<1x16xf32>,
      %max3A_805 = arith.constant 0.000000e+00 : f32
      %max3A_806 = vector.broadcast %max3A_805 : f32 to vector<16xf32>
      %max3A_807 = arith.maximumf %add3A_782, %max3A_806 : vector<16xf32>
      %swap3A_808 = arith.index_cast %add3A_80 : i32 to index
      %swap3A_809 = arith.constant 48 : index
      %swap3A_810 = tpu.vector_load %arg9[%swap3A_808, %swap3A_809] {strides = array<i32>} : memref<432x64xf32, #tpu.memory_space<vmem>>, vector<1x16xf32>,
      %swap3A_811 = vector.shape_cast %swap3A_810 : vector<1x16xf32> to vector<16xf32>
      %swap3A_812 = vector.shape_cast %max3A_807 : vector<16xf32> to vector<1x16xf32>
      tpu.vector_store %arg9[%swap3A_808, %swap3A_809], %swap3A_812 {strides = array<i32>} : memref<432x64xf32, #tpu.memory_space<vmem>>, vector<1x16xf32>,
    }
    %scan3A_35 = arith.constant 16 : i32
    %mul3A_36 = arith.constant 17280 : i32
    %mul3A_37 = arith.muli %add3A, %mul3A_36 : i32
    %add3A_38 = arith.constant 16416 : i32
    %add3A_39 = arith.addi %mul3A_37, %add3A_38 : i32
    %dma_start3A_40 = arith.constant 0 : i32
    %dma_start3A_41 = tpu.memref_slice %arg7[%add3A_39, %dma_start3A_40] : memref<552960x64xf32, #tpu.memory_space<hbm>> -> memref<432x64xf32, #tpu.memory_space<hbm>>
    %dma_start3A_42 = arith.constant 0 : i32
    %dma_start3A_43 = tpu.memref_slice %arg7[%add3A_39, %dma_start3A_42] : memref<552960x64xf32, #tpu.memory_space<hbm>> -> memref<432x64xf32, #tpu.memory_space<hbm>>
    tpu.enqueue_dma source(%arg9 : memref<432x64xf32, #tpu.memory_space<vmem>>) target(%dma_start3A_43 : memref<432x64xf32, #tpu.memory_space<hbm>>) target_semaphore(%arg16 : memref<!tpu.dma_semaphore, #tpu.memory_space<semaphore_mem>>)
    %dma_wait3A_44 = arith.constant 0 : i32
    %dma_wait3A_45 = arith.constant 0 : i32
    %dma_wait3A_46 = tpu.memref_slice %arg7[%dma_wait3A_44, %dma_wait3A_45] : memref<552960x64xf32, #tpu.memory_space<hbm>> -> memref<432x64xf32, #tpu.memory_space<hbm>>
    %dma_wait3A_47 = arith.constant 0 : i32
    %dma_wait3A_48 = arith.constant 0 : i32
    %dma_wait3A_49 = tpu.memref_slice %arg7[%dma_wait3A_47, %dma_wait3A_48] : memref<552960x64xf32, #tpu.memory_space<hbm>> -> memref<432x64xf32, #tpu.memory_space<hbm>>
    tpu.wait_dma2 semaphore(%arg16 : memref<!tpu.dma_semaphore, #tpu.memory_space<semaphore_mem>>) src(%dma_wait3A_49 : memref<432x64xf32, #tpu.memory_space<hbm>>) dst(%arg9 : memref<432x64xf32, #tpu.memory_space<vmem>>)
    %dma_wait3A_50 = arith.constant 0 : i32
    %dma_wait3A_51 = arith.constant 0 : i32
    %dma_wait3A_52 = tpu.memref_slice %arg7[%dma_wait3A_50, %dma_wait3A_51] : memref<552960x64xf32, #tpu.memory_space<hbm>> -> memref<432x64xf32, #tpu.memory_space<hbm>>
    %dma_wait3A_53 = arith.constant 0 : i32
    %dma_wait3A_54 = arith.constant 0 : i32
    %dma_wait3A_55 = tpu.memref_slice %arg7[%dma_wait3A_53, %dma_wait3A_54] : memref<552960x64xf32, #tpu.memory_space<hbm>> -> memref<432x64xf32, #tpu.memory_space<hbm>>
    tpu.wait_dma2 semaphore(%arg15 : memref<!tpu.dma_semaphore, #tpu.memory_space<semaphore_mem>>) src(%dma_wait3A_55 : memref<432x64xf32, #tpu.memory_space<hbm>>) dst(%arg10 : memref<432x64xf32, #tpu.memory_space<vmem>>)
    %scan3A_56 = arith.constant 0 : i32
    %scan3A_57 = arith.constant 0 : i32
    %scan3A_58 = arith.constant 16 : i32
    %scan3A_59 = arith.addi %scan3A_57, %scan3A_58 : i32
    %scan3A_60 = arith.constant 1 : i32
    scf.for %scan3A_76 = %scan3A_57 to %scan3A_59 step %scan3A_60  : i32 {
      %mul3A_77 = arith.constant 27 : i32
      %mul3A_78 = arith.muli %scan3A_76, %mul3A_77 : i32
      %add3A_79 = arith.constant 26 : i32
      %add3A_80 = arith.addi %mul3A_78, %add3A_79 : i32
      %add3A_81 = arith.constant 624 : i32
      %add3A_82 = arith.addi %add3A_81, %scan3A_76 : i32
      %mul3A_83 = arith.constant 32 : i32
      %mul3A_84 = arith.muli %add3A_82, %mul3A_83 : i32
      %multiple_of3A = tpu.assume_multiple %mul3A_84, 32 : i32
      %get3A = arith.index_cast %multiple_of3A : i32 to index
      %get3A_85 = tpu.vector_load %arg11[%get3A] {strides = array<i32>} : memref<20480xf32, #tpu.memory_space<vmem>>, vector<16xf32>,
      %get3A_86 = vector.shape_cast %get3A_85 : vector<16xf32> to vector<16xf32>
      %add3A_87 = arith.constant 16 : i32
      %add3A_88 = arith.addi %multiple_of3A, %add3A_87 : i32
      %get3A_89 = arith.index_cast %add3A_88 : i32 to index
      %get3A_90 = tpu.vector_load %arg11[%get3A_89] {strides = array<i32>} : memref<20480xf32, #tpu.memory_space<vmem>>, vector<16xf32>,
      %get3A_91 = vector.shape_cast %get3A_90 : vector<16xf32> to vector<16xf32>
      %get3A_92 = arith.constant 0 : index
      %get3A_93 = tpu.vector_load %arg13[%get3A_92] {strides = array<i32>} : memref<64xf32, #tpu.memory_space<vmem>>, vector<16xf32>,
      %get3A_94 = vector.shape_cast %get3A_93 : vector<16xf32> to vector<16xf32>
      %get3A_95 = arith.constant 16 : index
      %get3A_96 = tpu.vector_load %arg13[%get3A_95] {strides = array<i32>} : memref<64xf32, #tpu.memory_space<vmem>>, vector<16xf32>,
      %get3A_97 = vector.shape_cast %get3A_96 : vector<16xf32> to vector<16xf32>
      %get3A_98 = arith.constant 32 : index
      %get3A_99 = tpu.vector_load %arg13[%get3A_98] {strides = array<i32>} : memref<64xf32, #tpu.memory_space<vmem>>, vector<16xf32>,
      %get3A_100 = vector.shape_cast %get3A_99 : vector<16xf32> to vector<16xf32>
      %get3A_101 = arith.constant 48 : index
      %get3A_102 = tpu.vector_load %arg13[%get3A_101] {strides = array<i32>} : memref<64xf32, #tpu.memory_space<vmem>>, vector<16xf32>,
      %get3A_103 = vector.shape_cast %get3A_102 : vector<16xf32> to vector<16xf32>
      %slice3A = vector.extract_strided_slice %get3A_86 {offsets = [0], sizes = [1], strides = [1]} : vector<16xf32> to vector<1xf32>
      %squeeze3A = vector.extract %slice3A[0] : f32 from vector<1xf32>
      %broadcast_in_dim3A = vector.broadcast %squeeze3A : f32 to vector<16xf32>
      %get3A_104 = arith.constant 0 : i32
      %get3A_105 = arith.index_cast %get3A_104 : i32 to index
      %get3A_106 = arith.constant 0 : index
      %get3A_107 = tpu.vector_load %arg12[%get3A_105, %get3A_106] {strides = array<i32>} : memref<22x64xf32, #tpu.memory_space<vmem>>, vector<1x16xf32>,
      %get3A_108 = vector.shape_cast %get3A_107 : vector<1x16xf32> to vector<16xf32>
      %mul3A_109 = arith.mulf %broadcast_in_dim3A, %get3A_108 : vector<16xf32>
      %add3A_110 = arith.addf %get3A_94, %mul3A_109 : vector<16xf32>
      %get3A_111 = arith.constant 0 : i32
      %get3A_112 = arith.index_cast %get3A_111 : i32 to index
      %get3A_113 = arith.constant 16 : index
      %get3A_114 = tpu.vector_load %arg12[%get3A_112, %get3A_113] {strides = array<i32>} : memref<22x64xf32, #tpu.memory_space<vmem>>, vector<1x16xf32>,
      %get3A_115 = vector.shape_cast %get3A_114 : vector<1x16xf32> to vector<16xf32>
      %mul3A_116 = arith.mulf %broadcast_in_dim3A, %get3A_115 : vector<16xf32>
      %add3A_117 = arith.addf %get3A_97, %mul3A_116 : vector<16xf32>
      %get3A_118 = arith.constant 0 : i32
      %get3A_119 = arith.index_cast %get3A_118 : i32 to index
      %get3A_120 = arith.constant 32 : index
      %get3A_121 = tpu.vector_load %arg12[%get3A_119, %get3A_120] {strides = array<i32>} : memref<22x64xf32, #tpu.memory_space<vmem>>, vector<1x16xf32>,
      %get3A_122 = vector.shape_cast %get3A_121 : vector<1x16xf32> to vector<16xf32>
      %mul3A_123 = arith.mulf %broadcast_in_dim3A, %get3A_122 : vector<16xf32>
      %add3A_124 = arith.addf %get3A_100, %mul3A_123 : vector<16xf32>
      %get3A_125 = arith.constant 0 : i32
      %get3A_126 = arith.index_cast %get3A_125 : i32 to index
      %get3A_127 = arith.constant 48 : index
      %get3A_128 = tpu.vector_load %arg12[%get3A_126, %get3A_127] {strides = array<i32>} : memref<22x64xf32, #tpu.memory_space<vmem>>, vector<1x16xf32>,
      %get3A_129 = vector.shape_cast %get3A_128 : vector<1x16xf32> to vector<16xf32>
      %mul3A_130 = arith.mulf %broadcast_in_dim3A, %get3A_129 : vector<16xf32>
      %add3A_131 = arith.addf %get3A_103, %mul3A_130 : vector<16xf32>
      %slice3A_132 = vector.extract_strided_slice %get3A_86 {offsets = [1], sizes = [1], strides = [1]} : vector<16xf32> to vector<1xf32>
      %squeeze3A_133 = vector.extract %slice3A_132[0] : f32 from vector<1xf32>
      %broadcast_in_dim3A_134 = vector.broadcast %squeeze3A_133 : f32 to vector<16xf32>
      %get3A_135 = arith.constant 1 : i32
      %get3A_136 = arith.index_cast %get3A_135 : i32 to index
      %get3A_137 = arith.constant 0 : index
      %get3A_138 = tpu.vector_load %arg12[%get3A_136, %get3A_137] {strides = array<i32>} : memref<22x64xf32, #tpu.memory_space<vmem>>, vector<1x16xf32>,
      %get3A_139 = vector.shape_cast %get3A_138 : vector<1x16xf32> to vector<16xf32>
      %mul3A_140 = arith.mulf %broadcast_in_dim3A_134, %get3A_139 : vector<16xf32>
      %add3A_141 = arith.addf %add3A_110, %mul3A_140 : vector<16xf32>
      %get3A_142 = arith.constant 1 : i32
      %get3A_143 = arith.index_cast %get3A_142 : i32 to index
      %get3A_144 = arith.constant 16 : index
      %get3A_145 = tpu.vector_load %arg12[%get3A_143, %get3A_144] {strides = array<i32>} : memref<22x64xf32, #tpu.memory_space<vmem>>, vector<1x16xf32>,
      %get3A_146 = vector.shape_cast %get3A_145 : vector<1x16xf32> to vector<16xf32>
      %mul3A_147 = arith.mulf %broadcast_in_dim3A_134, %get3A_146 : vector<16xf32>
      %add3A_148 = arith.addf %add3A_117, %mul3A_147 : vector<16xf32>
      %get3A_149 = arith.constant 1 : i32
      %get3A_150 = arith.index_cast %get3A_149 : i32 to index
      %get3A_151 = arith.constant 32 : index
      %get3A_152 = tpu.vector_load %arg12[%get3A_150, %get3A_151] {strides = array<i32>} : memref<22x64xf32, #tpu.memory_space<vmem>>, vector<1x16xf32>,
      %get3A_153 = vector.shape_cast %get3A_152 : vector<1x16xf32> to vector<16xf32>
      %mul3A_154 = arith.mulf %broadcast_in_dim3A_134, %get3A_153 : vector<16xf32>
      %add3A_155 = arith.addf %add3A_124, %mul3A_154 : vector<16xf32>
      %get3A_156 = arith.constant 1 : i32
      %get3A_157 = arith.index_cast %get3A_156 : i32 to index
      %get3A_158 = arith.constant 48 : index
      %get3A_159 = tpu.vector_load %arg12[%get3A_157, %get3A_158] {strides = array<i32>} : memref<22x64xf32, #tpu.memory_space<vmem>>, vector<1x16xf32>,
      %get3A_160 = vector.shape_cast %get3A_159 : vector<1x16xf32> to vector<16xf32>
      %mul3A_161 = arith.mulf %broadcast_in_dim3A_134, %get3A_160 : vector<16xf32>
      %add3A_162 = arith.addf %add3A_131, %mul3A_161 : vector<16xf32>
      %slice3A_163 = vector.extract_strided_slice %get3A_86 {offsets = [2], sizes = [1], strides = [1]} : vector<16xf32> to vector<1xf32>
      %squeeze3A_164 = vector.extract %slice3A_163[0] : f32 from vector<1xf32>
      %broadcast_in_dim3A_165 = vector.broadcast %squeeze3A_164 : f32 to vector<16xf32>
      %get3A_166 = arith.constant 2 : i32
      %get3A_167 = arith.index_cast %get3A_166 : i32 to index
      %get3A_168 = arith.constant 0 : index
      %get3A_169 = tpu.vector_load %arg12[%get3A_167, %get3A_168] {strides = array<i32>} : memref<22x64xf32, #tpu.memory_space<vmem>>, vector<1x16xf32>,
      %get3A_170 = vector.shape_cast %get3A_169 : vector<1x16xf32> to vector<16xf32>
      %mul3A_171 = arith.mulf %broadcast_in_dim3A_165, %get3A_170 : vector<16xf32>
      %add3A_172 = arith.addf %add3A_141, %mul3A_171 : vector<16xf32>
      %get3A_173 = arith.constant 2 : i32
      %get3A_174 = arith.index_cast %get3A_173 : i32 to index
      %get3A_175 = arith.constant 16 : index
      %get3A_176 = tpu.vector_load %arg12[%get3A_174, %get3A_175] {strides = array<i32>} : memref<22x64xf32, #tpu.memory_space<vmem>>, vector<1x16xf32>,
      %get3A_177 = vector.shape_cast %get3A_176 : vector<1x16xf32> to vector<16xf32>
      %mul3A_178 = arith.mulf %broadcast_in_dim3A_165, %get3A_177 : vector<16xf32>
      %add3A_179 = arith.addf %add3A_148, %mul3A_178 : vector<16xf32>
      %get3A_180 = arith.constant 2 : i32
      %get3A_181 = arith.index_cast %get3A_180 : i32 to index
      %get3A_182 = arith.constant 32 : index
      %get3A_183 = tpu.vector_load %arg12[%get3A_181, %get3A_182] {strides = array<i32>} : memref<22x64xf32, #tpu.memory_space<vmem>>, vector<1x16xf32>,
      %get3A_184 = vector.shape_cast %get3A_183 : vector<1x16xf32> to vector<16xf32>
      %mul3A_185 = arith.mulf %broadcast_in_dim3A_165, %get3A_184 : vector<16xf32>
      %add3A_186 = arith.addf %add3A_155, %mul3A_185 : vector<16xf32>
      %get3A_187 = arith.constant 2 : i32
      %get3A_188 = arith.index_cast %get3A_187 : i32 to index
      %get3A_189 = arith.constant 48 : index
      %get3A_190 = tpu.vector_load %arg12[%get3A_188, %get3A_189] {strides = array<i32>} : memref<22x64xf32, #tpu.memory_space<vmem>>, vector<1x16xf32>,
      %get3A_191 = vector.shape_cast %get3A_190 : vector<1x16xf32> to vector<16xf32>
      %mul3A_192 = arith.mulf %broadcast_in_dim3A_165, %get3A_191 : vector<16xf32>
      %add3A_193 = arith.addf %add3A_162, %mul3A_192 : vector<16xf32>
      %slice3A_194 = vector.extract_strided_slice %get3A_86 {offsets = [3], sizes = [1], strides = [1]} : vector<16xf32> to vector<1xf32>
      %squeeze3A_195 = vector.extract %slice3A_194[0] : f32 from vector<1xf32>
      %broadcast_in_dim3A_196 = vector.broadcast %squeeze3A_195 : f32 to vector<16xf32>
      %get3A_197 = arith.constant 3 : i32
      %get3A_198 = arith.index_cast %get3A_197 : i32 to index
      %get3A_199 = arith.constant 0 : index
      %get3A_200 = tpu.vector_load %arg12[%get3A_198, %get3A_199] {strides = array<i32>} : memref<22x64xf32, #tpu.memory_space<vmem>>, vector<1x16xf32>,
      %get3A_201 = vector.shape_cast %get3A_200 : vector<1x16xf32> to vector<16xf32>
      %mul3A_202 = arith.mulf %broadcast_in_dim3A_196, %get3A_201 : vector<16xf32>
      %add3A_203 = arith.addf %add3A_172, %mul3A_202 : vector<16xf32>
      %get3A_204 = arith.constant 3 : i32
      %get3A_205 = arith.index_cast %get3A_204 : i32 to index
      %get3A_206 = arith.constant 16 : index
      %get3A_207 = tpu.vector_load %arg12[%get3A_205, %get3A_206] {strides = array<i32>} : memref<22x64xf32, #tpu.memory_space<vmem>>, vector<1x16xf32>,
      %get3A_208 = vector.shape_cast %get3A_207 : vector<1x16xf32> to vector<16xf32>
      %mul3A_209 = arith.mulf %broadcast_in_dim3A_196, %get3A_208 : vector<16xf32>
      %add3A_210 = arith.addf %add3A_179, %mul3A_209 : vector<16xf32>
      %get3A_211 = arith.constant 3 : i32
      %get3A_212 = arith.index_cast %get3A_211 : i32 to index
      %get3A_213 = arith.constant 32 : index
      %get3A_214 = tpu.vector_load %arg12[%get3A_212, %get3A_213] {strides = array<i32>} : memref<22x64xf32, #tpu.memory_space<vmem>>, vector<1x16xf32>,
      %get3A_215 = vector.shape_cast %get3A_214 : vector<1x16xf32> to vector<16xf32>
      %mul3A_216 = arith.mulf %broadcast_in_dim3A_196, %get3A_215 : vector<16xf32>
      %add3A_217 = arith.addf %add3A_186, %mul3A_216 : vector<16xf32>
      %get3A_218 = arith.constant 3 : i32
      %get3A_219 = arith.index_cast %get3A_218 : i32 to index
      %get3A_220 = arith.constant 48 : index
      %get3A_221 = tpu.vector_load %arg12[%get3A_219, %get3A_220] {strides = array<i32>} : memref<22x64xf32, #tpu.memory_space<vmem>>, vector<1x16xf32>,
      %get3A_222 = vector.shape_cast %get3A_221 : vector<1x16xf32> to vector<16xf32>
      %mul3A_223 = arith.mulf %broadcast_in_dim3A_196, %get3A_222 : vector<16xf32>
      %add3A_224 = arith.addf %add3A_193, %mul3A_223 : vector<16xf32>
      %slice3A_225 = vector.extract_strided_slice %get3A_86 {offsets = [4], sizes = [1], strides = [1]} : vector<16xf32> to vector<1xf32>
      %squeeze3A_226 = vector.extract %slice3A_225[0] : f32 from vector<1xf32>
      %broadcast_in_dim3A_227 = vector.broadcast %squeeze3A_226 : f32 to vector<16xf32>
      %get3A_228 = arith.constant 4 : i32
      %get3A_229 = arith.index_cast %get3A_228 : i32 to index
      %get3A_230 = arith.constant 0 : index
      %get3A_231 = tpu.vector_load %arg12[%get3A_229, %get3A_230] {strides = array<i32>} : memref<22x64xf32, #tpu.memory_space<vmem>>, vector<1x16xf32>,
      %get3A_232 = vector.shape_cast %get3A_231 : vector<1x16xf32> to vector<16xf32>
      %mul3A_233 = arith.mulf %broadcast_in_dim3A_227, %get3A_232 : vector<16xf32>
      %add3A_234 = arith.addf %add3A_203, %mul3A_233 : vector<16xf32>
      %get3A_235 = arith.constant 4 : i32
      %get3A_236 = arith.index_cast %get3A_235 : i32 to index
      %get3A_237 = arith.constant 16 : index
      %get3A_238 = tpu.vector_load %arg12[%get3A_236, %get3A_237] {strides = array<i32>} : memref<22x64xf32, #tpu.memory_space<vmem>>, vector<1x16xf32>,
      %get3A_239 = vector.shape_cast %get3A_238 : vector<1x16xf32> to vector<16xf32>
      %mul3A_240 = arith.mulf %broadcast_in_dim3A_227, %get3A_239 : vector<16xf32>
      %add3A_241 = arith.addf %add3A_210, %mul3A_240 : vector<16xf32>
      %get3A_242 = arith.constant 4 : i32
      %get3A_243 = arith.index_cast %get3A_242 : i32 to index
      %get3A_244 = arith.constant 32 : index
      %get3A_245 = tpu.vector_load %arg12[%get3A_243, %get3A_244] {strides = array<i32>} : memref<22x64xf32, #tpu.memory_space<vmem>>, vector<1x16xf32>,
      %get3A_246 = vector.shape_cast %get3A_245 : vector<1x16xf32> to vector<16xf32>
      %mul3A_247 = arith.mulf %broadcast_in_dim3A_227, %get3A_246 : vector<16xf32>
      %add3A_248 = arith.addf %add3A_217, %mul3A_247 : vector<16xf32>
      %get3A_249 = arith.constant 4 : i32
      %get3A_250 = arith.index_cast %get3A_249 : i32 to index
      %get3A_251 = arith.constant 48 : index
      %get3A_252 = tpu.vector_load %arg12[%get3A_250, %get3A_251] {strides = array<i32>} : memref<22x64xf32, #tpu.memory_space<vmem>>, vector<1x16xf32>,
      %get3A_253 = vector.shape_cast %get3A_252 : vector<1x16xf32> to vector<16xf32>
      %mul3A_254 = arith.mulf %broadcast_in_dim3A_227, %get3A_253 : vector<16xf32>
      %add3A_255 = arith.addf %add3A_224, %mul3A_254 : vector<16xf32>
      %slice3A_256 = vector.extract_strided_slice %get3A_86 {offsets = [5], sizes = [1], strides = [1]} : vector<16xf32> to vector<1xf32>
      %squeeze3A_257 = vector.extract %slice3A_256[0] : f32 from vector<1xf32>
      %broadcast_in_dim3A_258 = vector.broadcast %squeeze3A_257 : f32 to vector<16xf32>
      %get3A_259 = arith.constant 5 : i32
      %get3A_260 = arith.index_cast %get3A_259 : i32 to index
      %get3A_261 = arith.constant 0 : index
      %get3A_262 = tpu.vector_load %arg12[%get3A_260, %get3A_261] {strides = array<i32>} : memref<22x64xf32, #tpu.memory_space<vmem>>, vector<1x16xf32>,
      %get3A_263 = vector.shape_cast %get3A_262 : vector<1x16xf32> to vector<16xf32>
      %mul3A_264 = arith.mulf %broadcast_in_dim3A_258, %get3A_263 : vector<16xf32>
      %add3A_265 = arith.addf %add3A_234, %mul3A_264 : vector<16xf32>
      %get3A_266 = arith.constant 5 : i32
      %get3A_267 = arith.index_cast %get3A_266 : i32 to index
      %get3A_268 = arith.constant 16 : index
      %get3A_269 = tpu.vector_load %arg12[%get3A_267, %get3A_268] {strides = array<i32>} : memref<22x64xf32, #tpu.memory_space<vmem>>, vector<1x16xf32>,
      %get3A_270 = vector.shape_cast %get3A_269 : vector<1x16xf32> to vector<16xf32>
      %mul3A_271 = arith.mulf %broadcast_in_dim3A_258, %get3A_270 : vector<16xf32>
      %add3A_272 = arith.addf %add3A_241, %mul3A_271 : vector<16xf32>
      %get3A_273 = arith.constant 5 : i32
      %get3A_274 = arith.index_cast %get3A_273 : i32 to index
      %get3A_275 = arith.constant 32 : index
      %get3A_276 = tpu.vector_load %arg12[%get3A_274, %get3A_275] {strides = array<i32>} : memref<22x64xf32, #tpu.memory_space<vmem>>, vector<1x16xf32>,
      %get3A_277 = vector.shape_cast %get3A_276 : vector<1x16xf32> to vector<16xf32>
      %mul3A_278 = arith.mulf %broadcast_in_dim3A_258, %get3A_277 : vector<16xf32>
      %add3A_279 = arith.addf %add3A_248, %mul3A_278 : vector<16xf32>
      %get3A_280 = arith.constant 5 : i32
      %get3A_281 = arith.index_cast %get3A_280 : i32 to index
      %get3A_282 = arith.constant 48 : index
      %get3A_283 = tpu.vector_load %arg12[%get3A_281, %get3A_282] {strides = array<i32>} : memref<22x64xf32, #tpu.memory_space<vmem>>, vector<1x16xf32>,
      %get3A_284 = vector.shape_cast %get3A_283 : vector<1x16xf32> to vector<16xf32>
      %mul3A_285 = arith.mulf %broadcast_in_dim3A_258, %get3A_284 : vector<16xf32>
      %add3A_286 = arith.addf %add3A_255, %mul3A_285 : vector<16xf32>
      %slice3A_287 = vector.extract_strided_slice %get3A_86 {offsets = [6], sizes = [1], strides = [1]} : vector<16xf32> to vector<1xf32>
      %squeeze3A_288 = vector.extract %slice3A_287[0] : f32 from vector<1xf32>
      %broadcast_in_dim3A_289 = vector.broadcast %squeeze3A_288 : f32 to vector<16xf32>
      %get3A_290 = arith.constant 6 : i32
      %get3A_291 = arith.index_cast %get3A_290 : i32 to index
      %get3A_292 = arith.constant 0 : index
      %get3A_293 = tpu.vector_load %arg12[%get3A_291, %get3A_292] {strides = array<i32>} : memref<22x64xf32, #tpu.memory_space<vmem>>, vector<1x16xf32>,
      %get3A_294 = vector.shape_cast %get3A_293 : vector<1x16xf32> to vector<16xf32>
      %mul3A_295 = arith.mulf %broadcast_in_dim3A_289, %get3A_294 : vector<16xf32>
      %add3A_296 = arith.addf %add3A_265, %mul3A_295 : vector<16xf32>
      %get3A_297 = arith.constant 6 : i32
      %get3A_298 = arith.index_cast %get3A_297 : i32 to index
      %get3A_299 = arith.constant 16 : index
      %get3A_300 = tpu.vector_load %arg12[%get3A_298, %get3A_299] {strides = array<i32>} : memref<22x64xf32, #tpu.memory_space<vmem>>, vector<1x16xf32>,
      %get3A_301 = vector.shape_cast %get3A_300 : vector<1x16xf32> to vector<16xf32>
      %mul3A_302 = arith.mulf %broadcast_in_dim3A_289, %get3A_301 : vector<16xf32>
      %add3A_303 = arith.addf %add3A_272, %mul3A_302 : vector<16xf32>
      %get3A_304 = arith.constant 6 : i32
      %get3A_305 = arith.index_cast %get3A_304 : i32 to index
      %get3A_306 = arith.constant 32 : index
      %get3A_307 = tpu.vector_load %arg12[%get3A_305, %get3A_306] {strides = array<i32>} : memref<22x64xf32, #tpu.memory_space<vmem>>, vector<1x16xf32>,
      %get3A_308 = vector.shape_cast %get3A_307 : vector<1x16xf32> to vector<16xf32>
      %mul3A_309 = arith.mulf %broadcast_in_dim3A_289, %get3A_308 : vector<16xf32>
      %add3A_310 = arith.addf %add3A_279, %mul3A_309 : vector<16xf32>
      %get3A_311 = arith.constant 6 : i32
      %get3A_312 = arith.index_cast %get3A_311 : i32 to index
      %get3A_313 = arith.constant 48 : index
      %get3A_314 = tpu.vector_load %arg12[%get3A_312, %get3A_313] {strides = array<i32>} : memref<22x64xf32, #tpu.memory_space<vmem>>, vector<1x16xf32>,
      %get3A_315 = vector.shape_cast %get3A_314 : vector<1x16xf32> to vector<16xf32>
      %mul3A_316 = arith.mulf %broadcast_in_dim3A_289, %get3A_315 : vector<16xf32>
      %add3A_317 = arith.addf %add3A_286, %mul3A_316 : vector<16xf32>
      %slice3A_318 = vector.extract_strided_slice %get3A_86 {offsets = [7], sizes = [1], strides = [1]} : vector<16xf32> to vector<1xf32>
      %squeeze3A_319 = vector.extract %slice3A_318[0] : f32 from vector<1xf32>
      %broadcast_in_dim3A_320 = vector.broadcast %squeeze3A_319 : f32 to vector<16xf32>
      %get3A_321 = arith.constant 7 : i32
      %get3A_322 = arith.index_cast %get3A_321 : i32 to index
      %get3A_323 = arith.constant 0 : index
      %get3A_324 = tpu.vector_load %arg12[%get3A_322, %get3A_323] {strides = array<i32>} : memref<22x64xf32, #tpu.memory_space<vmem>>, vector<1x16xf32>,
      %get3A_325 = vector.shape_cast %get3A_324 : vector<1x16xf32> to vector<16xf32>
      %mul3A_326 = arith.mulf %broadcast_in_dim3A_320, %get3A_325 : vector<16xf32>
      %add3A_327 = arith.addf %add3A_296, %mul3A_326 : vector<16xf32>
      %get3A_328 = arith.constant 7 : i32
      %get3A_329 = arith.index_cast %get3A_328 : i32 to index
      %get3A_330 = arith.constant 16 : index
      %get3A_331 = tpu.vector_load %arg12[%get3A_329, %get3A_330] {strides = array<i32>} : memref<22x64xf32, #tpu.memory_space<vmem>>, vector<1x16xf32>,
      %get3A_332 = vector.shape_cast %get3A_331 : vector<1x16xf32> to vector<16xf32>
      %mul3A_333 = arith.mulf %broadcast_in_dim3A_320, %get3A_332 : vector<16xf32>
      %add3A_334 = arith.addf %add3A_303, %mul3A_333 : vector<16xf32>
      %get3A_335 = arith.constant 7 : i32
      %get3A_336 = arith.index_cast %get3A_335 : i32 to index
      %get3A_337 = arith.constant 32 : index
      %get3A_338 = tpu.vector_load %arg12[%get3A_336, %get3A_337] {strides = array<i32>} : memref<22x64xf32, #tpu.memory_space<vmem>>, vector<1x16xf32>,
      %get3A_339 = vector.shape_cast %get3A_338 : vector<1x16xf32> to vector<16xf32>
      %mul3A_340 = arith.mulf %broadcast_in_dim3A_320, %get3A_339 : vector<16xf32>
      %add3A_341 = arith.addf %add3A_310, %mul3A_340 : vector<16xf32>
      %get3A_342 = arith.constant 7 : i32
      %get3A_343 = arith.index_cast %get3A_342 : i32 to index
      %get3A_344 = arith.constant 48 : index
      %get3A_345 = tpu.vector_load %arg12[%get3A_343, %get3A_344] {strides = array<i32>} : memref<22x64xf32, #tpu.memory_space<vmem>>, vector<1x16xf32>,
      %get3A_346 = vector.shape_cast %get3A_345 : vector<1x16xf32> to vector<16xf32>
      %mul3A_347 = arith.mulf %broadcast_in_dim3A_320, %get3A_346 : vector<16xf32>
      %add3A_348 = arith.addf %add3A_317, %mul3A_347 : vector<16xf32>
      %slice3A_349 = vector.extract_strided_slice %get3A_86 {offsets = [8], sizes = [1], strides = [1]} : vector<16xf32> to vector<1xf32>
      %squeeze3A_350 = vector.extract %slice3A_349[0] : f32 from vector<1xf32>
      %broadcast_in_dim3A_351 = vector.broadcast %squeeze3A_350 : f32 to vector<16xf32>
      %get3A_352 = arith.constant 8 : i32
      %get3A_353 = arith.index_cast %get3A_352 : i32 to index
      %get3A_354 = arith.constant 0 : index
      %get3A_355 = tpu.vector_load %arg12[%get3A_353, %get3A_354] {strides = array<i32>} : memref<22x64xf32, #tpu.memory_space<vmem>>, vector<1x16xf32>,
      %get3A_356 = vector.shape_cast %get3A_355 : vector<1x16xf32> to vector<16xf32>
      %mul3A_357 = arith.mulf %broadcast_in_dim3A_351, %get3A_356 : vector<16xf32>
      %add3A_358 = arith.addf %add3A_327, %mul3A_357 : vector<16xf32>
      %get3A_359 = arith.constant 8 : i32
      %get3A_360 = arith.index_cast %get3A_359 : i32 to index
      %get3A_361 = arith.constant 16 : index
      %get3A_362 = tpu.vector_load %arg12[%get3A_360, %get3A_361] {strides = array<i32>} : memref<22x64xf32, #tpu.memory_space<vmem>>, vector<1x16xf32>,
      %get3A_363 = vector.shape_cast %get3A_362 : vector<1x16xf32> to vector<16xf32>
      %mul3A_364 = arith.mulf %broadcast_in_dim3A_351, %get3A_363 : vector<16xf32>
      %add3A_365 = arith.addf %add3A_334, %mul3A_364 : vector<16xf32>
      %get3A_366 = arith.constant 8 : i32
      %get3A_367 = arith.index_cast %get3A_366 : i32 to index
      %get3A_368 = arith.constant 32 : index
      %get3A_369 = tpu.vector_load %arg12[%get3A_367, %get3A_368] {strides = array<i32>} : memref<22x64xf32, #tpu.memory_space<vmem>>, vector<1x16xf32>,
      %get3A_370 = vector.shape_cast %get3A_369 : vector<1x16xf32> to vector<16xf32>
      %mul3A_371 = arith.mulf %broadcast_in_dim3A_351, %get3A_370 : vector<16xf32>
      %add3A_372 = arith.addf %add3A_341, %mul3A_371 : vector<16xf32>
      %get3A_373 = arith.constant 8 : i32
      %get3A_374 = arith.index_cast %get3A_373 : i32 to index
      %get3A_375 = arith.constant 48 : index
      %get3A_376 = tpu.vector_load %arg12[%get3A_374, %get3A_375] {strides = array<i32>} : memref<22x64xf32, #tpu.memory_space<vmem>>, vector<1x16xf32>,
      %get3A_377 = vector.shape_cast %get3A_376 : vector<1x16xf32> to vector<16xf32>
      %mul3A_378 = arith.mulf %broadcast_in_dim3A_351, %get3A_377 : vector<16xf32>
      %add3A_379 = arith.addf %add3A_348, %mul3A_378 : vector<16xf32>
      %slice3A_380 = vector.extract_strided_slice %get3A_86 {offsets = [9], sizes = [1], strides = [1]} : vector<16xf32> to vector<1xf32>
      %squeeze3A_381 = vector.extract %slice3A_380[0] : f32 from vector<1xf32>
      %broadcast_in_dim3A_382 = vector.broadcast %squeeze3A_381 : f32 to vector<16xf32>
      %get3A_383 = arith.constant 9 : i32
      %get3A_384 = arith.index_cast %get3A_383 : i32 to index
      %get3A_385 = arith.constant 0 : index
      %get3A_386 = tpu.vector_load %arg12[%get3A_384, %get3A_385] {strides = array<i32>} : memref<22x64xf32, #tpu.memory_space<vmem>>, vector<1x16xf32>,
      %get3A_387 = vector.shape_cast %get3A_386 : vector<1x16xf32> to vector<16xf32>
      %mul3A_388 = arith.mulf %broadcast_in_dim3A_382, %get3A_387 : vector<16xf32>
      %add3A_389 = arith.addf %add3A_358, %mul3A_388 : vector<16xf32>
      %get3A_390 = arith.constant 9 : i32
      %get3A_391 = arith.index_cast %get3A_390 : i32 to index
      %get3A_392 = arith.constant 16 : index
      %get3A_393 = tpu.vector_load %arg12[%get3A_391, %get3A_392] {strides = array<i32>} : memref<22x64xf32, #tpu.memory_space<vmem>>, vector<1x16xf32>,
      %get3A_394 = vector.shape_cast %get3A_393 : vector<1x16xf32> to vector<16xf32>
      %mul3A_395 = arith.mulf %broadcast_in_dim3A_382, %get3A_394 : vector<16xf32>
      %add3A_396 = arith.addf %add3A_365, %mul3A_395 : vector<16xf32>
      %get3A_397 = arith.constant 9 : i32
      %get3A_398 = arith.index_cast %get3A_397 : i32 to index
      %get3A_399 = arith.constant 32 : index
      %get3A_400 = tpu.vector_load %arg12[%get3A_398, %get3A_399] {strides = array<i32>} : memref<22x64xf32, #tpu.memory_space<vmem>>, vector<1x16xf32>,
      %get3A_401 = vector.shape_cast %get3A_400 : vector<1x16xf32> to vector<16xf32>
      %mul3A_402 = arith.mulf %broadcast_in_dim3A_382, %get3A_401 : vector<16xf32>
      %add3A_403 = arith.addf %add3A_372, %mul3A_402 : vector<16xf32>
      %get3A_404 = arith.constant 9 : i32
      %get3A_405 = arith.index_cast %get3A_404 : i32 to index
      %get3A_406 = arith.constant 48 : index
      %get3A_407 = tpu.vector_load %arg12[%get3A_405, %get3A_406] {strides = array<i32>} : memref<22x64xf32, #tpu.memory_space<vmem>>, vector<1x16xf32>,
      %get3A_408 = vector.shape_cast %get3A_407 : vector<1x16xf32> to vector<16xf32>
      %mul3A_409 = arith.mulf %broadcast_in_dim3A_382, %get3A_408 : vector<16xf32>
      %add3A_410 = arith.addf %add3A_379, %mul3A_409 : vector<16xf32>
      %slice3A_411 = vector.extract_strided_slice %get3A_86 {offsets = [10], sizes = [1], strides = [1]} : vector<16xf32> to vector<1xf32>
      %squeeze3A_412 = vector.extract %slice3A_411[0] : f32 from vector<1xf32>
      %broadcast_in_dim3A_413 = vector.broadcast %squeeze3A_412 : f32 to vector<16xf32>
      %get3A_414 = arith.constant 10 : i32
      %get3A_415 = arith.index_cast %get3A_414 : i32 to index
      %get3A_416 = arith.constant 0 : index
      %get3A_417 = tpu.vector_load %arg12[%get3A_415, %get3A_416] {strides = array<i32>} : memref<22x64xf32, #tpu.memory_space<vmem>>, vector<1x16xf32>,
      %get3A_418 = vector.shape_cast %get3A_417 : vector<1x16xf32> to vector<16xf32>
      %mul3A_419 = arith.mulf %broadcast_in_dim3A_413, %get3A_418 : vector<16xf32>
      %add3A_420 = arith.addf %add3A_389, %mul3A_419 : vector<16xf32>
      %get3A_421 = arith.constant 10 : i32
      %get3A_422 = arith.index_cast %get3A_421 : i32 to index
      %get3A_423 = arith.constant 16 : index
      %get3A_424 = tpu.vector_load %arg12[%get3A_422, %get3A_423] {strides = array<i32>} : memref<22x64xf32, #tpu.memory_space<vmem>>, vector<1x16xf32>,
      %get3A_425 = vector.shape_cast %get3A_424 : vector<1x16xf32> to vector<16xf32>
      %mul3A_426 = arith.mulf %broadcast_in_dim3A_413, %get3A_425 : vector<16xf32>
      %add3A_427 = arith.addf %add3A_396, %mul3A_426 : vector<16xf32>
      %get3A_428 = arith.constant 10 : i32
      %get3A_429 = arith.index_cast %get3A_428 : i32 to index
      %get3A_430 = arith.constant 32 : index
      %get3A_431 = tpu.vector_load %arg12[%get3A_429, %get3A_430] {strides = array<i32>} : memref<22x64xf32, #tpu.memory_space<vmem>>, vector<1x16xf32>,
      %get3A_432 = vector.shape_cast %get3A_431 : vector<1x16xf32> to vector<16xf32>
      %mul3A_433 = arith.mulf %broadcast_in_dim3A_413, %get3A_432 : vector<16xf32>
      %add3A_434 = arith.addf %add3A_403, %mul3A_433 : vector<16xf32>
      %get3A_435 = arith.constant 10 : i32
      %get3A_436 = arith.index_cast %get3A_435 : i32 to index
      %get3A_437 = arith.constant 48 : index
      %get3A_438 = tpu.vector_load %arg12[%get3A_436, %get3A_437] {strides = array<i32>} : memref<22x64xf32, #tpu.memory_space<vmem>>, vector<1x16xf32>,
      %get3A_439 = vector.shape_cast %get3A_438 : vector<1x16xf32> to vector<16xf32>
      %mul3A_440 = arith.mulf %broadcast_in_dim3A_413, %get3A_439 : vector<16xf32>
      %add3A_441 = arith.addf %add3A_410, %mul3A_440 : vector<16xf32>
      %slice3A_442 = vector.extract_strided_slice %get3A_86 {offsets = [11], sizes = [1], strides = [1]} : vector<16xf32> to vector<1xf32>
      %squeeze3A_443 = vector.extract %slice3A_442[0] : f32 from vector<1xf32>
      %broadcast_in_dim3A_444 = vector.broadcast %squeeze3A_443 : f32 to vector<16xf32>
      %get3A_445 = arith.constant 11 : i32
      %get3A_446 = arith.index_cast %get3A_445 : i32 to index
      %get3A_447 = arith.constant 0 : index
      %get3A_448 = tpu.vector_load %arg12[%get3A_446, %get3A_447] {strides = array<i32>} : memref<22x64xf32, #tpu.memory_space<vmem>>, vector<1x16xf32>,
      %get3A_449 = vector.shape_cast %get3A_448 : vector<1x16xf32> to vector<16xf32>
      %mul3A_450 = arith.mulf %broadcast_in_dim3A_444, %get3A_449 : vector<16xf32>
      %add3A_451 = arith.addf %add3A_420, %mul3A_450 : vector<16xf32>
      %get3A_452 = arith.constant 11 : i32
      %get3A_453 = arith.index_cast %get3A_452 : i32 to index
      %get3A_454 = arith.constant 16 : index
      %get3A_455 = tpu.vector_load %arg12[%get3A_453, %get3A_454] {strides = array<i32>} : memref<22x64xf32, #tpu.memory_space<vmem>>, vector<1x16xf32>,
      %get3A_456 = vector.shape_cast %get3A_455 : vector<1x16xf32> to vector<16xf32>
      %mul3A_457 = arith.mulf %broadcast_in_dim3A_444, %get3A_456 : vector<16xf32>
      %add3A_458 = arith.addf %add3A_427, %mul3A_457 : vector<16xf32>
      %get3A_459 = arith.constant 11 : i32
      %get3A_460 = arith.index_cast %get3A_459 : i32 to index
      %get3A_461 = arith.constant 32 : index
      %get3A_462 = tpu.vector_load %arg12[%get3A_460, %get3A_461] {strides = array<i32>} : memref<22x64xf32, #tpu.memory_space<vmem>>, vector<1x16xf32>,
      %get3A_463 = vector.shape_cast %get3A_462 : vector<1x16xf32> to vector<16xf32>
      %mul3A_464 = arith.mulf %broadcast_in_dim3A_444, %get3A_463 : vector<16xf32>
      %add3A_465 = arith.addf %add3A_434, %mul3A_464 : vector<16xf32>
      %get3A_466 = arith.constant 11 : i32
      %get3A_467 = arith.index_cast %get3A_466 : i32 to index
      %get3A_468 = arith.constant 48 : index
      %get3A_469 = tpu.vector_load %arg12[%get3A_467, %get3A_468] {strides = array<i32>} : memref<22x64xf32, #tpu.memory_space<vmem>>, vector<1x16xf32>,
      %get3A_470 = vector.shape_cast %get3A_469 : vector<1x16xf32> to vector<16xf32>
      %mul3A_471 = arith.mulf %broadcast_in_dim3A_444, %get3A_470 : vector<16xf32>
      %add3A_472 = arith.addf %add3A_441, %mul3A_471 : vector<16xf32>
      %slice3A_473 = vector.extract_strided_slice %get3A_86 {offsets = [12], sizes = [1], strides = [1]} : vector<16xf32> to vector<1xf32>
      %squeeze3A_474 = vector.extract %slice3A_473[0] : f32 from vector<1xf32>
      %broadcast_in_dim3A_475 = vector.broadcast %squeeze3A_474 : f32 to vector<16xf32>
      %get3A_476 = arith.constant 12 : i32
      %get3A_477 = arith.index_cast %get3A_476 : i32 to index
      %get3A_478 = arith.constant 0 : index
      %get3A_479 = tpu.vector_load %arg12[%get3A_477, %get3A_478] {strides = array<i32>} : memref<22x64xf32, #tpu.memory_space<vmem>>, vector<1x16xf32>,
      %get3A_480 = vector.shape_cast %get3A_479 : vector<1x16xf32> to vector<16xf32>
      %mul3A_481 = arith.mulf %broadcast_in_dim3A_475, %get3A_480 : vector<16xf32>
      %add3A_482 = arith.addf %add3A_451, %mul3A_481 : vector<16xf32>
      %get3A_483 = arith.constant 12 : i32
      %get3A_484 = arith.index_cast %get3A_483 : i32 to index
      %get3A_485 = arith.constant 16 : index
      %get3A_486 = tpu.vector_load %arg12[%get3A_484, %get3A_485] {strides = array<i32>} : memref<22x64xf32, #tpu.memory_space<vmem>>, vector<1x16xf32>,
      %get3A_487 = vector.shape_cast %get3A_486 : vector<1x16xf32> to vector<16xf32>
      %mul3A_488 = arith.mulf %broadcast_in_dim3A_475, %get3A_487 : vector<16xf32>
      %add3A_489 = arith.addf %add3A_458, %mul3A_488 : vector<16xf32>
      %get3A_490 = arith.constant 12 : i32
      %get3A_491 = arith.index_cast %get3A_490 : i32 to index
      %get3A_492 = arith.constant 32 : index
      %get3A_493 = tpu.vector_load %arg12[%get3A_491, %get3A_492] {strides = array<i32>} : memref<22x64xf32, #tpu.memory_space<vmem>>, vector<1x16xf32>,
      %get3A_494 = vector.shape_cast %get3A_493 : vector<1x16xf32> to vector<16xf32>
      %mul3A_495 = arith.mulf %broadcast_in_dim3A_475, %get3A_494 : vector<16xf32>
      %add3A_496 = arith.addf %add3A_465, %mul3A_495 : vector<16xf32>
      %get3A_497 = arith.constant 12 : i32
      %get3A_498 = arith.index_cast %get3A_497 : i32 to index
      %get3A_499 = arith.constant 48 : index
      %get3A_500 = tpu.vector_load %arg12[%get3A_498, %get3A_499] {strides = array<i32>} : memref<22x64xf32, #tpu.memory_space<vmem>>, vector<1x16xf32>,
      %get3A_501 = vector.shape_cast %get3A_500 : vector<1x16xf32> to vector<16xf32>
      %mul3A_502 = arith.mulf %broadcast_in_dim3A_475, %get3A_501 : vector<16xf32>
      %add3A_503 = arith.addf %add3A_472, %mul3A_502 : vector<16xf32>
      %slice3A_504 = vector.extract_strided_slice %get3A_86 {offsets = [13], sizes = [1], strides = [1]} : vector<16xf32> to vector<1xf32>
      %squeeze3A_505 = vector.extract %slice3A_504[0] : f32 from vector<1xf32>
      %broadcast_in_dim3A_506 = vector.broadcast %squeeze3A_505 : f32 to vector<16xf32>
      %get3A_507 = arith.constant 13 : i32
      %get3A_508 = arith.index_cast %get3A_507 : i32 to index
      %get3A_509 = arith.constant 0 : index
      %get3A_510 = tpu.vector_load %arg12[%get3A_508, %get3A_509] {strides = array<i32>} : memref<22x64xf32, #tpu.memory_space<vmem>>, vector<1x16xf32>,
      %get3A_511 = vector.shape_cast %get3A_510 : vector<1x16xf32> to vector<16xf32>
      %mul3A_512 = arith.mulf %broadcast_in_dim3A_506, %get3A_511 : vector<16xf32>
      %add3A_513 = arith.addf %add3A_482, %mul3A_512 : vector<16xf32>
      %get3A_514 = arith.constant 13 : i32
      %get3A_515 = arith.index_cast %get3A_514 : i32 to index
      %get3A_516 = arith.constant 16 : index
      %get3A_517 = tpu.vector_load %arg12[%get3A_515, %get3A_516] {strides = array<i32>} : memref<22x64xf32, #tpu.memory_space<vmem>>, vector<1x16xf32>,
      %get3A_518 = vector.shape_cast %get3A_517 : vector<1x16xf32> to vector<16xf32>
      %mul3A_519 = arith.mulf %broadcast_in_dim3A_506, %get3A_518 : vector<16xf32>
      %add3A_520 = arith.addf %add3A_489, %mul3A_519 : vector<16xf32>
      %get3A_521 = arith.constant 13 : i32
      %get3A_522 = arith.index_cast %get3A_521 : i32 to index
      %get3A_523 = arith.constant 32 : index
      %get3A_524 = tpu.vector_load %arg12[%get3A_522, %get3A_523] {strides = array<i32>} : memref<22x64xf32, #tpu.memory_space<vmem>>, vector<1x16xf32>,
      %get3A_525 = vector.shape_cast %get3A_524 : vector<1x16xf32> to vector<16xf32>
      %mul3A_526 = arith.mulf %broadcast_in_dim3A_506, %get3A_525 : vector<16xf32>
      %add3A_527 = arith.addf %add3A_496, %mul3A_526 : vector<16xf32>
      %get3A_528 = arith.constant 13 : i32
      %get3A_529 = arith.index_cast %get3A_528 : i32 to index
      %get3A_530 = arith.constant 48 : index
      %get3A_531 = tpu.vector_load %arg12[%get3A_529, %get3A_530] {strides = array<i32>} : memref<22x64xf32, #tpu.memory_space<vmem>>, vector<1x16xf32>,
      %get3A_532 = vector.shape_cast %get3A_531 : vector<1x16xf32> to vector<16xf32>
      %mul3A_533 = arith.mulf %broadcast_in_dim3A_506, %get3A_532 : vector<16xf32>
      %add3A_534 = arith.addf %add3A_503, %mul3A_533 : vector<16xf32>
      %slice3A_535 = vector.extract_strided_slice %get3A_86 {offsets = [14], sizes = [1], strides = [1]} : vector<16xf32> to vector<1xf32>
      %squeeze3A_536 = vector.extract %slice3A_535[0] : f32 from vector<1xf32>
      %broadcast_in_dim3A_537 = vector.broadcast %squeeze3A_536 : f32 to vector<16xf32>
      %get3A_538 = arith.constant 14 : i32
      %get3A_539 = arith.index_cast %get3A_538 : i32 to index
      %get3A_540 = arith.constant 0 : index
      %get3A_541 = tpu.vector_load %arg12[%get3A_539, %get3A_540] {strides = array<i32>} : memref<22x64xf32, #tpu.memory_space<vmem>>, vector<1x16xf32>,
      %get3A_542 = vector.shape_cast %get3A_541 : vector<1x16xf32> to vector<16xf32>
      %mul3A_543 = arith.mulf %broadcast_in_dim3A_537, %get3A_542 : vector<16xf32>
      %add3A_544 = arith.addf %add3A_513, %mul3A_543 : vector<16xf32>
      %get3A_545 = arith.constant 14 : i32
      %get3A_546 = arith.index_cast %get3A_545 : i32 to index
      %get3A_547 = arith.constant 16 : index
      %get3A_548 = tpu.vector_load %arg12[%get3A_546, %get3A_547] {strides = array<i32>} : memref<22x64xf32, #tpu.memory_space<vmem>>, vector<1x16xf32>,
      %get3A_549 = vector.shape_cast %get3A_548 : vector<1x16xf32> to vector<16xf32>
      %mul3A_550 = arith.mulf %broadcast_in_dim3A_537, %get3A_549 : vector<16xf32>
      %add3A_551 = arith.addf %add3A_520, %mul3A_550 : vector<16xf32>
      %get3A_552 = arith.constant 14 : i32
      %get3A_553 = arith.index_cast %get3A_552 : i32 to index
      %get3A_554 = arith.constant 32 : index
      %get3A_555 = tpu.vector_load %arg12[%get3A_553, %get3A_554] {strides = array<i32>} : memref<22x64xf32, #tpu.memory_space<vmem>>, vector<1x16xf32>,
      %get3A_556 = vector.shape_cast %get3A_555 : vector<1x16xf32> to vector<16xf32>
      %mul3A_557 = arith.mulf %broadcast_in_dim3A_537, %get3A_556 : vector<16xf32>
      %add3A_558 = arith.addf %add3A_527, %mul3A_557 : vector<16xf32>
      %get3A_559 = arith.constant 14 : i32
      %get3A_560 = arith.index_cast %get3A_559 : i32 to index
      %get3A_561 = arith.constant 48 : index
      %get3A_562 = tpu.vector_load %arg12[%get3A_560, %get3A_561] {strides = array<i32>} : memref<22x64xf32, #tpu.memory_space<vmem>>, vector<1x16xf32>,
      %get3A_563 = vector.shape_cast %get3A_562 : vector<1x16xf32> to vector<16xf32>
      %mul3A_564 = arith.mulf %broadcast_in_dim3A_537, %get3A_563 : vector<16xf32>
      %add3A_565 = arith.addf %add3A_534, %mul3A_564 : vector<16xf32>
      %slice3A_566 = vector.extract_strided_slice %get3A_86 {offsets = [15], sizes = [1], strides = [1]} : vector<16xf32> to vector<1xf32>
      %squeeze3A_567 = vector.extract %slice3A_566[0] : f32 from vector<1xf32>
      %broadcast_in_dim3A_568 = vector.broadcast %squeeze3A_567 : f32 to vector<16xf32>
      %get3A_569 = arith.constant 15 : i32
      %get3A_570 = arith.index_cast %get3A_569 : i32 to index
      %get3A_571 = arith.constant 0 : index
      %get3A_572 = tpu.vector_load %arg12[%get3A_570, %get3A_571] {strides = array<i32>} : memref<22x64xf32, #tpu.memory_space<vmem>>, vector<1x16xf32>,
      %get3A_573 = vector.shape_cast %get3A_572 : vector<1x16xf32> to vector<16xf32>
      %mul3A_574 = arith.mulf %broadcast_in_dim3A_568, %get3A_573 : vector<16xf32>
      %add3A_575 = arith.addf %add3A_544, %mul3A_574 : vector<16xf32>
      %get3A_576 = arith.constant 15 : i32
      %get3A_577 = arith.index_cast %get3A_576 : i32 to index
      %get3A_578 = arith.constant 16 : index
      %get3A_579 = tpu.vector_load %arg12[%get3A_577, %get3A_578] {strides = array<i32>} : memref<22x64xf32, #tpu.memory_space<vmem>>, vector<1x16xf32>,
      %get3A_580 = vector.shape_cast %get3A_579 : vector<1x16xf32> to vector<16xf32>
      %mul3A_581 = arith.mulf %broadcast_in_dim3A_568, %get3A_580 : vector<16xf32>
      %add3A_582 = arith.addf %add3A_551, %mul3A_581 : vector<16xf32>
      %get3A_583 = arith.constant 15 : i32
      %get3A_584 = arith.index_cast %get3A_583 : i32 to index
      %get3A_585 = arith.constant 32 : index
      %get3A_586 = tpu.vector_load %arg12[%get3A_584, %get3A_585] {strides = array<i32>} : memref<22x64xf32, #tpu.memory_space<vmem>>, vector<1x16xf32>,
      %get3A_587 = vector.shape_cast %get3A_586 : vector<1x16xf32> to vector<16xf32>
      %mul3A_588 = arith.mulf %broadcast_in_dim3A_568, %get3A_587 : vector<16xf32>
      %add3A_589 = arith.addf %add3A_558, %mul3A_588 : vector<16xf32>
      %get3A_590 = arith.constant 15 : i32
      %get3A_591 = arith.index_cast %get3A_590 : i32 to index
      %get3A_592 = arith.constant 48 : index
      %get3A_593 = tpu.vector_load %arg12[%get3A_591, %get3A_592] {strides = array<i32>} : memref<22x64xf32, #tpu.memory_space<vmem>>, vector<1x16xf32>,
      %get3A_594 = vector.shape_cast %get3A_593 : vector<1x16xf32> to vector<16xf32>
      %mul3A_595 = arith.mulf %broadcast_in_dim3A_568, %get3A_594 : vector<16xf32>
      %add3A_596 = arith.addf %add3A_565, %mul3A_595 : vector<16xf32>
      %slice3A_597 = vector.extract_strided_slice %get3A_91 {offsets = [0], sizes = [1], strides = [1]} : vector<16xf32> to vector<1xf32>
      %squeeze3A_598 = vector.extract %slice3A_597[0] : f32 from vector<1xf32>
      %broadcast_in_dim3A_599 = vector.broadcast %squeeze3A_598 : f32 to vector<16xf32>
      %get3A_600 = arith.constant 16 : i32
      %get3A_601 = arith.index_cast %get3A_600 : i32 to index
      %get3A_602 = arith.constant 0 : index
      %get3A_603 = tpu.vector_load %arg12[%get3A_601, %get3A_602] {strides = array<i32>} : memref<22x64xf32, #tpu.memory_space<vmem>>, vector<1x16xf32>,
      %get3A_604 = vector.shape_cast %get3A_603 : vector<1x16xf32> to vector<16xf32>
      %mul3A_605 = arith.mulf %broadcast_in_dim3A_599, %get3A_604 : vector<16xf32>
      %add3A_606 = arith.addf %add3A_575, %mul3A_605 : vector<16xf32>
      %get3A_607 = arith.constant 16 : i32
      %get3A_608 = arith.index_cast %get3A_607 : i32 to index
      %get3A_609 = arith.constant 16 : index
      %get3A_610 = tpu.vector_load %arg12[%get3A_608, %get3A_609] {strides = array<i32>} : memref<22x64xf32, #tpu.memory_space<vmem>>, vector<1x16xf32>,
      %get3A_611 = vector.shape_cast %get3A_610 : vector<1x16xf32> to vector<16xf32>
      %mul3A_612 = arith.mulf %broadcast_in_dim3A_599, %get3A_611 : vector<16xf32>
      %add3A_613 = arith.addf %add3A_582, %mul3A_612 : vector<16xf32>
      %get3A_614 = arith.constant 16 : i32
      %get3A_615 = arith.index_cast %get3A_614 : i32 to index
      %get3A_616 = arith.constant 32 : index
      %get3A_617 = tpu.vector_load %arg12[%get3A_615, %get3A_616] {strides = array<i32>} : memref<22x64xf32, #tpu.memory_space<vmem>>, vector<1x16xf32>,
      %get3A_618 = vector.shape_cast %get3A_617 : vector<1x16xf32> to vector<16xf32>
      %mul3A_619 = arith.mulf %broadcast_in_dim3A_599, %get3A_618 : vector<16xf32>
      %add3A_620 = arith.addf %add3A_589, %mul3A_619 : vector<16xf32>
      %get3A_621 = arith.constant 16 : i32
      %get3A_622 = arith.index_cast %get3A_621 : i32 to index
      %get3A_623 = arith.constant 48 : index
      %get3A_624 = tpu.vector_load %arg12[%get3A_622, %get3A_623] {strides = array<i32>} : memref<22x64xf32, #tpu.memory_space<vmem>>, vector<1x16xf32>,
      %get3A_625 = vector.shape_cast %get3A_624 : vector<1x16xf32> to vector<16xf32>
      %mul3A_626 = arith.mulf %broadcast_in_dim3A_599, %get3A_625 : vector<16xf32>
      %add3A_627 = arith.addf %add3A_596, %mul3A_626 : vector<16xf32>
      %slice3A_628 = vector.extract_strided_slice %get3A_91 {offsets = [1], sizes = [1], strides = [1]} : vector<16xf32> to vector<1xf32>
      %squeeze3A_629 = vector.extract %slice3A_628[0] : f32 from vector<1xf32>
      %broadcast_in_dim3A_630 = vector.broadcast %squeeze3A_629 : f32 to vector<16xf32>
      %get3A_631 = arith.constant 17 : i32
      %get3A_632 = arith.index_cast %get3A_631 : i32 to index
      %get3A_633 = arith.constant 0 : index
      %get3A_634 = tpu.vector_load %arg12[%get3A_632, %get3A_633] {strides = array<i32>} : memref<22x64xf32, #tpu.memory_space<vmem>>, vector<1x16xf32>,
      %get3A_635 = vector.shape_cast %get3A_634 : vector<1x16xf32> to vector<16xf32>
      %mul3A_636 = arith.mulf %broadcast_in_dim3A_630, %get3A_635 : vector<16xf32>
      %add3A_637 = arith.addf %add3A_606, %mul3A_636 : vector<16xf32>
      %get3A_638 = arith.constant 17 : i32
      %get3A_639 = arith.index_cast %get3A_638 : i32 to index
      %get3A_640 = arith.constant 16 : index
      %get3A_641 = tpu.vector_load %arg12[%get3A_639, %get3A_640] {strides = array<i32>} : memref<22x64xf32, #tpu.memory_space<vmem>>, vector<1x16xf32>,
      %get3A_642 = vector.shape_cast %get3A_641 : vector<1x16xf32> to vector<16xf32>
      %mul3A_643 = arith.mulf %broadcast_in_dim3A_630, %get3A_642 : vector<16xf32>
      %add3A_644 = arith.addf %add3A_613, %mul3A_643 : vector<16xf32>
      %get3A_645 = arith.constant 17 : i32
      %get3A_646 = arith.index_cast %get3A_645 : i32 to index
      %get3A_647 = arith.constant 32 : index
      %get3A_648 = tpu.vector_load %arg12[%get3A_646, %get3A_647] {strides = array<i32>} : memref<22x64xf32, #tpu.memory_space<vmem>>, vector<1x16xf32>,
      %get3A_649 = vector.shape_cast %get3A_648 : vector<1x16xf32> to vector<16xf32>
      %mul3A_650 = arith.mulf %broadcast_in_dim3A_630, %get3A_649 : vector<16xf32>
      %add3A_651 = arith.addf %add3A_620, %mul3A_650 : vector<16xf32>
      %get3A_652 = arith.constant 17 : i32
      %get3A_653 = arith.index_cast %get3A_652 : i32 to index
      %get3A_654 = arith.constant 48 : index
      %get3A_655 = tpu.vector_load %arg12[%get3A_653, %get3A_654] {strides = array<i32>} : memref<22x64xf32, #tpu.memory_space<vmem>>, vector<1x16xf32>,
      %get3A_656 = vector.shape_cast %get3A_655 : vector<1x16xf32> to vector<16xf32>
      %mul3A_657 = arith.mulf %broadcast_in_dim3A_630, %get3A_656 : vector<16xf32>
      %add3A_658 = arith.addf %add3A_627, %mul3A_657 : vector<16xf32>
      %slice3A_659 = vector.extract_strided_slice %get3A_91 {offsets = [2], sizes = [1], strides = [1]} : vector<16xf32> to vector<1xf32>
      %squeeze3A_660 = vector.extract %slice3A_659[0] : f32 from vector<1xf32>
      %broadcast_in_dim3A_661 = vector.broadcast %squeeze3A_660 : f32 to vector<16xf32>
      %get3A_662 = arith.constant 18 : i32
      %get3A_663 = arith.index_cast %get3A_662 : i32 to index
      %get3A_664 = arith.constant 0 : index
      %get3A_665 = tpu.vector_load %arg12[%get3A_663, %get3A_664] {strides = array<i32>} : memref<22x64xf32, #tpu.memory_space<vmem>>, vector<1x16xf32>,
      %get3A_666 = vector.shape_cast %get3A_665 : vector<1x16xf32> to vector<16xf32>
      %mul3A_667 = arith.mulf %broadcast_in_dim3A_661, %get3A_666 : vector<16xf32>
      %add3A_668 = arith.addf %add3A_637, %mul3A_667 : vector<16xf32>
      %get3A_669 = arith.constant 18 : i32
      %get3A_670 = arith.index_cast %get3A_669 : i32 to index
      %get3A_671 = arith.constant 16 : index
      %get3A_672 = tpu.vector_load %arg12[%get3A_670, %get3A_671] {strides = array<i32>} : memref<22x64xf32, #tpu.memory_space<vmem>>, vector<1x16xf32>,
      %get3A_673 = vector.shape_cast %get3A_672 : vector<1x16xf32> to vector<16xf32>
      %mul3A_674 = arith.mulf %broadcast_in_dim3A_661, %get3A_673 : vector<16xf32>
      %add3A_675 = arith.addf %add3A_644, %mul3A_674 : vector<16xf32>
      %get3A_676 = arith.constant 18 : i32
      %get3A_677 = arith.index_cast %get3A_676 : i32 to index
      %get3A_678 = arith.constant 32 : index
      %get3A_679 = tpu.vector_load %arg12[%get3A_677, %get3A_678] {strides = array<i32>} : memref<22x64xf32, #tpu.memory_space<vmem>>, vector<1x16xf32>,
      %get3A_680 = vector.shape_cast %get3A_679 : vector<1x16xf32> to vector<16xf32>
      %mul3A_681 = arith.mulf %broadcast_in_dim3A_661, %get3A_680 : vector<16xf32>
      %add3A_682 = arith.addf %add3A_651, %mul3A_681 : vector<16xf32>
      %get3A_683 = arith.constant 18 : i32
      %get3A_684 = arith.index_cast %get3A_683 : i32 to index
      %get3A_685 = arith.constant 48 : index
      %get3A_686 = tpu.vector_load %arg12[%get3A_684, %get3A_685] {strides = array<i32>} : memref<22x64xf32, #tpu.memory_space<vmem>>, vector<1x16xf32>,
      %get3A_687 = vector.shape_cast %get3A_686 : vector<1x16xf32> to vector<16xf32>
      %mul3A_688 = arith.mulf %broadcast_in_dim3A_661, %get3A_687 : vector<16xf32>
      %add3A_689 = arith.addf %add3A_658, %mul3A_688 : vector<16xf32>
      %slice3A_690 = vector.extract_strided_slice %get3A_91 {offsets = [3], sizes = [1], strides = [1]} : vector<16xf32> to vector<1xf32>
      %squeeze3A_691 = vector.extract %slice3A_690[0] : f32 from vector<1xf32>
      %broadcast_in_dim3A_692 = vector.broadcast %squeeze3A_691 : f32 to vector<16xf32>
      %get3A_693 = arith.constant 19 : i32
      %get3A_694 = arith.index_cast %get3A_693 : i32 to index
      %get3A_695 = arith.constant 0 : index
      %get3A_696 = tpu.vector_load %arg12[%get3A_694, %get3A_695] {strides = array<i32>} : memref<22x64xf32, #tpu.memory_space<vmem>>, vector<1x16xf32>,
      %get3A_697 = vector.shape_cast %get3A_696 : vector<1x16xf32> to vector<16xf32>
      %mul3A_698 = arith.mulf %broadcast_in_dim3A_692, %get3A_697 : vector<16xf32>
      %add3A_699 = arith.addf %add3A_668, %mul3A_698 : vector<16xf32>
      %get3A_700 = arith.constant 19 : i32
      %get3A_701 = arith.index_cast %get3A_700 : i32 to index
      %get3A_702 = arith.constant 16 : index
      %get3A_703 = tpu.vector_load %arg12[%get3A_701, %get3A_702] {strides = array<i32>} : memref<22x64xf32, #tpu.memory_space<vmem>>, vector<1x16xf32>,
      %get3A_704 = vector.shape_cast %get3A_703 : vector<1x16xf32> to vector<16xf32>
      %mul3A_705 = arith.mulf %broadcast_in_dim3A_692, %get3A_704 : vector<16xf32>
      %add3A_706 = arith.addf %add3A_675, %mul3A_705 : vector<16xf32>
      %get3A_707 = arith.constant 19 : i32
      %get3A_708 = arith.index_cast %get3A_707 : i32 to index
      %get3A_709 = arith.constant 32 : index
      %get3A_710 = tpu.vector_load %arg12[%get3A_708, %get3A_709] {strides = array<i32>} : memref<22x64xf32, #tpu.memory_space<vmem>>, vector<1x16xf32>,
      %get3A_711 = vector.shape_cast %get3A_710 : vector<1x16xf32> to vector<16xf32>
      %mul3A_712 = arith.mulf %broadcast_in_dim3A_692, %get3A_711 : vector<16xf32>
      %add3A_713 = arith.addf %add3A_682, %mul3A_712 : vector<16xf32>
      %get3A_714 = arith.constant 19 : i32
      %get3A_715 = arith.index_cast %get3A_714 : i32 to index
      %get3A_716 = arith.constant 48 : index
      %get3A_717 = tpu.vector_load %arg12[%get3A_715, %get3A_716] {strides = array<i32>} : memref<22x64xf32, #tpu.memory_space<vmem>>, vector<1x16xf32>,
      %get3A_718 = vector.shape_cast %get3A_717 : vector<1x16xf32> to vector<16xf32>
      %mul3A_719 = arith.mulf %broadcast_in_dim3A_692, %get3A_718 : vector<16xf32>
      %add3A_720 = arith.addf %add3A_689, %mul3A_719 : vector<16xf32>
      %slice3A_721 = vector.extract_strided_slice %get3A_91 {offsets = [4], sizes = [1], strides = [1]} : vector<16xf32> to vector<1xf32>
      %squeeze3A_722 = vector.extract %slice3A_721[0] : f32 from vector<1xf32>
      %broadcast_in_dim3A_723 = vector.broadcast %squeeze3A_722 : f32 to vector<16xf32>
      %get3A_724 = arith.constant 20 : i32
      %get3A_725 = arith.index_cast %get3A_724 : i32 to index
      %get3A_726 = arith.constant 0 : index
      %get3A_727 = tpu.vector_load %arg12[%get3A_725, %get3A_726] {strides = array<i32>} : memref<22x64xf32, #tpu.memory_space<vmem>>, vector<1x16xf32>,
      %get3A_728 = vector.shape_cast %get3A_727 : vector<1x16xf32> to vector<16xf32>
      %mul3A_729 = arith.mulf %broadcast_in_dim3A_723, %get3A_728 : vector<16xf32>
      %add3A_730 = arith.addf %add3A_699, %mul3A_729 : vector<16xf32>
      %get3A_731 = arith.constant 20 : i32
      %get3A_732 = arith.index_cast %get3A_731 : i32 to index
      %get3A_733 = arith.constant 16 : index
      %get3A_734 = tpu.vector_load %arg12[%get3A_732, %get3A_733] {strides = array<i32>} : memref<22x64xf32, #tpu.memory_space<vmem>>, vector<1x16xf32>,
      %get3A_735 = vector.shape_cast %get3A_734 : vector<1x16xf32> to vector<16xf32>
      %mul3A_736 = arith.mulf %broadcast_in_dim3A_723, %get3A_735 : vector<16xf32>
      %add3A_737 = arith.addf %add3A_706, %mul3A_736 : vector<16xf32>
      %get3A_738 = arith.constant 20 : i32
      %get3A_739 = arith.index_cast %get3A_738 : i32 to index
      %get3A_740 = arith.constant 32 : index
      %get3A_741 = tpu.vector_load %arg12[%get3A_739, %get3A_740] {strides = array<i32>} : memref<22x64xf32, #tpu.memory_space<vmem>>, vector<1x16xf32>,
      %get3A_742 = vector.shape_cast %get3A_741 : vector<1x16xf32> to vector<16xf32>
      %mul3A_743 = arith.mulf %broadcast_in_dim3A_723, %get3A_742 : vector<16xf32>
      %add3A_744 = arith.addf %add3A_713, %mul3A_743 : vector<16xf32>
      %get3A_745 = arith.constant 20 : i32
      %get3A_746 = arith.index_cast %get3A_745 : i32 to index
      %get3A_747 = arith.constant 48 : index
      %get3A_748 = tpu.vector_load %arg12[%get3A_746, %get3A_747] {strides = array<i32>} : memref<22x64xf32, #tpu.memory_space<vmem>>, vector<1x16xf32>,
      %get3A_749 = vector.shape_cast %get3A_748 : vector<1x16xf32> to vector<16xf32>
      %mul3A_750 = arith.mulf %broadcast_in_dim3A_723, %get3A_749 : vector<16xf32>
      %add3A_751 = arith.addf %add3A_720, %mul3A_750 : vector<16xf32>
      %slice3A_752 = vector.extract_strided_slice %get3A_91 {offsets = [5], sizes = [1], strides = [1]} : vector<16xf32> to vector<1xf32>
      %squeeze3A_753 = vector.extract %slice3A_752[0] : f32 from vector<1xf32>
      %broadcast_in_dim3A_754 = vector.broadcast %squeeze3A_753 : f32 to vector<16xf32>
      %get3A_755 = arith.constant 21 : i32
      %get3A_756 = arith.index_cast %get3A_755 : i32 to index
      %get3A_757 = arith.constant 0 : index
      %get3A_758 = tpu.vector_load %arg12[%get3A_756, %get3A_757] {strides = array<i32>} : memref<22x64xf32, #tpu.memory_space<vmem>>, vector<1x16xf32>,
      %get3A_759 = vector.shape_cast %get3A_758 : vector<1x16xf32> to vector<16xf32>
      %mul3A_760 = arith.mulf %broadcast_in_dim3A_754, %get3A_759 : vector<16xf32>
      %add3A_761 = arith.addf %add3A_730, %mul3A_760 : vector<16xf32>
      %get3A_762 = arith.constant 21 : i32
      %get3A_763 = arith.index_cast %get3A_762 : i32 to index
      %get3A_764 = arith.constant 16 : index
      %get3A_765 = tpu.vector_load %arg12[%get3A_763, %get3A_764] {strides = array<i32>} : memref<22x64xf32, #tpu.memory_space<vmem>>, vector<1x16xf32>,
      %get3A_766 = vector.shape_cast %get3A_765 : vector<1x16xf32> to vector<16xf32>
      %mul3A_767 = arith.mulf %broadcast_in_dim3A_754, %get3A_766 : vector<16xf32>
      %add3A_768 = arith.addf %add3A_737, %mul3A_767 : vector<16xf32>
      %get3A_769 = arith.constant 21 : i32
      %get3A_770 = arith.index_cast %get3A_769 : i32 to index
      %get3A_771 = arith.constant 32 : index
      %get3A_772 = tpu.vector_load %arg12[%get3A_770, %get3A_771] {strides = array<i32>} : memref<22x64xf32, #tpu.memory_space<vmem>>, vector<1x16xf32>,
      %get3A_773 = vector.shape_cast %get3A_772 : vector<1x16xf32> to vector<16xf32>
      %mul3A_774 = arith.mulf %broadcast_in_dim3A_754, %get3A_773 : vector<16xf32>
      %add3A_775 = arith.addf %add3A_744, %mul3A_774 : vector<16xf32>
      %get3A_776 = arith.constant 21 : i32
      %get3A_777 = arith.index_cast %get3A_776 : i32 to index
      %get3A_778 = arith.constant 48 : index
      %get3A_779 = tpu.vector_load %arg12[%get3A_777, %get3A_778] {strides = array<i32>} : memref<22x64xf32, #tpu.memory_space<vmem>>, vector<1x16xf32>,
      %get3A_780 = vector.shape_cast %get3A_779 : vector<1x16xf32> to vector<16xf32>
      %mul3A_781 = arith.mulf %broadcast_in_dim3A_754, %get3A_780 : vector<16xf32>
      %add3A_782 = arith.addf %add3A_751, %mul3A_781 : vector<16xf32>
      %max3A = arith.constant 0.000000e+00 : f32
      %max3A_783 = vector.broadcast %max3A : f32 to vector<16xf32>
      %max3A_784 = arith.maximumf %add3A_761, %max3A_783 : vector<16xf32>
      %swap3A = arith.index_cast %add3A_80 : i32 to index
      %swap3A_785 = arith.constant 0 : index
      %swap3A_786 = tpu.vector_load %arg10[%swap3A, %swap3A_785] {strides = array<i32>} : memref<432x64xf32, #tpu.memory_space<vmem>>, vector<1x16xf32>,
      %swap3A_787 = vector.shape_cast %swap3A_786 : vector<1x16xf32> to vector<16xf32>
      %swap3A_788 = vector.shape_cast %max3A_784 : vector<16xf32> to vector<1x16xf32>
      tpu.vector_store %arg10[%swap3A, %swap3A_785], %swap3A_788 {strides = array<i32>} : memref<432x64xf32, #tpu.memory_space<vmem>>, vector<1x16xf32>,
      %max3A_789 = arith.constant 0.000000e+00 : f32
      %max3A_790 = vector.broadcast %max3A_789 : f32 to vector<16xf32>
      %max3A_791 = arith.maximumf %add3A_768, %max3A_790 : vector<16xf32>
      %swap3A_792 = arith.index_cast %add3A_80 : i32 to index
      %swap3A_793 = arith.constant 16 : index
      %swap3A_794 = tpu.vector_load %arg10[%swap3A_792, %swap3A_793] {strides = array<i32>} : memref<432x64xf32, #tpu.memory_space<vmem>>, vector<1x16xf32>,
      %swap3A_795 = vector.shape_cast %swap3A_794 : vector<1x16xf32> to vector<16xf32>
      %swap3A_796 = vector.shape_cast %max3A_791 : vector<16xf32> to vector<1x16xf32>
      tpu.vector_store %arg10[%swap3A_792, %swap3A_793], %swap3A_796 {strides = array<i32>} : memref<432x64xf32, #tpu.memory_space<vmem>>, vector<1x16xf32>,
      %max3A_797 = arith.constant 0.000000e+00 : f32
      %max3A_798 = vector.broadcast %max3A_797 : f32 to vector<16xf32>
      %max3A_799 = arith.maximumf %add3A_775, %max3A_798 : vector<16xf32>
      %swap3A_800 = arith.index_cast %add3A_80 : i32 to index
      %swap3A_801 = arith.constant 32 : index
      %swap3A_802 = tpu.vector_load %arg10[%swap3A_800, %swap3A_801] {strides = array<i32>} : memref<432x64xf32, #tpu.memory_space<vmem>>, vector<1x16xf32>,
      %swap3A_803 = vector.shape_cast %swap3A_802 : vector<1x16xf32> to vector<16xf32>
      %swap3A_804 = vector.shape_cast %max3A_799 : vector<16xf32> to vector<1x16xf32>
      tpu.vector_store %arg10[%swap3A_800, %swap3A_801], %swap3A_804 {strides = array<i32>} : memref<432x64xf32, #tpu.memory_space<vmem>>, vector<1x16xf32>,
      %max3A_805 = arith.constant 0.000000e+00 : f32
      %max3A_806 = vector.broadcast %max3A_805 : f32 to vector<16xf32>
      %max3A_807 = arith.maximumf %add3A_782, %max3A_806 : vector<16xf32>
      %swap3A_808 = arith.index_cast %add3A_80 : i32 to index
      %swap3A_809 = arith.constant 48 : index
      %swap3A_810 = tpu.vector_load %arg10[%swap3A_808, %swap3A_809] {strides = array<i32>} : memref<432x64xf32, #tpu.memory_space<vmem>>, vector<1x16xf32>,
      %swap3A_811 = vector.shape_cast %swap3A_810 : vector<1x16xf32> to vector<16xf32>
      %swap3A_812 = vector.shape_cast %max3A_807 : vector<16xf32> to vector<1x16xf32>
      tpu.vector_store %arg10[%swap3A_808, %swap3A_809], %swap3A_812 {strides = array<i32>} : memref<432x64xf32, #tpu.memory_space<vmem>>, vector<1x16xf32>,
    }
    %scan3A_61 = arith.constant 16 : i32
    %mul3A_62 = arith.constant 17280 : i32
    %mul3A_63 = arith.muli %add3A, %mul3A_62 : i32
    %add3A_64 = arith.constant 16848 : i32
    %add3A_65 = arith.addi %mul3A_63, %add3A_64 : i32
    %dma_start3A_66 = arith.constant 0 : i32
    %dma_start3A_67 = tpu.memref_slice %arg7[%add3A_65, %dma_start3A_66] : memref<552960x64xf32, #tpu.memory_space<hbm>> -> memref<432x64xf32, #tpu.memory_space<hbm>>
    %dma_start3A_68 = arith.constant 0 : i32
    %dma_start3A_69 = tpu.memref_slice %arg7[%add3A_65, %dma_start3A_68] : memref<552960x64xf32, #tpu.memory_space<hbm>> -> memref<432x64xf32, #tpu.memory_space<hbm>>
    tpu.enqueue_dma source(%arg10 : memref<432x64xf32, #tpu.memory_space<vmem>>) target(%dma_start3A_69 : memref<432x64xf32, #tpu.memory_space<hbm>>) target_semaphore(%arg17 : memref<!tpu.dma_semaphore, #tpu.memory_space<semaphore_mem>>)
    %dma_wait3A_70 = arith.constant 0 : i32
    %dma_wait3A_71 = arith.constant 0 : i32
    %dma_wait3A_72 = tpu.memref_slice %arg7[%dma_wait3A_70, %dma_wait3A_71] : memref<552960x64xf32, #tpu.memory_space<hbm>> -> memref<432x64xf32, #tpu.memory_space<hbm>>
    %dma_wait3A_73 = arith.constant 0 : i32
    %dma_wait3A_74 = arith.constant 0 : i32
    %dma_wait3A_75 = tpu.memref_slice %arg7[%dma_wait3A_73, %dma_wait3A_74] : memref<552960x64xf32, #tpu.memory_space<hbm>> -> memref<432x64xf32, #tpu.memory_space<hbm>>
    tpu.wait_dma2 semaphore(%arg17 : memref<!tpu.dma_semaphore, #tpu.memory_space<semaphore_mem>>) src(%dma_wait3A_75 : memref<432x64xf32, #tpu.memory_space<hbm>>) dst(%arg10 : memref<432x64xf32, #tpu.memory_space<vmem>>)
    return
  }
}

</mosaic_0001>

<sc_bundles>
// kernel: _sc_call.3.cloned.1.call-start
scs
__scs_entry_jumppad:
0x0: {  	(pc) =	sbr.rel $0x88, $3  }
0x1: {  	(tag) =	ssettag $0x0;
	lr =	simm.s32 $0x1  }
0x2: {  	[smem:$0x3F9C] =	sst lr;
	_ =	strace $0xD0000000  }
0x3: {  	_ = 	snop  }
0x4: {  	_ = 	snop  }
0x5: {  	_ = 	snop  }
0x6: {  	_ = 	snop  }
0x7: {  	_ = 	snop  }
__scs_overlays_trampoline_lowered:
0x8: {  	[smem:$0x3FAB] =	sst s0  }
0x9: {  	[smem:$0x3FAC] =	sst s1  }
0xa: {  	[smem:$0x3FAD] =	sst s2  }
0xb: {  	[smem:$0x3FAE] =	sst s3  }
0xc: {  	[smem:$0x3FAF] =	sst s4  }
0xd: {  	[smem:$0x3FB0] =	sst s5  }
0xe: {  	[smem:$0x3FB1] =	sst s6  }
0xf: {  	[smem:$0x3FB2] =	sst s7  }
0x10: {  	[smem:$0x3FB3] =	sst s8  }
0x11: {  	[smem:$0x3FB4] =	sst s9;
	s0 =	simm.s32 @!p0 $0x0  }
0x12: {  	s1 =	sld [smem:$0x3F9A];
	s0 =	simm.s32 @p0 $0x1  }
0x13: {  	[smem:$0x3FB5] =	sst s0;
	s0 =	simm.s32 @!p1 $0x0  }
0x14: {  	s2 =	sld [smem:$0x3F99];
	s0 =	simm.s32 @p1 $0x1  }
0x15: {  	[smem:$0x3FB6] =	sst s0;
	s0 =	simm.s32 @!p2 $0x0  }
0x16: {  	s3 =	sld [smem:$0x3FDB];
	s0 =	simm.s32 @p2 $0x1  }
0x17: {  	s4 =	simm.s32 $0x1BF5;
	[smem:$0x3FB8] =	sst s0  }
0x18: {  	s0 =	sld [smem:$0x3F9B];
	_ =	swait.ge [sflag:s4], $0x0  }
0x19: {  	s7 =	sld [smem:$0x3F9C]  }
0x1a: {  	s8 =	sadd.s32 $0xFFFFE003, lr  }
0x1b: {  	s9 =	sadd.s32 $0xFFFFFEF7, lr;
	s5 =	simm.s32 $0xFFFFFFFF;
	p2 =	slt.u32 s8, $0xFFFFF086  }
0x1c: {  	p1 =	slt.u32 s9, $0xF7A;
	s5 =	simm.s32 @!p2 $0x0  }
0x1d: {  	s5 =	simm.s32 @p1 $0x1;
	p0 =	seq.s32 s7, s2  }
0x1e: {  	s7 =	smul.u32 @!p0 $0xF7A, s2;
	p2 =	seq.s32 @!p0 s5, $0x0  }
0x1f: {  	s9 =	smul.u32 $0xF7A, s1;
	s8 =	simm.s32 @!p0 $0x1BF5;
	p2 =	por !p2, p0  }
0x20: {  	[sflag:s8] =	ssyncset.s32 @!p0 $0xFFFFF086;
	s6 =	sadd.s32 @!p0 s3, s7;
	s7 =	simm.s32 @!p0 $0x108  }
0x21: {  	s3 =	sadd.s32 s3, s9;
	s6 =	sadd.s32 @!p0 $0x88, s6;
	s7 =	simm.s32 @p2 $0x1082  }
0x22: {  	[simem:s7], [sflag:s8] =	dma.local @!p0 [hbm:s6], $0xF7A  }
0x23: {  	s9 =	sor.u32 $0xD0000000, s2;
	s6 =	simm.s32 $0x108;
	_ =	swait.ge @!p0 [sflag:s8], $0x0  }
0x24: {  	s3 =	sadd.s32 $0x88, s3;
	s6 =	simm.s32 @!p1 $0x1082;
	[sflag:s4] =	ssyncset.s32 $0xFFFFF086  }
0x25: {  	[simem:s6], [sflag:s4] =	dma.local [hbm:s3], $0xF7A  }
0x26: {  	[smem:$0x3F9C] =	sst s1;
	(tag) =	ssettag s2;
	_ =	strace s9  }
0x27: {  	s1 =	sld [smem:$0x3FAC]  }
0x28: {  	s2 =	sld [smem:$0x3FAD]  }
0x29: {  	s4 =	sld [smem:$0x3FAF]  }
0x2a: {  	p0 =	seq.s32 s5, $0x0;
	s5 =	sld [smem:$0x3FB0]  }
0x2b: {  	s6 =	sld [smem:$0x3FB1]  }
0x2c: {  	s7 =	sld [smem:$0x3FB2]  }
0x2d: {  	s3 =	simm.s32 $0x108;
	s8 =	sld [smem:$0x3FB3]  }
0x2e: {  	s3 =	simm.s32 @!p0 $0x1082;
	s9 =	sld [smem:$0x3FB4]  }
0x2f: {  	lr =	sadd.s32 s0, s3;
	s0 =	sld [smem:$0x3FAB]  }
0x30: {  	s3 =	sld [smem:$0x3FAE]  }
0x31: {  	[smem:$0x3FB7] =	sst s10  }
0x32: {  	s10 =	sld [smem:$0x3FB5];
	_ =	sdelay $0x3  }
0x33: {  	p0 =	seq.s32 s10, $0x1;
	s10 =	sld [smem:$0x3FB7];
	_ =	sdelay $0x3  }
0x34: {  	[smem:$0x3FB7] =	sst s10  }
0x35: {  	s10 =	sld [smem:$0x3FB6];
	_ =	sdelay $0x3  }
0x36: {  	p1 =	seq.s32 s10, $0x1;
	s10 =	sld [smem:$0x3FB7];
	_ =	sdelay $0x3  }
0x37: {  	[smem:$0x3FB7] =	sst s10  }
0x38: {  	s10 =	sld [smem:$0x3FB8]  }
0x39: {  	_ = 	snop;
	(pc) =	sbr.ind lr, $3  }
0x3a: {  	_ = 	snop  }
0x3b: {  	_ = 	snop  }
0x3c: {  	p2 =	seq.s32 s10, $0x1;
	s10 =	sld [smem:$0x3FB7]  }
0x3d: {  	_ =	shalt  }
0x3e: {  	_ =	shalt  }
0x3f: {  	_ =	shalt  }
0x40: {  	_ =	shalt  }
0x41: {  	_ =	shalt  }
0x42: {  	_ =	shalt  }
0x43: {  	_ =	shalt  }
0x44: {  	_ =	shalt  }
0x45: {  	_ =	shalt  }
0x46: {  	_ =	shalt  }
0x47: {  	_ =	shalt  }
0x48: {  	_ =	shalt  }
0x49: {  	_ =	shalt  }
0x4a: {  	_ =	shalt  }
0x4b: {  	_ =	shalt  }
0x4c: {  	_ =	shalt  }
0x4d: {  	_ =	shalt  }
0x4e: {  	_ =	shalt  }
0x4f: {  	_ =	shalt  }
0x50: {  	_ =	shalt  }
0x51: {  	_ =	shalt  }
0x52: {  	_ =	shalt  }
0x53: {  	_ =	shalt  }
0x54: {  	_ =	shalt  }
0x55: {  	_ =	shalt  }
0x56: {  	_ =	shalt  }
0x57: {  	_ =	shalt  }
0x58: {  	_ =	shalt  }
0x59: {  	_ =	shalt  }
0x5a: {  	_ =	shalt  }
0x5b: {  	_ =	shalt  }
0x5c: {  	_ =	shalt  }
0x5d: {  	_ =	shalt  }
0x5e: {  	_ =	shalt  }
0x5f: {  	_ =	shalt  }
0x60: {  	_ =	shalt  }
0x61: {  	_ =	shalt  }
0x62: {  	_ =	shalt  }
0x63: {  	_ =	shalt  }
0x64: {  	_ =	shalt  }
0x65: {  	_ =	shalt  }
0x66: {  	_ =	shalt  }
0x67: {  	_ =	shalt  }
0x68: {  	_ =	shalt  }
0x69: {  	_ =	shalt  }
0x6a: {  	_ =	shalt  }
0x6b: {  	_ =	shalt  }
0x6c: {  	_ =	shalt  }
0x6d: {  	_ =	shalt  }
0x6e: {  	_ =	shalt  }
0x6f: {  	_ =	shalt  }
0x70: {  	_ =	shalt  }
0x71: {  	_ =	shalt  }
0x72: {  	_ =	shalt  }
0x73: {  	_ =	shalt  }
0x74: {  	_ =	shalt  }
0x75: {  	_ =	shalt  }
0x76: {  	_ =	shalt  }
0x77: {  	_ =	shalt  }
0x78: {  	_ =	shalt  }
0x79: {  	_ =	shalt  }
0x7a: {  	_ =	shalt  }
0x7b: {  	_ =	shalt  }
0x7c: {  	_ =	shalt  }
0x7d: {  	_ =	shalt  }
0x7e: {  	_ =	shalt  }
0x7f: {  	_ =	shalt  }
0x80: {  	_ =	shalt  }
0x81: {  	_ =	shalt  }
0x82: {  	_ =	shalt  }
0x83: {  	_ =	shalt  }
0x84: {  	_ =	shalt  }
0x85: {  	_ =	shalt  }
0x86: {  	_ =	shalt  }
0x87: {  	_ =	shalt  }
.Lfunc_end0:
.L_simem_size_0:
called_computation.1_lowered:
.L_overlay_start_0:
0x88: {  	s2 =	sld [smem:$0x3FD9]  }
0x89: {  	s3 =	sld [smem:$0x3FFE];
	_ =	sdelay $0x1  }
0x8a: {  	s1 =	srdreg.scid  }
0x8b: {  	s0 =	sand.u32 $0x1, s1  }
0x8c: {  	s17 =	sshll.u32 s0, $0xA;
	s2 =	sadd.s32 s3, s2  }
0x8d: {  	s2 =	sadd.s32 s2, s17  }
0x8e: {  	[smem:$0x3FC3] =	sst s2  }
0x8f: {  	_ = 	snop  }
0x90: {  	s2 =	sld [smem:$0x3FC7]  }
0x91: {  	s18 =	sld [smem:$0x3FC5]  }
0x92: {  	s4 =	sld [smem:$0x3FD0];
	(tm) =	ssettm $0x1  }
0x93: {  	s5 =	sld [smem:$0x3FFB];
	_ =	sdelay $0x3  }
0x94: {  	_ =	strace s5  }
0x95: {  	s5 =	sld [smem:$0x3FFC];
	_ =	sdelay $0x3  }
0x96: {  	_ =	strace s5  }
0x97: {  	s5 =	sld [smem:$0x3FFD];
	_ =	sdelay $0x3  }
0x98: {  	_ =	strace s5  }
0x99: {  	_ =	strace $0x8FFFFFFF  }
0x9a: {  	s19 =	sld [smem:$0x3FDB];
	_ =	sdelay $0x1  }
0x9b: {  	s6 =	simm.s32 $_scs_section_size  }
0x9c: {  	s7 =	simm.s32 $_size__tile_overlayer_lowered;
	s8 =	simm.s32 $_tile_overlayer_lowered  }
0x9d: {  	s22 =	simm.s32 $0x1BFF;
	s21 =	sshll.u32 s8, $0x1;
	s5 =	sadd.s32 s6, s19  }
0x9e: {  	s9 =	simm.s32 $0x0;
	s20 =	sshll.u32 s7, $0x1;
	s7 =	sadd.s32 s21, s5  }
0x9f: {  	[timem:s9], [sflag:s22] =	dma.local [hbm:s7], s20  }
0xa0: {  	_ =	swait.ge [sflag:s22], s20  }
0xa1: {  	s6 =	ssub.s32 $0x0, s20;
	[sflag:s22] =	ssyncset.done $0x0  }
0xa2: {  	[sflag:s22] =	ssyncadd.s32 s6;
	_ =	sdelay $0x1  }
0xa3: {  	s23 =	simm.s32 $0x1B8B  }
0xa4: {  	_ =	swait.ge [sflag:s23], $0x1  }
0xa5: {  	[sflag:s23] =	ssyncset.done $0x0  }
0xa6: {  	s25 =	simm.s32 $0x1B8E;
	s24 =	sld [smem:$0x3FFE];
	[sflag:s23] =	ssyncadd.s32 $0xFFFFFFFF  }
0xa7: {  	s26 =	simm.s32 $execute0_lowered;
	[smem:$0x3FD2] =	sst s25  }
0xa8: {  	s7 =	sshll.u32 s26, $0x1;
	_ =	strace $0x80000046;
	[dreg:$0x1] =	wrdreg $0xFFFFFFFF  }
0xa9: {  	s28 =	simm.s32 $_size_execute0_lowered;
	s5 =	sadd.s32 s5, s7;
	[dreg:$0x0] =	wrdreg $0x0  }
0xaa: {  	s7 =	sshll.u32 s28, $0x1;
	[dreg:$0x2] =	wrdreg s5  }
0xab: {  	[dreg:$0x3] =	wrdreg s7  }
0xac: {  	[dreg:$0x4] =	wrdreg $0xC0  }
0xad: {  	_ =	task [dreg:s9], $0x5FFFF  }
0xae: {  	[dreg:$0x1] =	wrdreg $0xFFFFFFFF  }
0xaf: {  	[dreg:$0x0] =	wrdreg $0x60  }
0xb0: {  	[dreg:$0x2] =	wrdreg s24  }
0xb1: {  	[dreg:$0x3] =	wrdreg s2  }
0xb2: {  	[dreg:$0x4] =	wrdreg s18  }
0xb3: {  	[dreg:$0x5] =	wrdreg s4  }
0xb4: {  	[dreg:$0x6] =	wrdreg $0x9  }
0xb5: {  	_ =	task.clear_ibuf [dreg:s9], $0x7FFFF;
	_ =	strace $0x90000046  }
0xb6: {  	s29 =	simm.s32 $0x9;
	_ =	strace $0x80000048  }
0xb7: {  	_ =	swait.ge [sflag:s29], $0x1  }
0xb8: {  	[sflag:s29] =	ssyncadd.s32 $0xFFFFFFFF  }
0xb9: {  	_ =	strace $0x90000048  }
0xba: {  	_ =	sfence  }
0xbb: {  	s30 =	sld [smem:$0x0];
	_ =	sdelay $0x2  }
0xbc: {  	s31 =	sshll.u32 s1, $0xD;
	s1 =	sshrl.u32 s1, $0x2  }
0xbd: {  	s3 =	sand.u32 $0x4000, s31;
	s1 =	sadd.s32 s1, s30  }
0xbe: {  	s0 =	sor.u32 s3, s0;
	s1 =	sshll.u32 s1, $0x11  }
0xbf: {  	s0 =	sor.u32 s1, s0  }
0xc0: {  	s0 =	sadd.s32 $0x8F2B, s0  }
0xc1: {  	[sflag:s0] =	ssyncadd.remote.s32 $0x1  }
0xc2: {  	_ =	sfence.sel $0xFFFF  }
0xc3: {  	[dreg:$0x0] =	wrdreg $0xFFFFFFFF;
	(pc) =	sbr.abs _section_cstart, $3  }
0xc4: {  	[dreg:$0x1] =	wrdreg $0xFFFFFFFF  }
0xc5: {  	_ =	task.clear_ibuf [dreg:s9], $0x2FFFF;
	_ =	strace $0x9FFFFFFF  }
0xc6: {  	(tm) =	ssettm $0x7FFFFFFF  }
0xc7: {  	_ =	shalt  }
tec
execute0_lowered:
.L_overlay_start_1:
0x0: {  	(tag) =	ssettag $0x1  }
0x1: {  	s0 =	rddreg [dreg:$0x0]  }
0x2: {  	s1 =	rddreg [dreg:$0x1]  }
0x3: {  	s2 =	rddreg [dreg:$0x2]  }
0x4: {  	s3 =	rddreg [dreg:$0x3]  }
0x5: {  	s5 =	srdreg.scid;
	s7 =	stileid.u32;
	s4 =	simm.s32 $0x0  }
0x6: {  	s13 =	simm.s32 $0x5;
	s14 =	simm.s32 $0x16B80;
	s15 =	simm.s32 $0x17100  }
0x7: {  	s16 =	simm.s32 $0x1B0;
	s17 =	simm.s32 $0x4380;
	s18 =	simm.s32 $0xAF80  }
0x8: {  	s19 =	simm.s32 $0x1;
	s6 =	sand.u32 $0x1, s5;
	s28 =	sshll.u32 s7, $0x1  }
0x9: {  	s20 =	simm.s32 $0x3;
	s21 =	simm.s32 $0x2;
	s9 =	sor.u32 s6, s28  }
0xa: {  	s22 =	simm.s32 $0x4;
	s23 =	simm.s32 $0x0;
	s29 =	smul.u32 $0x870, s9  }
0xb: {  	[smem:$0x7FF] =	sst s4;
	s5 =	sadd.s32 $0x27AD000, s0;
	s10 =	smul.u32 $0x10E000, s9  }
0xc: {  	_ =	strace $0x80000047;
	s8 =	ssub.s32 $0x2, s6;
	s12 =	smul.u32 $0xA00, s9  }
0xd: {  	s6 =	sadd.s32 $0x11A00, s0;
	s11 =	sshrl.u32 s8, $0x1;
	s9 =	smul.u32 $0x4380, s9  }
0xe: {  	s30 =	ssub.s32 s8, s11;
	s7 =	sadd.s32 s29, s0;
	s10 =	sshrl.u32 s10, $0x3  }
0xf: {  	s8 =	sadd.s32 s1, s12;
	s12 =	smax.u32 s30, $0x1;
	s31 =	sadd.s32 s3, s10  }
0x10: {  	s7 =	sadd.s32 $0xC00, s7;
	s10 =	sadd.s32 $0x20100, s31;
	s11 =	sadd.s32 $0x20E80, s31  }
.LBB2_1:
0x11: {  	[tilespmem:s4], [sflag:$0x5] =	stream.linear.gather [hbm4b:s7+s4], $0x4380, $0x38;
	[tilespmem:$0x17140] =	vst v63  }
0x12: {  	_ =	swait.ge [sflag:s13], $0x4380  }
0x13: {  	[sflag:s13] =	ssyncset.done $0x0  }
0x14: {  	s24 =	simm.s32 $0x11B80;
	[sflag:s13] =	ssyncadd.s32 $0xFFFFBC80  }
0x15: {  	[tilespmem:s24], [sflag:$0x5] =	stream.linear.gather [hbm4b:s8+s4], $0x5000, $0x38;
	[tilespmem:$0x17140] =	vst v63  }
0x16: {  	_ =	swait.ge [sflag:s13], $0x5000  }
0x17: {  	[sflag:s13] =	ssyncset.done $0x0  }
0x18: {  	[sflag:s13] =	ssyncadd.s32 $0xFFFFB000  }
0x19: {  	[tilespmem:s14], [sflag:$0x5] =	stream.linear.gather [hbm4b:s6+s4], $0x580, $0x38;
	[tilespmem:$0x17140] =	vst v63  }
0x1a: {  	_ =	swait.ge [sflag:s13], $0x580  }
0x1b: {  	[sflag:s13] =	ssyncset.done $0x0  }
0x1c: {  	[sflag:s13] =	ssyncadd.s32 $0xFFFFFA80  }
0x1d: {  	[tilespmem:s15], [sflag:$0x5] =	stream.linear.gather [hbm4b:s2+s4], $0x40, $0x38;
	[tilespmem:$0x17140] =	vst v63  }
0x1e: {  	_ =	swait.ge [sflag:s13], $0x40  }
0x1f: {  	[sflag:s13] =	ssyncset.done $0x0  }
0x20: {  	[sflag:s13] =	ssyncadd.s32 $0xFFFFFFC0  }
0x21: {  	[tilespmem:s17], [sflag:$0x1] =	stream.indirect.gather [hbm4b:s5+s16], $0x40, s4, s16, $0xb8;
	[tilespmem:$0x17140] =	vst v63  }
0x22: {  	s25 =	simm.s32 $0x11D80;
	s26 =	simm.s32 $0x0  }
0x23: {  	[tilespmem:s18], [sflag:$0x2] =	stream.indirect.gather [hbm4b:s5+s16], $0x40, s16, s16, $0xb8;
	[tilespmem:$0x17140] =	vst v63  }
.LBB2_2:
0x24: {  	_ =	swait.ge [sflag:s19], $0x6C00  }
0x25: {  	[sflag:s19] =	ssyncset.done $0x0  }
0x26: {  	[sflag:s19] =	ssyncadd.s32 $0xFFFF9400  }
0x27: {  	v3 =	vld [tilespmem:$0x16FD0]  }
0x28: {  	v1 =	vld [tilespmem:$0x170A0]  }
0x29: {  	v2 =	vld [tilespmem:$0x17010]  }
0x2a: {  	v4 =	vld [tilespmem:$0x16F60]  }
0x2b: {  	v5 =	vld [tilespmem:$0x16F50]  }
0x2c: {  	v7 =	vld [tilespmem:$0x16E60]  }
0x2d: {  	v8 =	vld [tilespmem:$0x16EF0]  }
0x2e: {  	v9 =	vld [tilespmem:$0x16ED0]  }
0x2f: {  	v14 =	vld [tilespmem:$0x16D20]  }
0x30: {  	v15 =	vld [tilespmem:$0x16CC0]  }
0x31: {  	v16 =	vld [tilespmem:$0x16CD0]  }
0x32: {  	v17 =	vld [tilespmem:$0x16CE0]  }
0x33: {  	v18 =	vld [tilespmem:$0x16C90]  }
0x34: {  	v19 =	vld [tilespmem:$0x16CB0]  }
0x35: {  	v20 =	vld [tilespmem:$0x16C80]  }
0x36: {  	v0 =	vmov s24;
	v21 =	vld [tilespmem:$0x16C60]  }
0x37: {  	v22 =	vld [tilespmem:$0x16C10]  }
0x38: {  	v23 =	vld [tilespmem:$0x16BB0]  }
0x39: {  	v24 =	vld [tilespmem:$0x16D30]  }
0x3a: {  	s0 =	simm.s32 $0x0;
	v25 =	vld [tilespmem:$0x16D00]  }
0x3b: {  	v10 =	vld.idx.msk [tilespmem:v0+s0+$0x0 ss:$0x1], $0xffff  }
0x3c: {  	v26 =	vld [tilespmem:$0x16CF0]  }
0x3d: {  	v12 =	vld [tilespmem:$0x16C20]  }
0x3e: {  	v27 =	vld [tilespmem:$0x16E30]  }
0x3f: {  	v11 =	vld [tilespmem:$0x16B80]  }
0x40: {  	v28 =	vld [tilespmem:$0x16BA0];
	v31 =	vbroadcast v10, $0x0;
	v6 =	vbroadcast v10, $0xE  }
0x41: {  	v29 =	vld [tilespmem:$0x17100];
	v32 =	vbroadcast v10, $0x2;
	v34 =	vbroadcast v10, $0x7  }
0x42: {  	v33 =	vld [tilespmem:$0x16C00];
	v13 =	vbroadcast v10, $0xA;
	v39 =	vbroadcast v10, $0x4  }
0x43: {  	v36 =	vld [tilespmem:$0x16B90];
	v40 =	vbroadcast v10, $0x5;
	v43 =	vbroadcast v10, $0x6  }
0x44: {  	v37 =	vld [tilespmem:$0x16C30];
	v47 =	vbroadcast v10, $0x3;
	v48 =	vbroadcast v10, $0x1  }
0x45: {  	v30 =	vld [tilespmem:$0x17120];
	v35 =	vmul.f32 v11, v31;
	v28 =	vmul.f32 v28, v31  }
0x46: {  	v42 =	vld [tilespmem:$0x16CA0];
	v11 =	vbroadcast v10, $0xB;
	v41 =	vmul.f32 v12, v32  }
0x47: {  	v45 =	vld [tilespmem:$0x16BD0];
	v12 =	vmul.f32 v27, v13;
	v33 =	vmul.f32 v33, v32  }
0x48: {  	v56 =	vld [tilespmem:$0x16BC0];
	v36 =	vmul.f32 v36, v31;
	v26 =	vmul.f32 v26, v40  }
0x49: {  	v46 =	vld [tilespmem:$0x16BE0];
	v37 =	vmul.f32 v37, v32;
	v25 =	vmul.f32 v25, v43  }
0x4a: {  	v49 =	vld [tilespmem:$0x16C50];
	v23 =	vmul.f32 v23, v31;
	v24 =	vmul.f32 v24, v43  }
0x4b: {  	v57 =	vld [tilespmem:$0x16C40];
	v42 =	vmul.f32 v42, v39;
	v22 =	vmul.f32 v22, v32  }
0x4c: {  	v60 =	vld [tilespmem:$0x16BF0];
	v21 =	vmul.f32 v21, v47;
	v20 =	vmul.f32 v20, v39  }
0x4d: {  	v38 =	vld [tilespmem:$0x17110];
	v59 =	vmul.f32 v45, v48;
	v31 =	vmul.f32 v56, v48  }
0x4e: {  	v55 =	vld [tilespmem:$0x17130];
	v19 =	vmul.f32 v19, v39;
	v62 =	vmul.f32 v46, v48  }
0x4f: {  	v44 =	vld [tilespmem:$0x16C70];
	v18 =	vmul.f32 v18, v39;
	v50 =	vmul.f32 v49, v47  }
0x50: {  	v61 =	vld [tilespmem:$0x16DB0];
	v17 =	vmul.f32 v17, v40;
	v32 =	vmul.f32 v57, v47  }
0x51: {  	v63 =	vld [tilespmem:$0x16D40];
	v16 =	vmul.f32 v16, v40;
	v53 =	vmul.f32 v60, v48  }
0x52: {  	v54 =	vld [tilespmem:$0x16D10];
	v15 =	vmul.f32 v15, v40;
	v56 =	vbroadcast v10, $0x8  }
0x53: {  	v51 =	vld [tilespmem:$0x16D50];
	v57 =	vbroadcast v10, $0x9;
	v14 =	vmul.f32 v14, v43;
	v58 =	vadd.f32 v36, v38  }
0x54: {  	v60 =	vld [tilespmem:$0x16DC0];
	v29 =	vadd.f32 v35, v29;
	v28 =	vadd.f32 v28, v30;
	v30 =	vmul.f32 v44, v47  }
0x55: {  	v52 =	vld [tilespmem:$0x16D80];
	v23 =	vadd.f32 v23, v55;
	v44 =	vmul.f32 v61, v56;
	v35 =	vadd.f32 v59, v58  }
0x56: {  	v55 =	vld [tilespmem:$0x16D70];
	v7 =	vmul.f32 v7, v11;
	v28 =	vadd.f32 v62, v28;
	v29 =	vadd.f32 v31, v29  }
0x57: {  	v61 =	vld [tilespmem:$0x16DA0];
	v59 =	vmul.f32 v63, v34;
	v23 =	vadd.f32 v53, v23;
	v62 =	vmul.f32 v54, v43  }
0x58: {  	v58 =	vld [tilespmem:$0x16D60];
	v53 =	vbroadcast v10, $0xD;
	v22 =	vadd.f32 v22, v35;
	v29 =	vadd.f32 v33, v29  }
0x59: {  	v45 =	vld [tilespmem:$0x16DE0];
	v48 =	vmul.f32 v60, v57;
	v28 =	vadd.f32 v41, v28;
	v23 =	vadd.f32 v37, v23  }
0x5a: {  	v47 =	vld [tilespmem:$0x16EA0];
	v35 =	vmul.f32 v52, v56;
	v22 =	vadd.f32 v50, v22;
	v29 =	vadd.f32 v32, v29  }
0x5b: {  	v63 =	vld [tilespmem:$0x16DF0];
	v27 =	vmul.f32 v55, v34;
	v21 =	vadd.f32 v21, v28;
	v23 =	vadd.f32 v30, v23  }
0x5c: {  	v54 =	vld [tilespmem:$0x16E50];
	v49 =	vmul.f32 v61, v56;
	v18 =	vadd.f32 v18, v22;
	v20 =	vadd.f32 v20, v29  }
0x5d: {  	v52 =	vld [tilespmem:$0x16E70];
	v31 =	vmul.f32 v58, v34;
	v58 =	vmul.f32 v8, v53;
	v21 =	vadd.f32 v42, v21  }
0x5e: {  	v8 =	vbroadcast v10, $0xF;
	v16 =	vadd.f32 v16, v18;
	v18 =	vld [tilespmem:$0x16D90];
	v15 =	vadd.f32 v15, v20  }
0x5f: {  	v50 =	vld [tilespmem:$0x16E20];
	v22 =	vmul.f32 v51, v34;
	v19 =	vadd.f32 v19, v23;
	v17 =	vadd.f32 v17, v21  }
0x60: {  	v51 =	vbroadcast v10, $0xC;
	v23 =	vmul.f32 v45, v57;
	v21 =	vld [tilespmem:$0x16DD0];
	v15 =	vadd.f32 v25, v15  }
0x61: {  	v20 =	vmul.f32 v63, v57;
	v19 =	vadd.f32 v26, v19;
	v14 =	vadd.f32 v14, v17;
	v17 =	vld [tilespmem:$0x16E10]  }
0x62: {  	v55 =	vld [tilespmem:$0x16E00];
	v29 =	vmul.f32 v47, v51;
	v16 =	vadd.f32 v62, v16;
	v15 =	vadd.f32 v59, v15  }
0x63: {  	v60 =	vld [tilespmem:$0x16E80];
	v18 =	vmul.f32 v18, v56;
	v56 =	vmul.f32 v9, v53;
	v9 =	vadd.f32 v24, v19  }
0x64: {  	v25 =	vmul.f32 v52, v11;
	v14 =	vadd.f32 v31, v14;
	v16 =	vadd.f32 v22, v16;
	v22 =	vld [tilespmem:$0x16E40]  }
0x65: {  	v62 =	vld [tilespmem:$0x16EC0];
	v21 =	vmul.f32 v21, v57;
	v15 =	vadd.f32 v35, v15;
	v9 =	vadd.f32 v27, v9  }
0x66: {  	v61 =	vld [tilespmem:$0x16EE0];
	v19 =	vmul.f32 v50, v13;
	v17 =	vmul.f32 v17, v13;
	v16 =	vadd.f32 v18, v16  }
0x67: {  	v57 =	vld [tilespmem:$0x16E90];
	v13 =	vmul.f32 v55, v13;
	v10 =	vadd.f32 v48, v15;
	v9 =	vadd.f32 v44, v9  }
0x68: {  	v59 =	vld [tilespmem:$0x16EB0];
	v14 =	vadd.f32 v49, v14;
	v15 =	vmul.f32 v54, v11;
	v16 =	vadd.f32 v21, v16  }
0x69: {  	v11 =	vmul.f32 v22, v11;
	v10 =	vadd.f32 v13, v10;
	v13 =	vld [tilespmem:$0x16F70];
	v9 =	vadd.f32 v20, v9  }
0x6a: {  	v14 =	vadd.f32 v23, v14;
	v23 =	vmul.f32 v62, v53;
	v21 =	vld [tilespmem:$0x16F00];
	v16 =	vadd.f32 v17, v16  }
0x6b: {  	v17 =	vld [tilespmem:$0x16F20];
	v10 =	vadd.f32 v11, v10;
	v11 =	vmul.f32 v60, v51;
	v9 =	vadd.f32 v12, v9  }
0x6c: {  	v63 =	vld [tilespmem:$0x16F10];
	v22 =	vmul.f32 v61, v53;
	v18 =	vmul.f32 v57, v51;
	v14 =	vadd.f32 v19, v14  }
0x6d: {  	v20 =	vmul.f32 v59, v51;
	v12 =	vld [tilespmem:$0x16F40];
	v10 =	vadd.f32 v11, v10;
	v19 =	vadd.f32 v25, v9  }
0x6e: {  	v14 =	vadd.f32 v7, v14;
	v7 =	vld [tilespmem:$0x16F90];
	v15 =	vadd.f32 v15, v16;
	v9 =	vmul.f32 v13, v8  }
0x6f: {  	v16 =	vld [tilespmem:$0x16F30];
	v10 =	vadd.f32 v23, v10;
	v13 =	vadd.f32 v20, v19;
	v19 =	vmul.f32 v21, v6  }
0x70: {  	v11 =	vld.idx.msk [tilespmem:v0+s0+$0x10 ss:$0x1], $0xffff;
	v14 =	vadd.f32 v29, v14;
	v18 =	vadd.f32 v18, v15;
	v17 =	vmul.f32 v17, v6  }
0x71: {  	v20 =	vmul.f32 v63, v6;
	v15 =	vadd.f32 v58, v13;
	v13 =	vadd.f32 v19, v10;
	v10 =	vld [tilespmem:$0x17070]  }
0x72: {  	s29 =	simm.s32 $0x4A30;
	s30 =	simm.s32 $0x80;
	s28 =	simm.s32 $0x4A30;
	v12 =	vmul.f32 v12, v8;
	v19 =	vadd.f32 v56, v18;
	v18 =	vadd.f32 v22, v14;
	v14 =	vld [tilespmem:$0x17000]  }
.LBB2_3:
0x73: {  	p0 =	sne.s32 s30, $0x780  }
0x74: {  	v5 =	vmul.f32 v5, v8;
	v4 =	vmul.f32 v4, v8;
	v8 =	vld [tilespmem:$0x17030];
	s29 =	sadd.s32 $0x6C0, s29;
	s0 =	smov.u32 s30;
	s30 =	sadd.s32 $0x80, s30  }
0x75: {  	v19 =	vadd.f32 v20, v19;
	v17 =	vadd.f32 v17, v18;
	v18 =	vld [tilespmem:$0x17020];
	v20 =	vbroadcast v11, $0x5  }
0x76: {  	v21 =	vbroadcast v11, $0x4;
	v6 =	vmul.f32 v16, v6;
	v16 =	vld [tilespmem:$0x16FE0]  }
0x77: {  	v5 =	vadd.f32 v5, v19;
	v4 =	vadd.f32 v4, v17;
	v17 =	vbroadcast v11, $0x1;
	v19 =	vld [tilespmem:$0x16FF0]  }
0x78: {  	v22 =	vbroadcast v11, $0x2;
	v23 =	vbroadcast v11, $0x3;
	v6 =	vadd.f32 v6, v15;
	v15 =	vld [tilespmem:$0x16FC0]  }
0x79: {  	v11 =	vbroadcast v11, $0x0;
	v24 =	vld [tilespmem:$0x16F80];
	v3 =	vmul.f32 v3, v17  }
0x7a: {  	v12 =	vadd.f32 v12, v13;
	v6 =	vadd.f32 v9, v6;
	v9 =	vld [tilespmem:$0x16FB0];
	v13 =	vmul.f32 v18, v22  }
0x7b: {  	v8 =	vmul.f32 v8, v22;
	v18 =	vld [tilespmem:$0x16FA0];
	v16 =	vmul.f32 v16, v17  }
0x7c: {  	v14 =	vmul.f32 v14, v22;
	v19 =	vmul.f32 v19, v17;
	v25 =	vld [tilespmem:$0x17050]  }
0x7d: {  	v10 =	vmul.f32 v10, v23;
	v15 =	vmul.f32 v15, v17;
	v17 =	vld [tilespmem:$0x17060]  }
0x7e: {  	v7 =	vmul.f32 v7, v11;
	v24 =	vmul.f32 v24, v11;
	v26 =	vld [tilespmem:$0x17090]  }
0x7f: {  	v2 =	vmul.f32 v2, v22;
	v9 =	vmul.f32 v9, v11;
	v22 =	vld [tilespmem:$0x17040]  }
0x80: {  	v1 =	vmul.f32 v1, v21;
	v12 =	vadd.f32 v24, v12;
	v11 =	vmul.f32 v18, v11;
	v18 =	vld [tilespmem:$0x170B0]  }
0x81: {  	v5 =	vadd.f32 v7, v5;
	v7 =	vmul.f32 v25, v23;
	v24 =	vld [tilespmem:$0x17080]  }
0x82: {  	v6 =	vadd.f32 v9, v6;
	v9 =	vadd.f32 v15, v12;
	v12 =	vmul.f32 v17, v23  }
0x83: {  	v3 =	vadd.f32 v3, v5;
	v4 =	vadd.f32 v11, v4;
	v5 =	vmul.f32 v26, v21;
	v11 =	vld [tilespmem:$0x170C0]  }
0x84: {  	v6 =	vadd.f32 v19, v6;
	v9 =	vadd.f32 v14, v9;
	v14 =	vmul.f32 v22, v23;
	v15 =	vld [tilespmem:$0x170D0]  }
0x85: {  	v2 =	vadd.f32 v2, v3;
	v4 =	vadd.f32 v16, v4;
	v3 =	vmul.f32 v18, v21;
	v16 =	vld [tilespmem:$0x170F0]  }
0x86: {  	v6 =	vadd.f32 v8, v6;
	v8 =	vadd.f32 v14, v9;
	v9 =	vmul.f32 v24, v21;
	v14 =	vld [tilespmem:$0x170E0]  }
0x87: {  	v2 =	vadd.f32 v7, v2;
	v4 =	vadd.f32 v13, v4  }
0x88: {  	v6 =	vadd.f32 v10, v6;
	v7 =	vadd.f32 v9, v8;
	v8 =	vmul.f32 v11, v20  }
0x89: {  	v2 =	vadd.f32 v5, v2;
	v4 =	vadd.f32 v12, v4;
	v5 =	vmul.f32 v15, v20  }
0x8a: {  	v3 =	vadd.f32 v3, v6;
	v6 =	vadd.f32 v8, v7;
	v7 =	vmul.f32 v16, v20  }
0x8b: {  	v1 =	vadd.f32 v1, v4;
	v2 =	vadd.f32 v5, v2;
	v4 =	vmul.f32 v14, v20  }
0x8c: {  	v3 =	vadd.f32 v7, v3;
	v5 =	vmax.f32 v6, $0.0e+00  }
0x8d: {  	v1 =	vadd.f32 v4, v1;
	[tilespmem:s28+$0xFFFFFFD0] =	vst v5;
	v2 =	vmax.f32 v2, $0.0e+00  }
0x8e: {  	[tilespmem:s28+$0xFFFFFFE0] =	vst v2;
	v2 =	vmax.f32 v3, $0.0e+00  }
0x8f: {  	v1 =	vmax.f32 v1, $0.0e+00;
	[tilespmem:s28+$0x0] =	vst v2  }
0x90: {  	[tilespmem:s28+$0xFFFFFFF0] =	vst v1;
	s28 =	smov.u32 s29  }
0x91: {  	v3 =	vld [tilespmem:$0x16FD0]  }
0x92: {  	v1 =	vld [tilespmem:$0x170A0]  }
0x93: {  	v2 =	vld [tilespmem:$0x17010]  }
0x94: {  	v4 =	vld [tilespmem:$0x16F60]  }
0x95: {  	v5 =	vld [tilespmem:$0x16F50]  }
0x96: {  	v7 =	vld [tilespmem:$0x16E60]  }
0x97: {  	v8 =	vld [tilespmem:$0x16EF0]  }
0x98: {  	v9 =	vld [tilespmem:$0x16ED0]  }
0x99: {  	v14 =	vld [tilespmem:$0x16D20]  }
0x9a: {  	v15 =	vld [tilespmem:$0x16CC0]  }
0x9b: {  	v16 =	vld [tilespmem:$0x16CD0]  }
0x9c: {  	v17 =	vld [tilespmem:$0x16CE0]  }
0x9d: {  	v18 =	vld [tilespmem:$0x16C90]  }
0x9e: {  	v19 =	vld [tilespmem:$0x16CB0]  }
0x9f: {  	v20 =	vld [tilespmem:$0x16C80]  }
0xa0: {  	v21 =	vld [tilespmem:$0x16C60]  }
0xa1: {  	v22 =	vld [tilespmem:$0x16C10]  }
0xa2: {  	v23 =	vld [tilespmem:$0x16BB0]  }
0xa3: {  	v24 =	vld [tilespmem:$0x16D30]  }
0xa4: {  	v25 =	vld [tilespmem:$0x16D00]  }
0xa5: {  	s0 =	sshra.s32 s0, $0x2;
	v26 =	vld [tilespmem:$0x16CF0]  }
0xa6: {  	v10 =	vld.idx.msk [tilespmem:v0+s0+$0x0 ss:$0x1], $0xffff  }
0xa7: {  	v12 =	vld [tilespmem:$0x16C20]  }
0xa8: {  	v27 =	vld [tilespmem:$0x16E30]  }
0xa9: {  	v11 =	vld [tilespmem:$0x16B80]  }
0xaa: {  	v28 =	vld [tilespmem:$0x16BA0]  }
0xab: {  	v29 =	vld [tilespmem:$0x17100]  }
0xac: {  	v31 =	vbroadcast v10, $0x0;
	v6 =	vbroadcast v10, $0xE;
	v30 =	vld [tilespmem:$0x17120]  }
0xad: {  	v32 =	vbroadcast v10, $0x2;
	v34 =	vbroadcast v10, $0x7;
	v33 =	vld [tilespmem:$0x16C00]  }
0xae: {  	v13 =	vbroadcast v10, $0xA;
	v35 =	vmul.f32 v11, v31;
	v36 =	vld [tilespmem:$0x16B90]  }
0xaf: {  	v11 =	vbroadcast v10, $0xB;
	v28 =	vmul.f32 v28, v31;
	v37 =	vld [tilespmem:$0x16C30]  }
0xb0: {  	v39 =	vbroadcast v10, $0x5;
	v38 =	vld [tilespmem:$0x17110];
	v29 =	vadd.f32 v35, v29;
	v35 =	vbroadcast v10, $0x4  }
0xb1: {  	v28 =	vadd.f32 v28, v30;
	v30 =	vmul.f32 v12, v32;
	v40 =	vld [tilespmem:$0x16CA0];
	v12 =	vmul.f32 v27, v13  }
0xb2: {  	v41 =	vbroadcast v10, $0x6;
	v27 =	vld [tilespmem:$0x17130];
	v33 =	vmul.f32 v33, v32  }
0xb3: {  	v26 =	vmul.f32 v26, v39;
	v36 =	vmul.f32 v36, v31;
	v42 =	vld [tilespmem:$0x16C70]  }
0xb4: {  	v25 =	vmul.f32 v25, v41;
	v43 =	vld [tilespmem:$0x16BD0];
	v37 =	vmul.f32 v37, v32  }
0xb5: {  	v23 =	vmul.f32 v23, v31;
	v24 =	vmul.f32 v24, v41;
	v36 =	vadd.f32 v36, v38;
	v31 =	vld [tilespmem:$0x16BC0]  }
0xb6: {  	v44 =	vbroadcast v10, $0x3;
	v38 =	vld [tilespmem:$0x16BE0];
	v40 =	vmul.f32 v40, v35  }
0xb7: {  	v22 =	vmul.f32 v22, v32;
	v23 =	vadd.f32 v23, v27;
	v27 =	vbroadcast v10, $0x1;
	v32 =	vld [tilespmem:$0x16C50]  }
0xb8: {  	v21 =	vmul.f32 v21, v44;
	v20 =	vmul.f32 v20, v35;
	v45 =	vld [tilespmem:$0x16C40]  }
0xb9: {  	v42 =	vmul.f32 v42, v44;
	v43 =	vmul.f32 v43, v27;
	v46 =	vld [tilespmem:$0x16BF0]  }
0xba: {  	v19 =	vmul.f32 v19, v35;
	v31 =	vmul.f32 v31, v27;
	v47 =	vld [tilespmem:$0x16DB0]  }
0xbb: {  	v18 =	vmul.f32 v18, v35;
	v36 =	vadd.f32 v43, v36;
	v38 =	vmul.f32 v38, v27;
	v35 =	vld [tilespmem:$0x16D40]  }
0xbc: {  	v17 =	vmul.f32 v17, v39;
	v32 =	vmul.f32 v32, v44;
	v43 =	vld [tilespmem:$0x16D50]  }
0xbd: {  	v16 =	vmul.f32 v16, v39;
	v22 =	vadd.f32 v22, v36;
	v36 =	vmul.f32 v45, v44;
	v44 =	vld [tilespmem:$0x16D80]  }
0xbe: {  	v15 =	vmul.f32 v15, v39;
	v28 =	vadd.f32 v38, v28;
	v27 =	vmul.f32 v46, v27;
	v38 =	vld [tilespmem:$0x16D10]  }
0xbf: {  	v39 =	vbroadcast v10, $0x8;
	v45 =	vbroadcast v10, $0x9;
	v22 =	vadd.f32 v32, v22;
	v32 =	vld [tilespmem:$0x16D70]  }
0xc0: {  	v29 =	vadd.f32 v31, v29;
	v28 =	vadd.f32 v30, v28;
	v30 =	vmul.f32 v35, v34;
	v31 =	vld [tilespmem:$0x16D60]  }
0xc1: {  	v35 =	vmul.f32 v47, v39;
	v18 =	vadd.f32 v18, v22;
	v22 =	vmul.f32 v43, v34;
	v43 =	vld [tilespmem:$0x16DC0]  }
0xc2: {  	v23 =	vadd.f32 v27, v23;
	v27 =	vadd.f32 v33, v29;
	v29 =	vmul.f32 v44, v39;
	v33 =	vld [tilespmem:$0x16DA0]  }
0xc3: {  	v14 =	vmul.f32 v14, v41;
	v21 =	vadd.f32 v21, v28;
	v28 =	vmul.f32 v38, v41;
	v38 =	vld [tilespmem:$0x16DF0]  }
0xc4: {  	v23 =	vadd.f32 v37, v23;
	v27 =	vadd.f32 v36, v27;
	v32 =	vmul.f32 v32, v34;
	v36 =	vld [tilespmem:$0x16DE0]  }
0xc5: {  	v21 =	vadd.f32 v40, v21;
	v16 =	vadd.f32 v16, v18;
	v18 =	vmul.f32 v31, v34;
	v31 =	vld [tilespmem:$0x16D90]  }
0xc6: {  	v23 =	vadd.f32 v42, v23;
	v20 =	vadd.f32 v20, v27;
	v27 =	vmul.f32 v43, v45;
	v34 =	vld [tilespmem:$0x16EA0]  }
0xc7: {  	v17 =	vadd.f32 v17, v21;
	v16 =	vadd.f32 v28, v16;
	v21 =	vmul.f32 v33, v39;
	v28 =	vld [tilespmem:$0x16DD0]  }
0xc8: {  	v37 =	vbroadcast v10, $0xC;
	v15 =	vadd.f32 v15, v20;
	v20 =	vmul.f32 v38, v45;
	v33 =	vld [tilespmem:$0x16E20]  }
0xc9: {  	v19 =	vadd.f32 v19, v23;
	v14 =	vadd.f32 v14, v17;
	v17 =	vmul.f32 v36, v45;
	v23 =	vld [tilespmem:$0x16E10]  }
0xca: {  	v15 =	vadd.f32 v25, v15;
	v36 =	vbroadcast v10, $0xD;
	v25 =	vmul.f32 v31, v39;
	v31 =	vld [tilespmem:$0x16E70]  }
0xcb: {  	v19 =	vadd.f32 v26, v19;
	v14 =	vadd.f32 v18, v14;
	v18 =	vld [tilespmem:$0x16E50];
	v26 =	vmul.f32 v34, v37  }
0xcc: {  	v15 =	vadd.f32 v30, v15;
	v34 =	vmul.f32 v9, v36;
	v28 =	vmul.f32 v28, v45;
	v30 =	vld [tilespmem:$0x16E00]  }
0xcd: {  	v9 =	vadd.f32 v24, v19;
	v19 =	vmul.f32 v33, v13;
	v24 =	vld [tilespmem:$0x16E90];
	v33 =	vmul.f32 v8, v36  }
0xce: {  	v16 =	vadd.f32 v22, v16;
	v15 =	vadd.f32 v29, v15;
	v22 =	vmul.f32 v23, v13;
	v23 =	vld [tilespmem:$0x16E40]  }
0xcf: {  	v9 =	vadd.f32 v32, v9;
	v8 =	vbroadcast v10, $0xF;
	v29 =	vmul.f32 v31, v11;
	v31 =	vld [tilespmem:$0x16EB0]  }
0xd0: {  	v7 =	vmul.f32 v7, v11;
	v10 =	vadd.f32 v27, v15;
	v15 =	vmul.f32 v18, v11;
	v18 =	vld [tilespmem:$0x16E80]  }
0xd1: {  	v16 =	vadd.f32 v25, v16;
	v9 =	vadd.f32 v35, v9;
	v13 =	vmul.f32 v30, v13;
	v25 =	vld [tilespmem:$0x16EE0]  }
0xd2: {  	v14 =	vadd.f32 v21, v14;
	v21 =	vmul.f32 v24, v37;
	v24 =	vld [tilespmem:$0x16EC0]  }
0xd3: {  	v9 =	vadd.f32 v20, v9;
	v10 =	vadd.f32 v13, v10;
	v11 =	vmul.f32 v23, v11;
	v13 =	vld [tilespmem:$0x16F70]  }
0xd4: {  	v14 =	vadd.f32 v17, v14;
	v16 =	vadd.f32 v28, v16;
	v17 =	vmul.f32 v31, v37;
	v20 =	vld [tilespmem:$0x16F00]  }
0xd5: {  	v9 =	vadd.f32 v12, v9;
	v10 =	vadd.f32 v11, v10;
	v11 =	vmul.f32 v18, v37;
	v12 =	vld [tilespmem:$0x16F40]  }
0xd6: {  	v14 =	vadd.f32 v19, v14;
	v16 =	vadd.f32 v22, v16;
	v18 =	vmul.f32 v25, v36;
	v19 =	vld [tilespmem:$0x16F20]  }
0xd7: {  	v22 =	vadd.f32 v29, v9;
	v10 =	vadd.f32 v11, v10;
	v23 =	vmul.f32 v24, v36;
	v24 =	vld [tilespmem:$0x16F10]  }
.Ltmp0:
0xd8: {  	v14 =	vadd.f32 v7, v14;
	v15 =	vadd.f32 v15, v16;
	v11 =	vld.idx.msk [tilespmem:v0+s0+$0x10 ss:$0x1], $0xffff;
	v9 =	vmul.f32 v13, v8;
	(pc) =	sbr.rel @p0 .LBB2_3-.Ltmp0, $4  }
0xd9: {  	v13 =	vadd.f32 v17, v22;
	v10 =	vadd.f32 v23, v10;
	v17 =	vmul.f32 v20, v6;
	v7 =	vld [tilespmem:$0x16F90]  }
0xda: {  	v14 =	vadd.f32 v26, v14;
	v20 =	vadd.f32 v21, v15;
	v16 =	vld [tilespmem:$0x16F30];
	v12 =	vmul.f32 v12, v8  }
0xdb: {  	v15 =	vadd.f32 v33, v13;
	v13 =	vadd.f32 v17, v10;
	v17 =	vmul.f32 v19, v6;
	v10 =	vld [tilespmem:$0x17070]  }
0xdc: {  	v18 =	vadd.f32 v18, v14;
	v19 =	vadd.f32 v34, v20;
	v20 =	vmul.f32 v24, v6;
	v14 =	vld [tilespmem:$0x17000]  }
0xdd: {  	v0 =	vld [tilespmem:$0x17030]  }
0xde: {  	v5 =	vmul.f32 v5, v8;
	v22 =	vld [tilespmem:$0x16FE0]  }
0xdf: {  	v4 =	vmul.f32 v4, v8;
	v8 =	vbroadcast v11, $0x5;
	v23 =	vld [tilespmem:$0x16FF0]  }
0xe0: {  	v24 =	vld [tilespmem:$0x16FC0];
	v25 =	vbroadcast v11, $0x2;
	v19 =	vadd.f32 v20, v19;
	v20 =	vbroadcast v11, $0x1  }
0xe1: {  	v26 =	vld [tilespmem:$0x16F80];
	v17 =	vadd.f32 v17, v18;
	v18 =	vbroadcast v11, $0x3;
	v6 =	vmul.f32 v16, v6  }
0xe2: {  	v21 =	vld [tilespmem:$0x17020];
	v16 =	vbroadcast v11, $0x4;
	v11 =	vbroadcast v11, $0x0  }
0xe3: {  	v2 =	vmul.f32 v2, v25;
	v5 =	vadd.f32 v5, v19;
	v3 =	vmul.f32 v3, v20;
	v19 =	vld [tilespmem:$0x16FB0]  }
0xe4: {  	v4 =	vadd.f32 v4, v17;
	v17 =	vld [tilespmem:$0x16FA0];
	v14 =	vmul.f32 v14, v25;
	v7 =	vmul.f32 v7, v11  }
0xe5: {  	v6 =	vadd.f32 v6, v15;
	v22 =	vmul.f32 v22, v20;
	v15 =	vmul.f32 v23, v20;
	v23 =	vld [tilespmem:$0x17050]  }
0xe6: {  	v12 =	vadd.f32 v12, v13;
	v13 =	vmul.f32 v24, v20;
	v20 =	vld [tilespmem:$0x17060];
	v50 =	vmul.f32 v26, v11  }
0xe7: {  	v6 =	vadd.f32 v9, v6;
	v9 =	vmul.f32 v10, v18;
	v10 =	vld [tilespmem:$0x17040];
	v5 =	vadd.f32 v7, v5  }
0xe8: {  	v51 =	vld [tilespmem:$0x17090];
	v1 =	vmul.f32 v1, v16;
	v12 =	vadd.f32 v50, v12;
	v19 =	vmul.f32 v19, v11  }
0xe9: {  	v21 =	vmul.f32 v21, v25;
	v7 =	vld [tilespmem:$0x17080];
	v11 =	vmul.f32 v17, v11;
	v3 =	vadd.f32 v3, v5  }
0xea: {  	v0 =	vmul.f32 v0, v25;
	v5 =	vld [tilespmem:$0x170C0];
	v12 =	vadd.f32 v13, v12;
	v6 =	vadd.f32 v19, v6  }
0xeb: {  	v17 =	vld [tilespmem:$0x170B0];
	v23 =	vmul.f32 v23, v18;
	v13 =	vmul.f32 v20, v18;
	v4 =	vadd.f32 v11, v4  }
0xec: {  	v11 =	vadd.f32 v14, v12;
	v10 =	vmul.f32 v10, v18;
	v12 =	vld [tilespmem:$0x170D0];
	v6 =	vadd.f32 v15, v6  }
0xed: {  	v2 =	vadd.f32 v2, v3;
	v3 =	vld [tilespmem:$0x170F0];
	v14 =	vmul.f32 v51, v16;
	v4 =	vadd.f32 v22, v4  }
0xee: {  	v7 =	vmul.f32 v7, v16;
	v0 =	vadd.f32 v0, v6;
	v6 =	vadd.f32 v10, v11;
	v10 =	vld [tilespmem:$0x170E0]  }
0xef: {  	v2 =	vadd.f32 v23, v2;
	v5 =	vmul.f32 v5, v8;
	v4 =	vadd.f32 v21, v4  }
0xf0: {  	v11 =	vmul.f32 v17, v16;
	v0 =	vadd.f32 v9, v0;
	v6 =	vadd.f32 v7, v6  }
0xf1: {  	v2 =	vadd.f32 v14, v2;
	v4 =	vadd.f32 v13, v4;
	v7 =	vmul.f32 v12, v8  }
0xf2: {  	v3 =	vmul.f32 v3, v8;
	v0 =	vadd.f32 v11, v0;
	v5 =	vadd.f32 v5, v6  }
0xf3: {  	v1 =	vadd.f32 v1, v4;
	v2 =	vadd.f32 v7, v2;
	v4 =	vmul.f32 v10, v8  }
0xf4: {  	s0 =	smul.u32 $0x360, s26;
	v0 =	vadd.f32 v3, v0;
	v3 =	vmax.f32 v5, $0.0e+00  }
0xf5: {  	v2 =	vmax.f32 v2, $0.0e+00;
	v1 =	vadd.f32 v4, v1;
	[tilespmem:s28+$0xFFFFFFD0] =	vst v3  }
0xf6: {  	s0 =	sadd.s32 s9, s0;
	[tilespmem:s28+$0xFFFFFFE0] =	vst v2;
	v0 =	vmax.f32 v0, $0.0e+00  }
0xf7: {  	s0 =	sshll.u32 s0, $0x3;
	v1 =	vmax.f32 v1, $0.0e+00;
	[tilespmem:s28+$0x0] =	vst v0  }
0xf8: {  	s1 =	simm.s32 $0x0;
	s0 =	sadd.s32 s3, s0;
	[tilespmem:s28+$0xFFFFFFF0] =	vst v1  }
0xf9: {  	[hbm4b:s0+s1] =	stream.linear.scatter [tilespmem:s17], [sflag:$0x3], $0x6C00, $0x38;
	[tilespmem:$0x17140] =	vst v63  }
0xfa: {  	s1 =	smul.u32 $0xD80, s26  }
0xfb: {  	_ =	swait.ge [sflag:s20], $0x6C00  }
0xfc: {  	[sflag:s20] =	ssyncset.done $0x0;
	s28 =	sshra.s32 s1, $0x2  }
0xfd: {  	[sflag:s20] =	ssyncadd.s32 $0xFFFF9400;
	s0 =	sadd.s32 $0x360, s28  }
0xfe: {  	[tilespmem:s17], [sflag:$0x1] =	stream.indirect.gather [hbm4b:s5+s16], $0x40, s0, s16, $0xb8;
	[tilespmem:$0x17140] =	vst v63  }
0xff: {  	_ =	swait.ge [sflag:s21], $0x6C00  }
0x100: {  	[sflag:s21] =	ssyncset.done $0x0  }
0x101: {  	[sflag:s21] =	ssyncadd.s32 $0xFFFF9400  }
0x102: {  	v3 =	vld [tilespmem:$0x16FD0]  }
0x103: {  	v1 =	vld [tilespmem:$0x170A0]  }
0x104: {  	v2 =	vld [tilespmem:$0x17010]  }
0x105: {  	v4 =	vld [tilespmem:$0x16F60]  }
0x106: {  	v5 =	vld [tilespmem:$0x16F50]  }
0x107: {  	v7 =	vld [tilespmem:$0x16E60]  }
0x108: {  	v8 =	vld [tilespmem:$0x16EF0]  }
0x109: {  	v9 =	vld [tilespmem:$0x16ED0]  }
0x10a: {  	v14 =	vld [tilespmem:$0x16D20]  }
0x10b: {  	v15 =	vld [tilespmem:$0x16CC0]  }
0x10c: {  	v16 =	vld [tilespmem:$0x16CD0]  }
0x10d: {  	v17 =	vld [tilespmem:$0x16CE0]  }
0x10e: {  	v18 =	vld [tilespmem:$0x16C90]  }
0x10f: {  	v19 =	vld [tilespmem:$0x16CB0]  }
0x110: {  	v20 =	vld [tilespmem:$0x16C80]  }
0x111: {  	v0 =	vmov s25;
	v21 =	vld [tilespmem:$0x16C60]  }
0x112: {  	v22 =	vld [tilespmem:$0x16C10]  }
0x113: {  	v23 =	vld [tilespmem:$0x16BB0]  }
0x114: {  	v52 =	vld [tilespmem:$0x16D30]  }
0x115: {  	s1 =	simm.s32 $0x0;
	v53 =	vld [tilespmem:$0x16D00]  }
0x116: {  	v10 =	vld.idx.msk [tilespmem:v0+s1+$0x0 ss:$0x1], $0xffff  }
0x117: {  	v54 =	vld [tilespmem:$0x16CF0]  }
0x118: {  	v12 =	vld [tilespmem:$0x16C20]  }
0x119: {  	v27 =	vld [tilespmem:$0x16E30]  }
0x11a: {  	v11 =	vld [tilespmem:$0x16B80]  }
0x11b: {  	v28 =	vld [tilespmem:$0x16BA0];
	v31 =	vbroadcast v10, $0x0;
	v6 =	vbroadcast v10, $0xE  }
0x11c: {  	v29 =	vld [tilespmem:$0x17100];
	v32 =	vbroadcast v10, $0x2;
	v34 =	vbroadcast v10, $0x7  }
0x11d: {  	v33 =	vld [tilespmem:$0x16C00];
	v13 =	vbroadcast v10, $0xA;
	v39 =	vbroadcast v10, $0x4  }
0x11e: {  	v36 =	vld [tilespmem:$0x16B90];
	v40 =	vbroadcast v10, $0x5;
	v43 =	vbroadcast v10, $0x6  }
0x11f: {  	v37 =	vld [tilespmem:$0x16C30];
	v47 =	vbroadcast v10, $0x3;
	v48 =	vbroadcast v10, $0x1  }
0x120: {  	v30 =	vld [tilespmem:$0x17120];
	v35 =	vmul.f32 v11, v31;
	v28 =	vmul.f32 v28, v31  }
0x121: {  	v42 =	vld [tilespmem:$0x16CA0];
	v11 =	vbroadcast v10, $0xB;
	v41 =	vmul.f32 v12, v32  }
0x122: {  	v45 =	vld [tilespmem:$0x16BD0];
	v12 =	vmul.f32 v27, v13;
	v33 =	vmul.f32 v33, v32  }
0x123: {  	v56 =	vld [tilespmem:$0x16BC0];
	v36 =	vmul.f32 v36, v31;
	v26 =	vmul.f32 v54, v40  }
0x124: {  	v46 =	vld [tilespmem:$0x16BE0];
	v37 =	vmul.f32 v37, v32;
	v25 =	vmul.f32 v53, v43  }
0x125: {  	v49 =	vld [tilespmem:$0x16C50];
	v23 =	vmul.f32 v23, v31;
	v24 =	vmul.f32 v52, v43  }
0x126: {  	v57 =	vld [tilespmem:$0x16C40];
	v42 =	vmul.f32 v42, v39;
	v22 =	vmul.f32 v22, v32  }
0x127: {  	v60 =	vld [tilespmem:$0x16BF0];
	v21 =	vmul.f32 v21, v47;
	v20 =	vmul.f32 v20, v39  }
0x128: {  	v38 =	vld [tilespmem:$0x17110];
	v59 =	vmul.f32 v45, v48;
	v31 =	vmul.f32 v56, v48  }
0x129: {  	v55 =	vld [tilespmem:$0x17130];
	v19 =	vmul.f32 v19, v39;
	v62 =	vmul.f32 v46, v48  }
0x12a: {  	v44 =	vld [tilespmem:$0x16C70];
	v18 =	vmul.f32 v18, v39;
	v50 =	vmul.f32 v49, v47  }
0x12b: {  	v61 =	vld [tilespmem:$0x16DB0];
	v17 =	vmul.f32 v17, v40;
	v32 =	vmul.f32 v57, v47  }
0x12c: {  	v63 =	vld [tilespmem:$0x16D40];
	v16 =	vmul.f32 v16, v40;
	v53 =	vmul.f32 v60, v48  }
0x12d: {  	v51 =	vld [tilespmem:$0x16D50];
	v15 =	vmul.f32 v15, v40;
	v56 =	vbroadcast v10, $0x8  }
0x12e: {  	v54 =	vld [tilespmem:$0x16D10];
	v57 =	vbroadcast v10, $0x9;
	v14 =	vmul.f32 v14, v43;
	v58 =	vadd.f32 v36, v38  }
0x12f: {  	v60 =	vld [tilespmem:$0x16DC0];
	v29 =	vadd.f32 v35, v29;
	v28 =	vadd.f32 v28, v30;
	v30 =	vmul.f32 v44, v47  }
0x130: {  	v52 =	vld [tilespmem:$0x16D80];
	v23 =	vadd.f32 v23, v55;
	v44 =	vmul.f32 v61, v56;
	v35 =	vadd.f32 v59, v58  }
0x131: {  	v55 =	vld [tilespmem:$0x16D70];
	v7 =	vmul.f32 v7, v11;
	v28 =	vadd.f32 v62, v28;
	v29 =	vadd.f32 v31, v29  }
0x132: {  	v61 =	vld [tilespmem:$0x16DA0];
	v59 =	vmul.f32 v63, v34;
	v23 =	vadd.f32 v53, v23;
	v53 =	vbroadcast v10, $0xD  }
0x133: {  	v58 =	vld [tilespmem:$0x16D60];
	v62 =	vmul.f32 v54, v43;
	v22 =	vadd.f32 v22, v35;
	v29 =	vadd.f32 v33, v29  }
0x134: {  	v45 =	vld [tilespmem:$0x16DE0];
	v48 =	vmul.f32 v60, v57;
	v28 =	vadd.f32 v41, v28;
	v23 =	vadd.f32 v37, v23  }
0x135: {  	v47 =	vld [tilespmem:$0x16EA0];
	v35 =	vmul.f32 v52, v56;
	v22 =	vadd.f32 v50, v22;
	v29 =	vadd.f32 v32, v29  }
0x136: {  	v63 =	vld [tilespmem:$0x16DF0];
	v27 =	vmul.f32 v55, v34;
	v21 =	vadd.f32 v21, v28;
	v23 =	vadd.f32 v30, v23  }
0x137: {  	v54 =	vld [tilespmem:$0x16E50];
	v49 =	vmul.f32 v61, v56;
	v18 =	vadd.f32 v18, v22;
	v20 =	vadd.f32 v20, v29  }
0x138: {  	v52 =	vld [tilespmem:$0x16E70];
	v31 =	vmul.f32 v58, v34;
	v58 =	vmul.f32 v8, v53;
	v21 =	vadd.f32 v42, v21  }
0x139: {  	v8 =	vbroadcast v10, $0xF;
	v16 =	vadd.f32 v16, v18;
	v18 =	vld [tilespmem:$0x16D90];
	v15 =	vadd.f32 v15, v20  }
0x13a: {  	v50 =	vld [tilespmem:$0x16E20];
	v22 =	vmul.f32 v51, v34;
	v19 =	vadd.f32 v19, v23;
	v17 =	vadd.f32 v17, v21  }
0x13b: {  	v51 =	vbroadcast v10, $0xC;
	v23 =	vmul.f32 v45, v57;
	v21 =	vld [tilespmem:$0x16DD0];
	v15 =	vadd.f32 v25, v15  }
0x13c: {  	v20 =	vmul.f32 v63, v57;
	v19 =	vadd.f32 v26, v19;
	v14 =	vadd.f32 v14, v17;
	v17 =	vld [tilespmem:$0x16E10]  }
0x13d: {  	v55 =	vld [tilespmem:$0x16E00];
	v29 =	vmul.f32 v47, v51;
	v16 =	vadd.f32 v62, v16;
	v15 =	vadd.f32 v59, v15  }
0x13e: {  	v60 =	vld [tilespmem:$0x16E80];
	v18 =	vmul.f32 v18, v56;
	v56 =	vmul.f32 v9, v53;
	v9 =	vadd.f32 v24, v19  }
0x13f: {  	v25 =	vmul.f32 v52, v11;
	v14 =	vadd.f32 v31, v14;
	v16 =	vadd.f32 v22, v16;
	v22 =	vld [tilespmem:$0x16E40]  }
0x140: {  	v62 =	vld [tilespmem:$0x16EC0];
	v21 =	vmul.f32 v21, v57;
	v15 =	vadd.f32 v35, v15;
	v9 =	vadd.f32 v27, v9  }
0x141: {  	v61 =	vld [tilespmem:$0x16EE0];
	v19 =	vmul.f32 v50, v13;
	v17 =	vmul.f32 v17, v13;
	v16 =	vadd.f32 v18, v16  }
0x142: {  	v57 =	vld [tilespmem:$0x16E90];
	v13 =	vmul.f32 v55, v13;
	v10 =	vadd.f32 v48, v15;
	v9 =	vadd.f32 v44, v9  }
0x143: {  	v59 =	vld [tilespmem:$0x16EB0];
	v14 =	vadd.f32 v49, v14;
	v15 =	vmul.f32 v54, v11;
	v16 =	vadd.f32 v21, v16  }
0x144: {  	v11 =	vmul.f32 v22, v11;
	v10 =	vadd.f32 v13, v10;
	v13 =	vld [tilespmem:$0x16F70];
	v9 =	vadd.f32 v20, v9  }
0x145: {  	v14 =	vadd.f32 v23, v14;
	v23 =	vmul.f32 v62, v53;
	v21 =	vld [tilespmem:$0x16F00];
	v16 =	vadd.f32 v17, v16  }
0x146: {  	v17 =	vld [tilespmem:$0x16F20];
	v10 =	vadd.f32 v11, v10;
	v11 =	vmul.f32 v60, v51;
	v9 =	vadd.f32 v12, v9  }
0x147: {  	v63 =	vld [tilespmem:$0x16F10];
	v22 =	vmul.f32 v61, v53;
	v18 =	vmul.f32 v57, v51;
	v14 =	vadd.f32 v19, v14  }
0x148: {  	v20 =	vmul.f32 v59, v51;
	v12 =	vld [tilespmem:$0x16F40];
	v10 =	vadd.f32 v11, v10;
	v19 =	vadd.f32 v25, v9  }
0x149: {  	v14 =	vadd.f32 v7, v14;
	v7 =	vld [tilespmem:$0x16F90];
	v15 =	vadd.f32 v15, v16;
	v9 =	vmul.f32 v13, v8  }
0x14a: {  	v16 =	vld [tilespmem:$0x16F30];
	v10 =	vadd.f32 v23, v10;
	v13 =	vadd.f32 v20, v19;
	v19 =	vmul.f32 v21, v6  }
0x14b: {  	v11 =	vld.idx.msk [tilespmem:v0+s1+$0x10 ss:$0x1], $0xffff;
	v14 =	vadd.f32 v29, v14;
	v18 =	vadd.f32 v18, v15;
	v17 =	vmul.f32 v17, v6  }
0x14c: {  	s30 =	sshllo.u32 s26, $0x1;
	v20 =	vmul.f32 v63, v6;
	v15 =	vadd.f32 v58, v13;
	v13 =	vadd.f32 v19, v10;
	v10 =	vld [tilespmem:$0x17070]  }
0x14d: {  	s31 =	simm.s32 $0xB630;
	s29 =	simm.s32 $0xB630;
	s0 =	simm.s32 $0x80;
	v12 =	vmul.f32 v12, v8;
	v19 =	vadd.f32 v56, v18;
	v18 =	vadd.f32 v22, v14;
	v14 =	vld [tilespmem:$0x17000]  }
.LBB2_5:
0x14e: {  	p0 =	sne.s32 s0, $0x780  }
0x14f: {  	v5 =	vmul.f32 v5, v8;
	v4 =	vmul.f32 v4, v8;
	v8 =	vld [tilespmem:$0x17030];
	s31 =	sadd.s32 $0x6C0, s31;
	s1 =	smov.u32 s0;
	s0 =	sadd.s32 $0x80, s0  }
0x150: {  	v19 =	vadd.f32 v20, v19;
	v17 =	vadd.f32 v17, v18;
	v18 =	vld [tilespmem:$0x17020];
	v20 =	vbroadcast v11, $0x5  }
0x151: {  	v21 =	vbroadcast v11, $0x4;
	v6 =	vmul.f32 v16, v6;
	v16 =	vld [tilespmem:$0x16FE0]  }
0x152: {  	v5 =	vadd.f32 v5, v19;
	v4 =	vadd.f32 v4, v17;
	v17 =	vbroadcast v11, $0x1;
	v19 =	vld [tilespmem:$0x16FF0]  }
0x153: {  	v22 =	vbroadcast v11, $0x2;
	v23 =	vbroadcast v11, $0x3;
	v6 =	vadd.f32 v6, v15;
	v15 =	vld [tilespmem:$0x16FC0]  }
0x154: {  	v11 =	vbroadcast v11, $0x0;
	v24 =	vld [tilespmem:$0x16F80];
	v3 =	vmul.f32 v3, v17  }
0x155: {  	v12 =	vadd.f32 v12, v13;
	v6 =	vadd.f32 v9, v6;
	v9 =	vld [tilespmem:$0x16FB0];
	v13 =	vmul.f32 v18, v22  }
0x156: {  	v8 =	vmul.f32 v8, v22;
	v18 =	vld [tilespmem:$0x16FA0];
	v16 =	vmul.f32 v16, v17  }
0x157: {  	v14 =	vmul.f32 v14, v22;
	v19 =	vmul.f32 v19, v17;
	v25 =	vld [tilespmem:$0x17050]  }
0x158: {  	v10 =	vmul.f32 v10, v23;
	v15 =	vmul.f32 v15, v17;
	v17 =	vld [tilespmem:$0x17060]  }
0x159: {  	v7 =	vmul.f32 v7, v11;
	v24 =	vmul.f32 v24, v11;
	v26 =	vld [tilespmem:$0x17090]  }
0x15a: {  	v2 =	vmul.f32 v2, v22;
	v9 =	vmul.f32 v9, v11;
	v22 =	vld [tilespmem:$0x17040]  }
0x15b: {  	v1 =	vmul.f32 v1, v21;
	v12 =	vadd.f32 v24, v12;
	v11 =	vmul.f32 v18, v11;
	v18 =	vld [tilespmem:$0x170B0]  }
0x15c: {  	v5 =	vadd.f32 v7, v5;
	v7 =	vmul.f32 v25, v23;
	v24 =	vld [tilespmem:$0x17080]  }
0x15d: {  	v6 =	vadd.f32 v9, v6;
	v9 =	vadd.f32 v15, v12;
	v12 =	vmul.f32 v17, v23  }
0x15e: {  	v3 =	vadd.f32 v3, v5;
	v4 =	vadd.f32 v11, v4;
	v5 =	vmul.f32 v26, v21;
	v11 =	vld [tilespmem:$0x170C0]  }
0x15f: {  	v6 =	vadd.f32 v19, v6;
	v9 =	vadd.f32 v14, v9;
	v14 =	vmul.f32 v22, v23;
	v15 =	vld [tilespmem:$0x170D0]  }
0x160: {  	v2 =	vadd.f32 v2, v3;
	v4 =	vadd.f32 v16, v4;
	v3 =	vmul.f32 v18, v21;
	v16 =	vld [tilespmem:$0x170F0]  }
0x161: {  	v6 =	vadd.f32 v8, v6;
	v8 =	vadd.f32 v14, v9;
	v9 =	vmul.f32 v24, v21;
	v14 =	vld [tilespmem:$0x170E0]  }
0x162: {  	v2 =	vadd.f32 v7, v2;
	v4 =	vadd.f32 v13, v4  }
0x163: {  	v6 =	vadd.f32 v10, v6;
	v7 =	vadd.f32 v9, v8;
	v8 =	vmul.f32 v11, v20  }
0x164: {  	v2 =	vadd.f32 v5, v2;
	v4 =	vadd.f32 v12, v4;
	v5 =	vmul.f32 v15, v20  }
0x165: {  	v3 =	vadd.f32 v3, v6;
	v6 =	vadd.f32 v8, v7;
	v7 =	vmul.f32 v16, v20  }
0x166: {  	v1 =	vadd.f32 v1, v4;
	v2 =	vadd.f32 v5, v2;
	v4 =	vmul.f32 v14, v20  }
0x167: {  	v3 =	vadd.f32 v7, v3;
	v5 =	vmax.f32 v6, $0.0e+00  }
0x168: {  	v1 =	vadd.f32 v4, v1;
	[tilespmem:s29+$0xFFFFFFD0] =	vst v5;
	v2 =	vmax.f32 v2, $0.0e+00  }
0x169: {  	[tilespmem:s29+$0xFFFFFFE0] =	vst v2;
	v2 =	vmax.f32 v3, $0.0e+00  }
0x16a: {  	v1 =	vmax.f32 v1, $0.0e+00;
	[tilespmem:s29+$0x0] =	vst v2  }
0x16b: {  	[tilespmem:s29+$0xFFFFFFF0] =	vst v1;
	s29 =	smov.u32 s31  }
0x16c: {  	v3 =	vld [tilespmem:$0x16FD0]  }
0x16d: {  	v1 =	vld [tilespmem:$0x170A0]  }
0x16e: {  	v2 =	vld [tilespmem:$0x17010]  }
0x16f: {  	v4 =	vld [tilespmem:$0x16F60]  }
0x170: {  	v5 =	vld [tilespmem:$0x16F50]  }
0x171: {  	v7 =	vld [tilespmem:$0x16E60]  }
0x172: {  	v8 =	vld [tilespmem:$0x16EF0]  }
0x173: {  	v9 =	vld [tilespmem:$0x16ED0]  }
0x174: {  	v14 =	vld [tilespmem:$0x16D20]  }
0x175: {  	v15 =	vld [tilespmem:$0x16CC0]  }
0x176: {  	v16 =	vld [tilespmem:$0x16CD0]  }
0x177: {  	v17 =	vld [tilespmem:$0x16CE0]  }
0x178: {  	v18 =	vld [tilespmem:$0x16C90]  }
0x179: {  	v19 =	vld [tilespmem:$0x16CB0]  }
0x17a: {  	v20 =	vld [tilespmem:$0x16C80]  }
0x17b: {  	v21 =	vld [tilespmem:$0x16C60]  }
0x17c: {  	v22 =	vld [tilespmem:$0x16C10]  }
0x17d: {  	v23 =	vld [tilespmem:$0x16BB0]  }
0x17e: {  	v24 =	vld [tilespmem:$0x16D30]  }
0x17f: {  	v25 =	vld [tilespmem:$0x16D00]  }
0x180: {  	s1 =	sshra.s32 s1, $0x2;
	v26 =	vld [tilespmem:$0x16CF0]  }
0x181: {  	v10 =	vld.idx.msk [tilespmem:v0+s1+$0x0 ss:$0x1], $0xffff  }
0x182: {  	v12 =	vld [tilespmem:$0x16C20]  }
0x183: {  	v27 =	vld [tilespmem:$0x16E30]  }
0x184: {  	v11 =	vld [tilespmem:$0x16B80]  }
0x185: {  	v28 =	vld [tilespmem:$0x16BA0]  }
0x186: {  	v29 =	vld [tilespmem:$0x17100]  }
0x187: {  	v31 =	vbroadcast v10, $0x0;
	v6 =	vbroadcast v10, $0xE;
	v30 =	vld [tilespmem:$0x17120]  }
0x188: {  	v32 =	vbroadcast v10, $0x2;
	v34 =	vbroadcast v10, $0x7;
	v33 =	vld [tilespmem:$0x16C00]  }
0x189: {  	v13 =	vbroadcast v10, $0xA;
	v35 =	vmul.f32 v11, v31;
	v36 =	vld [tilespmem:$0x16B90]  }
0x18a: {  	v11 =	vbroadcast v10, $0xB;
	v28 =	vmul.f32 v28, v31;
	v37 =	vld [tilespmem:$0x16C30]  }
0x18b: {  	v39 =	vbroadcast v10, $0x5;
	v38 =	vld [tilespmem:$0x17110];
	v29 =	vadd.f32 v35, v29;
	v35 =	vbroadcast v10, $0x4  }
0x18c: {  	v28 =	vadd.f32 v28, v30;
	v30 =	vmul.f32 v12, v32;
	v40 =	vld [tilespmem:$0x16CA0];
	v12 =	vmul.f32 v27, v13  }
0x18d: {  	v41 =	vbroadcast v10, $0x6;
	v27 =	vld [tilespmem:$0x17130];
	v33 =	vmul.f32 v33, v32  }
0x18e: {  	v26 =	vmul.f32 v26, v39;
	v36 =	vmul.f32 v36, v31;
	v42 =	vld [tilespmem:$0x16C70]  }
0x18f: {  	v25 =	vmul.f32 v25, v41;
	v43 =	vld [tilespmem:$0x16BD0];
	v37 =	vmul.f32 v37, v32  }
0x190: {  	v23 =	vmul.f32 v23, v31;
	v24 =	vmul.f32 v24, v41;
	v36 =	vadd.f32 v36, v38;
	v31 =	vld [tilespmem:$0x16BC0]  }
0x191: {  	v44 =	vbroadcast v10, $0x3;
	v38 =	vld [tilespmem:$0x16BE0];
	v40 =	vmul.f32 v40, v35  }
0x192: {  	v22 =	vmul.f32 v22, v32;
	v23 =	vadd.f32 v23, v27;
	v27 =	vbroadcast v10, $0x1;
	v32 =	vld [tilespmem:$0x16C50]  }
0x193: {  	v21 =	vmul.f32 v21, v44;
	v20 =	vmul.f32 v20, v35;
	v45 =	vld [tilespmem:$0x16C40]  }
0x194: {  	v42 =	vmul.f32 v42, v44;
	v43 =	vmul.f32 v43, v27;
	v46 =	vld [tilespmem:$0x16BF0]  }
0x195: {  	v19 =	vmul.f32 v19, v35;
	v31 =	vmul.f32 v31, v27;
	v47 =	vld [tilespmem:$0x16DB0]  }
0x196: {  	v18 =	vmul.f32 v18, v35;
	v36 =	vadd.f32 v43, v36;
	v38 =	vmul.f32 v38, v27;
	v35 =	vld [tilespmem:$0x16D40]  }
0x197: {  	v17 =	vmul.f32 v17, v39;
	v32 =	vmul.f32 v32, v44;
	v43 =	vld [tilespmem:$0x16D50]  }
0x198: {  	v16 =	vmul.f32 v16, v39;
	v22 =	vadd.f32 v22, v36;
	v36 =	vmul.f32 v45, v44;
	v44 =	vld [tilespmem:$0x16D80]  }
0x199: {  	v15 =	vmul.f32 v15, v39;
	v28 =	vadd.f32 v38, v28;
	v27 =	vmul.f32 v46, v27;
	v38 =	vld [tilespmem:$0x16D10]  }
0x19a: {  	v39 =	vbroadcast v10, $0x8;
	v45 =	vbroadcast v10, $0x9;
	v22 =	vadd.f32 v32, v22;
	v32 =	vld [tilespmem:$0x16D70]  }
0x19b: {  	v29 =	vadd.f32 v31, v29;
	v28 =	vadd.f32 v30, v28;
	v30 =	vmul.f32 v35, v34;
	v31 =	vld [tilespmem:$0x16D60]  }
0x19c: {  	v35 =	vmul.f32 v47, v39;
	v18 =	vadd.f32 v18, v22;
	v22 =	vmul.f32 v43, v34;
	v43 =	vld [tilespmem:$0x16DC0]  }
0x19d: {  	v23 =	vadd.f32 v27, v23;
	v27 =	vadd.f32 v33, v29;
	v29 =	vmul.f32 v44, v39;
	v33 =	vld [tilespmem:$0x16DA0]  }
0x19e: {  	v14 =	vmul.f32 v14, v41;
	v21 =	vadd.f32 v21, v28;
	v28 =	vmul.f32 v38, v41;
	v38 =	vld [tilespmem:$0x16DF0]  }
0x19f: {  	v23 =	vadd.f32 v37, v23;
	v27 =	vadd.f32 v36, v27;
	v32 =	vmul.f32 v32, v34;
	v36 =	vld [tilespmem:$0x16DE0]  }
0x1a0: {  	v21 =	vadd.f32 v40, v21;
	v16 =	vadd.f32 v16, v18;
	v18 =	vmul.f32 v31, v34;
	v31 =	vld [tilespmem:$0x16D90]  }
0x1a1: {  	v23 =	vadd.f32 v42, v23;
	v20 =	vadd.f32 v20, v27;
	v27 =	vmul.f32 v43, v45;
	v34 =	vld [tilespmem:$0x16EA0]  }
0x1a2: {  	v17 =	vadd.f32 v17, v21;
	v16 =	vadd.f32 v28, v16;
	v21 =	vmul.f32 v33, v39;
	v28 =	vld [tilespmem:$0x16DD0]  }
0x1a3: {  	v37 =	vbroadcast v10, $0xC;
	v15 =	vadd.f32 v15, v20;
	v20 =	vmul.f32 v38, v45;
	v33 =	vld [tilespmem:$0x16E20]  }
0x1a4: {  	v19 =	vadd.f32 v19, v23;
	v14 =	vadd.f32 v14, v17;
	v17 =	vmul.f32 v36, v45;
	v23 =	vld [tilespmem:$0x16E10]  }
0x1a5: {  	v15 =	vadd.f32 v25, v15;
	v36 =	vbroadcast v10, $0xD;
	v25 =	vmul.f32 v31, v39;
	v31 =	vld [tilespmem:$0x16E70]  }
0x1a6: {  	v19 =	vadd.f32 v26, v19;
	v14 =	vadd.f32 v18, v14;
	v18 =	vld [tilespmem:$0x16E50];
	v26 =	vmul.f32 v34, v37  }
0x1a7: {  	v15 =	vadd.f32 v30, v15;
	v34 =	vmul.f32 v9, v36;
	v28 =	vmul.f32 v28, v45;
	v30 =	vld [tilespmem:$0x16E00]  }
0x1a8: {  	v9 =	vadd.f32 v24, v19;
	v19 =	vmul.f32 v33, v13;
	v24 =	vld [tilespmem:$0x16E90];
	v33 =	vmul.f32 v8, v36  }
0x1a9: {  	v16 =	vadd.f32 v22, v16;
	v15 =	vadd.f32 v29, v15;
	v22 =	vmul.f32 v23, v13;
	v23 =	vld [tilespmem:$0x16E40]  }
0x1aa: {  	v9 =	vadd.f32 v32, v9;
	v8 =	vbroadcast v10, $0xF;
	v29 =	vmul.f32 v31, v11;
	v31 =	vld [tilespmem:$0x16EB0]  }
0x1ab: {  	v7 =	vmul.f32 v7, v11;
	v10 =	vadd.f32 v27, v15;
	v15 =	vmul.f32 v18, v11;
	v18 =	vld [tilespmem:$0x16E80]  }
0x1ac: {  	v16 =	vadd.f32 v25, v16;
	v9 =	vadd.f32 v35, v9;
	v13 =	vmul.f32 v30, v13;
	v25 =	vld [tilespmem:$0x16EE0]  }
0x1ad: {  	v14 =	vadd.f32 v21, v14;
	v21 =	vmul.f32 v24, v37;
	v24 =	vld [tilespmem:$0x16EC0]  }
0x1ae: {  	v9 =	vadd.f32 v20, v9;
	v10 =	vadd.f32 v13, v10;
	v11 =	vmul.f32 v23, v11;
	v13 =	vld [tilespmem:$0x16F70]  }
0x1af: {  	v14 =	vadd.f32 v17, v14;
	v16 =	vadd.f32 v28, v16;
	v17 =	vmul.f32 v31, v37;
	v20 =	vld [tilespmem:$0x16F00]  }
0x1b0: {  	v9 =	vadd.f32 v12, v9;
	v10 =	vadd.f32 v11, v10;
	v11 =	vmul.f32 v18, v37;
	v12 =	vld [tilespmem:$0x16F40]  }
0x1b1: {  	v14 =	vadd.f32 v19, v14;
	v16 =	vadd.f32 v22, v16;
	v18 =	vmul.f32 v25, v36;
	v19 =	vld [tilespmem:$0x16F20]  }
0x1b2: {  	v22 =	vadd.f32 v29, v9;
	v10 =	vadd.f32 v11, v10;
	v23 =	vmul.f32 v24, v36;
	v24 =	vld [tilespmem:$0x16F10]  }
.Ltmp1:
0x1b3: {  	v14 =	vadd.f32 v7, v14;
	v15 =	vadd.f32 v15, v16;
	v11 =	vld.idx.msk [tilespmem:v0+s1+$0x10 ss:$0x1], $0xffff;
	v9 =	vmul.f32 v13, v8;
	(pc) =	sbr.rel @p0 .LBB2_5-.Ltmp1, $4  }
0x1b4: {  	v13 =	vadd.f32 v17, v22;
	v10 =	vadd.f32 v23, v10;
	v17 =	vmul.f32 v20, v6;
	v7 =	vld [tilespmem:$0x16F90]  }
0x1b5: {  	v14 =	vadd.f32 v26, v14;
	v20 =	vadd.f32 v21, v15;
	v16 =	vld [tilespmem:$0x16F30];
	v12 =	vmul.f32 v12, v8  }
0x1b6: {  	v15 =	vadd.f32 v33, v13;
	v13 =	vadd.f32 v17, v10;
	v17 =	vmul.f32 v19, v6;
	v10 =	vld [tilespmem:$0x17070]  }
0x1b7: {  	v18 =	vadd.f32 v18, v14;
	v19 =	vadd.f32 v34, v20;
	v20 =	vmul.f32 v24, v6;
	v14 =	vld [tilespmem:$0x17000]  }
0x1b8: {  	v0 =	vld [tilespmem:$0x17030]  }
0x1b9: {  	v21 =	vld [tilespmem:$0x17020];
	v5 =	vmul.f32 v5, v8;
	v4 =	vmul.f32 v4, v8  }
0x1ba: {  	v22 =	vld [tilespmem:$0x16FE0];
	v35 =	vbroadcast v11, $0x5;
	v36 =	vbroadcast v11, $0x4  }
0x1bb: {  	v23 =	vld [tilespmem:$0x16FF0];
	v37 =	vbroadcast v11, $0x1;
	v25 =	vbroadcast v11, $0x2  }
0x1bc: {  	v24 =	vld [tilespmem:$0x16FC0];
	v38 =	vbroadcast v11, $0x3;
	v39 =	vbroadcast v11, $0x0  }
0x1bd: {  	v26 =	vld [tilespmem:$0x16F80];
	v12 =	vadd.f32 v12, v13;
	v6 =	vmul.f32 v16, v6;
	v3 =	vmul.f32 v3, v37  }
0x1be: {  	v41 =	vld [tilespmem:$0x16FA0];
	v19 =	vadd.f32 v20, v19;
	v7 =	vmul.f32 v7, v39;
	v2 =	vmul.f32 v2, v25  }
0x1bf: {  	v40 =	vld [tilespmem:$0x16FB0];
	v17 =	vadd.f32 v17, v18;
	v1 =	vmul.f32 v1, v36;
	v47 =	vmul.f32 v10, v38  }
0x1c0: {  	v43 =	vld [tilespmem:$0x17050];
	v5 =	vadd.f32 v5, v19;
	v14 =	vmul.f32 v14, v25;
	v21 =	vmul.f32 v21, v25  }
0x1c1: {  	v45 =	vld [tilespmem:$0x17060];
	v4 =	vadd.f32 v4, v17;
	v22 =	vmul.f32 v22, v37;
	v0 =	vmul.f32 v0, v25  }
0x1c2: {  	v48 =	vld [tilespmem:$0x17040];
	v6 =	vadd.f32 v6, v15;
	v42 =	vmul.f32 v23, v37;
	v46 =	vmul.f32 v26, v39  }
0x1c3: {  	v49 =	vld [tilespmem:$0x17090];
	v44 =	vmul.f32 v24, v37;
	v11 =	vmul.f32 v41, v39;
	v5 =	vadd.f32 v7, v5  }
0x1c4: {  	v50 =	vld [tilespmem:$0x17080];
	v19 =	vmul.f32 v40, v39;
	v6 =	vadd.f32 v9, v6;
	v12 =	vadd.f32 v46, v12  }
0x1c5: {  	v51 =	vld [tilespmem:$0x170B0];
	v23 =	vmul.f32 v43, v38;
	v4 =	vadd.f32 v11, v4;
	v3 =	vadd.f32 v3, v5  }
0x1c6: {  	v55 =	vld [tilespmem:$0x170D0];
	v52 =	vmul.f32 v45, v38;
	v6 =	vadd.f32 v19, v6;
	v12 =	vadd.f32 v44, v12  }
0x1c7: {  	v53 =	vld [tilespmem:$0x170C0];
	v10 =	vmul.f32 v48, v38;
	v4 =	vadd.f32 v22, v4;
	v2 =	vadd.f32 v2, v3  }
0x1c8: {  	v59 =	vld [tilespmem:$0x170E0];
	v56 =	vmul.f32 v49, v36;
	v6 =	vadd.f32 v42, v6;
	v54 =	vadd.f32 v14, v12  }
0x1c9: {  	v57 =	vld [tilespmem:$0x170F0];
	v7 =	vmul.f32 v50, v36;
	v4 =	vadd.f32 v21, v4;
	v2 =	vadd.f32 v23, v2  }
0x1ca: {  	v60 =	vmul.f32 v51, v36;
	v0 =	vadd.f32 v0, v6;
	v58 =	vadd.f32 v10, v54  }
0x1cb: {  	v61 =	vmul.f32 v55, v35;
	v4 =	vadd.f32 v52, v4;
	v2 =	vadd.f32 v56, v2  }
0x1cc: {  	v5 =	vmul.f32 v53, v35;
	v0 =	vadd.f32 v47, v0;
	v6 =	vadd.f32 v7, v58  }
0x1cd: {  	v62 =	vmul.f32 v59, v35;
	v1 =	vadd.f32 v1, v4;
	v2 =	vadd.f32 v61, v2  }
0x1ce: {  	s0 =	smul.u32 $0x1B0, s30;
	v3 =	vmul.f32 v57, v35;
	v0 =	vadd.f32 v60, v0;
	v5 =	vadd.f32 v5, v6  }
0x1cf: {  	v1 =	vadd.f32 v62, v1;
	v2 =	vmax.f32 v2, $0.0e+00  }
0x1d0: {  	s0 =	sadd.s32 s9, s0;
	v0 =	vadd.f32 v3, v0;
	[tilespmem:s29+$0xFFFFFFE0] =	vst v2;
	v63 =	vmax.f32 v5, $0.0e+00  }
0x1d1: {  	s0 =	sshll.u32 s0, $0x3;
	v1 =	vmax.f32 v1, $0.0e+00;
	[tilespmem:s29+$0xFFFFFFD0] =	vst v63  }
0x1d2: {  	s26 =	sadd.s32 $0x1, s26;
	s0 =	sand.u32 $0x1FFFFF80, s0;
	v0 =	vmax.f32 v0, $0.0e+00;
	[tilespmem:s29+$0xFFFFFFF0] =	vst v1  }
0x1d3: {  	p0 =	sne.s32 s26, $0x13;
	s0 =	sadd.s32 s3, s0;
	[tilespmem:s29+$0x0] =	vst v0  }
0x1d4: {  	[hbm4b:s0+s4] =	stream.linear.scatter [tilespmem:s18], [sflag:$0x4], $0x6C00, $0x38;
	[tilespmem:$0x17140] =	vst v63  }
.Ltmp2:
0x1d5: {  	_ = 	snop;
	(pc) =	sbr.rel @p0 .LBB2_2-.Ltmp2, $4  }
0x1d6: {  	_ =	swait.ge [sflag:s22], $0x6C00  }
0x1d7: {  	s31 =	sadd.s32 $0x510, s28;
	[sflag:s22] =	ssyncset.done $0x0  }
0x1d8: {  	s24 =	sadd.s32 $0x400, s24;
	s25 =	sadd.s32 $0x400, s25;
	[sflag:s22] =	ssyncadd.s32 $0xFFFF9400  }
0x1d9: {  	[tilespmem:s18], [sflag:$0x2] =	stream.indirect.gather [hbm4b:s5+s16], $0x40, s31, s16, $0xb8;
	[tilespmem:$0x17140] =	vst v63  }
0x1da: {  	_ =	swait.ge [sflag:s19], $0x6C00  }
0x1db: {  	[sflag:s19] =	ssyncset.done $0x0  }
0x1dc: {  	[sflag:s19] =	ssyncadd.s32 $0xFFFF9400  }
0x1dd: {  	v3 =	vld [tilespmem:$0x16FD0]  }
0x1de: {  	v0 =	vld [tilespmem:$0x170A0]  }
0x1df: {  	v1 =	vld [tilespmem:$0x17010]  }
0x1e0: {  	v2 =	vld [tilespmem:$0x16F90]  }
0x1e1: {  	v4 =	vld [tilespmem:$0x16F60]  }
0x1e2: {  	v6 =	vld [tilespmem:$0x16E60]  }
0x1e3: {  	v7 =	vld [tilespmem:$0x16EF0]  }
0x1e4: {  	v8 =	vld [tilespmem:$0x16ED0]  }
0x1e5: {  	v13 =	vld [tilespmem:$0x16D20]  }
0x1e6: {  	v14 =	vld [tilespmem:$0x16CC0]  }
0x1e7: {  	v15 =	vld [tilespmem:$0x16CD0]  }
0x1e8: {  	v16 =	vld [tilespmem:$0x16CE0]  }
0x1e9: {  	v17 =	vld [tilespmem:$0x16C90]  }
0x1ea: {  	v18 =	vld [tilespmem:$0x16CB0]  }
0x1eb: {  	v19 =	vld [tilespmem:$0x16C80]  }
0x1ec: {  	v20 =	vld [tilespmem:$0x16C60]  }
0x1ed: {  	v21 =	vld [tilespmem:$0x16C10]  }
0x1ee: {  	v22 =	vld [tilespmem:$0x16BB0]  }
0x1ef: {  	v23 =	vld [tilespmem:$0x16D30]  }
0x1f0: {  	s0 =	simm.s32 $0x0;
	v24 =	vld [tilespmem:$0x16D00]  }
0x1f1: {  	v9 =	vld [tilespmem:s0+$0x16780]  }
0x1f2: {  	v25 =	vld [tilespmem:$0x16CF0]  }
0x1f3: {  	v11 =	vld [tilespmem:$0x16C20]  }
0x1f4: {  	v26 =	vld [tilespmem:$0x16E30]  }
0x1f5: {  	v10 =	vld [tilespmem:$0x16B80]  }
0x1f6: {  	v27 =	vld [tilespmem:$0x16BA0];
	v30 =	vbroadcast v9, $0x0;
	v5 =	vbroadcast v9, $0xE  }
0x1f7: {  	v28 =	vld [tilespmem:$0x17100];
	v31 =	vbroadcast v9, $0x2;
	v33 =	vbroadcast v9, $0x7  }
0x1f8: {  	v32 =	vld [tilespmem:$0x16C00];
	v12 =	vbroadcast v9, $0xA;
	v38 =	vbroadcast v9, $0x4  }
0x1f9: {  	v35 =	vld [tilespmem:$0x16B90];
	v39 =	vbroadcast v9, $0x5;
	v42 =	vbroadcast v9, $0x6  }
0x1fa: {  	v36 =	vld [tilespmem:$0x16C30];
	v46 =	vbroadcast v9, $0x3;
	v47 =	vbroadcast v9, $0x1  }
0x1fb: {  	v29 =	vld [tilespmem:$0x17120];
	v34 =	vmul.f32 v10, v30;
	v27 =	vmul.f32 v27, v30  }
0x1fc: {  	v41 =	vld [tilespmem:$0x16CA0];
	v10 =	vbroadcast v9, $0xB;
	v40 =	vmul.f32 v11, v31  }
0x1fd: {  	v44 =	vld [tilespmem:$0x16BD0];
	v11 =	vmul.f32 v26, v12;
	v32 =	vmul.f32 v32, v31  }
0x1fe: {  	v56 =	vld [tilespmem:$0x16BC0];
	v35 =	vmul.f32 v35, v30;
	v25 =	vmul.f32 v25, v39  }
0x1ff: {  	v45 =	vld [tilespmem:$0x16BE0];
	v36 =	vmul.f32 v36, v31;
	v24 =	vmul.f32 v24, v42  }
0x200: {  	v48 =	vld [tilespmem:$0x16C50];
	v22 =	vmul.f32 v22, v30;
	v23 =	vmul.f32 v23, v42  }
0x201: {  	v57 =	vld [tilespmem:$0x16C40];
	v41 =	vmul.f32 v41, v38;
	v21 =	vmul.f32 v21, v31  }
0x202: {  	v60 =	vld [tilespmem:$0x16BF0];
	v20 =	vmul.f32 v20, v46;
	v19 =	vmul.f32 v19, v38  }
0x203: {  	v37 =	vld [tilespmem:$0x17110];
	v59 =	vmul.f32 v44, v47;
	v30 =	vmul.f32 v56, v47  }
0x204: {  	v54 =	vld [tilespmem:$0x16D70];
	v18 =	vmul.f32 v18, v38;
	v62 =	vmul.f32 v45, v47  }
0x205: {  	v55 =	vld [tilespmem:$0x17130];
	v17 =	vmul.f32 v17, v38;
	v49 =	vmul.f32 v48, v46  }
0x206: {  	v43 =	vld [tilespmem:$0x16C70];
	v16 =	vmul.f32 v16, v39;
	v31 =	vmul.f32 v57, v46  }
0x207: {  	v61 =	vld [tilespmem:$0x16DB0];
	v15 =	vmul.f32 v15, v39;
	v52 =	vmul.f32 v60, v47  }
0x208: {  	v63 =	vld [tilespmem:$0x16D40];
	v14 =	vmul.f32 v14, v39;
	v56 =	vbroadcast v9, $0x9  }
0x209: {  	v50 =	vld [tilespmem:$0x16D50];
	v13 =	vmul.f32 v13, v42;
	v26 =	vmul.f32 v54, v33;
	v28 =	vadd.f32 v34, v28  }
0x20a: {  	v51 =	vld [tilespmem:$0x16D80];
	v48 =	vbroadcast v9, $0xC;
	v58 =	vadd.f32 v35, v37;
	v27 =	vadd.f32 v27, v29  }
0x20b: {  	v53 =	vld [tilespmem:$0x16D10];
	v29 =	vmul.f32 v43, v46;
	v22 =	vadd.f32 v22, v55;
	v55 =	vbroadcast v9, $0x8  }
0x20c: {  	v57 =	vld [tilespmem:$0x16D60];
	v6 =	vmul.f32 v6, v10;
	v34 =	vadd.f32 v59, v58;
	v27 =	vadd.f32 v62, v27  }
0x20d: {  	v60 =	vld [tilespmem:$0x16DC0];
	v28 =	vadd.f32 v30, v28;
	v58 =	vmul.f32 v63, v33;
	v22 =	vadd.f32 v52, v22  }
0x20e: {  	v47 =	vld [tilespmem:$0x16E20];
	v59 =	vmul.f32 v50, v33;
	v21 =	vadd.f32 v21, v34;
	v27 =	vadd.f32 v40, v27  }
0x20f: {  	v37 =	vld [tilespmem:$0x16DE0];
	v43 =	vmul.f32 v61, v55;
	v28 =	vadd.f32 v32, v28;
	v22 =	vadd.f32 v36, v22  }
0x210: {  	v61 =	vld [tilespmem:$0x16DA0];
	v62 =	vmul.f32 v53, v42;
	v21 =	vadd.f32 v49, v21;
	v20 =	vadd.f32 v20, v27  }
0x211: {  	v63 =	vld [tilespmem:$0x16DF0];
	v30 =	vmul.f32 v57, v33;
	v28 =	vadd.f32 v31, v28;
	v22 =	vadd.f32 v29, v22  }
0x212: {  	v42 =	vld [tilespmem:$0x16EA0];
	v34 =	vmul.f32 v51, v55;
	v17 =	vadd.f32 v17, v21;
	v20 =	vadd.f32 v41, v20  }
0x213: {  	v50 =	vld [tilespmem:$0x16E70];
	v51 =	vbroadcast v9, $0xD;
	v19 =	vadd.f32 v19, v28;
	v18 =	vadd.f32 v18, v22  }
0x214: {  	v44 =	vmul.f32 v60, v56;
	v15 =	vadd.f32 v15, v17;
	v17 =	vld [tilespmem:$0x16D90];
	v16 =	vadd.f32 v16, v20  }
0x215: {  	v49 =	vmul.f32 v37, v56;
	v54 =	vmul.f32 v8, v51;
	v20 =	vld [tilespmem:$0x16DD0];
	v14 =	vadd.f32 v14, v19  }
0x216: {  	v52 =	vld [tilespmem:$0x16E50];
	v46 =	vmul.f32 v61, v55;
	v18 =	vadd.f32 v25, v18;
	v13 =	vadd.f32 v13, v16  }
0x217: {  	v19 =	vmul.f32 v63, v56;
	v15 =	vadd.f32 v62, v15;
	v16 =	vld [tilespmem:$0x16E10];
	v14 =	vadd.f32 v24, v14  }
0x218: {  	v53 =	vld [tilespmem:$0x16E00];
	v8 =	vadd.f32 v23, v18;
	v18 =	vmul.f32 v47, v12;
	v13 =	vadd.f32 v30, v13  }
0x219: {  	v57 =	vld [tilespmem:$0x16E40];
	v24 =	vmul.f32 v50, v10;
	v14 =	vadd.f32 v58, v14;
	v15 =	vadd.f32 v59, v15  }
0x21a: {  	v60 =	vld [tilespmem:$0x16EE0];
	v8 =	vadd.f32 v26, v8;
	v17 =	vmul.f32 v17, v55;
	v20 =	vmul.f32 v20, v56  }
0x21b: {  	v61 =	vld [tilespmem:$0x16EC0];
	v56 =	vmul.f32 v7, v51;
	v7 =	vbroadcast v9, $0xF;
	v14 =	vadd.f32 v34, v14  }
0x21c: {  	v59 =	vld [tilespmem:$0x16E80];
	v8 =	vadd.f32 v43, v8;
	v13 =	vadd.f32 v46, v13;
	v16 =	vmul.f32 v16, v12  }
0x21d: {  	v58 =	vld [tilespmem:$0x16EB0];
	v12 =	vmul.f32 v53, v12;
	v15 =	vadd.f32 v17, v15;
	v9 =	vadd.f32 v44, v14  }
0x21e: {  	v55 =	vld [tilespmem:$0x16E90];
	v14 =	vmul.f32 v52, v10;
	v8 =	vadd.f32 v19, v8;
	v13 =	vadd.f32 v49, v13  }
0x21f: {  	v10 =	vmul.f32 v57, v10;
	v15 =	vadd.f32 v20, v15;
	v20 =	vld [tilespmem:$0x16F00];
	v9 =	vadd.f32 v12, v9  }
0x220: {  	v28 =	vmul.f32 v42, v48;
	v62 =	vmul.f32 v60, v51;
	v12 =	vld [tilespmem:$0x16F70];
	v8 =	vadd.f32 v11, v8  }
0x221: {  	v11 =	vld [tilespmem:$0x16F40];
	v13 =	vadd.f32 v18, v13;
	v9 =	vadd.f32 v10, v9;
	v10 =	vmul.f32 v59, v48  }
0x222: {  	v19 =	vmul.f32 v58, v48;
	v15 =	vadd.f32 v16, v15;
	v16 =	vld [tilespmem:$0x16F20];
	v8 =	vadd.f32 v24, v8  }
0x223: {  	v63 =	vld [tilespmem:$0x16F10];
	v18 =	vmul.f32 v61, v51;
	v13 =	vadd.f32 v6, v13;
	v9 =	vadd.f32 v10, v9  }
0x224: {  	v17 =	vmul.f32 v55, v48;
	v15 =	vadd.f32 v14, v15;
	v14 =	vld [tilespmem:$0x16F50];
	v8 =	vadd.f32 v19, v8  }
0x225: {  	v10 =	vld [tilespmem:s0+$0x16790];
	v6 =	vmul.f32 v12, v7;
	v12 =	vadd.f32 v18, v9;
	v18 =	vmul.f32 v20, v5  }
0x226: {  	v19 =	vadd.f32 v28, v13;
	v17 =	vadd.f32 v17, v15;
	v15 =	vld [tilespmem:$0x16F30];
	v9 =	vmul.f32 v11, v7  }
0x227: {  	v13 =	vadd.f32 v56, v8;
	v16 =	vmul.f32 v16, v5;
	v8 =	vld [tilespmem:$0x17070];
	v11 =	vadd.f32 v18, v12  }
0x228: {  	s25 =	simm.s32 $0x4A30;
	s24 =	simm.s32 $0x4A30;
	s0 =	simm.s32 $0x80;
	v18 =	vadd.f32 v54, v17;
	v17 =	vadd.f32 v62, v19;
	v19 =	vmul.f32 v63, v5;
	v12 =	vld [tilespmem:$0x17000]  }
.LBB2_8:
0x229: {  	p0 =	sne.s32 s0, $0x780  }
0x22a: {  	v14 =	vmul.f32 v14, v7;
	v4 =	vmul.f32 v4, v7;
	v7 =	vld [tilespmem:$0x17030];
	s25 =	sadd.s32 $0x6C0, s25;
	s1 =	smov.u32 s0;
	s0 =	sadd.s32 $0x80, s0  }
0x22b: {  	v18 =	vadd.f32 v19, v18;
	v16 =	vadd.f32 v16, v17;
	v17 =	vld [tilespmem:$0x17020];
	v19 =	vbroadcast v10, $0x5  }
0x22c: {  	v20 =	vbroadcast v10, $0x4;
	v5 =	vmul.f32 v15, v5;
	v15 =	vld [tilespmem:$0x16FE0]  }
0x22d: {  	v14 =	vadd.f32 v14, v18;
	v4 =	vadd.f32 v4, v16;
	v16 =	vbroadcast v10, $0x1;
	v18 =	vld [tilespmem:$0x16FF0]  }
0x22e: {  	v21 =	vbroadcast v10, $0x2;
	v22 =	vbroadcast v10, $0x3;
	v5 =	vadd.f32 v5, v13;
	v13 =	vld [tilespmem:$0x16FC0]  }
0x22f: {  	v10 =	vbroadcast v10, $0x0;
	v23 =	vld [tilespmem:$0x16F80];
	v3 =	vmul.f32 v3, v16  }
0x230: {  	v9 =	vadd.f32 v9, v11;
	v5 =	vadd.f32 v6, v5;
	v6 =	vld [tilespmem:$0x16FB0];
	v11 =	vmul.f32 v17, v21  }
0x231: {  	v7 =	vmul.f32 v7, v21;
	v17 =	vld [tilespmem:$0x16FA0];
	v15 =	vmul.f32 v15, v16  }
0x232: {  	v12 =	vmul.f32 v12, v21;
	v18 =	vmul.f32 v18, v16;
	v24 =	vld [tilespmem:$0x17050]  }
0x233: {  	v8 =	vmul.f32 v8, v22;
	v13 =	vmul.f32 v13, v16;
	v16 =	vld [tilespmem:$0x17060]  }
0x234: {  	v2 =	vmul.f32 v2, v10;
	v23 =	vmul.f32 v23, v10;
	v25 =	vld [tilespmem:$0x17090]  }
0x235: {  	v1 =	vmul.f32 v1, v21;
	v6 =	vmul.f32 v6, v10;
	v21 =	vld [tilespmem:$0x17040]  }
0x236: {  	v0 =	vmul.f32 v0, v20;
	v9 =	vadd.f32 v23, v9;
	v10 =	vmul.f32 v17, v10;
	v17 =	vld [tilespmem:$0x170B0]  }
0x237: {  	v2 =	vadd.f32 v2, v14;
	v14 =	vmul.f32 v24, v22;
	v23 =	vld [tilespmem:$0x17080]  }
0x238: {  	v5 =	vadd.f32 v6, v5;
	v6 =	vadd.f32 v13, v9;
	v9 =	vmul.f32 v16, v22  }
0x239: {  	v2 =	vadd.f32 v3, v2;
	v4 =	vadd.f32 v10, v4;
	v3 =	vmul.f32 v25, v20;
	v10 =	vld [tilespmem:$0x170C0]  }
0x23a: {  	v5 =	vadd.f32 v18, v5;
	v6 =	vadd.f32 v12, v6;
	v12 =	vmul.f32 v21, v22;
	v13 =	vld [tilespmem:$0x170D0]  }
0x23b: {  	v1 =	vadd.f32 v1, v2;
	v4 =	vadd.f32 v15, v4;
	v2 =	vmul.f32 v17, v20;
	v15 =	vld [tilespmem:$0x170F0]  }
0x23c: {  	v5 =	vadd.f32 v7, v5;
	v6 =	vadd.f32 v12, v6;
	v7 =	vmul.f32 v23, v20;
	v12 =	vld [tilespmem:$0x170E0]  }
0x23d: {  	v1 =	vadd.f32 v14, v1;
	v4 =	vadd.f32 v11, v4  }
0x23e: {  	v5 =	vadd.f32 v8, v5;
	v6 =	vadd.f32 v7, v6;
	v7 =	vmul.f32 v10, v19  }
0x23f: {  	v1 =	vadd.f32 v3, v1;
	v4 =	vadd.f32 v9, v4;
	v3 =	vmul.f32 v13, v19  }
0x240: {  	v2 =	vadd.f32 v2, v5;
	v5 =	vadd.f32 v7, v6;
	v6 =	vmul.f32 v15, v19  }
0x241: {  	v0 =	vadd.f32 v0, v4;
	v1 =	vadd.f32 v3, v1;
	v3 =	vmul.f32 v12, v19  }
0x242: {  	v2 =	vadd.f32 v6, v2;
	v4 =	vmax.f32 v5, $0.0e+00  }
0x243: {  	v0 =	vadd.f32 v3, v0;
	[tilespmem:s24+$0xFFFFFFD0] =	vst v4;
	v1 =	vmax.f32 v1, $0.0e+00  }
0x244: {  	[tilespmem:s24+$0xFFFFFFE0] =	vst v1;
	v1 =	vmax.f32 v2, $0.0e+00  }
0x245: {  	v0 =	vmax.f32 v0, $0.0e+00;
	[tilespmem:s24+$0x0] =	vst v1  }
0x246: {  	[tilespmem:s24+$0xFFFFFFF0] =	vst v0;
	s24 =	smov.u32 s25  }
0x247: {  	v3 =	vld [tilespmem:$0x16FD0]  }
0x248: {  	v0 =	vld [tilespmem:$0x170A0]  }
0x249: {  	v1 =	vld [tilespmem:$0x17010]  }
0x24a: {  	v2 =	vld [tilespmem:$0x16F90]  }
0x24b: {  	v4 =	vld [tilespmem:$0x16F60]  }
0x24c: {  	v6 =	vld [tilespmem:$0x16E60]  }
0x24d: {  	v7 =	vld [tilespmem:$0x16EF0]  }
0x24e: {  	v8 =	vld [tilespmem:$0x16ED0]  }
0x24f: {  	v13 =	vld [tilespmem:$0x16D20]  }
0x250: {  	v14 =	vld [tilespmem:$0x16CC0]  }
0x251: {  	v15 =	vld [tilespmem:$0x16CD0]  }
0x252: {  	v16 =	vld [tilespmem:$0x16CE0]  }
0x253: {  	v17 =	vld [tilespmem:$0x16C90]  }
0x254: {  	v18 =	vld [tilespmem:$0x16CB0]  }
0x255: {  	v19 =	vld [tilespmem:$0x16C80]  }
0x256: {  	v20 =	vld [tilespmem:$0x16C60]  }
0x257: {  	v21 =	vld [tilespmem:$0x16C10]  }
0x258: {  	v22 =	vld [tilespmem:$0x16BB0]  }
0x259: {  	v23 =	vld [tilespmem:$0x16D30]  }
0x25a: {  	v24 =	vld [tilespmem:$0x16D00]  }
0x25b: {  	v25 =	vld [tilespmem:$0x16CF0]  }
0x25c: {  	s26 =	sshra.s32 s1, $0x2;
	v11 =	vld [tilespmem:$0x16C20]  }
0x25d: {  	v9 =	vld [tilespmem:s26+$0x16780]  }
0x25e: {  	v26 =	vld [tilespmem:$0x16E30]  }
0x25f: {  	v10 =	vld [tilespmem:$0x16B80]  }
0x260: {  	v27 =	vld [tilespmem:$0x16BA0]  }
0x261: {  	v28 =	vld [tilespmem:$0x17100]  }
0x262: {  	v29 =	vld [tilespmem:$0x17120];
	v30 =	vbroadcast v9, $0x0;
	v5 =	vbroadcast v9, $0xE  }
0x263: {  	v31 =	vbroadcast v9, $0x2;
	v33 =	vbroadcast v9, $0x7;
	v32 =	vld [tilespmem:$0x16C00]  }
0x264: {  	v12 =	vbroadcast v9, $0xA;
	v34 =	vmul.f32 v10, v30;
	v35 =	vld [tilespmem:$0x16B90]  }
0x265: {  	v10 =	vbroadcast v9, $0xB;
	v27 =	vmul.f32 v27, v30;
	v36 =	vld [tilespmem:$0x16C30]  }
0x266: {  	v38 =	vbroadcast v9, $0x5;
	v37 =	vld [tilespmem:$0x17110];
	v28 =	vadd.f32 v34, v28;
	v34 =	vbroadcast v9, $0x4  }
0x267: {  	v27 =	vadd.f32 v27, v29;
	v29 =	vmul.f32 v11, v31;
	v39 =	vld [tilespmem:$0x16CA0];
	v11 =	vmul.f32 v26, v12  }
0x268: {  	v40 =	vbroadcast v9, $0x6;
	v26 =	vld [tilespmem:$0x17130];
	v32 =	vmul.f32 v32, v31  }
0x269: {  	v25 =	vmul.f32 v25, v38;
	v35 =	vmul.f32 v35, v30;
	v41 =	vld [tilespmem:$0x16C70]  }
0x26a: {  	v24 =	vmul.f32 v24, v40;
	v42 =	vld [tilespmem:$0x16BD0];
	v36 =	vmul.f32 v36, v31  }
0x26b: {  	v22 =	vmul.f32 v22, v30;
	v23 =	vmul.f32 v23, v40;
	v35 =	vadd.f32 v35, v37;
	v30 =	vld [tilespmem:$0x16BC0]  }
0x26c: {  	v43 =	vbroadcast v9, $0x3;
	v37 =	vld [tilespmem:$0x16BE0];
	v39 =	vmul.f32 v39, v34  }
0x26d: {  	v21 =	vmul.f32 v21, v31;
	v22 =	vadd.f32 v22, v26;
	v26 =	vbroadcast v9, $0x1;
	v31 =	vld [tilespmem:$0x16C50]  }
0x26e: {  	v20 =	vmul.f32 v20, v43;
	v19 =	vmul.f32 v19, v34;
	v44 =	vld [tilespmem:$0x16C40]  }
0x26f: {  	v41 =	vmul.f32 v41, v43;
	v42 =	vmul.f32 v42, v26;
	v45 =	vld [tilespmem:$0x16BF0]  }
0x270: {  	v18 =	vmul.f32 v18, v34;
	v30 =	vmul.f32 v30, v26;
	v46 =	vld [tilespmem:$0x16DB0]  }
0x271: {  	v17 =	vmul.f32 v17, v34;
	v35 =	vadd.f32 v42, v35;
	v37 =	vmul.f32 v37, v26;
	v34 =	vld [tilespmem:$0x16D40]  }
0x272: {  	v16 =	vmul.f32 v16, v38;
	v31 =	vmul.f32 v31, v43;
	v42 =	vld [tilespmem:$0x16D50]  }
0x273: {  	v15 =	vmul.f32 v15, v38;
	v21 =	vadd.f32 v21, v35;
	v35 =	vmul.f32 v44, v43;
	v43 =	vld [tilespmem:$0x16D80]  }
0x274: {  	v14 =	vmul.f32 v14, v38;
	v27 =	vadd.f32 v37, v27;
	v26 =	vmul.f32 v45, v26;
	v37 =	vld [tilespmem:$0x16D10]  }
0x275: {  	v38 =	vbroadcast v9, $0x8;
	v44 =	vbroadcast v9, $0x9;
	v21 =	vadd.f32 v31, v21;
	v31 =	vld [tilespmem:$0x16D70]  }
0x276: {  	v28 =	vadd.f32 v30, v28;
	v27 =	vadd.f32 v29, v27;
	v29 =	vmul.f32 v34, v33;
	v30 =	vld [tilespmem:$0x16D60]  }
0x277: {  	v34 =	vmul.f32 v46, v38;
	v17 =	vadd.f32 v17, v21;
	v21 =	vmul.f32 v42, v33;
	v42 =	vld [tilespmem:$0x16DC0]  }
0x278: {  	v22 =	vadd.f32 v26, v22;
	v26 =	vadd.f32 v32, v28;
	v28 =	vmul.f32 v43, v38;
	v32 =	vld [tilespmem:$0x16DA0]  }
0x279: {  	v13 =	vmul.f32 v13, v40;
	v20 =	vadd.f32 v20, v27;
	v27 =	vmul.f32 v37, v40;
	v37 =	vld [tilespmem:$0x16DF0]  }
0x27a: {  	v22 =	vadd.f32 v36, v22;
	v26 =	vadd.f32 v35, v26;
	v31 =	vmul.f32 v31, v33;
	v35 =	vld [tilespmem:$0x16DE0]  }
0x27b: {  	v20 =	vadd.f32 v39, v20;
	v15 =	vadd.f32 v15, v17;
	v17 =	vmul.f32 v30, v33;
	v30 =	vld [tilespmem:$0x16D90]  }
0x27c: {  	v22 =	vadd.f32 v41, v22;
	v19 =	vadd.f32 v19, v26;
	v26 =	vmul.f32 v42, v44;
	v33 =	vld [tilespmem:$0x16EA0]  }
0x27d: {  	v16 =	vadd.f32 v16, v20;
	v15 =	vadd.f32 v27, v15;
	v20 =	vmul.f32 v32, v38;
	v27 =	vld [tilespmem:$0x16DD0]  }
0x27e: {  	v36 =	vbroadcast v9, $0xC;
	v14 =	vadd.f32 v14, v19;
	v19 =	vmul.f32 v37, v44;
	v32 =	vld [tilespmem:$0x16E20]  }
0x27f: {  	v18 =	vadd.f32 v18, v22;
	v13 =	vadd.f32 v13, v16;
	v16 =	vmul.f32 v35, v44;
	v22 =	vld [tilespmem:$0x16E10]  }
0x280: {  	v14 =	vadd.f32 v24, v14;
	v35 =	vbroadcast v9, $0xD;
	v24 =	vmul.f32 v30, v38;
	v30 =	vld [tilespmem:$0x16E70]  }
0x281: {  	v18 =	vadd.f32 v25, v18;
	v13 =	vadd.f32 v17, v13;
	v17 =	vld [tilespmem:$0x16E50];
	v25 =	vmul.f32 v33, v36  }
0x282: {  	v14 =	vadd.f32 v29, v14;
	v33 =	vmul.f32 v8, v35;
	v27 =	vmul.f32 v27, v44;
	v29 =	vld [tilespmem:$0x16E00]  }
0x283: {  	v8 =	vadd.f32 v23, v18;
	v18 =	vmul.f32 v32, v12;
	v23 =	vld [tilespmem:$0x16E90];
	v32 =	vmul.f32 v7, v35  }
0x284: {  	v15 =	vadd.f32 v21, v15;
	v14 =	vadd.f32 v28, v14;
	v21 =	vmul.f32 v22, v12;
	v22 =	vld [tilespmem:$0x16E40]  }
0x285: {  	v8 =	vadd.f32 v31, v8;
	v7 =	vbroadcast v9, $0xF;
	v28 =	vmul.f32 v30, v10;
	v30 =	vld [tilespmem:$0x16EB0]  }
0x286: {  	v6 =	vmul.f32 v6, v10;
	v9 =	vadd.f32 v26, v14;
	v14 =	vmul.f32 v17, v10;
	v17 =	vld [tilespmem:$0x16E80]  }
0x287: {  	v15 =	vadd.f32 v24, v15;
	v8 =	vadd.f32 v34, v8;
	v12 =	vmul.f32 v29, v12;
	v24 =	vld [tilespmem:$0x16EE0]  }
0x288: {  	v13 =	vadd.f32 v20, v13;
	v20 =	vmul.f32 v23, v36;
	v23 =	vld [tilespmem:$0x16EC0]  }
0x289: {  	v8 =	vadd.f32 v19, v8;
	v9 =	vadd.f32 v12, v9;
	v10 =	vmul.f32 v22, v10;
	v12 =	vld [tilespmem:$0x16F70]  }
0x28a: {  	v13 =	vadd.f32 v16, v13;
	v15 =	vadd.f32 v27, v15;
	v16 =	vmul.f32 v30, v36;
	v19 =	vld [tilespmem:$0x16F00]  }
0x28b: {  	v8 =	vadd.f32 v11, v8;
	v9 =	vadd.f32 v10, v9;
	v10 =	vmul.f32 v17, v36;
	v11 =	vld [tilespmem:$0x16F40]  }
0x28c: {  	v13 =	vadd.f32 v18, v13;
	v15 =	vadd.f32 v21, v15;
	v17 =	vmul.f32 v24, v35;
	v18 =	vld [tilespmem:$0x16F20]  }
0x28d: {  	v8 =	vadd.f32 v28, v8;
	v9 =	vadd.f32 v10, v9;
	v21 =	vmul.f32 v23, v35;
	v22 =	vld [tilespmem:$0x16F10]  }
.Ltmp3:
0x28e: {  	v13 =	vadd.f32 v6, v13;
	v15 =	vadd.f32 v14, v15;
	v14 =	vld [tilespmem:$0x16F50];
	v6 =	vmul.f32 v12, v7;
	(pc) =	sbr.rel @p0 .LBB2_8-.Ltmp3, $4  }
0x28f: {  	v8 =	vadd.f32 v16, v8;
	v10 =	vld [tilespmem:s26+$0x16790];
	v12 =	vadd.f32 v21, v9;
	v16 =	vmul.f32 v19, v5  }
0x290: {  	v19 =	vadd.f32 v20, v15;
	v20 =	vadd.f32 v25, v13;
	v15 =	vld [tilespmem:$0x16F30];
	v9 =	vmul.f32 v11, v7  }
0x291: {  	v13 =	vadd.f32 v32, v8;
	v11 =	vadd.f32 v16, v12;
	v16 =	vmul.f32 v18, v5;
	v8 =	vld [tilespmem:$0x17070]  }
0x292: {  	v18 =	vadd.f32 v33, v19;
	v17 =	vadd.f32 v17, v20;
	v19 =	vmul.f32 v22, v5;
	v12 =	vld [tilespmem:$0x17000]  }
0x293: {  	v20 =	vld [tilespmem:$0x17030]  }
0x294: {  	v14 =	vmul.f32 v14, v7;
	v22 =	vld [tilespmem:$0x16FE0]  }
0x295: {  	v4 =	vmul.f32 v4, v7;
	v23 =	vld [tilespmem:$0x16FF0];
	v7 =	vbroadcast v10, $0x5  }
0x296: {  	v24 =	vld [tilespmem:$0x16FC0];
	v18 =	vadd.f32 v19, v18;
	v19 =	vbroadcast v10, $0x1;
	v25 =	vbroadcast v10, $0x2  }
0x297: {  	v26 =	vld [tilespmem:$0x16F80];
	v16 =	vadd.f32 v16, v17;
	v17 =	vbroadcast v10, $0x3;
	v5 =	vmul.f32 v15, v5  }
0x298: {  	v21 =	vld [tilespmem:$0x17020];
	v15 =	vbroadcast v10, $0x4;
	v10 =	vbroadcast v10, $0x0  }
0x299: {  	v14 =	vadd.f32 v14, v18;
	v3 =	vmul.f32 v3, v19;
	v18 =	vld [tilespmem:$0x16FB0];
	v1 =	vmul.f32 v1, v25  }
0x29a: {  	v4 =	vadd.f32 v4, v16;
	v16 =	vld [tilespmem:$0x16FA0];
	v12 =	vmul.f32 v12, v25;
	v2 =	vmul.f32 v2, v10  }
0x29b: {  	v60 =	vld [tilespmem:$0x17050];
	v5 =	vadd.f32 v5, v13;
	v22 =	vmul.f32 v22, v19;
	v13 =	vmul.f32 v23, v19  }
0x29c: {  	v9 =	vadd.f32 v9, v11;
	v11 =	vmul.f32 v24, v19;
	v19 =	vld [tilespmem:$0x17060];
	v61 =	vmul.f32 v26, v10  }
0x29d: {  	v0 =	vmul.f32 v0, v15;
	v5 =	vadd.f32 v6, v5;
	v6 =	vmul.f32 v8, v17;
	v8 =	vld [tilespmem:$0x17040]  }
0x29e: {  	v62 =	vld [tilespmem:$0x17090];
	v21 =	vmul.f32 v21, v25;
	v9 =	vadd.f32 v61, v9;
	v18 =	vmul.f32 v18, v10  }
0x29f: {  	v20 =	vmul.f32 v20, v25;
	v2 =	vadd.f32 v2, v14;
	v14 =	vld [tilespmem:$0x17080];
	v10 =	vmul.f32 v16, v10  }
0x2a0: {  	v23 =	vmul.f32 v60, v17;
	v16 =	vld [tilespmem:$0x170B0];
	v9 =	vadd.f32 v11, v9;
	v5 =	vadd.f32 v18, v5  }
0x2a1: {  	v2 =	vadd.f32 v3, v2;
	v3 =	vld [tilespmem:$0x170C0];
	v11 =	vmul.f32 v19, v17;
	v4 =	vadd.f32 v10, v4  }
0x2a2: {  	v10 =	vld [tilespmem:$0x170D0];
	v9 =	vadd.f32 v12, v9;
	v8 =	vmul.f32 v8, v17;
	v5 =	vadd.f32 v13, v5  }
0x2a3: {  	v1 =	vadd.f32 v1, v2;
	v2 =	vld [tilespmem:$0x170F0];
	v12 =	vmul.f32 v62, v15;
	v4 =	vadd.f32 v22, v4  }
0x2a4: {  	v13 =	vld [tilespmem:$0x170E0];
	v8 =	vadd.f32 v8, v9;
	v9 =	vmul.f32 v14, v15;
	v5 =	vadd.f32 v20, v5  }
0x2a5: {  	v1 =	vadd.f32 v23, v1;
	v14 =	vmul.f32 v16, v15;
	v4 =	vadd.f32 v21, v4  }
0x2a6: {  	v3 =	vmul.f32 v3, v7;
	v5 =	vadd.f32 v6, v5;
	v6 =	vadd.f32 v9, v8  }
0x2a7: {  	v1 =	vadd.f32 v12, v1;
	v4 =	vadd.f32 v11, v4;
	v8 =	vmul.f32 v10, v7  }
0x2a8: {  	v2 =	vmul.f32 v2, v7;
	v5 =	vadd.f32 v14, v5;
	v3 =	vadd.f32 v3, v6  }
0x2a9: {  	v0 =	vadd.f32 v0, v4;
	v1 =	vadd.f32 v8, v1;
	v4 =	vmul.f32 v13, v7  }
0x2aa: {  	v2 =	vadd.f32 v2, v5;
	v3 =	vmax.f32 v3, $0.0e+00  }
0x2ab: {  	v0 =	vadd.f32 v4, v0;
	v1 =	vmax.f32 v1, $0.0e+00;
	[tilespmem:s24+$0xFFFFFFD0] =	vst v3  }
0x2ac: {  	[tilespmem:s24+$0xFFFFFFE0] =	vst v1;
	v1 =	vmax.f32 v2, $0.0e+00  }
0x2ad: {  	v0 =	vmax.f32 v0, $0.0e+00;
	[tilespmem:s24+$0x0] =	vst v1  }
0x2ae: {  	s0 =	simm.s32 $0x0;
	[tilespmem:s24+$0xFFFFFFF0] =	vst v0  }
0x2af: {  	[hbm4b:s10+s0] =	stream.linear.scatter [tilespmem:s17], [sflag:$0x3], $0x6C00, $0x38;
	[tilespmem:$0x17140] =	vst v63  }
0x2b0: {  	_ =	swait.ge [sflag:s20], $0x6C00  }
0x2b1: {  	[sflag:s20] =	ssyncset.done $0x0  }
0x2b2: {  	[sflag:s20] =	ssyncadd.s32 $0xFFFF9400  }
0x2b3: {  	_ =	swait.ge [sflag:s21], $0x6C00  }
0x2b4: {  	[sflag:s21] =	ssyncset.done $0x0  }
0x2b5: {  	[sflag:s21] =	ssyncadd.s32 $0xFFFF9400  }
0x2b6: {  	v3 =	vld [tilespmem:$0x16FD0]  }
0x2b7: {  	v0 =	vld [tilespmem:$0x170A0]  }
0x2b8: {  	v1 =	vld [tilespmem:$0x17010]  }
0x2b9: {  	v2 =	vld [tilespmem:$0x16F90]  }
0x2ba: {  	v4 =	vld [tilespmem:$0x16F60]  }
0x2bb: {  	v6 =	vld [tilespmem:$0x16E60]  }
0x2bc: {  	v7 =	vld [tilespmem:$0x16EF0]  }
0x2bd: {  	v8 =	vld [tilespmem:$0x16ED0]  }
0x2be: {  	v13 =	vld [tilespmem:$0x16D20]  }
0x2bf: {  	v14 =	vld [tilespmem:$0x16CC0]  }
0x2c0: {  	v15 =	vld [tilespmem:$0x16CD0]  }
0x2c1: {  	v16 =	vld [tilespmem:$0x16CE0]  }
0x2c2: {  	v17 =	vld [tilespmem:$0x16C90]  }
0x2c3: {  	v18 =	vld [tilespmem:$0x16CB0]  }
0x2c4: {  	v19 =	vld [tilespmem:$0x16C80]  }
0x2c5: {  	v20 =	vld [tilespmem:$0x16C60]  }
0x2c6: {  	v63 =	vld [tilespmem:$0x16C10]  }
0x2c7: {  	v50 =	vld [tilespmem:$0x16BB0]  }
0x2c8: {  	v51 =	vld [tilespmem:$0x16D30]  }
0x2c9: {  	s31 =	simm.s32 $0x0;
	v52 =	vld [tilespmem:$0x16D00]  }
0x2ca: {  	v9 =	vld [tilespmem:s31+$0x16980]  }
0x2cb: {  	v53 =	vld [tilespmem:$0x16CF0]  }
0x2cc: {  	v11 =	vld [tilespmem:$0x16C20]  }
0x2cd: {  	v54 =	vld [tilespmem:$0x16E30]  }
0x2ce: {  	v10 =	vld [tilespmem:$0x16B80]  }
0x2cf: {  	v27 =	vld [tilespmem:$0x16BA0];
	v30 =	vbroadcast v9, $0x0;
	v5 =	vbroadcast v9, $0xE  }
0x2d0: {  	v28 =	vld [tilespmem:$0x17100];
	v31 =	vbroadcast v9, $0x2;
	v33 =	vbroadcast v9, $0x7  }
0x2d1: {  	v32 =	vld [tilespmem:$0x16C00];
	v12 =	vbroadcast v9, $0xA;
	v38 =	vbroadcast v9, $0x4  }
0x2d2: {  	v35 =	vld [tilespmem:$0x16B90];
	v39 =	vbroadcast v9, $0x5;
	v42 =	vbroadcast v9, $0x6  }
0x2d3: {  	v36 =	vld [tilespmem:$0x16C30];
	v46 =	vbroadcast v9, $0x3;
	v47 =	vbroadcast v9, $0x1  }
0x2d4: {  	v29 =	vld [tilespmem:$0x17120];
	v34 =	vmul.f32 v10, v30;
	v27 =	vmul.f32 v27, v30  }
0x2d5: {  	v41 =	vld [tilespmem:$0x16CA0];
	v10 =	vbroadcast v9, $0xB;
	v40 =	vmul.f32 v11, v31  }
0x2d6: {  	v44 =	vld [tilespmem:$0x16BD0];
	v11 =	vmul.f32 v54, v12;
	v32 =	vmul.f32 v32, v31  }
0x2d7: {  	v56 =	vld [tilespmem:$0x16BC0];
	v35 =	vmul.f32 v35, v30;
	v25 =	vmul.f32 v53, v39  }
0x2d8: {  	v45 =	vld [tilespmem:$0x16BE0];
	v36 =	vmul.f32 v36, v31;
	v24 =	vmul.f32 v52, v42  }
0x2d9: {  	v48 =	vld [tilespmem:$0x16C50];
	v22 =	vmul.f32 v50, v30;
	v23 =	vmul.f32 v51, v42  }
0x2da: {  	v57 =	vld [tilespmem:$0x16C40];
	v41 =	vmul.f32 v41, v38;
	v21 =	vmul.f32 v63, v31  }
0x2db: {  	v60 =	vld [tilespmem:$0x16BF0];
	v20 =	vmul.f32 v20, v46;
	v19 =	vmul.f32 v19, v38  }
0x2dc: {  	v37 =	vld [tilespmem:$0x17110];
	v59 =	vmul.f32 v44, v47;
	v30 =	vmul.f32 v56, v47  }
0x2dd: {  	v55 =	vld [tilespmem:$0x17130];
	v18 =	vmul.f32 v18, v38;
	v62 =	vmul.f32 v45, v47  }
0x2de: {  	v43 =	vld [tilespmem:$0x16C70];
	v17 =	vmul.f32 v17, v38;
	v49 =	vmul.f32 v48, v46  }
0x2df: {  	v61 =	vld [tilespmem:$0x16DB0];
	v16 =	vmul.f32 v16, v39;
	v31 =	vmul.f32 v57, v46  }
0x2e0: {  	v63 =	vld [tilespmem:$0x16D40];
	v15 =	vmul.f32 v15, v39;
	v52 =	vmul.f32 v60, v47  }
0x2e1: {  	v50 =	vld [tilespmem:$0x16D50];
	v14 =	vmul.f32 v14, v39;
	v56 =	vbroadcast v9, $0x9  }
0x2e2: {  	v51 =	vld [tilespmem:$0x16D80];
	v13 =	vmul.f32 v13, v42;
	v48 =	vbroadcast v9, $0xC;
	v58 =	vadd.f32 v35, v37  }
0x2e3: {  	v53 =	vld [tilespmem:$0x16D10];
	v28 =	vadd.f32 v34, v28;
	v27 =	vadd.f32 v27, v29;
	v29 =	vmul.f32 v43, v46  }
0x2e4: {  	v54 =	vld [tilespmem:$0x16D70];
	v22 =	vadd.f32 v22, v55;
	v55 =	vbroadcast v9, $0x8;
	v34 =	vadd.f32 v59, v58  }
0x2e5: {  	v57 =	vld [tilespmem:$0x16D60];
	v6 =	vmul.f32 v6, v10;
	v27 =	vadd.f32 v62, v27;
	v28 =	vadd.f32 v30, v28  }
0x2e6: {  	v60 =	vld [tilespmem:$0x16DC0];
	v43 =	vmul.f32 v61, v55;
	v22 =	vadd.f32 v52, v22;
	v58 =	vmul.f32 v63, v33  }
0x2e7: {  	v47 =	vld [tilespmem:$0x16E20];
	v59 =	vmul.f32 v50, v33;
	v21 =	vadd.f32 v21, v34;
	v27 =	vadd.f32 v40, v27  }
0x2e8: {  	v37 =	vld [tilespmem:$0x16DE0];
	v62 =	vmul.f32 v53, v42;
	v28 =	vadd.f32 v32, v28;
	v22 =	vadd.f32 v36, v22  }
0x2e9: {  	v61 =	vld [tilespmem:$0x16DA0];
	v26 =	vmul.f32 v54, v33;
	v21 =	vadd.f32 v49, v21;
	v20 =	vadd.f32 v20, v27  }
0x2ea: {  	v52 =	vld [tilespmem:$0x16E50];
	v30 =	vmul.f32 v57, v33;
	v28 =	vadd.f32 v31, v28;
	v22 =	vadd.f32 v29, v22  }
0x2eb: {  	v63 =	vld [tilespmem:$0x16DF0];
	v34 =	vmul.f32 v51, v55;
	v17 =	vadd.f32 v17, v21;
	v20 =	vadd.f32 v41, v20  }
0x2ec: {  	v50 =	vld [tilespmem:$0x16E70];
	v51 =	vbroadcast v9, $0xD;
	v19 =	vadd.f32 v19, v28;
	v18 =	vadd.f32 v18, v22  }
0x2ed: {  	v44 =	vmul.f32 v60, v56;
	v15 =	vadd.f32 v15, v17;
	v17 =	vld [tilespmem:$0x16D90];
	v16 =	vadd.f32 v16, v20  }
0x2ee: {  	v49 =	vmul.f32 v37, v56;
	v54 =	vmul.f32 v8, v51;
	v20 =	vld [tilespmem:$0x16DD0];
	v14 =	vadd.f32 v14, v19  }
0x2ef: {  	v42 =	vld [tilespmem:$0x16EA0];
	v46 =	vmul.f32 v61, v55;
	v18 =	vadd.f32 v25, v18;
	v13 =	vadd.f32 v13, v16  }
0x2f0: {  	v19 =	vmul.f32 v63, v56;
	v15 =	vadd.f32 v62, v15;
	v16 =	vld [tilespmem:$0x16E10];
	v14 =	vadd.f32 v24, v14  }
0x2f1: {  	v53 =	vld [tilespmem:$0x16E00];
	v8 =	vadd.f32 v23, v18;
	v18 =	vmul.f32 v47, v12;
	v13 =	vadd.f32 v30, v13  }
0x2f2: {  	v57 =	vld [tilespmem:$0x16E40];
	v24 =	vmul.f32 v50, v10;
	v14 =	vadd.f32 v58, v14;
	v15 =	vadd.f32 v59, v15  }
0x2f3: {  	v60 =	vld [tilespmem:$0x16EE0];
	v8 =	vadd.f32 v26, v8;
	v17 =	vmul.f32 v17, v55;
	v20 =	vmul.f32 v20, v56  }
0x2f4: {  	v61 =	vld [tilespmem:$0x16EC0];
	v56 =	vmul.f32 v7, v51;
	v7 =	vbroadcast v9, $0xF;
	v14 =	vadd.f32 v34, v14  }
0x2f5: {  	v59 =	vld [tilespmem:$0x16E80];
	v8 =	vadd.f32 v43, v8;
	v13 =	vadd.f32 v46, v13;
	v16 =	vmul.f32 v16, v12  }
0x2f6: {  	v58 =	vld [tilespmem:$0x16EB0];
	v12 =	vmul.f32 v53, v12;
	v15 =	vadd.f32 v17, v15;
	v9 =	vadd.f32 v44, v14  }
0x2f7: {  	v55 =	vld [tilespmem:$0x16E90];
	v14 =	vmul.f32 v52, v10;
	v8 =	vadd.f32 v19, v8;
	v13 =	vadd.f32 v49, v13  }
0x2f8: {  	v10 =	vmul.f32 v57, v10;
	v15 =	vadd.f32 v20, v15;
	v20 =	vld [tilespmem:$0x16F00];
	v9 =	vadd.f32 v12, v9  }
0x2f9: {  	v28 =	vmul.f32 v42, v48;
	v62 =	vmul.f32 v60, v51;
	v12 =	vld [tilespmem:$0x16F70];
	v8 =	vadd.f32 v11, v8  }
0x2fa: {  	v11 =	vld [tilespmem:$0x16F40];
	v13 =	vadd.f32 v18, v13;
	v9 =	vadd.f32 v10, v9;
	v10 =	vmul.f32 v59, v48  }
0x2fb: {  	v19 =	vmul.f32 v58, v48;
	v15 =	vadd.f32 v16, v15;
	v16 =	vld [tilespmem:$0x16F20];
	v8 =	vadd.f32 v24, v8  }
0x2fc: {  	v63 =	vld [tilespmem:$0x16F10];
	v18 =	vmul.f32 v61, v51;
	v13 =	vadd.f32 v6, v13;
	v9 =	vadd.f32 v10, v9  }
0x2fd: {  	v17 =	vmul.f32 v55, v48;
	v15 =	vadd.f32 v14, v15;
	v14 =	vld [tilespmem:$0x16F50];
	v8 =	vadd.f32 v19, v8  }
0x2fe: {  	v10 =	vld [tilespmem:s31+$0x16990];
	v6 =	vmul.f32 v12, v7;
	v12 =	vadd.f32 v18, v9;
	v18 =	vmul.f32 v20, v5  }
0x2ff: {  	v19 =	vadd.f32 v28, v13;
	v17 =	vadd.f32 v17, v15;
	v15 =	vld [tilespmem:$0x16F30];
	v9 =	vmul.f32 v11, v7  }
0x300: {  	v13 =	vadd.f32 v56, v8;
	v16 =	vmul.f32 v16, v5;
	v8 =	vld [tilespmem:$0x17070];
	v11 =	vadd.f32 v18, v12  }
0x301: {  	s25 =	simm.s32 $0xB630;
	s24 =	simm.s32 $0xB630;
	s0 =	simm.s32 $0x80;
	v18 =	vadd.f32 v54, v17;
	v17 =	vadd.f32 v62, v19;
	v19 =	vmul.f32 v63, v5;
	v12 =	vld [tilespmem:$0x17000]  }
.LBB2_10:
0x302: {  	p0 =	sne.s32 s0, $0x780  }
0x303: {  	v14 =	vmul.f32 v14, v7;
	v4 =	vmul.f32 v4, v7;
	v7 =	vld [tilespmem:$0x17030];
	s25 =	sadd.s32 $0x6C0, s25;
	s1 =	smov.u32 s0;
	s0 =	sadd.s32 $0x80, s0  }
0x304: {  	v18 =	vadd.f32 v19, v18;
	v16 =	vadd.f32 v16, v17;
	v17 =	vld [tilespmem:$0x17020];
	v19 =	vbroadcast v10, $0x5  }
0x305: {  	v20 =	vbroadcast v10, $0x4;
	v5 =	vmul.f32 v15, v5;
	v15 =	vld [tilespmem:$0x16FE0]  }
0x306: {  	v14 =	vadd.f32 v14, v18;
	v4 =	vadd.f32 v4, v16;
	v16 =	vbroadcast v10, $0x1;
	v18 =	vld [tilespmem:$0x16FF0]  }
0x307: {  	v21 =	vbroadcast v10, $0x2;
	v22 =	vbroadcast v10, $0x3;
	v5 =	vadd.f32 v5, v13;
	v13 =	vld [tilespmem:$0x16FC0]  }
0x308: {  	v10 =	vbroadcast v10, $0x0;
	v23 =	vld [tilespmem:$0x16F80];
	v3 =	vmul.f32 v3, v16  }
0x309: {  	v9 =	vadd.f32 v9, v11;
	v5 =	vadd.f32 v6, v5;
	v6 =	vld [tilespmem:$0x16FB0];
	v11 =	vmul.f32 v17, v21  }
0x30a: {  	v7 =	vmul.f32 v7, v21;
	v17 =	vld [tilespmem:$0x16FA0];
	v15 =	vmul.f32 v15, v16  }
0x30b: {  	v12 =	vmul.f32 v12, v21;
	v18 =	vmul.f32 v18, v16;
	v24 =	vld [tilespmem:$0x17050]  }
0x30c: {  	v8 =	vmul.f32 v8, v22;
	v13 =	vmul.f32 v13, v16;
	v16 =	vld [tilespmem:$0x17060]  }
0x30d: {  	v2 =	vmul.f32 v2, v10;
	v23 =	vmul.f32 v23, v10;
	v25 =	vld [tilespmem:$0x17090]  }
0x30e: {  	v1 =	vmul.f32 v1, v21;
	v6 =	vmul.f32 v6, v10;
	v21 =	vld [tilespmem:$0x17040]  }
0x30f: {  	v0 =	vmul.f32 v0, v20;
	v9 =	vadd.f32 v23, v9;
	v10 =	vmul.f32 v17, v10;
	v17 =	vld [tilespmem:$0x170B0]  }
0x310: {  	v2 =	vadd.f32 v2, v14;
	v14 =	vmul.f32 v24, v22;
	v23 =	vld [tilespmem:$0x17080]  }
0x311: {  	v5 =	vadd.f32 v6, v5;
	v6 =	vadd.f32 v13, v9;
	v9 =	vmul.f32 v16, v22  }
0x312: {  	v2 =	vadd.f32 v3, v2;
	v4 =	vadd.f32 v10, v4;
	v3 =	vmul.f32 v25, v20;
	v10 =	vld [tilespmem:$0x170C0]  }
0x313: {  	v5 =	vadd.f32 v18, v5;
	v6 =	vadd.f32 v12, v6;
	v12 =	vmul.f32 v21, v22;
	v13 =	vld [tilespmem:$0x170D0]  }
0x314: {  	v1 =	vadd.f32 v1, v2;
	v4 =	vadd.f32 v15, v4;
	v2 =	vmul.f32 v17, v20;
	v15 =	vld [tilespmem:$0x170F0]  }
0x315: {  	v5 =	vadd.f32 v7, v5;
	v6 =	vadd.f32 v12, v6;
	v7 =	vmul.f32 v23, v20;
	v12 =	vld [tilespmem:$0x170E0]  }
0x316: {  	v1 =	vadd.f32 v14, v1;
	v4 =	vadd.f32 v11, v4  }
0x317: {  	v5 =	vadd.f32 v8, v5;
	v6 =	vadd.f32 v7, v6;
	v7 =	vmul.f32 v10, v19  }
0x318: {  	v1 =	vadd.f32 v3, v1;
	v4 =	vadd.f32 v9, v4;
	v3 =	vmul.f32 v13, v19  }
0x319: {  	v2 =	vadd.f32 v2, v5;
	v5 =	vadd.f32 v7, v6;
	v6 =	vmul.f32 v15, v19  }
0x31a: {  	v0 =	vadd.f32 v0, v4;
	v1 =	vadd.f32 v3, v1;
	v3 =	vmul.f32 v12, v19  }
0x31b: {  	v2 =	vadd.f32 v6, v2;
	v4 =	vmax.f32 v5, $0.0e+00  }
0x31c: {  	v0 =	vadd.f32 v3, v0;
	[tilespmem:s24+$0xFFFFFFD0] =	vst v4;
	v1 =	vmax.f32 v1, $0.0e+00  }
0x31d: {  	[tilespmem:s24+$0xFFFFFFE0] =	vst v1;
	v1 =	vmax.f32 v2, $0.0e+00  }
0x31e: {  	v0 =	vmax.f32 v0, $0.0e+00;
	[tilespmem:s24+$0x0] =	vst v1  }
0x31f: {  	[tilespmem:s24+$0xFFFFFFF0] =	vst v0;
	s24 =	smov.u32 s25  }
0x320: {  	v3 =	vld [tilespmem:$0x16FD0]  }
0x321: {  	v0 =	vld [tilespmem:$0x170A0]  }
0x322: {  	v1 =	vld [tilespmem:$0x17010]  }
0x323: {  	v2 =	vld [tilespmem:$0x16F90]  }
0x324: {  	v4 =	vld [tilespmem:$0x16F60]  }
0x325: {  	v6 =	vld [tilespmem:$0x16E60]  }
0x326: {  	v7 =	vld [tilespmem:$0x16EF0]  }
0x327: {  	v8 =	vld [tilespmem:$0x16ED0]  }
0x328: {  	v13 =	vld [tilespmem:$0x16D20]  }
0x329: {  	v14 =	vld [tilespmem:$0x16CC0]  }
0x32a: {  	v15 =	vld [tilespmem:$0x16CD0]  }
0x32b: {  	v16 =	vld [tilespmem:$0x16CE0]  }
0x32c: {  	v17 =	vld [tilespmem:$0x16C90]  }
0x32d: {  	v18 =	vld [tilespmem:$0x16CB0]  }
0x32e: {  	v19 =	vld [tilespmem:$0x16C80]  }
0x32f: {  	v20 =	vld [tilespmem:$0x16C60]  }
0x330: {  	v21 =	vld [tilespmem:$0x16C10]  }
0x331: {  	v22 =	vld [tilespmem:$0x16BB0]  }
0x332: {  	v23 =	vld [tilespmem:$0x16D30]  }
0x333: {  	v24 =	vld [tilespmem:$0x16D00]  }
0x334: {  	v25 =	vld [tilespmem:$0x16CF0]  }
0x335: {  	s26 =	sshra.s32 s1, $0x2;
	v11 =	vld [tilespmem:$0x16C20]  }
0x336: {  	v9 =	vld [tilespmem:s26+$0x16980]  }
0x337: {  	v26 =	vld [tilespmem:$0x16E30]  }
0x338: {  	v10 =	vld [tilespmem:$0x16B80]  }
0x339: {  	v27 =	vld [tilespmem:$0x16BA0]  }
0x33a: {  	v28 =	vld [tilespmem:$0x17100]  }
0x33b: {  	v29 =	vld [tilespmem:$0x17120];
	v30 =	vbroadcast v9, $0x0;
	v5 =	vbroadcast v9, $0xE  }
0x33c: {  	v31 =	vbroadcast v9, $0x2;
	v33 =	vbroadcast v9, $0x7;
	v32 =	vld [tilespmem:$0x16C00]  }
0x33d: {  	v12 =	vbroadcast v9, $0xA;
	v34 =	vmul.f32 v10, v30;
	v35 =	vld [tilespmem:$0x16B90]  }
0x33e: {  	v10 =	vbroadcast v9, $0xB;
	v27 =	vmul.f32 v27, v30;
	v36 =	vld [tilespmem:$0x16C30]  }
0x33f: {  	v38 =	vbroadcast v9, $0x5;
	v37 =	vld [tilespmem:$0x17110];
	v28 =	vadd.f32 v34, v28;
	v34 =	vbroadcast v9, $0x4  }
0x340: {  	v27 =	vadd.f32 v27, v29;
	v29 =	vmul.f32 v11, v31;
	v39 =	vld [tilespmem:$0x16CA0];
	v11 =	vmul.f32 v26, v12  }
0x341: {  	v40 =	vbroadcast v9, $0x6;
	v26 =	vld [tilespmem:$0x17130];
	v32 =	vmul.f32 v32, v31  }
0x342: {  	v25 =	vmul.f32 v25, v38;
	v35 =	vmul.f32 v35, v30;
	v41 =	vld [tilespmem:$0x16C70]  }
0x343: {  	v24 =	vmul.f32 v24, v40;
	v42 =	vld [tilespmem:$0x16BD0];
	v36 =	vmul.f32 v36, v31  }
0x344: {  	v22 =	vmul.f32 v22, v30;
	v23 =	vmul.f32 v23, v40;
	v35 =	vadd.f32 v35, v37;
	v30 =	vld [tilespmem:$0x16BC0]  }
0x345: {  	v43 =	vbroadcast v9, $0x3;
	v37 =	vld [tilespmem:$0x16BE0];
	v39 =	vmul.f32 v39, v34  }
0x346: {  	v21 =	vmul.f32 v21, v31;
	v22 =	vadd.f32 v22, v26;
	v26 =	vbroadcast v9, $0x1;
	v31 =	vld [tilespmem:$0x16C50]  }
0x347: {  	v20 =	vmul.f32 v20, v43;
	v19 =	vmul.f32 v19, v34;
	v44 =	vld [tilespmem:$0x16C40]  }
0x348: {  	v41 =	vmul.f32 v41, v43;
	v42 =	vmul.f32 v42, v26;
	v45 =	vld [tilespmem:$0x16BF0]  }
0x349: {  	v18 =	vmul.f32 v18, v34;
	v30 =	vmul.f32 v30, v26;
	v46 =	vld [tilespmem:$0x16DB0]  }
0x34a: {  	v17 =	vmul.f32 v17, v34;
	v35 =	vadd.f32 v42, v35;
	v37 =	vmul.f32 v37, v26;
	v34 =	vld [tilespmem:$0x16D40]  }
0x34b: {  	v16 =	vmul.f32 v16, v38;
	v31 =	vmul.f32 v31, v43;
	v42 =	vld [tilespmem:$0x16D50]  }
0x34c: {  	v15 =	vmul.f32 v15, v38;
	v21 =	vadd.f32 v21, v35;
	v35 =	vmul.f32 v44, v43;
	v43 =	vld [tilespmem:$0x16D80]  }
0x34d: {  	v14 =	vmul.f32 v14, v38;
	v27 =	vadd.f32 v37, v27;
	v26 =	vmul.f32 v45, v26;
	v37 =	vld [tilespmem:$0x16D10]  }
0x34e: {  	v38 =	vbroadcast v9, $0x8;
	v44 =	vbroadcast v9, $0x9;
	v21 =	vadd.f32 v31, v21;
	v31 =	vld [tilespmem:$0x16D70]  }
0x34f: {  	v28 =	vadd.f32 v30, v28;
	v27 =	vadd.f32 v29, v27;
	v29 =	vmul.f32 v34, v33;
	v30 =	vld [tilespmem:$0x16D60]  }
0x350: {  	v34 =	vmul.f32 v46, v38;
	v17 =	vadd.f32 v17, v21;
	v21 =	vmul.f32 v42, v33;
	v42 =	vld [tilespmem:$0x16DC0]  }
0x351: {  	v22 =	vadd.f32 v26, v22;
	v26 =	vadd.f32 v32, v28;
	v28 =	vmul.f32 v43, v38;
	v32 =	vld [tilespmem:$0x16DA0]  }
0x352: {  	v13 =	vmul.f32 v13, v40;
	v20 =	vadd.f32 v20, v27;
	v27 =	vmul.f32 v37, v40;
	v37 =	vld [tilespmem:$0x16DF0]  }
0x353: {  	v22 =	vadd.f32 v36, v22;
	v26 =	vadd.f32 v35, v26;
	v31 =	vmul.f32 v31, v33;
	v35 =	vld [tilespmem:$0x16DE0]  }
0x354: {  	v20 =	vadd.f32 v39, v20;
	v15 =	vadd.f32 v15, v17;
	v17 =	vmul.f32 v30, v33;
	v30 =	vld [tilespmem:$0x16D90]  }
0x355: {  	v22 =	vadd.f32 v41, v22;
	v19 =	vadd.f32 v19, v26;
	v26 =	vmul.f32 v42, v44;
	v33 =	vld [tilespmem:$0x16EA0]  }
0x356: {  	v16 =	vadd.f32 v16, v20;
	v15 =	vadd.f32 v27, v15;
	v20 =	vmul.f32 v32, v38;
	v27 =	vld [tilespmem:$0x16DD0]  }
0x357: {  	v36 =	vbroadcast v9, $0xC;
	v14 =	vadd.f32 v14, v19;
	v19 =	vmul.f32 v37, v44;
	v32 =	vld [tilespmem:$0x16E20]  }
0x358: {  	v18 =	vadd.f32 v18, v22;
	v13 =	vadd.f32 v13, v16;
	v16 =	vmul.f32 v35, v44;
	v22 =	vld [tilespmem:$0x16E10]  }
0x359: {  	v14 =	vadd.f32 v24, v14;
	v35 =	vbroadcast v9, $0xD;
	v24 =	vmul.f32 v30, v38;
	v30 =	vld [tilespmem:$0x16E70]  }
0x35a: {  	v18 =	vadd.f32 v25, v18;
	v13 =	vadd.f32 v17, v13;
	v17 =	vld [tilespmem:$0x16E50];
	v25 =	vmul.f32 v33, v36  }
0x35b: {  	v14 =	vadd.f32 v29, v14;
	v33 =	vmul.f32 v8, v35;
	v27 =	vmul.f32 v27, v44;
	v29 =	vld [tilespmem:$0x16E00]  }
0x35c: {  	v8 =	vadd.f32 v23, v18;
	v18 =	vmul.f32 v32, v12;
	v23 =	vld [tilespmem:$0x16E90];
	v32 =	vmul.f32 v7, v35  }
0x35d: {  	v15 =	vadd.f32 v21, v15;
	v14 =	vadd.f32 v28, v14;
	v21 =	vmul.f32 v22, v12;
	v22 =	vld [tilespmem:$0x16E40]  }
0x35e: {  	v8 =	vadd.f32 v31, v8;
	v7 =	vbroadcast v9, $0xF;
	v28 =	vmul.f32 v30, v10;
	v30 =	vld [tilespmem:$0x16EB0]  }
0x35f: {  	v6 =	vmul.f32 v6, v10;
	v9 =	vadd.f32 v26, v14;
	v14 =	vmul.f32 v17, v10;
	v17 =	vld [tilespmem:$0x16E80]  }
0x360: {  	v15 =	vadd.f32 v24, v15;
	v8 =	vadd.f32 v34, v8;
	v12 =	vmul.f32 v29, v12;
	v24 =	vld [tilespmem:$0x16EE0]  }
0x361: {  	v13 =	vadd.f32 v20, v13;
	v20 =	vmul.f32 v23, v36;
	v23 =	vld [tilespmem:$0x16EC0]  }
0x362: {  	v8 =	vadd.f32 v19, v8;
	v9 =	vadd.f32 v12, v9;
	v10 =	vmul.f32 v22, v10;
	v12 =	vld [tilespmem:$0x16F70]  }
0x363: {  	v13 =	vadd.f32 v16, v13;
	v15 =	vadd.f32 v27, v15;
	v16 =	vmul.f32 v30, v36;
	v19 =	vld [tilespmem:$0x16F00]  }
0x364: {  	v8 =	vadd.f32 v11, v8;
	v9 =	vadd.f32 v10, v9;
	v10 =	vmul.f32 v17, v36;
	v11 =	vld [tilespmem:$0x16F40]  }
0x365: {  	v13 =	vadd.f32 v18, v13;
	v15 =	vadd.f32 v21, v15;
	v17 =	vmul.f32 v24, v35;
	v18 =	vld [tilespmem:$0x16F20]  }
0x366: {  	v8 =	vadd.f32 v28, v8;
	v9 =	vadd.f32 v10, v9;
	v21 =	vmul.f32 v23, v35;
	v22 =	vld [tilespmem:$0x16F10]  }
.Ltmp4:
0x367: {  	v13 =	vadd.f32 v6, v13;
	v15 =	vadd.f32 v14, v15;
	v14 =	vld [tilespmem:$0x16F50];
	v6 =	vmul.f32 v12, v7;
	(pc) =	sbr.rel @p0 .LBB2_10-.Ltmp4, $4  }
0x368: {  	v8 =	vadd.f32 v16, v8;
	v10 =	vld [tilespmem:s26+$0x16990];
	v12 =	vadd.f32 v21, v9;
	v16 =	vmul.f32 v19, v5  }
0x369: {  	v19 =	vadd.f32 v20, v15;
	v20 =	vadd.f32 v25, v13;
	v15 =	vld [tilespmem:$0x16F30];
	v9 =	vmul.f32 v11, v7  }
0x36a: {  	v13 =	vadd.f32 v32, v8;
	v11 =	vadd.f32 v16, v12;
	v16 =	vmul.f32 v18, v5;
	v8 =	vld [tilespmem:$0x17070]  }
0x36b: {  	v18 =	vadd.f32 v33, v19;
	v17 =	vadd.f32 v17, v20;
	v19 =	vmul.f32 v22, v5;
	v12 =	vld [tilespmem:$0x17000]  }
0x36c: {  	v20 =	vld [tilespmem:$0x17030]  }
0x36d: {  	v21 =	vld [tilespmem:$0x17020];
	v14 =	vmul.f32 v14, v7;
	v4 =	vmul.f32 v4, v7  }
0x36e: {  	v22 =	vld [tilespmem:$0x16FE0];
	v35 =	vbroadcast v10, $0x5;
	v36 =	vbroadcast v10, $0x4  }
0x36f: {  	v23 =	vld [tilespmem:$0x16FF0];
	v37 =	vbroadcast v10, $0x1;
	v25 =	vbroadcast v10, $0x2  }
0x370: {  	v24 =	vld [tilespmem:$0x16FC0];
	v38 =	vbroadcast v10, $0x3;
	v39 =	vbroadcast v10, $0x0  }
0x371: {  	v26 =	vld [tilespmem:$0x16F80];
	v9 =	vadd.f32 v9, v11;
	v5 =	vmul.f32 v15, v5;
	v3 =	vmul.f32 v3, v37  }
0x372: {  	v41 =	vld [tilespmem:$0x16FA0];
	v18 =	vadd.f32 v19, v18;
	v47 =	vmul.f32 v8, v38;
	v2 =	vmul.f32 v2, v39  }
0x373: {  	v40 =	vld [tilespmem:$0x16FB0];
	v16 =	vadd.f32 v16, v17;
	v1 =	vmul.f32 v1, v25;
	v0 =	vmul.f32 v0, v36  }
0x374: {  	v43 =	vld [tilespmem:$0x17050];
	v14 =	vadd.f32 v14, v18;
	v12 =	vmul.f32 v12, v25;
	v21 =	vmul.f32 v21, v25  }
0x375: {  	v45 =	vld [tilespmem:$0x17060];
	v4 =	vadd.f32 v4, v16;
	v22 =	vmul.f32 v22, v37;
	v20 =	vmul.f32 v20, v25  }
0x376: {  	v48 =	vld [tilespmem:$0x17040];
	v5 =	vadd.f32 v5, v13;
	v42 =	vmul.f32 v23, v37;
	v46 =	vmul.f32 v26, v39  }
0x377: {  	v49 =	vld [tilespmem:$0x17090];
	v44 =	vmul.f32 v24, v37;
	v10 =	vmul.f32 v41, v39;
	v2 =	vadd.f32 v2, v14  }
0x378: {  	v50 =	vld [tilespmem:$0x17080];
	v18 =	vmul.f32 v40, v39;
	v5 =	vadd.f32 v6, v5;
	v9 =	vadd.f32 v46, v9  }
0x379: {  	v51 =	vld [tilespmem:$0x170B0];
	v23 =	vmul.f32 v43, v38;
	v4 =	vadd.f32 v10, v4;
	v2 =	vadd.f32 v3, v2  }
0x37a: {  	v54 =	vld [tilespmem:$0x170D0];
	v52 =	vmul.f32 v45, v38;
	v5 =	vadd.f32 v18, v5;
	v9 =	vadd.f32 v44, v9  }
0x37b: {  	v53 =	vld [tilespmem:$0x170C0];
	v8 =	vmul.f32 v48, v38;
	v4 =	vadd.f32 v22, v4;
	v1 =	vadd.f32 v1, v2  }
0x37c: {  	v58 =	vld [tilespmem:$0x170E0];
	v55 =	vmul.f32 v49, v36;
	v5 =	vadd.f32 v42, v5;
	v9 =	vadd.f32 v12, v9  }
0x37d: {  	v56 =	vld [tilespmem:$0x170F0];
	v57 =	vmul.f32 v50, v36;
	v4 =	vadd.f32 v21, v4;
	v1 =	vadd.f32 v23, v1  }
0x37e: {  	v59 =	vmul.f32 v51, v36;
	v5 =	vadd.f32 v20, v5;
	v8 =	vadd.f32 v8, v9  }
0x37f: {  	v61 =	vmul.f32 v54, v35;
	v4 =	vadd.f32 v52, v4;
	v1 =	vadd.f32 v55, v1  }
0x380: {  	v3 =	vmul.f32 v53, v35;
	v5 =	vadd.f32 v47, v5;
	v60 =	vadd.f32 v57, v8  }
0x381: {  	v62 =	vmul.f32 v58, v35;
	v0 =	vadd.f32 v0, v4;
	v1 =	vadd.f32 v61, v1  }
0x382: {  	v2 =	vmul.f32 v56, v35;
	v5 =	vadd.f32 v59, v5;
	v3 =	vadd.f32 v3, v60  }
0x383: {  	v0 =	vadd.f32 v62, v0;
	v1 =	vmax.f32 v1, $0.0e+00  }
0x384: {  	v2 =	vadd.f32 v2, v5;
	[tilespmem:s24+$0xFFFFFFE0] =	vst v1;
	v3 =	vmax.f32 v3, $0.0e+00  }
0x385: {  	s23 =	sadd.s32 $0x1, s23;
	v0 =	vmax.f32 v0, $0.0e+00;
	[tilespmem:s24+$0xFFFFFFD0] =	vst v3  }
0x386: {  	p0 =	sne.s32 s23, s12;
	v63 =	vmax.f32 v2, $0.0e+00;
	[tilespmem:s24+$0xFFFFFFF0] =	vst v0  }
.Ltmp5:
0x387: {  	[tilespmem:s24+$0x0] =	vst v63;
	(pc) =	sbr.rel @p0 .LBB2_1-.Ltmp5, $4  }
0x388: {  	[hbm4b:s11+s4] =	stream.linear.scatter [tilespmem:s18], [sflag:$0x4], $0x6C00, $0x38;
	[tilespmem:$0x17140] =	vst v63  }
0x389: {  	_ =	swait.ge [sflag:s22], $0x6C00  }
0x38a: {  	[sflag:s22] =	ssyncset.done $0x0  }
0x38b: {  	[sflag:s22] =	ssyncadd.s32 $0xFFFF9400  }
0x38c: {  	_ =	sfence.sel $0x180000  }
0x38d: {  	[bflag:$0x0] =	sbarrier.arrive $0xFFFF  }
0x38e: {  	_ =	strace $0x90000047  }
0x38f: {  	s0 =	stileid.u32;
	[bflag:$0x2] =	sbarrier.arrive $0xFFFF  }
0x390: {  	p0 =	sne.s32 s0, $0x0;
	s0 =	rddreg [dreg:$0x4]  }
0x391: {  	s0 =	sadd.s32 @!p0 $0x100000, s0  }
0x392: {  	[sflag:s0] =	ssyncadd.tile.s32 @!p0 $0x1;
	_ =	shalt  }
.Lfunc_end2:
_tile_overlayer_lowered:
.L_overlay_start_2:
0x393: {  	(tag) =	ssettag $0x2  }
0x394: {  	s0 =	rddreg [dreg:$0x0];
	s2 =	stileid.u32  }
0x395: {  	s1 =	rddreg [dreg:$0x1];
	p0 =	sne.s32 s2, $0x0  }
0x396: {  	s3 =	rddreg [dreg:$0x2];
	[bflag:$0x3] =	sbarrier.arrive $0xFFFF;
	s2 =	simm.s32 @!p0 $0x1C05  }
0x397: {  	[timem:s3], [sflag:s2] =	dma.local @!p0 [hbm:s0], s1  }
0x398: {  	s0 =	simm.s32 @!p0 $0x5  }
0x399: {  	_ =	swait.ge @!p0 [sflag:s0], s1  }
0x39a: {  	s1 =	ssub.s32 @!p0 $0x0, s1;
	[sflag:s0] =	ssyncset.done @!p0 $0x0  }
0x39b: {  	[sflag:s0] =	ssyncadd.s32 @!p0 s1  }
0x39c: {  	[bflag:$0x3] =	sbarrier.arrive $0xFFFF  }
0x39d: {  	_ =	shalt  }

// kernel: sparse-core-data-format-call.cloned.1.call-start
scs
called_computation_lowered:
.L_overlay_start_0:
0x0: {  	s2 =	sld [smem:$0x3FD9]  }
0x1: {  	s3 =	sld [smem:$0x3FFE];
	_ =	sdelay $0x1  }
0x2: {  	s1 =	srdreg.scid  }
0x3: {  	s0 =	sand.u32 $0x1, s1  }
0x4: {  	s18 =	sshll.u32 s0, $0xA;
	s2 =	sadd.s32 s3, s2  }
0x5: {  	s2 =	sadd.s32 s2, s18  }
0x6: {  	[smem:$0x3FC3] =	sst s2  }
0x7: {  	_ = 	snop  }
0x8: {  	s2 =	sld [smem:$0x3FD0];
	(tm) =	ssettm $0x1  }
0x9: {  	s19 =	sld [smem:$0x3FFB];
	_ =	sdelay $0x3  }
0xa: {  	_ =	strace s19  }
0xb: {  	s3 =	sld [smem:$0x3FFC];
	_ =	sdelay $0x3  }
0xc: {  	_ =	strace s3  }
0xd: {  	s3 =	sld [smem:$0x3FFD];
	_ =	sdelay $0x3  }
0xe: {  	_ =	strace s3  }
0xf: {  	_ =	strace $0x8FFFFFFF  }
0x10: {  	s20 =	sld [smem:$0x3FDB];
	_ =	sdelay $0x1  }
0x11: {  	s4 =	simm.s32 $_scs_section_size  }
0x12: {  	s5 =	simm.s32 $_size__tile_overlayer_lowered;
	s6 =	simm.s32 $_tile_overlayer_lowered  }
0x13: {  	s23 =	simm.s32 $0x1BFF;
	s22 =	sshll.u32 s6, $0x1;
	s3 =	sadd.s32 s4, s20  }
0x14: {  	s7 =	simm.s32 $0x0;
	s21 =	sshll.u32 s5, $0x1;
	s5 =	sadd.s32 s22, s3  }
0x15: {  	[timem:s7], [sflag:s23] =	dma.local [hbm:s5], s21  }
0x16: {  	_ =	swait.ge [sflag:s23], s21  }
0x17: {  	s4 =	ssub.s32 $0x0, s21;
	[sflag:s23] =	ssyncset.done $0x0  }
0x18: {  	[sflag:s23] =	ssyncadd.s32 s4;
	_ =	sdelay $0x1  }
0x19: {  	s24 =	simm.s32 $0x1B8B  }
0x1a: {  	_ =	swait.ge [sflag:s24], $0x1  }
0x1b: {  	[sflag:s24] =	ssyncset.done $0x0  }
0x1c: {  	s26 =	simm.s32 $0x1B8E;
	s25 =	sld [smem:$0x3FFE];
	[sflag:s24] =	ssyncadd.s32 $0xFFFFFFFF  }
0x1d: {  	s27 =	simm.s32 $execute0_lowered;
	[smem:$0x3FD2] =	sst s26  }
0x1e: {  	s5 =	sshll.u32 s27, $0x1;
	_ =	strace $0x80000049;
	[dreg:$0x1] =	wrdreg $0xFFFFFFFF  }
0x1f: {  	s28 =	simm.s32 $_size_execute0_lowered;
	s3 =	sadd.s32 s3, s5;
	[dreg:$0x0] =	wrdreg $0x0  }
0x20: {  	s5 =	sshll.u32 s28, $0x1;
	[dreg:$0x2] =	wrdreg s3  }
0x21: {  	[dreg:$0x3] =	wrdreg s5  }
0x22: {  	[dreg:$0x4] =	wrdreg $0xC0  }
0x23: {  	_ =	task [dreg:s7], $0x5FFFF  }
0x24: {  	[dreg:$0x1] =	wrdreg $0xFFFFFFFF  }
0x25: {  	[dreg:$0x0] =	wrdreg $0x60  }
0x26: {  	[dreg:$0x2] =	wrdreg s25  }
0x27: {  	[dreg:$0x3] =	wrdreg s2  }
0x28: {  	[dreg:$0x4] =	wrdreg $0x9  }
0x29: {  	_ =	task.clear_ibuf [dreg:s7], $0x5FFFF;
	_ =	strace $0x90000049  }
0x2a: {  	s29 =	simm.s32 $0x9;
	_ =	strace $0x8000004B  }
0x2b: {  	_ =	swait.ge [sflag:s29], $0x1  }
0x2c: {  	[sflag:s29] =	ssyncadd.s32 $0xFFFFFFFF  }
0x2d: {  	_ =	strace $0x9000004B  }
0x2e: {  	_ =	sfence  }
0x2f: {  	s30 =	sld [smem:$0x0];
	_ =	sdelay $0x2  }
0x30: {  	s31 =	sshll.u32 s1, $0xD;
	s1 =	sshrl.u32 s1, $0x2  }
0x31: {  	s3 =	sand.u32 $0x4000, s31;
	s1 =	sadd.s32 s1, s30  }
0x32: {  	s0 =	sor.u32 s3, s0;
	s1 =	sshll.u32 s1, $0x11  }
0x33: {  	s0 =	sor.u32 s1, s0  }
0x34: {  	s0 =	sadd.s32 $0x8F2B, s0  }
0x35: {  	[sflag:s0] =	ssyncadd.remote.s32 $0x1  }
0x36: {  	_ =	sfence.sel $0xFFFF  }
0x37: {  	[dreg:$0x0] =	wrdreg $0xFFFFFFFF;
	(pc) =	sbr.abs _section_cstart, $3  }
0x38: {  	[dreg:$0x1] =	wrdreg $0xFFFFFFFF  }
0x39: {  	_ =	task.clear_ibuf [dreg:s7], $0x2FFFF;
	_ =	strace $0x9FFFFFFF  }
0x3a: {  	(tm) =	ssettm $0x7FFFFFFF  }
0x3b: {  	_ =	shalt  }
tec
execute0_lowered:
.L_overlay_start_1:
0x0: {  	(tag) =	ssettag $0x1  }
0x1: {  	s0 =	srdreg.scid  }
0x2: {  	s1 =	sshll.u32 s0, $0x4  }
0x3: {  	s4 =	rddreg [dreg:$0x0];
	s0 =	stileid.u32;
	s1 =	sand.u32 $0x10, s1  }
0x4: {  	s2 =	rddreg [dreg:$0x1];
	s7 =	simm.s32 $0x1;
	s1 =	sor.u32 s0, s1  }
0x5: {  	s8 =	simm.s32 $0x2;
	s11 =	simm.s32 $0x0;
	s3 =	sshll.u32 s1, $0x7  }
0x6: {  	s10 =	simm.s32 $0x0;
	s4 =	sadd.s32 $0xC00, s4;
	s6 =	ssub.s32 $0x87000, s3  }
.Ltmp0:
0x7: {  	s1 =	rddreg [dreg:$0x2];
	s5 =	sand.u32 $0xF80, s6;
	(pc) =	sbr.rel .LBB1_1-.Ltmp0, $4  }
0x8: {  	_ =	strace $0x8000004A;
	s9 =	smov.u32 s3;
	p0 =	sne.s32 s5, $0x0  }
0x9: {  	s6 =	sshrl.u32 s6, $0xC;
	s5 =	simm.s32 $0x1;
	s7 =	simm.s32 @!p0 $0x0  }
0xa: {  	[sflag:s5] =	ssyncpa.u1 $0x0;
	p0 =	por $0x0, $0x0;
	s6 =	sadd.s32 s7, s6  }
0xb: {  	[sflag:s8] =	ssyncpa.u1 $0x0;
	s8 =	simm.s32 $0x438000;
	s7 =	sadd.s32 $0x1, s6  }
.LBB1_4:
0xc: {  	s14 =	sshll.u32 s11, $0x3  }
0xd: {  	s30 =	sand.u32 $0x7F, s11;
	s15 =	sand.u32 $0xFFFFFC00, s14  }
0xe: {  	s11 =	sor.u32 s30, s15  }
0xf: {  	s15 =	smulhi.u32 $0xF2B9D649, s11  }
0x10: {  	s14 =	smulhi.u32 $0xF2B9D649, s14  }
0x11: {  	s15 =	sshrl.u32 s15, $0x13  }
0x12: {  	s14 =	sshrl.u32 s14, $0x13;
	s15 =	smul.u32 $0x87000, s15  }
0x13: {  	s14 =	sand.u32 $0x3F, s14  }
0x14: {  	s14 =	smul.u32 $0x10E00, s14;
	s11 =	ssub.s32 s11, s15  }
0x15: {  	[tilespmem:s13+$0x810 ss:$0x81] =	vst.msk $0xffff, v2;
	s15 =	sand.u32 $0x7, s11  }
0x16: {  	[tilespmem:s13+$0x1020 ss:$0x81] =	vst.msk $0xffff, v0;
	s14 =	sadd.s32 s2, s14;
	s11 =	sshrl.u32 s11, $0x3;
	s15 =	sshll.u32 s15, $0x12  }
0x17: {  	[tilespmem:s13+$0x0 ss:$0x81] =	vst.msk $0xffff, v1;
	s11 =	sadd.s32 s11, s14;
	s31 =	sor.u32 $0x400, s15  }
0x18: {  	[hbm4b:s11+s31] =	stream.strided.scatter [tilespmem:s12], [sflag:$0x2], $0x2000, s8, s31, $0x20;
	[tilespmem:$0x8080] =	vst v63  }
.LBB1_5:
0x19: {  	s13 =	sadd.s32 $0x1000, s9  }
0x1a: {  	p2 =	sgt.s32 s13, $0x86FFF  }
0x1b: {  	s13 =	smov.u32 @p2 s3;
	p2 =	sne.s32 s10, s7  }
.Ltmp1:
0x1c: {  	p1 =	slt.u32 s10, $0x2;
	(pc) =	sbr.rel @!p2 .LBB1_6-.Ltmp1, $4  }
0x1d: {  	s12 =	simm.s32 @!p1 $0x2  }
0x1e: {  	s14 =	sadd.s32 $0x1, s10;
	_ =	swait.ge @!p1 [sflag:s12], $0x2000  }
0x1f: {  	s11 =	smov.u32 s9;
	p0 =	por !p0, !p0;
	[sflag:s12] =	ssyncset.done @!p1 $0x0  }
0x20: {  	s10 =	smov.u32 s14;
	s9 =	smov.u32 s13;
	[sflag:s12] =	ssyncadd.s32 @!p1 $0xFFFFE000  }
.LBB1_1:
0x21: {  	p1 =	sge.u32 s10, s6  }
0x22: {  	s12 =	sand.u32 @!p1 $0x1FFFFFF, s9  }
0x23: {  	s13 =	smulhi.u32 @!p1 $0x1E573AD, s12;
	_ =	sdelay $0x1  }
0x24: {  	s13 =	sshrl.u32 @!p1 s13, $0xC  }
0x25: {  	s13 =	smul.u32 @!p1 $0x87000, s13;
	_ =	sdelay $0x1  }
0x26: {  	s31 =	sadd.s32 $0xFFFFFFFF, s10;
	s14 =	sxor.u32 @!p1 $0xFFFFFFFF, s10;
	s12 =	ssub.s32 @!p1 s12, s13  }
0x27: {  	s15 =	simm.s32 @!p1 $0x80;
	s14 =	sshll.u32 @!p1 s14, $0xD;
	s12 =	sshll.u32 @!p1 s12, $0x4  }
0x28: {  	s13 =	sand.u32 @!p1 $0x2000, s14;
	s14 =	simm.s32 @!p1 $0x40;
	s12 =	sadd.s32 @!p1 s4, s12  }
0x29: {  	[tilespmem:s13], [sflag:$0x1] =	stream.strided.gather @!p1 [hbm4b:s12+s14], $0x2000, s15, s14, $0x38;
	[tilespmem:$0x8080] =	vst v63  }
0x2a: {  	p1 =	sge.u32 s31, s6  }
.Ltmp2:
0x2b: {  	_ = 	snop;
	(pc) =	sbr.rel @p1 .LBB1_5-.Ltmp2, $1  }
0x2c: {  	_ =	sdelay $0x3  }
0x2d: {  	s12 =	simm.s32 $0x1  }
0x2e: {  	_ =	swait.ge [sflag:s5], $0x2000;
	s12 =	simm.s32 @!p0 $0x0  }
0x2f: {  	[sflag:s5] =	ssyncset.done $0x0;
	s13 =	sshll.u32 s12, $0xD  }
0x30: {  	[sflag:s5] =	ssyncadd.s32 $0xFFFFE000;
	s16 =	sor.u32 $0x20, s13  }
0x31: {  	s12 =	smul.u32 $0x8100, s12;
	v3 =	vld [tilespmem:s16+$0x10]  }
0x32: {  	s30 =	sand.u32 $0x1, s10;
	v2 =	vld [tilespmem:s16+$0xFFFFFFF0]  }
0x33: {  	s13 =	smul.u32 $0x8100, s30;
	s12 =	sshrl.u32 s12, $0x2;
	v0 =	vld [tilespmem:s16+$0x0]  }
0x34: {  	v1 =	vld [tilespmem:s16+$0xFFFFFFE0];
	s14 =	sor.u32 $0x4000, s12  }
0x35: {  	s31 =	sshrl.u32 s13, $0x2;
	s13 =	sadd.s32 $0x0, s14  }
0x36: {  	s15 =	simm.s32 $0x4;
	s16 =	sadd.s32 $0x40, s16;
	s12 =	sor.u32 $0x4000, s31;
	[tilespmem:s13+$0x1830 ss:$0x81] =	vst.msk $0xffff, v3  }
.LBB1_3:
0x37: {  	v3 =	vld [tilespmem:s16+$0x10];
	p1 =	sne.s32 s15, $0x1FC;
	[tilespmem:s13+$0x810 ss:$0x81] =	vst.msk $0xffff, v2;
	s17 =	smov.u32 s15;
	s15 =	sadd.s32 $0x4, s15  }
.Ltmp3:
0x38: {  	v2 =	vld [tilespmem:s16+$0xFFFFFFF0];
	[tilespmem:s13+$0x1020 ss:$0x81] =	vst.msk $0xffff, v0;
	(pc) =	sbr.rel @p1 .LBB1_3-.Ltmp3, $4  }
0x39: {  	v0 =	vld [tilespmem:s16+$0x0];
	[tilespmem:s13+$0x0 ss:$0x81] =	vst.msk $0xffff, v1  }
0x3a: {  	s13 =	sshra.s32 s17, $0x2;
	v1 =	vld [tilespmem:s16+$0xFFFFFFE0]  }
0x3b: {  	s13 =	sadd.s32 s13, s14  }
0x3c: {  	s16 =	sadd.s32 $0x40, s16;
	[tilespmem:s13+$0x1830 ss:$0x81] =	vst.msk $0xffff, v3  }
.Ltmp4:
0x3d: {  	_ = 	snop;
	(pc) =	sbr.rel .LBB1_4-.Ltmp4, $1  }
0x3e: {  	_ =	sdelay $0x3  }
.LBB1_6:
0x3f: {  	_ =	sfence.sel $0x180000  }
0x40: {  	s2 =	simm.s32 $0x1;
	[bflag:$0x0] =	sbarrier.arrive $0xFFFF  }
0x41: {  	s31 =	simm.s32 $0x2;
	[sflag:s2] =	ssyncpa.u1 $0x1  }
0x42: {  	[sflag:s31] =	ssyncpa.u1 $0x1  }
0x43: {  	p0 =	sne.s32 s0, $0x0;
	_ =	strace $0x9000004A  }
0x44: {  	s0 =	sadd.s32 @!p0 $0x100000, s1;
	[bflag:$0x2] =	sbarrier.arrive $0xFFFF  }
0x45: {  	[sflag:s0] =	ssyncadd.tile.s32 @!p0 $0x1;
	_ =	shalt  }
.Lfunc_end1:
_tile_overlayer_lowered:
.L_overlay_start_2:
0x46: {  	(tag) =	ssettag $0x2  }
0x47: {  	s0 =	rddreg [dreg:$0x0];
	s2 =	stileid.u32  }
0x48: {  	s1 =	rddreg [dreg:$0x1];
	p0 =	sne.s32 s2, $0x0  }
0x49: {  	s3 =	rddreg [dreg:$0x2];
	[bflag:$0x3] =	sbarrier.arrive $0xFFFF;
	s2 =	simm.s32 @!p0 $0x1C01  }
0x4a: {  	[timem:s3], [sflag:s2] =	dma.local @!p0 [hbm:s0], s1  }
0x4b: {  	s0 =	simm.s32 @!p0 $0x1  }
0x4c: {  	_ =	swait.ge @!p0 [sflag:s0], s1  }
0x4d: {  	s1 =	ssub.s32 @!p0 $0x0, s1;
	[sflag:s0] =	ssyncset.done @!p0 $0x0  }
0x4e: {  	[sflag:s0] =	ssyncadd.s32 @!p0 s1  }
0x4f: {  	[bflag:$0x3] =	sbarrier.arrive $0xFFFF  }
0x50: {  	_ =	shalt  }

</sc_bundles>
